<compile_context>
chip_gen: v7x
topology: tpu7x:2x2x1
jax: 0.10.2.dev20260603
libtpu: 0.0.44.dev20260713+nightly
codegen_flags: <defaults>
</compile_context>

<pallas_src>
import functools

import jax
import jax.numpy as jnp
from jax import lax
from jax.experimental import pallas as pl
from jax.experimental.pallas import tpu as pltpu
from jax.experimental.pallas import tpu_sc as plsc

B, N, EPN, D = 8, 512, 32, 256
STEPS = 5

_NC, _NS = 2, 16
_NW = _NC * _NS
_RC = (B * N) // _NW
_L = 16


def _sc_build_body(anT_hbm, aeT_hbm, mn_hbm, meo_hbm, mei_hbm,
                   idxn_v, idxe_v, buf_v):
    wid = lax.axis_index("s") * _NC + lax.axis_index("c")
    base = wid * _RC
    pltpu.sync_copy(anT_hbm.at[:, pl.ds(base, _RC)], idxn_v)
    pltpu.sync_copy(aeT_hbm.at[:, pl.ds(base, _RC)], idxe_v)

    zero16 = jnp.zeros((_L,), jnp.float32)

    def zrow(i, carry):
        for j in range(N // _L):
            buf_v[i, pl.ds(j * _L, _L)] = zero16
        return carry

    lax.fori_loop(0, _RC, zrow, 0)

    lane = lax.iota(jnp.int32, _L)

    def scatter(idx_v, val, kind):
        def body(g, carry):
            row = lane + g * _L
            for k in range(EPN):
                idx = idx_v[k, pl.ds(g * _L, _L)]
                if kind == 0:
                    mask = (idx != 0) & (idx < N)
                    col = idx
                else:
                    mask = idx >= N
                    col = idx - N
                plsc.addupdate_scatter(buf_v, [row, col], val, mask=mask)
            return carry
        lax.fori_loop(0, _RC // _L, body, 0)

    ones = jnp.full((_L,), 1.0, jnp.float32)
    negs = jnp.full((_L,), -1.0, jnp.float32)

    scatter(idxn_v, ones, 0)
    pltpu.sync_copy(buf_v, mn_hbm.at[pl.ds(base, _RC)])
    scatter(idxn_v, negs, 0)

    scatter(idxe_v, ones, 0)
    pltpu.sync_copy(buf_v, meo_hbm.at[pl.ds(base, _RC)])
    scatter(idxe_v, negs, 0)

    scatter(idxe_v, ones, 1)
    pltpu.sync_copy(buf_v, mei_hbm.at[pl.ds(base, _RC)])


_sc_build = functools.partial(
    pl.kernel,
    out_type=(jax.ShapeDtypeStruct((B * N, N), jnp.float32),) * 3,
    mesh=plsc.VectorSubcoreMesh(core_axis_name="c", subcore_axis_name="s"),
    compiler_params=pltpu.CompilerParams(needs_layout_passes=False),
    scratch_types=[
        pltpu.VMEM((EPN, _RC), jnp.int32),
        pltpu.VMEM((EPN, _RC), jnp.int32),
        pltpu.VMEM((_RC, N), jnp.float32),
    ],
)(_sc_build_body)


def _proj_body(nm_ref, em_ref, an_ref, ae_ref, Wn_ref, bn_ref, We_ref,
               be_ref, Wout_ref, Win_ref, s0_ref, oe_ref, ie_ref):
    f32 = jnp.float32
    bf16 = jnp.bfloat16
    An = an_ref[0]
    Ae = ae_ref[0]
    nodes_mask = (jnp.sum(An, axis=1) != 0).astype(f32)[:, None]
    edges_mask = (jnp.sum(Ae, axis=1) != 0).astype(f32)[:, None]

    def mm(a, b):
        return jnp.dot(a.astype(bf16), b.astype(bf16),
                       preferred_element_type=f32)

    S = jnp.tanh(mm(nm_ref[0], Wn_ref[...]) + bn_ref[...]) * nodes_mask
    row_iota = jax.lax.broadcasted_iota(jnp.int32, (N, 1), 0)
    S = jnp.where(row_iota == 1, 1.0, S)
    e = jnp.tanh(mm(em_ref[0], We_ref[...]) + be_ref[...]) * edges_mask
    s0_ref[...] = S.astype(bf16)[None]
    oe_ref[...] = mm(e, Wout_ref[...]).astype(bf16)[None]
    ie_ref[...] = mm(e, Win_ref[...]).astype(bf16)[None]


_GB = 1


def _gru_body(s0_ref, oe_ref, ie_ref, mn_ref, meo_ref, mei_ref,
              Wu_ref, bu_ref, Wr_ref, br_ref, Wh_ref, bh_ref, out_ref):
    f32 = jnp.float32
    bf16 = jnp.bfloat16

    def mm(a, b):
        return jnp.dot(a.astype(bf16), b.astype(bf16),
                       preferred_element_type=f32)

    Mn = [mn_ref[pl.ds(g * N, N), :].astype(bf16) for g in range(_GB)]
    act_e = jnp.concatenate(
        [mm(meo_ref[pl.ds(g * N, N), :], oe_ref[g]) +
         mm(mei_ref[pl.ds(g * N, N), :], ie_ref[g]) for g in range(_GB)],
        axis=0)
    S = jnp.concatenate([s0_ref[g].astype(f32) for g in range(_GB)], axis=0)

    Wu_a, Wu_s = Wu_ref[:D, :], Wu_ref[D:, :]
    Wr_a, Wr_s = Wr_ref[:D, :], Wr_ref[D:, :]
    Wh_a, Wh_s = Wh_ref[:D, :], Wh_ref[D:, :]
    bu = bu_ref[...]
    br = br_ref[...]
    bh = bh_ref[...]

    def sigmoid(x):
        return 0.5 * jnp.tanh(0.5 * x) + 0.5

    for _ in range(STEPS):
        act = jnp.concatenate(
            [mm(Mn[g], S[g * N:(g + 1) * N, :]) for g in range(_GB)],
            axis=0) + act_e
        u = sigmoid(mm(act, Wu_a) + mm(S, Wu_s) + bu)
        r = sigmoid(mm(act, Wr_a) + mm(S, Wr_s) + br)
        h = jnp.tanh(mm(act, Wh_a) + mm(r * S, Wh_s) + bh)
        S = S + u * (h - S)

    out_ref[...] = jnp.concatenate(
        [S[g * N + 1, :][None, None, :] for g in range(_GB)], axis=0)


def kernel(nodes_m, edges_m, A_nodes, A_edges, Wn, bn, We, be, Wout, Win,
           Wu, bu, Wr, br, Wh, bh):
    anT = A_nodes.reshape(B * N, EPN).T
    aeT = A_edges.reshape(B * N, EPN).T
    Mn, Meo, Mei = _sc_build(anT, aeT)

    bn2, be2, bu2, br2, bh2 = (x.reshape(1, D) for x in (bn, be, bu, br, bh))
    full2 = lambda shape: pl.BlockSpec(shape, lambda b: (0,) * len(shape))
    per_b3 = lambda d1, d2: pl.BlockSpec((1, d1, d2), lambda b: (b, 0, 0))
    m_spec = pl.BlockSpec((N, N), lambda b: (b, 0))

    S0, oe, ie = pl.pallas_call(
        _proj_body,
        grid=(B,),
        in_specs=[
            per_b3(N, D),
            per_b3(N, D),
            per_b3(N, EPN),
            per_b3(N, EPN),
            full2((D, D)),
            full2((1, D)),
            full2((D, D)),
            full2((1, D)),
            full2((D, D)),
            full2((D, D)),
        ],
        out_specs=[per_b3(N, D)] * 3,
        out_shape=[jax.ShapeDtypeStruct((B, N, D), jnp.bfloat16)] * 3,
        compiler_params=pltpu.CompilerParams(
            dimension_semantics=("arbitrary",)),
    )(nodes_m, edges_m, A_nodes, A_edges, Wn, bn2, We, be2, Wout, Win)

    gb3 = lambda d1, d2: pl.BlockSpec((_GB, d1, d2), lambda b: (b, 0, 0))
    mg_spec = pl.BlockSpec((_GB * N, N), lambda b: (b, 0))
    return pl.pallas_call(
        _gru_body,
        grid=(B // _GB,),
        in_specs=[
            gb3(N, D),
            gb3(N, D),
            gb3(N, D),
            mg_spec,
            mg_spec,
            mg_spec,
            full2((2 * D, D)),
            full2((1, D)),
            full2((2 * D, D)),
            full2((1, D)),
            full2((2 * D, D)),
            full2((1, D)),
        ],
        out_specs=pl.BlockSpec((_GB, 1, D), lambda b: (b, 0, 0)),
        out_shape=jax.ShapeDtypeStruct((B, 1, D), jnp.float32),
        compiler_params=pltpu.CompilerParams(
            dimension_semantics=("arbitrary",)),
    )(S0, oe, ie, Mn, Meo, Mei, Wu, bu2, Wr, br2, Wh, bh2).reshape(B, D)

# --- scband reference (transcript-rebuilt; emitter-appended) ---
"""Pipeline reference for scband-gnn-48533130445172 (READ-ONLY COPY).

The authoritative reference and input builder live on the scoring server;
editing this copy changes nothing except your own understanding.
"""

import jax, jax.numpy as jnp
import numpy as np

B, N, EPN, DIN, DOUT = 8, 512, 32, 256, 256
STEPS = 5

def setup_inputs(seed: int = 0) -> dict:
    key = jax.random.key(seed)
    ks = jax.random.split(key, 20)
    inp = {}
    inp['nodes_m'] = jax.random.normal(ks[0], (B, N, DIN), dtype=jnp.float32)
    inp['edges_m'] = jax.random.normal(ks[1], (B, N, DIN), dtype=jnp.float32)
    inp['A_nodes'] = jax.random.randint(ks[2], (B, N, EPN), 0, N, dtype=jnp.int64 if jax.config.read('jax_enable_x64') else jnp.int32)
    inp['A_edges'] = jax.random.randint(ks[3], (B, N, EPN), 0, 2 * N, dtype=jnp.int64 if jax.config.read('jax_enable_x64') else jnp.int32)
    s = 0.05
    inp['Wn'] = jax.random.normal(ks[4], (DIN, DOUT), dtype=jnp.float32) * s
    inp['bn'] = jnp.zeros((DOUT,), dtype=jnp.float32)
    inp['We'] = jax.random.normal(ks[5], (DIN, DOUT), dtype=jnp.float32) * s
    inp['be'] = jnp.zeros((DOUT,), dtype=jnp.float32)
    inp['Wout'] = jax.random.normal(ks[6], (DOUT, DOUT), dtype=jnp.float32) * s
    inp['Win'] = jax.random.normal(ks[7], (DOUT, DOUT), dtype=jnp.float32) * s
    inp['Wu'] = jax.random.normal(ks[8], (2 * DOUT, DOUT), dtype=jnp.float32) * s
    inp['bu'] = jnp.zeros((DOUT,), dtype=jnp.float32)
    inp['Wr'] = jax.random.normal(ks[9], (2 * DOUT, DOUT), dtype=jnp.float32) * s
    inp['br'] = jnp.zeros((DOUT,), dtype=jnp.float32)
    inp['Wh'] = jax.random.normal(ks[10], (2 * DOUT, DOUT), dtype=jnp.float32) * s
    inp['bh'] = jnp.zeros((DOUT,), dtype=jnp.float32)
    return inp

def reference(nodes_m, edges_m, A_nodes, A_edges, Wn, bn, We, be, Wout, Win, Wu, bu, Wr, br, Wh, bh):
    # GNN.forward (dropout disabled: hp_dropout=0.0)
    nodes_mask = (jnp.sum(A_nodes, axis=-1) != 0).astype(jnp.float32)[..., None]
    edges_mask = (jnp.sum(A_edges, axis=-1) != 0).astype(jnp.float32)[..., None]
    current_state = jnp.tanh(nodes_m @ Wn + bn) * nodes_mask
    current_state = current_state.at[:, 1, :].set(1.0)
    e = jnp.tanh(edges_m @ We + be) * edges_mask
    out_edges = e @ Wout
    in_edges = e @ Win
    edges_cat = jnp.concatenate([out_edges, in_edges], axis=1)  # [B, 2N, d]
    bidx = jnp.arange(current_state.shape[0])[:, None, None]
    nmask = (A_nodes != 0).astype(jnp.float32)[..., None]
    emask = (A_edges != 0).astype(jnp.float32)[..., None]
    for _ in range(STEPS):
        # GatedPropagationModel.forward
        nodes = current_state[bidx, A_nodes]   # gather over node dim -> [B, N, EPN, d]
        edges = edges_cat[bidx, A_edges]       # gather over edge dim -> [B, N, EPN, d]
        activation = jnp.sum(nodes * nmask + edges * emask, axis=2)
        acs = jnp.concatenate([activation, current_state], axis=-1)
        update_gate = jax.nn.sigmoid(acs @ Wu + bu)
        reset_gate = jax.nn.sigmoid(acs @ Wr + br)
        new_state = jnp.tanh(jnp.concatenate([activation, reset_gate * current_state], axis=-1) @ Wh + bh)
        current_state = (1.0 - update_gate) * current_state + update_gate * new_state
    graph_vector = current_state[:, 1]
    return graph_vector

if __name__ == "__main__":
    import jax
    _d = setup_inputs()
    print(jax.jit(kernel)(*tuple(_d.values())))

</pallas_src>

<mosaic_0001>
#map = affine_map<(d0, d1) -> (0, 0)>
module attributes {stable_mosaic.version = 14 : i64} {
  func.func @_sc_build_body(%arg0: i32, %arg1: i32, %arg2: memref<32x4096xi32, #tpu.memory_space<hbm>>, %arg3: memref<32x4096xi32, #tpu.memory_space<hbm>>, %arg4: memref<4096x512xf32, #tpu.memory_space<hbm>>, %arg5: memref<4096x512xf32, #tpu.memory_space<hbm>>, %arg6: memref<4096x512xf32, #tpu.memory_space<hbm>>, %arg7: memref<32x128xi32, #tpu.memory_space<vmem>>, %arg8: memref<32x128xi32, #tpu.memory_space<vmem>>, %arg9: memref<128x512xf32, #tpu.memory_space<vmem>>) attributes {dimension_semantics = [#tpu.dimension_semantics<core_parallel>, #tpu.dimension_semantics<subcore_parallel>], iteration_bounds = array<i64: 2, 16>, scalar_prefetch = 0 : i64, scratch_operands = 3 : i64, tpu.core_type = #tpu.core_type<sc_vector_subcore>, window_params = [{transform_indices = #map}, {transform_indices = #map}, {transform_indices = #map}, {transform_indices = #map}, {transform_indices = #map}]} {
    %mul3A = arith.constant 2 : i32
    %mul3A_0 = arith.muli %arg1, %mul3A : i32
    %add3A = arith.addi %mul3A_0, %arg0 : i32
    %mul3A_1 = arith.constant 128 : i32
    %mul3A_2 = arith.muli %add3A, %mul3A_1 : i32
    "tpu.region"() ({
      %run_scoped3A = tpu.sem_alloc : memref<!tpu.dma_semaphore, #tpu.memory_space<semaphore_mem>>
      %dma_start3A = arith.constant 0 : i32
      %dma_start3A_43 = tpu.memref_slice %arg2[%dma_start3A, %mul3A_2] : memref<32x4096xi32, #tpu.memory_space<hbm>> -> memref<32x128xi32, #tpu.memory_space<hbm>>
      %dma_start3A_44 = arith.constant 0 : i32
      %dma_start3A_45 = tpu.memref_slice %arg2[%dma_start3A_44, %mul3A_2] : memref<32x4096xi32, #tpu.memory_space<hbm>> -> memref<32x128xi32, #tpu.memory_space<hbm>>
      tpu.enqueue_dma source(%dma_start3A_45 : memref<32x128xi32, #tpu.memory_space<hbm>>) target(%arg7 : memref<32x128xi32, #tpu.memory_space<vmem>>) target_semaphore(%run_scoped3A : memref<!tpu.dma_semaphore, #tpu.memory_space<semaphore_mem>>)
      %dma_wait3A = arith.constant 0 : i32
      %dma_wait3A_46 = tpu.memref_slice %arg2[%dma_wait3A, %mul3A_2] : memref<32x4096xi32, #tpu.memory_space<hbm>> -> memref<32x128xi32, #tpu.memory_space<hbm>>
      %dma_wait3A_47 = arith.constant 0 : i32
      %dma_wait3A_48 = tpu.memref_slice %arg2[%dma_wait3A_47, %mul3A_2] : memref<32x4096xi32, #tpu.memory_space<hbm>> -> memref<32x128xi32, #tpu.memory_space<hbm>>
      tpu.wait_dma2 semaphore(%run_scoped3A : memref<!tpu.dma_semaphore, #tpu.memory_space<semaphore_mem>>) src(%dma_wait3A_48 : memref<32x128xi32, #tpu.memory_space<hbm>>) dst(%arg7 : memref<32x128xi32, #tpu.memory_space<vmem>>)
      tpu.yield
    }) : () -> ()
    "tpu.region"() ({
      %run_scoped3A = tpu.sem_alloc : memref<!tpu.dma_semaphore, #tpu.memory_space<semaphore_mem>>
      %dma_start3A = arith.constant 0 : i32
      %dma_start3A_43 = tpu.memref_slice %arg3[%dma_start3A, %mul3A_2] : memref<32x4096xi32, #tpu.memory_space<hbm>> -> memref<32x128xi32, #tpu.memory_space<hbm>>
      %dma_start3A_44 = arith.constant 0 : i32
      %dma_start3A_45 = tpu.memref_slice %arg3[%dma_start3A_44, %mul3A_2] : memref<32x4096xi32, #tpu.memory_space<hbm>> -> memref<32x128xi32, #tpu.memory_space<hbm>>
      tpu.enqueue_dma source(%dma_start3A_45 : memref<32x128xi32, #tpu.memory_space<hbm>>) target(%arg8 : memref<32x128xi32, #tpu.memory_space<vmem>>) target_semaphore(%run_scoped3A : memref<!tpu.dma_semaphore, #tpu.memory_space<semaphore_mem>>)
      %dma_wait3A = arith.constant 0 : i32
      %dma_wait3A_46 = tpu.memref_slice %arg3[%dma_wait3A, %mul3A_2] : memref<32x4096xi32, #tpu.memory_space<hbm>> -> memref<32x128xi32, #tpu.memory_space<hbm>>
      %dma_wait3A_47 = arith.constant 0 : i32
      %dma_wait3A_48 = tpu.memref_slice %arg3[%dma_wait3A_47, %mul3A_2] : memref<32x4096xi32, #tpu.memory_space<hbm>> -> memref<32x128xi32, #tpu.memory_space<hbm>>
      tpu.wait_dma2 semaphore(%run_scoped3A : memref<!tpu.dma_semaphore, #tpu.memory_space<semaphore_mem>>) src(%dma_wait3A_48 : memref<32x128xi32, #tpu.memory_space<hbm>>) dst(%arg8 : memref<32x128xi32, #tpu.memory_space<vmem>>)
      tpu.yield
    }) : () -> ()
    %broadcast_in_dim3A = arith.constant 0.000000e+00 : f32
    %broadcast_in_dim3A_3 = vector.broadcast %broadcast_in_dim3A : f32 to vector<16xf32>
    %scan3A = arith.constant 0 : i32
    %scan3A_4 = arith.constant 0 : i32
    %scan3A_5 = arith.constant 128 : i32
    %scan3A_6 = arith.addi %scan3A_4, %scan3A_5 : i32
    %scan3A_7 = arith.constant 1 : i32
    scf.for %scan3A_43 = %scan3A_4 to %scan3A_6 step %scan3A_7  : i32 {
      %swap3A = arith.index_cast %scan3A_43 : i32 to index
      %swap3A_44 = arith.constant 0 : index
      %swap3A_45 = tpu.vector_load %arg9[%swap3A, %swap3A_44] {strides = array<i32>} : memref<128x512xf32, #tpu.memory_space<vmem>>, vector<16xf32>,
      tpu.vector_store %arg9[%swap3A, %swap3A_44], %broadcast_in_dim3A_3 {strides = array<i32>} : memref<128x512xf32, #tpu.memory_space<vmem>>, vector<16xf32>,
      %swap3A_46 = arith.index_cast %scan3A_43 : i32 to index
      %swap3A_47 = arith.constant 16 : index
      %swap3A_48 = tpu.vector_load %arg9[%swap3A_46, %swap3A_47] {strides = array<i32>} : memref<128x512xf32, #tpu.memory_space<vmem>>, vector<16xf32>,
      tpu.vector_store %arg9[%swap3A_46, %swap3A_47], %broadcast_in_dim3A_3 {strides = array<i32>} : memref<128x512xf32, #tpu.memory_space<vmem>>, vector<16xf32>,
      %swap3A_49 = arith.index_cast %scan3A_43 : i32 to index
      %swap3A_50 = arith.constant 32 : index
      %swap3A_51 = tpu.vector_load %arg9[%swap3A_49, %swap3A_50] {strides = array<i32>} : memref<128x512xf32, #tpu.memory_space<vmem>>, vector<16xf32>,
      tpu.vector_store %arg9[%swap3A_49, %swap3A_50], %broadcast_in_dim3A_3 {strides = array<i32>} : memref<128x512xf32, #tpu.memory_space<vmem>>, vector<16xf32>,
      %swap3A_52 = arith.index_cast %scan3A_43 : i32 to index
      %swap3A_53 = arith.constant 48 : index
      %swap3A_54 = tpu.vector_load %arg9[%swap3A_52, %swap3A_53] {strides = array<i32>} : memref<128x512xf32, #tpu.memory_space<vmem>>, vector<16xf32>,
      tpu.vector_store %arg9[%swap3A_52, %swap3A_53], %broadcast_in_dim3A_3 {strides = array<i32>} : memref<128x512xf32, #tpu.memory_space<vmem>>, vector<16xf32>,
      %swap3A_55 = arith.index_cast %scan3A_43 : i32 to index
      %swap3A_56 = arith.constant 64 : index
      %swap3A_57 = tpu.vector_load %arg9[%swap3A_55, %swap3A_56] {strides = array<i32>} : memref<128x512xf32, #tpu.memory_space<vmem>>, vector<16xf32>,
      tpu.vector_store %arg9[%swap3A_55, %swap3A_56], %broadcast_in_dim3A_3 {strides = array<i32>} : memref<128x512xf32, #tpu.memory_space<vmem>>, vector<16xf32>,
      %swap3A_58 = arith.index_cast %scan3A_43 : i32 to index
      %swap3A_59 = arith.constant 80 : index
      %swap3A_60 = tpu.vector_load %arg9[%swap3A_58, %swap3A_59] {strides = array<i32>} : memref<128x512xf32, #tpu.memory_space<vmem>>, vector<16xf32>,
      tpu.vector_store %arg9[%swap3A_58, %swap3A_59], %broadcast_in_dim3A_3 {strides = array<i32>} : memref<128x512xf32, #tpu.memory_space<vmem>>, vector<16xf32>,
      %swap3A_61 = arith.index_cast %scan3A_43 : i32 to index
      %swap3A_62 = arith.constant 96 : index
      %swap3A_63 = tpu.vector_load %arg9[%swap3A_61, %swap3A_62] {strides = array<i32>} : memref<128x512xf32, #tpu.memory_space<vmem>>, vector<16xf32>,
      tpu.vector_store %arg9[%swap3A_61, %swap3A_62], %broadcast_in_dim3A_3 {strides = array<i32>} : memref<128x512xf32, #tpu.memory_space<vmem>>, vector<16xf32>,
      %swap3A_64 = arith.index_cast %scan3A_43 : i32 to index
      %swap3A_65 = arith.constant 112 : index
      %swap3A_66 = tpu.vector_load %arg9[%swap3A_64, %swap3A_65] {strides = array<i32>} : memref<128x512xf32, #tpu.memory_space<vmem>>, vector<16xf32>,
      tpu.vector_store %arg9[%swap3A_64, %swap3A_65], %broadcast_in_dim3A_3 {strides = array<i32>} : memref<128x512xf32, #tpu.memory_space<vmem>>, vector<16xf32>,
      %swap3A_67 = arith.index_cast %scan3A_43 : i32 to index
      %swap3A_68 = arith.constant 128 : index
      %swap3A_69 = tpu.vector_load %arg9[%swap3A_67, %swap3A_68] {strides = array<i32>} : memref<128x512xf32, #tpu.memory_space<vmem>>, vector<16xf32>,
      tpu.vector_store %arg9[%swap3A_67, %swap3A_68], %broadcast_in_dim3A_3 {strides = array<i32>} : memref<128x512xf32, #tpu.memory_space<vmem>>, vector<16xf32>,
      %swap3A_70 = arith.index_cast %scan3A_43 : i32 to index
      %swap3A_71 = arith.constant 144 : index
      %swap3A_72 = tpu.vector_load %arg9[%swap3A_70, %swap3A_71] {strides = array<i32>} : memref<128x512xf32, #tpu.memory_space<vmem>>, vector<16xf32>,
      tpu.vector_store %arg9[%swap3A_70, %swap3A_71], %broadcast_in_dim3A_3 {strides = array<i32>} : memref<128x512xf32, #tpu.memory_space<vmem>>, vector<16xf32>,
      %swap3A_73 = arith.index_cast %scan3A_43 : i32 to index
      %swap3A_74 = arith.constant 160 : index
      %swap3A_75 = tpu.vector_load %arg9[%swap3A_73, %swap3A_74] {strides = array<i32>} : memref<128x512xf32, #tpu.memory_space<vmem>>, vector<16xf32>,
      tpu.vector_store %arg9[%swap3A_73, %swap3A_74], %broadcast_in_dim3A_3 {strides = array<i32>} : memref<128x512xf32, #tpu.memory_space<vmem>>, vector<16xf32>,
      %swap3A_76 = arith.index_cast %scan3A_43 : i32 to index
      %swap3A_77 = arith.constant 176 : index
      %swap3A_78 = tpu.vector_load %arg9[%swap3A_76, %swap3A_77] {strides = array<i32>} : memref<128x512xf32, #tpu.memory_space<vmem>>, vector<16xf32>,
      tpu.vector_store %arg9[%swap3A_76, %swap3A_77], %broadcast_in_dim3A_3 {strides = array<i32>} : memref<128x512xf32, #tpu.memory_space<vmem>>, vector<16xf32>,
      %swap3A_79 = arith.index_cast %scan3A_43 : i32 to index
      %swap3A_80 = arith.constant 192 : index
      %swap3A_81 = tpu.vector_load %arg9[%swap3A_79, %swap3A_80] {strides = array<i32>} : memref<128x512xf32, #tpu.memory_space<vmem>>, vector<16xf32>,
      tpu.vector_store %arg9[%swap3A_79, %swap3A_80], %broadcast_in_dim3A_3 {strides = array<i32>} : memref<128x512xf32, #tpu.memory_space<vmem>>, vector<16xf32>,
      %swap3A_82 = arith.index_cast %scan3A_43 : i32 to index
      %swap3A_83 = arith.constant 208 : index
      %swap3A_84 = tpu.vector_load %arg9[%swap3A_82, %swap3A_83] {strides = array<i32>} : memref<128x512xf32, #tpu.memory_space<vmem>>, vector<16xf32>,
      tpu.vector_store %arg9[%swap3A_82, %swap3A_83], %broadcast_in_dim3A_3 {strides = array<i32>} : memref<128x512xf32, #tpu.memory_space<vmem>>, vector<16xf32>,
      %swap3A_85 = arith.index_cast %scan3A_43 : i32 to index
      %swap3A_86 = arith.constant 224 : index
      %swap3A_87 = tpu.vector_load %arg9[%swap3A_85, %swap3A_86] {strides = array<i32>} : memref<128x512xf32, #tpu.memory_space<vmem>>, vector<16xf32>,
      tpu.vector_store %arg9[%swap3A_85, %swap3A_86], %broadcast_in_dim3A_3 {strides = array<i32>} : memref<128x512xf32, #tpu.memory_space<vmem>>, vector<16xf32>,
      %swap3A_88 = arith.index_cast %scan3A_43 : i32 to index
      %swap3A_89 = arith.constant 240 : index
      %swap3A_90 = tpu.vector_load %arg9[%swap3A_88, %swap3A_89] {strides = array<i32>} : memref<128x512xf32, #tpu.memory_space<vmem>>, vector<16xf32>,
      tpu.vector_store %arg9[%swap3A_88, %swap3A_89], %broadcast_in_dim3A_3 {strides = array<i32>} : memref<128x512xf32, #tpu.memory_space<vmem>>, vector<16xf32>,
      %swap3A_91 = arith.index_cast %scan3A_43 : i32 to index
      %swap3A_92 = arith.constant 256 : index
      %swap3A_93 = tpu.vector_load %arg9[%swap3A_91, %swap3A_92] {strides = array<i32>} : memref<128x512xf32, #tpu.memory_space<vmem>>, vector<16xf32>,
      tpu.vector_store %arg9[%swap3A_91, %swap3A_92], %broadcast_in_dim3A_3 {strides = array<i32>} : memref<128x512xf32, #tpu.memory_space<vmem>>, vector<16xf32>,
      %swap3A_94 = arith.index_cast %scan3A_43 : i32 to index
      %swap3A_95 = arith.constant 272 : index
      %swap3A_96 = tpu.vector_load %arg9[%swap3A_94, %swap3A_95] {strides = array<i32>} : memref<128x512xf32, #tpu.memory_space<vmem>>, vector<16xf32>,
      tpu.vector_store %arg9[%swap3A_94, %swap3A_95], %broadcast_in_dim3A_3 {strides = array<i32>} : memref<128x512xf32, #tpu.memory_space<vmem>>, vector<16xf32>,
      %swap3A_97 = arith.index_cast %scan3A_43 : i32 to index
      %swap3A_98 = arith.constant 288 : index
      %swap3A_99 = tpu.vector_load %arg9[%swap3A_97, %swap3A_98] {strides = array<i32>} : memref<128x512xf32, #tpu.memory_space<vmem>>, vector<16xf32>,
      tpu.vector_store %arg9[%swap3A_97, %swap3A_98], %broadcast_in_dim3A_3 {strides = array<i32>} : memref<128x512xf32, #tpu.memory_space<vmem>>, vector<16xf32>,
      %swap3A_100 = arith.index_cast %scan3A_43 : i32 to index
      %swap3A_101 = arith.constant 304 : index
      %swap3A_102 = tpu.vector_load %arg9[%swap3A_100, %swap3A_101] {strides = array<i32>} : memref<128x512xf32, #tpu.memory_space<vmem>>, vector<16xf32>,
      tpu.vector_store %arg9[%swap3A_100, %swap3A_101], %broadcast_in_dim3A_3 {strides = array<i32>} : memref<128x512xf32, #tpu.memory_space<vmem>>, vector<16xf32>,
      %swap3A_103 = arith.index_cast %scan3A_43 : i32 to index
      %swap3A_104 = arith.constant 320 : index
      %swap3A_105 = tpu.vector_load %arg9[%swap3A_103, %swap3A_104] {strides = array<i32>} : memref<128x512xf32, #tpu.memory_space<vmem>>, vector<16xf32>,
      tpu.vector_store %arg9[%swap3A_103, %swap3A_104], %broadcast_in_dim3A_3 {strides = array<i32>} : memref<128x512xf32, #tpu.memory_space<vmem>>, vector<16xf32>,
      %swap3A_106 = arith.index_cast %scan3A_43 : i32 to index
      %swap3A_107 = arith.constant 336 : index
      %swap3A_108 = tpu.vector_load %arg9[%swap3A_106, %swap3A_107] {strides = array<i32>} : memref<128x512xf32, #tpu.memory_space<vmem>>, vector<16xf32>,
      tpu.vector_store %arg9[%swap3A_106, %swap3A_107], %broadcast_in_dim3A_3 {strides = array<i32>} : memref<128x512xf32, #tpu.memory_space<vmem>>, vector<16xf32>,
      %swap3A_109 = arith.index_cast %scan3A_43 : i32 to index
      %swap3A_110 = arith.constant 352 : index
      %swap3A_111 = tpu.vector_load %arg9[%swap3A_109, %swap3A_110] {strides = array<i32>} : memref<128x512xf32, #tpu.memory_space<vmem>>, vector<16xf32>,
      tpu.vector_store %arg9[%swap3A_109, %swap3A_110], %broadcast_in_dim3A_3 {strides = array<i32>} : memref<128x512xf32, #tpu.memory_space<vmem>>, vector<16xf32>,
      %swap3A_112 = arith.index_cast %scan3A_43 : i32 to index
      %swap3A_113 = arith.constant 368 : index
      %swap3A_114 = tpu.vector_load %arg9[%swap3A_112, %swap3A_113] {strides = array<i32>} : memref<128x512xf32, #tpu.memory_space<vmem>>, vector<16xf32>,
      tpu.vector_store %arg9[%swap3A_112, %swap3A_113], %broadcast_in_dim3A_3 {strides = array<i32>} : memref<128x512xf32, #tpu.memory_space<vmem>>, vector<16xf32>,
      %swap3A_115 = arith.index_cast %scan3A_43 : i32 to index
      %swap3A_116 = arith.constant 384 : index
      %swap3A_117 = tpu.vector_load %arg9[%swap3A_115, %swap3A_116] {strides = array<i32>} : memref<128x512xf32, #tpu.memory_space<vmem>>, vector<16xf32>,
      tpu.vector_store %arg9[%swap3A_115, %swap3A_116], %broadcast_in_dim3A_3 {strides = array<i32>} : memref<128x512xf32, #tpu.memory_space<vmem>>, vector<16xf32>,
      %swap3A_118 = arith.index_cast %scan3A_43 : i32 to index
      %swap3A_119 = arith.constant 400 : index
      %swap3A_120 = tpu.vector_load %arg9[%swap3A_118, %swap3A_119] {strides = array<i32>} : memref<128x512xf32, #tpu.memory_space<vmem>>, vector<16xf32>,
      tpu.vector_store %arg9[%swap3A_118, %swap3A_119], %broadcast_in_dim3A_3 {strides = array<i32>} : memref<128x512xf32, #tpu.memory_space<vmem>>, vector<16xf32>,
      %swap3A_121 = arith.index_cast %scan3A_43 : i32 to index
      %swap3A_122 = arith.constant 416 : index
      %swap3A_123 = tpu.vector_load %arg9[%swap3A_121, %swap3A_122] {strides = array<i32>} : memref<128x512xf32, #tpu.memory_space<vmem>>, vector<16xf32>,
      tpu.vector_store %arg9[%swap3A_121, %swap3A_122], %broadcast_in_dim3A_3 {strides = array<i32>} : memref<128x512xf32, #tpu.memory_space<vmem>>, vector<16xf32>,
      %swap3A_124 = arith.index_cast %scan3A_43 : i32 to index
      %swap3A_125 = arith.constant 432 : index
      %swap3A_126 = tpu.vector_load %arg9[%swap3A_124, %swap3A_125] {strides = array<i32>} : memref<128x512xf32, #tpu.memory_space<vmem>>, vector<16xf32>,
      tpu.vector_store %arg9[%swap3A_124, %swap3A_125], %broadcast_in_dim3A_3 {strides = array<i32>} : memref<128x512xf32, #tpu.memory_space<vmem>>, vector<16xf32>,
      %swap3A_127 = arith.index_cast %scan3A_43 : i32 to index
      %swap3A_128 = arith.constant 448 : index
      %swap3A_129 = tpu.vector_load %arg9[%swap3A_127, %swap3A_128] {strides = array<i32>} : memref<128x512xf32, #tpu.memory_space<vmem>>, vector<16xf32>,
      tpu.vector_store %arg9[%swap3A_127, %swap3A_128], %broadcast_in_dim3A_3 {strides = array<i32>} : memref<128x512xf32, #tpu.memory_space<vmem>>, vector<16xf32>,
      %swap3A_130 = arith.index_cast %scan3A_43 : i32 to index
      %swap3A_131 = arith.constant 464 : index
      %swap3A_132 = tpu.vector_load %arg9[%swap3A_130, %swap3A_131] {strides = array<i32>} : memref<128x512xf32, #tpu.memory_space<vmem>>, vector<16xf32>,
      tpu.vector_store %arg9[%swap3A_130, %swap3A_131], %broadcast_in_dim3A_3 {strides = array<i32>} : memref<128x512xf32, #tpu.memory_space<vmem>>, vector<16xf32>,
      %swap3A_133 = arith.index_cast %scan3A_43 : i32 to index
      %swap3A_134 = arith.constant 480 : index
      %swap3A_135 = tpu.vector_load %arg9[%swap3A_133, %swap3A_134] {strides = array<i32>} : memref<128x512xf32, #tpu.memory_space<vmem>>, vector<16xf32>,
      tpu.vector_store %arg9[%swap3A_133, %swap3A_134], %broadcast_in_dim3A_3 {strides = array<i32>} : memref<128x512xf32, #tpu.memory_space<vmem>>, vector<16xf32>,
      %swap3A_136 = arith.index_cast %scan3A_43 : i32 to index
      %swap3A_137 = arith.constant 496 : index
      %swap3A_138 = tpu.vector_load %arg9[%swap3A_136, %swap3A_137] {strides = array<i32>} : memref<128x512xf32, #tpu.memory_space<vmem>>, vector<16xf32>,
      tpu.vector_store %arg9[%swap3A_136, %swap3A_137], %broadcast_in_dim3A_3 {strides = array<i32>} : memref<128x512xf32, #tpu.memory_space<vmem>>, vector<16xf32>,
    }
    %scan3A_8 = arith.constant 128 : i32
    %iota3A = tpu.iota {dimensions = array<i32: 0>} : vector<16xi32>
    %broadcast_in_dim3A_9 = arith.constant 1.000000e+00 : f32
    %broadcast_in_dim3A_10 = vector.broadcast %broadcast_in_dim3A_9 : f32 to vector<16xf32>
    %broadcast_in_dim3A_11 = arith.constant -1.000000e+00 : f32
    %broadcast_in_dim3A_12 = vector.broadcast %broadcast_in_dim3A_11 : f32 to vector<16xf32>
    %scan3A_13 = arith.constant 0 : i32
    %scan3A_14 = arith.constant 0 : i32
    %scan3A_15 = arith.constant 8 : i32
    %scan3A_16 = arith.addi %scan3A_14, %scan3A_15 : i32
    %scan3A_17 = arith.constant 1 : i32
    scf.for %scan3A_43 = %scan3A_14 to %scan3A_16 step %scan3A_17  : i32 {
      %mul3A_44 = arith.constant 16 : i32
      %mul3A_45 = arith.muli %scan3A_43, %mul3A_44 : i32
      %add3A_46 = vector.broadcast %mul3A_45 : i32 to vector<16xi32>
      %add3A_47 = arith.addi %iota3A, %add3A_46 : vector<16xi32>
      %mul3A_48 = arith.constant 16 : i32
      %mul3A_49 = arith.muli %scan3A_43, %mul3A_48 : i32
      %get3A = arith.constant 0 : i32
      %get3A_50 = arith.index_cast %get3A : i32 to index
      %get3A_51 = arith.index_cast %mul3A_49 : i32 to index
      %get3A_52 = tpu.vector_load %arg7[%get3A_50, %get3A_51] {strides = array<i32>} : memref<32x128xi32, #tpu.memory_space<vmem>>, vector<16xi32>,
      %ne3A = arith.constant 0 : i32
      %ne3A_53 = vector.broadcast %ne3A : i32 to vector<16xi32>
      %ne3A_54 = arith.cmpi ne, %get3A_52, %ne3A_53 : vector<16xi32>
      %lt3A = arith.constant 512 : i32
      %lt3A_55 = vector.broadcast %lt3A : i32 to vector<16xi32>
      %lt3A_56 = arith.cmpi slt, %get3A_52, %lt3A_55 : vector<16xi32>
      %and3A = arith.andi %ne3A_54, %lt3A_56 : vector<16xi1>
      tpu.vector_store_idx %arg9[%add3A_47, %get3A_52], %broadcast_in_dim3A_10 masked %and3A {add = true} : memref<128x512xf32, #tpu.memory_space<vmem>>[vector<16xi32>, vector<16xi32>], vector<16xf32>, vector<16xi1>
      %mul3A_57 = arith.constant 16 : i32
      %mul3A_58 = arith.muli %scan3A_43, %mul3A_57 : i32
      %get3A_59 = arith.constant 1 : i32
      %get3A_60 = arith.index_cast %get3A_59 : i32 to index
      %get3A_61 = arith.index_cast %mul3A_58 : i32 to index
      %get3A_62 = tpu.vector_load %arg7[%get3A_60, %get3A_61] {strides = array<i32>} : memref<32x128xi32, #tpu.memory_space<vmem>>, vector<16xi32>,
      %ne3A_63 = arith.constant 0 : i32
      %ne3A_64 = vector.broadcast %ne3A_63 : i32 to vector<16xi32>
      %ne3A_65 = arith.cmpi ne, %get3A_62, %ne3A_64 : vector<16xi32>
      %lt3A_66 = arith.constant 512 : i32
      %lt3A_67 = vector.broadcast %lt3A_66 : i32 to vector<16xi32>
      %lt3A_68 = arith.cmpi slt, %get3A_62, %lt3A_67 : vector<16xi32>
      %and3A_69 = arith.andi %ne3A_65, %lt3A_68 : vector<16xi1>
      tpu.vector_store_idx %arg9[%add3A_47, %get3A_62], %broadcast_in_dim3A_10 masked %and3A_69 {add = true} : memref<128x512xf32, #tpu.memory_space<vmem>>[vector<16xi32>, vector<16xi32>], vector<16xf32>, vector<16xi1>
      %mul3A_70 = arith.constant 16 : i32
      %mul3A_71 = arith.muli %scan3A_43, %mul3A_70 : i32
      %get3A_72 = arith.constant 2 : i32
      %get3A_73 = arith.index_cast %get3A_72 : i32 to index
      %get3A_74 = arith.index_cast %mul3A_71 : i32 to index
      %get3A_75 = tpu.vector_load %arg7[%get3A_73, %get3A_74] {strides = array<i32>} : memref<32x128xi32, #tpu.memory_space<vmem>>, vector<16xi32>,
      %ne3A_76 = arith.constant 0 : i32
      %ne3A_77 = vector.broadcast %ne3A_76 : i32 to vector<16xi32>
      %ne3A_78 = arith.cmpi ne, %get3A_75, %ne3A_77 : vector<16xi32>
      %lt3A_79 = arith.constant 512 : i32
      %lt3A_80 = vector.broadcast %lt3A_79 : i32 to vector<16xi32>
      %lt3A_81 = arith.cmpi slt, %get3A_75, %lt3A_80 : vector<16xi32>
      %and3A_82 = arith.andi %ne3A_78, %lt3A_81 : vector<16xi1>
      tpu.vector_store_idx %arg9[%add3A_47, %get3A_75], %broadcast_in_dim3A_10 masked %and3A_82 {add = true} : memref<128x512xf32, #tpu.memory_space<vmem>>[vector<16xi32>, vector<16xi32>], vector<16xf32>, vector<16xi1>
      %mul3A_83 = arith.constant 16 : i32
      %mul3A_84 = arith.muli %scan3A_43, %mul3A_83 : i32
      %get3A_85 = arith.constant 3 : i32
      %get3A_86 = arith.index_cast %get3A_85 : i32 to index
      %get3A_87 = arith.index_cast %mul3A_84 : i32 to index
      %get3A_88 = tpu.vector_load %arg7[%get3A_86, %get3A_87] {strides = array<i32>} : memref<32x128xi32, #tpu.memory_space<vmem>>, vector<16xi32>,
      %ne3A_89 = arith.constant 0 : i32
      %ne3A_90 = vector.broadcast %ne3A_89 : i32 to vector<16xi32>
      %ne3A_91 = arith.cmpi ne, %get3A_88, %ne3A_90 : vector<16xi32>
      %lt3A_92 = arith.constant 512 : i32
      %lt3A_93 = vector.broadcast %lt3A_92 : i32 to vector<16xi32>
      %lt3A_94 = arith.cmpi slt, %get3A_88, %lt3A_93 : vector<16xi32>
      %and3A_95 = arith.andi %ne3A_91, %lt3A_94 : vector<16xi1>
      tpu.vector_store_idx %arg9[%add3A_47, %get3A_88], %broadcast_in_dim3A_10 masked %and3A_95 {add = true} : memref<128x512xf32, #tpu.memory_space<vmem>>[vector<16xi32>, vector<16xi32>], vector<16xf32>, vector<16xi1>
      %mul3A_96 = arith.constant 16 : i32
      %mul3A_97 = arith.muli %scan3A_43, %mul3A_96 : i32
      %get3A_98 = arith.constant 4 : i32
      %get3A_99 = arith.index_cast %get3A_98 : i32 to index
      %get3A_100 = arith.index_cast %mul3A_97 : i32 to index
      %get3A_101 = tpu.vector_load %arg7[%get3A_99, %get3A_100] {strides = array<i32>} : memref<32x128xi32, #tpu.memory_space<vmem>>, vector<16xi32>,
      %ne3A_102 = arith.constant 0 : i32
      %ne3A_103 = vector.broadcast %ne3A_102 : i32 to vector<16xi32>
      %ne3A_104 = arith.cmpi ne, %get3A_101, %ne3A_103 : vector<16xi32>
      %lt3A_105 = arith.constant 512 : i32
      %lt3A_106 = vector.broadcast %lt3A_105 : i32 to vector<16xi32>
      %lt3A_107 = arith.cmpi slt, %get3A_101, %lt3A_106 : vector<16xi32>
      %and3A_108 = arith.andi %ne3A_104, %lt3A_107 : vector<16xi1>
      tpu.vector_store_idx %arg9[%add3A_47, %get3A_101], %broadcast_in_dim3A_10 masked %and3A_108 {add = true} : memref<128x512xf32, #tpu.memory_space<vmem>>[vector<16xi32>, vector<16xi32>], vector<16xf32>, vector<16xi1>
      %mul3A_109 = arith.constant 16 : i32
      %mul3A_110 = arith.muli %scan3A_43, %mul3A_109 : i32
      %get3A_111 = arith.constant 5 : i32
      %get3A_112 = arith.index_cast %get3A_111 : i32 to index
      %get3A_113 = arith.index_cast %mul3A_110 : i32 to index
      %get3A_114 = tpu.vector_load %arg7[%get3A_112, %get3A_113] {strides = array<i32>} : memref<32x128xi32, #tpu.memory_space<vmem>>, vector<16xi32>,
      %ne3A_115 = arith.constant 0 : i32
      %ne3A_116 = vector.broadcast %ne3A_115 : i32 to vector<16xi32>
      %ne3A_117 = arith.cmpi ne, %get3A_114, %ne3A_116 : vector<16xi32>
      %lt3A_118 = arith.constant 512 : i32
      %lt3A_119 = vector.broadcast %lt3A_118 : i32 to vector<16xi32>
      %lt3A_120 = arith.cmpi slt, %get3A_114, %lt3A_119 : vector<16xi32>
      %and3A_121 = arith.andi %ne3A_117, %lt3A_120 : vector<16xi1>
      tpu.vector_store_idx %arg9[%add3A_47, %get3A_114], %broadcast_in_dim3A_10 masked %and3A_121 {add = true} : memref<128x512xf32, #tpu.memory_space<vmem>>[vector<16xi32>, vector<16xi32>], vector<16xf32>, vector<16xi1>
      %mul3A_122 = arith.constant 16 : i32
      %mul3A_123 = arith.muli %scan3A_43, %mul3A_122 : i32
      %get3A_124 = arith.constant 6 : i32
      %get3A_125 = arith.index_cast %get3A_124 : i32 to index
      %get3A_126 = arith.index_cast %mul3A_123 : i32 to index
      %get3A_127 = tpu.vector_load %arg7[%get3A_125, %get3A_126] {strides = array<i32>} : memref<32x128xi32, #tpu.memory_space<vmem>>, vector<16xi32>,
      %ne3A_128 = arith.constant 0 : i32
      %ne3A_129 = vector.broadcast %ne3A_128 : i32 to vector<16xi32>
      %ne3A_130 = arith.cmpi ne, %get3A_127, %ne3A_129 : vector<16xi32>
      %lt3A_131 = arith.constant 512 : i32
      %lt3A_132 = vector.broadcast %lt3A_131 : i32 to vector<16xi32>
      %lt3A_133 = arith.cmpi slt, %get3A_127, %lt3A_132 : vector<16xi32>
      %and3A_134 = arith.andi %ne3A_130, %lt3A_133 : vector<16xi1>
      tpu.vector_store_idx %arg9[%add3A_47, %get3A_127], %broadcast_in_dim3A_10 masked %and3A_134 {add = true} : memref<128x512xf32, #tpu.memory_space<vmem>>[vector<16xi32>, vector<16xi32>], vector<16xf32>, vector<16xi1>
      %mul3A_135 = arith.constant 16 : i32
      %mul3A_136 = arith.muli %scan3A_43, %mul3A_135 : i32
      %get3A_137 = arith.constant 7 : i32
      %get3A_138 = arith.index_cast %get3A_137 : i32 to index
      %get3A_139 = arith.index_cast %mul3A_136 : i32 to index
      %get3A_140 = tpu.vector_load %arg7[%get3A_138, %get3A_139] {strides = array<i32>} : memref<32x128xi32, #tpu.memory_space<vmem>>, vector<16xi32>,
      %ne3A_141 = arith.constant 0 : i32
      %ne3A_142 = vector.broadcast %ne3A_141 : i32 to vector<16xi32>
      %ne3A_143 = arith.cmpi ne, %get3A_140, %ne3A_142 : vector<16xi32>
      %lt3A_144 = arith.constant 512 : i32
      %lt3A_145 = vector.broadcast %lt3A_144 : i32 to vector<16xi32>
      %lt3A_146 = arith.cmpi slt, %get3A_140, %lt3A_145 : vector<16xi32>
      %and3A_147 = arith.andi %ne3A_143, %lt3A_146 : vector<16xi1>
      tpu.vector_store_idx %arg9[%add3A_47, %get3A_140], %broadcast_in_dim3A_10 masked %and3A_147 {add = true} : memref<128x512xf32, #tpu.memory_space<vmem>>[vector<16xi32>, vector<16xi32>], vector<16xf32>, vector<16xi1>
      %mul3A_148 = arith.constant 16 : i32
      %mul3A_149 = arith.muli %scan3A_43, %mul3A_148 : i32
      %get3A_150 = arith.constant 8 : i32
      %get3A_151 = arith.index_cast %get3A_150 : i32 to index
      %get3A_152 = arith.index_cast %mul3A_149 : i32 to index
      %get3A_153 = tpu.vector_load %arg7[%get3A_151, %get3A_152] {strides = array<i32>} : memref<32x128xi32, #tpu.memory_space<vmem>>, vector<16xi32>,
      %ne3A_154 = arith.constant 0 : i32
      %ne3A_155 = vector.broadcast %ne3A_154 : i32 to vector<16xi32>
      %ne3A_156 = arith.cmpi ne, %get3A_153, %ne3A_155 : vector<16xi32>
      %lt3A_157 = arith.constant 512 : i32
      %lt3A_158 = vector.broadcast %lt3A_157 : i32 to vector<16xi32>
      %lt3A_159 = arith.cmpi slt, %get3A_153, %lt3A_158 : vector<16xi32>
      %and3A_160 = arith.andi %ne3A_156, %lt3A_159 : vector<16xi1>
      tpu.vector_store_idx %arg9[%add3A_47, %get3A_153], %broadcast_in_dim3A_10 masked %and3A_160 {add = true} : memref<128x512xf32, #tpu.memory_space<vmem>>[vector<16xi32>, vector<16xi32>], vector<16xf32>, vector<16xi1>
      %mul3A_161 = arith.constant 16 : i32
      %mul3A_162 = arith.muli %scan3A_43, %mul3A_161 : i32
      %get3A_163 = arith.constant 9 : i32
      %get3A_164 = arith.index_cast %get3A_163 : i32 to index
      %get3A_165 = arith.index_cast %mul3A_162 : i32 to index
      %get3A_166 = tpu.vector_load %arg7[%get3A_164, %get3A_165] {strides = array<i32>} : memref<32x128xi32, #tpu.memory_space<vmem>>, vector<16xi32>,
      %ne3A_167 = arith.constant 0 : i32
      %ne3A_168 = vector.broadcast %ne3A_167 : i32 to vector<16xi32>
      %ne3A_169 = arith.cmpi ne, %get3A_166, %ne3A_168 : vector<16xi32>
      %lt3A_170 = arith.constant 512 : i32
      %lt3A_171 = vector.broadcast %lt3A_170 : i32 to vector<16xi32>
      %lt3A_172 = arith.cmpi slt, %get3A_166, %lt3A_171 : vector<16xi32>
      %and3A_173 = arith.andi %ne3A_169, %lt3A_172 : vector<16xi1>
      tpu.vector_store_idx %arg9[%add3A_47, %get3A_166], %broadcast_in_dim3A_10 masked %and3A_173 {add = true} : memref<128x512xf32, #tpu.memory_space<vmem>>[vector<16xi32>, vector<16xi32>], vector<16xf32>, vector<16xi1>
      %mul3A_174 = arith.constant 16 : i32
      %mul3A_175 = arith.muli %scan3A_43, %mul3A_174 : i32
      %get3A_176 = arith.constant 10 : i32
      %get3A_177 = arith.index_cast %get3A_176 : i32 to index
      %get3A_178 = arith.index_cast %mul3A_175 : i32 to index
      %get3A_179 = tpu.vector_load %arg7[%get3A_177, %get3A_178] {strides = array<i32>} : memref<32x128xi32, #tpu.memory_space<vmem>>, vector<16xi32>,
      %ne3A_180 = arith.constant 0 : i32
      %ne3A_181 = vector.broadcast %ne3A_180 : i32 to vector<16xi32>
      %ne3A_182 = arith.cmpi ne, %get3A_179, %ne3A_181 : vector<16xi32>
      %lt3A_183 = arith.constant 512 : i32
      %lt3A_184 = vector.broadcast %lt3A_183 : i32 to vector<16xi32>
      %lt3A_185 = arith.cmpi slt, %get3A_179, %lt3A_184 : vector<16xi32>
      %and3A_186 = arith.andi %ne3A_182, %lt3A_185 : vector<16xi1>
      tpu.vector_store_idx %arg9[%add3A_47, %get3A_179], %broadcast_in_dim3A_10 masked %and3A_186 {add = true} : memref<128x512xf32, #tpu.memory_space<vmem>>[vector<16xi32>, vector<16xi32>], vector<16xf32>, vector<16xi1>
      %mul3A_187 = arith.constant 16 : i32
      %mul3A_188 = arith.muli %scan3A_43, %mul3A_187 : i32
      %get3A_189 = arith.constant 11 : i32
      %get3A_190 = arith.index_cast %get3A_189 : i32 to index
      %get3A_191 = arith.index_cast %mul3A_188 : i32 to index
      %get3A_192 = tpu.vector_load %arg7[%get3A_190, %get3A_191] {strides = array<i32>} : memref<32x128xi32, #tpu.memory_space<vmem>>, vector<16xi32>,
      %ne3A_193 = arith.constant 0 : i32
      %ne3A_194 = vector.broadcast %ne3A_193 : i32 to vector<16xi32>
      %ne3A_195 = arith.cmpi ne, %get3A_192, %ne3A_194 : vector<16xi32>
      %lt3A_196 = arith.constant 512 : i32
      %lt3A_197 = vector.broadcast %lt3A_196 : i32 to vector<16xi32>
      %lt3A_198 = arith.cmpi slt, %get3A_192, %lt3A_197 : vector<16xi32>
      %and3A_199 = arith.andi %ne3A_195, %lt3A_198 : vector<16xi1>
      tpu.vector_store_idx %arg9[%add3A_47, %get3A_192], %broadcast_in_dim3A_10 masked %and3A_199 {add = true} : memref<128x512xf32, #tpu.memory_space<vmem>>[vector<16xi32>, vector<16xi32>], vector<16xf32>, vector<16xi1>
      %mul3A_200 = arith.constant 16 : i32
      %mul3A_201 = arith.muli %scan3A_43, %mul3A_200 : i32
      %get3A_202 = arith.constant 12 : i32
      %get3A_203 = arith.index_cast %get3A_202 : i32 to index
      %get3A_204 = arith.index_cast %mul3A_201 : i32 to index
      %get3A_205 = tpu.vector_load %arg7[%get3A_203, %get3A_204] {strides = array<i32>} : memref<32x128xi32, #tpu.memory_space<vmem>>, vector<16xi32>,
      %ne3A_206 = arith.constant 0 : i32
      %ne3A_207 = vector.broadcast %ne3A_206 : i32 to vector<16xi32>
      %ne3A_208 = arith.cmpi ne, %get3A_205, %ne3A_207 : vector<16xi32>
      %lt3A_209 = arith.constant 512 : i32
      %lt3A_210 = vector.broadcast %lt3A_209 : i32 to vector<16xi32>
      %lt3A_211 = arith.cmpi slt, %get3A_205, %lt3A_210 : vector<16xi32>
      %and3A_212 = arith.andi %ne3A_208, %lt3A_211 : vector<16xi1>
      tpu.vector_store_idx %arg9[%add3A_47, %get3A_205], %broadcast_in_dim3A_10 masked %and3A_212 {add = true} : memref<128x512xf32, #tpu.memory_space<vmem>>[vector<16xi32>, vector<16xi32>], vector<16xf32>, vector<16xi1>
      %mul3A_213 = arith.constant 16 : i32
      %mul3A_214 = arith.muli %scan3A_43, %mul3A_213 : i32
      %get3A_215 = arith.constant 13 : i32
      %get3A_216 = arith.index_cast %get3A_215 : i32 to index
      %get3A_217 = arith.index_cast %mul3A_214 : i32 to index
      %get3A_218 = tpu.vector_load %arg7[%get3A_216, %get3A_217] {strides = array<i32>} : memref<32x128xi32, #tpu.memory_space<vmem>>, vector<16xi32>,
      %ne3A_219 = arith.constant 0 : i32
      %ne3A_220 = vector.broadcast %ne3A_219 : i32 to vector<16xi32>
      %ne3A_221 = arith.cmpi ne, %get3A_218, %ne3A_220 : vector<16xi32>
      %lt3A_222 = arith.constant 512 : i32
      %lt3A_223 = vector.broadcast %lt3A_222 : i32 to vector<16xi32>
      %lt3A_224 = arith.cmpi slt, %get3A_218, %lt3A_223 : vector<16xi32>
      %and3A_225 = arith.andi %ne3A_221, %lt3A_224 : vector<16xi1>
      tpu.vector_store_idx %arg9[%add3A_47, %get3A_218], %broadcast_in_dim3A_10 masked %and3A_225 {add = true} : memref<128x512xf32, #tpu.memory_space<vmem>>[vector<16xi32>, vector<16xi32>], vector<16xf32>, vector<16xi1>
      %mul3A_226 = arith.constant 16 : i32
      %mul3A_227 = arith.muli %scan3A_43, %mul3A_226 : i32
      %get3A_228 = arith.constant 14 : i32
      %get3A_229 = arith.index_cast %get3A_228 : i32 to index
      %get3A_230 = arith.index_cast %mul3A_227 : i32 to index
      %get3A_231 = tpu.vector_load %arg7[%get3A_229, %get3A_230] {strides = array<i32>} : memref<32x128xi32, #tpu.memory_space<vmem>>, vector<16xi32>,
      %ne3A_232 = arith.constant 0 : i32
      %ne3A_233 = vector.broadcast %ne3A_232 : i32 to vector<16xi32>
      %ne3A_234 = arith.cmpi ne, %get3A_231, %ne3A_233 : vector<16xi32>
      %lt3A_235 = arith.constant 512 : i32
      %lt3A_236 = vector.broadcast %lt3A_235 : i32 to vector<16xi32>
      %lt3A_237 = arith.cmpi slt, %get3A_231, %lt3A_236 : vector<16xi32>
      %and3A_238 = arith.andi %ne3A_234, %lt3A_237 : vector<16xi1>
      tpu.vector_store_idx %arg9[%add3A_47, %get3A_231], %broadcast_in_dim3A_10 masked %and3A_238 {add = true} : memref<128x512xf32, #tpu.memory_space<vmem>>[vector<16xi32>, vector<16xi32>], vector<16xf32>, vector<16xi1>
      %mul3A_239 = arith.constant 16 : i32
      %mul3A_240 = arith.muli %scan3A_43, %mul3A_239 : i32
      %get3A_241 = arith.constant 15 : i32
      %get3A_242 = arith.index_cast %get3A_241 : i32 to index
      %get3A_243 = arith.index_cast %mul3A_240 : i32 to index
      %get3A_244 = tpu.vector_load %arg7[%get3A_242, %get3A_243] {strides = array<i32>} : memref<32x128xi32, #tpu.memory_space<vmem>>, vector<16xi32>,
      %ne3A_245 = arith.constant 0 : i32
      %ne3A_246 = vector.broadcast %ne3A_245 : i32 to vector<16xi32>
      %ne3A_247 = arith.cmpi ne, %get3A_244, %ne3A_246 : vector<16xi32>
      %lt3A_248 = arith.constant 512 : i32
      %lt3A_249 = vector.broadcast %lt3A_248 : i32 to vector<16xi32>
      %lt3A_250 = arith.cmpi slt, %get3A_244, %lt3A_249 : vector<16xi32>
      %and3A_251 = arith.andi %ne3A_247, %lt3A_250 : vector<16xi1>
      tpu.vector_store_idx %arg9[%add3A_47, %get3A_244], %broadcast_in_dim3A_10 masked %and3A_251 {add = true} : memref<128x512xf32, #tpu.memory_space<vmem>>[vector<16xi32>, vector<16xi32>], vector<16xf32>, vector<16xi1>
      %mul3A_252 = arith.constant 16 : i32
      %mul3A_253 = arith.muli %scan3A_43, %mul3A_252 : i32
      %get3A_254 = arith.constant 16 : i32
      %get3A_255 = arith.index_cast %get3A_254 : i32 to index
      %get3A_256 = arith.index_cast %mul3A_253 : i32 to index
      %get3A_257 = tpu.vector_load %arg7[%get3A_255, %get3A_256] {strides = array<i32>} : memref<32x128xi32, #tpu.memory_space<vmem>>, vector<16xi32>,
      %ne3A_258 = arith.constant 0 : i32
      %ne3A_259 = vector.broadcast %ne3A_258 : i32 to vector<16xi32>
      %ne3A_260 = arith.cmpi ne, %get3A_257, %ne3A_259 : vector<16xi32>
      %lt3A_261 = arith.constant 512 : i32
      %lt3A_262 = vector.broadcast %lt3A_261 : i32 to vector<16xi32>
      %lt3A_263 = arith.cmpi slt, %get3A_257, %lt3A_262 : vector<16xi32>
      %and3A_264 = arith.andi %ne3A_260, %lt3A_263 : vector<16xi1>
      tpu.vector_store_idx %arg9[%add3A_47, %get3A_257], %broadcast_in_dim3A_10 masked %and3A_264 {add = true} : memref<128x512xf32, #tpu.memory_space<vmem>>[vector<16xi32>, vector<16xi32>], vector<16xf32>, vector<16xi1>
      %mul3A_265 = arith.constant 16 : i32
      %mul3A_266 = arith.muli %scan3A_43, %mul3A_265 : i32
      %get3A_267 = arith.constant 17 : i32
      %get3A_268 = arith.index_cast %get3A_267 : i32 to index
      %get3A_269 = arith.index_cast %mul3A_266 : i32 to index
      %get3A_270 = tpu.vector_load %arg7[%get3A_268, %get3A_269] {strides = array<i32>} : memref<32x128xi32, #tpu.memory_space<vmem>>, vector<16xi32>,
      %ne3A_271 = arith.constant 0 : i32
      %ne3A_272 = vector.broadcast %ne3A_271 : i32 to vector<16xi32>
      %ne3A_273 = arith.cmpi ne, %get3A_270, %ne3A_272 : vector<16xi32>
      %lt3A_274 = arith.constant 512 : i32
      %lt3A_275 = vector.broadcast %lt3A_274 : i32 to vector<16xi32>
      %lt3A_276 = arith.cmpi slt, %get3A_270, %lt3A_275 : vector<16xi32>
      %and3A_277 = arith.andi %ne3A_273, %lt3A_276 : vector<16xi1>
      tpu.vector_store_idx %arg9[%add3A_47, %get3A_270], %broadcast_in_dim3A_10 masked %and3A_277 {add = true} : memref<128x512xf32, #tpu.memory_space<vmem>>[vector<16xi32>, vector<16xi32>], vector<16xf32>, vector<16xi1>
      %mul3A_278 = arith.constant 16 : i32
      %mul3A_279 = arith.muli %scan3A_43, %mul3A_278 : i32
      %get3A_280 = arith.constant 18 : i32
      %get3A_281 = arith.index_cast %get3A_280 : i32 to index
      %get3A_282 = arith.index_cast %mul3A_279 : i32 to index
      %get3A_283 = tpu.vector_load %arg7[%get3A_281, %get3A_282] {strides = array<i32>} : memref<32x128xi32, #tpu.memory_space<vmem>>, vector<16xi32>,
      %ne3A_284 = arith.constant 0 : i32
      %ne3A_285 = vector.broadcast %ne3A_284 : i32 to vector<16xi32>
      %ne3A_286 = arith.cmpi ne, %get3A_283, %ne3A_285 : vector<16xi32>
      %lt3A_287 = arith.constant 512 : i32
      %lt3A_288 = vector.broadcast %lt3A_287 : i32 to vector<16xi32>
      %lt3A_289 = arith.cmpi slt, %get3A_283, %lt3A_288 : vector<16xi32>
      %and3A_290 = arith.andi %ne3A_286, %lt3A_289 : vector<16xi1>
      tpu.vector_store_idx %arg9[%add3A_47, %get3A_283], %broadcast_in_dim3A_10 masked %and3A_290 {add = true} : memref<128x512xf32, #tpu.memory_space<vmem>>[vector<16xi32>, vector<16xi32>], vector<16xf32>, vector<16xi1>
      %mul3A_291 = arith.constant 16 : i32
      %mul3A_292 = arith.muli %scan3A_43, %mul3A_291 : i32
      %get3A_293 = arith.constant 19 : i32
      %get3A_294 = arith.index_cast %get3A_293 : i32 to index
      %get3A_295 = arith.index_cast %mul3A_292 : i32 to index
      %get3A_296 = tpu.vector_load %arg7[%get3A_294, %get3A_295] {strides = array<i32>} : memref<32x128xi32, #tpu.memory_space<vmem>>, vector<16xi32>,
      %ne3A_297 = arith.constant 0 : i32
      %ne3A_298 = vector.broadcast %ne3A_297 : i32 to vector<16xi32>
      %ne3A_299 = arith.cmpi ne, %get3A_296, %ne3A_298 : vector<16xi32>
      %lt3A_300 = arith.constant 512 : i32
      %lt3A_301 = vector.broadcast %lt3A_300 : i32 to vector<16xi32>
      %lt3A_302 = arith.cmpi slt, %get3A_296, %lt3A_301 : vector<16xi32>
      %and3A_303 = arith.andi %ne3A_299, %lt3A_302 : vector<16xi1>
      tpu.vector_store_idx %arg9[%add3A_47, %get3A_296], %broadcast_in_dim3A_10 masked %and3A_303 {add = true} : memref<128x512xf32, #tpu.memory_space<vmem>>[vector<16xi32>, vector<16xi32>], vector<16xf32>, vector<16xi1>
      %mul3A_304 = arith.constant 16 : i32
      %mul3A_305 = arith.muli %scan3A_43, %mul3A_304 : i32
      %get3A_306 = arith.constant 20 : i32
      %get3A_307 = arith.index_cast %get3A_306 : i32 to index
      %get3A_308 = arith.index_cast %mul3A_305 : i32 to index
      %get3A_309 = tpu.vector_load %arg7[%get3A_307, %get3A_308] {strides = array<i32>} : memref<32x128xi32, #tpu.memory_space<vmem>>, vector<16xi32>,
      %ne3A_310 = arith.constant 0 : i32
      %ne3A_311 = vector.broadcast %ne3A_310 : i32 to vector<16xi32>
      %ne3A_312 = arith.cmpi ne, %get3A_309, %ne3A_311 : vector<16xi32>
      %lt3A_313 = arith.constant 512 : i32
      %lt3A_314 = vector.broadcast %lt3A_313 : i32 to vector<16xi32>
      %lt3A_315 = arith.cmpi slt, %get3A_309, %lt3A_314 : vector<16xi32>
      %and3A_316 = arith.andi %ne3A_312, %lt3A_315 : vector<16xi1>
      tpu.vector_store_idx %arg9[%add3A_47, %get3A_309], %broadcast_in_dim3A_10 masked %and3A_316 {add = true} : memref<128x512xf32, #tpu.memory_space<vmem>>[vector<16xi32>, vector<16xi32>], vector<16xf32>, vector<16xi1>
      %mul3A_317 = arith.constant 16 : i32
      %mul3A_318 = arith.muli %scan3A_43, %mul3A_317 : i32
      %get3A_319 = arith.constant 21 : i32
      %get3A_320 = arith.index_cast %get3A_319 : i32 to index
      %get3A_321 = arith.index_cast %mul3A_318 : i32 to index
      %get3A_322 = tpu.vector_load %arg7[%get3A_320, %get3A_321] {strides = array<i32>} : memref<32x128xi32, #tpu.memory_space<vmem>>, vector<16xi32>,
      %ne3A_323 = arith.constant 0 : i32
      %ne3A_324 = vector.broadcast %ne3A_323 : i32 to vector<16xi32>
      %ne3A_325 = arith.cmpi ne, %get3A_322, %ne3A_324 : vector<16xi32>
      %lt3A_326 = arith.constant 512 : i32
      %lt3A_327 = vector.broadcast %lt3A_326 : i32 to vector<16xi32>
      %lt3A_328 = arith.cmpi slt, %get3A_322, %lt3A_327 : vector<16xi32>
      %and3A_329 = arith.andi %ne3A_325, %lt3A_328 : vector<16xi1>
      tpu.vector_store_idx %arg9[%add3A_47, %get3A_322], %broadcast_in_dim3A_10 masked %and3A_329 {add = true} : memref<128x512xf32, #tpu.memory_space<vmem>>[vector<16xi32>, vector<16xi32>], vector<16xf32>, vector<16xi1>
      %mul3A_330 = arith.constant 16 : i32
      %mul3A_331 = arith.muli %scan3A_43, %mul3A_330 : i32
      %get3A_332 = arith.constant 22 : i32
      %get3A_333 = arith.index_cast %get3A_332 : i32 to index
      %get3A_334 = arith.index_cast %mul3A_331 : i32 to index
      %get3A_335 = tpu.vector_load %arg7[%get3A_333, %get3A_334] {strides = array<i32>} : memref<32x128xi32, #tpu.memory_space<vmem>>, vector<16xi32>,
      %ne3A_336 = arith.constant 0 : i32
      %ne3A_337 = vector.broadcast %ne3A_336 : i32 to vector<16xi32>
      %ne3A_338 = arith.cmpi ne, %get3A_335, %ne3A_337 : vector<16xi32>
      %lt3A_339 = arith.constant 512 : i32
      %lt3A_340 = vector.broadcast %lt3A_339 : i32 to vector<16xi32>
      %lt3A_341 = arith.cmpi slt, %get3A_335, %lt3A_340 : vector<16xi32>
      %and3A_342 = arith.andi %ne3A_338, %lt3A_341 : vector<16xi1>
      tpu.vector_store_idx %arg9[%add3A_47, %get3A_335], %broadcast_in_dim3A_10 masked %and3A_342 {add = true} : memref<128x512xf32, #tpu.memory_space<vmem>>[vector<16xi32>, vector<16xi32>], vector<16xf32>, vector<16xi1>
      %mul3A_343 = arith.constant 16 : i32
      %mul3A_344 = arith.muli %scan3A_43, %mul3A_343 : i32
      %get3A_345 = arith.constant 23 : i32
      %get3A_346 = arith.index_cast %get3A_345 : i32 to index
      %get3A_347 = arith.index_cast %mul3A_344 : i32 to index
      %get3A_348 = tpu.vector_load %arg7[%get3A_346, %get3A_347] {strides = array<i32>} : memref<32x128xi32, #tpu.memory_space<vmem>>, vector<16xi32>,
      %ne3A_349 = arith.constant 0 : i32
      %ne3A_350 = vector.broadcast %ne3A_349 : i32 to vector<16xi32>
      %ne3A_351 = arith.cmpi ne, %get3A_348, %ne3A_350 : vector<16xi32>
      %lt3A_352 = arith.constant 512 : i32
      %lt3A_353 = vector.broadcast %lt3A_352 : i32 to vector<16xi32>
      %lt3A_354 = arith.cmpi slt, %get3A_348, %lt3A_353 : vector<16xi32>
      %and3A_355 = arith.andi %ne3A_351, %lt3A_354 : vector<16xi1>
      tpu.vector_store_idx %arg9[%add3A_47, %get3A_348], %broadcast_in_dim3A_10 masked %and3A_355 {add = true} : memref<128x512xf32, #tpu.memory_space<vmem>>[vector<16xi32>, vector<16xi32>], vector<16xf32>, vector<16xi1>
      %mul3A_356 = arith.constant 16 : i32
      %mul3A_357 = arith.muli %scan3A_43, %mul3A_356 : i32
      %get3A_358 = arith.constant 24 : i32
      %get3A_359 = arith.index_cast %get3A_358 : i32 to index
      %get3A_360 = arith.index_cast %mul3A_357 : i32 to index
      %get3A_361 = tpu.vector_load %arg7[%get3A_359, %get3A_360] {strides = array<i32>} : memref<32x128xi32, #tpu.memory_space<vmem>>, vector<16xi32>,
      %ne3A_362 = arith.constant 0 : i32
      %ne3A_363 = vector.broadcast %ne3A_362 : i32 to vector<16xi32>
      %ne3A_364 = arith.cmpi ne, %get3A_361, %ne3A_363 : vector<16xi32>
      %lt3A_365 = arith.constant 512 : i32
      %lt3A_366 = vector.broadcast %lt3A_365 : i32 to vector<16xi32>
      %lt3A_367 = arith.cmpi slt, %get3A_361, %lt3A_366 : vector<16xi32>
      %and3A_368 = arith.andi %ne3A_364, %lt3A_367 : vector<16xi1>
      tpu.vector_store_idx %arg9[%add3A_47, %get3A_361], %broadcast_in_dim3A_10 masked %and3A_368 {add = true} : memref<128x512xf32, #tpu.memory_space<vmem>>[vector<16xi32>, vector<16xi32>], vector<16xf32>, vector<16xi1>
      %mul3A_369 = arith.constant 16 : i32
      %mul3A_370 = arith.muli %scan3A_43, %mul3A_369 : i32
      %get3A_371 = arith.constant 25 : i32
      %get3A_372 = arith.index_cast %get3A_371 : i32 to index
      %get3A_373 = arith.index_cast %mul3A_370 : i32 to index
      %get3A_374 = tpu.vector_load %arg7[%get3A_372, %get3A_373] {strides = array<i32>} : memref<32x128xi32, #tpu.memory_space<vmem>>, vector<16xi32>,
      %ne3A_375 = arith.constant 0 : i32
      %ne3A_376 = vector.broadcast %ne3A_375 : i32 to vector<16xi32>
      %ne3A_377 = arith.cmpi ne, %get3A_374, %ne3A_376 : vector<16xi32>
      %lt3A_378 = arith.constant 512 : i32
      %lt3A_379 = vector.broadcast %lt3A_378 : i32 to vector<16xi32>
      %lt3A_380 = arith.cmpi slt, %get3A_374, %lt3A_379 : vector<16xi32>
      %and3A_381 = arith.andi %ne3A_377, %lt3A_380 : vector<16xi1>
      tpu.vector_store_idx %arg9[%add3A_47, %get3A_374], %broadcast_in_dim3A_10 masked %and3A_381 {add = true} : memref<128x512xf32, #tpu.memory_space<vmem>>[vector<16xi32>, vector<16xi32>], vector<16xf32>, vector<16xi1>
      %mul3A_382 = arith.constant 16 : i32
      %mul3A_383 = arith.muli %scan3A_43, %mul3A_382 : i32
      %get3A_384 = arith.constant 26 : i32
      %get3A_385 = arith.index_cast %get3A_384 : i32 to index
      %get3A_386 = arith.index_cast %mul3A_383 : i32 to index
      %get3A_387 = tpu.vector_load %arg7[%get3A_385, %get3A_386] {strides = array<i32>} : memref<32x128xi32, #tpu.memory_space<vmem>>, vector<16xi32>,
      %ne3A_388 = arith.constant 0 : i32
      %ne3A_389 = vector.broadcast %ne3A_388 : i32 to vector<16xi32>
      %ne3A_390 = arith.cmpi ne, %get3A_387, %ne3A_389 : vector<16xi32>
      %lt3A_391 = arith.constant 512 : i32
      %lt3A_392 = vector.broadcast %lt3A_391 : i32 to vector<16xi32>
      %lt3A_393 = arith.cmpi slt, %get3A_387, %lt3A_392 : vector<16xi32>
      %and3A_394 = arith.andi %ne3A_390, %lt3A_393 : vector<16xi1>
      tpu.vector_store_idx %arg9[%add3A_47, %get3A_387], %broadcast_in_dim3A_10 masked %and3A_394 {add = true} : memref<128x512xf32, #tpu.memory_space<vmem>>[vector<16xi32>, vector<16xi32>], vector<16xf32>, vector<16xi1>
      %mul3A_395 = arith.constant 16 : i32
      %mul3A_396 = arith.muli %scan3A_43, %mul3A_395 : i32
      %get3A_397 = arith.constant 27 : i32
      %get3A_398 = arith.index_cast %get3A_397 : i32 to index
      %get3A_399 = arith.index_cast %mul3A_396 : i32 to index
      %get3A_400 = tpu.vector_load %arg7[%get3A_398, %get3A_399] {strides = array<i32>} : memref<32x128xi32, #tpu.memory_space<vmem>>, vector<16xi32>,
      %ne3A_401 = arith.constant 0 : i32
      %ne3A_402 = vector.broadcast %ne3A_401 : i32 to vector<16xi32>
      %ne3A_403 = arith.cmpi ne, %get3A_400, %ne3A_402 : vector<16xi32>
      %lt3A_404 = arith.constant 512 : i32
      %lt3A_405 = vector.broadcast %lt3A_404 : i32 to vector<16xi32>
      %lt3A_406 = arith.cmpi slt, %get3A_400, %lt3A_405 : vector<16xi32>
      %and3A_407 = arith.andi %ne3A_403, %lt3A_406 : vector<16xi1>
      tpu.vector_store_idx %arg9[%add3A_47, %get3A_400], %broadcast_in_dim3A_10 masked %and3A_407 {add = true} : memref<128x512xf32, #tpu.memory_space<vmem>>[vector<16xi32>, vector<16xi32>], vector<16xf32>, vector<16xi1>
      %mul3A_408 = arith.constant 16 : i32
      %mul3A_409 = arith.muli %scan3A_43, %mul3A_408 : i32
      %get3A_410 = arith.constant 28 : i32
      %get3A_411 = arith.index_cast %get3A_410 : i32 to index
      %get3A_412 = arith.index_cast %mul3A_409 : i32 to index
      %get3A_413 = tpu.vector_load %arg7[%get3A_411, %get3A_412] {strides = array<i32>} : memref<32x128xi32, #tpu.memory_space<vmem>>, vector<16xi32>,
      %ne3A_414 = arith.constant 0 : i32
      %ne3A_415 = vector.broadcast %ne3A_414 : i32 to vector<16xi32>
      %ne3A_416 = arith.cmpi ne, %get3A_413, %ne3A_415 : vector<16xi32>
      %lt3A_417 = arith.constant 512 : i32
      %lt3A_418 = vector.broadcast %lt3A_417 : i32 to vector<16xi32>
      %lt3A_419 = arith.cmpi slt, %get3A_413, %lt3A_418 : vector<16xi32>
      %and3A_420 = arith.andi %ne3A_416, %lt3A_419 : vector<16xi1>
      tpu.vector_store_idx %arg9[%add3A_47, %get3A_413], %broadcast_in_dim3A_10 masked %and3A_420 {add = true} : memref<128x512xf32, #tpu.memory_space<vmem>>[vector<16xi32>, vector<16xi32>], vector<16xf32>, vector<16xi1>
      %mul3A_421 = arith.constant 16 : i32
      %mul3A_422 = arith.muli %scan3A_43, %mul3A_421 : i32
      %get3A_423 = arith.constant 29 : i32
      %get3A_424 = arith.index_cast %get3A_423 : i32 to index
      %get3A_425 = arith.index_cast %mul3A_422 : i32 to index
      %get3A_426 = tpu.vector_load %arg7[%get3A_424, %get3A_425] {strides = array<i32>} : memref<32x128xi32, #tpu.memory_space<vmem>>, vector<16xi32>,
      %ne3A_427 = arith.constant 0 : i32
      %ne3A_428 = vector.broadcast %ne3A_427 : i32 to vector<16xi32>
      %ne3A_429 = arith.cmpi ne, %get3A_426, %ne3A_428 : vector<16xi32>
      %lt3A_430 = arith.constant 512 : i32
      %lt3A_431 = vector.broadcast %lt3A_430 : i32 to vector<16xi32>
      %lt3A_432 = arith.cmpi slt, %get3A_426, %lt3A_431 : vector<16xi32>
      %and3A_433 = arith.andi %ne3A_429, %lt3A_432 : vector<16xi1>
      tpu.vector_store_idx %arg9[%add3A_47, %get3A_426], %broadcast_in_dim3A_10 masked %and3A_433 {add = true} : memref<128x512xf32, #tpu.memory_space<vmem>>[vector<16xi32>, vector<16xi32>], vector<16xf32>, vector<16xi1>
      %mul3A_434 = arith.constant 16 : i32
      %mul3A_435 = arith.muli %scan3A_43, %mul3A_434 : i32
      %get3A_436 = arith.constant 30 : i32
      %get3A_437 = arith.index_cast %get3A_436 : i32 to index
      %get3A_438 = arith.index_cast %mul3A_435 : i32 to index
      %get3A_439 = tpu.vector_load %arg7[%get3A_437, %get3A_438] {strides = array<i32>} : memref<32x128xi32, #tpu.memory_space<vmem>>, vector<16xi32>,
      %ne3A_440 = arith.constant 0 : i32
      %ne3A_441 = vector.broadcast %ne3A_440 : i32 to vector<16xi32>
      %ne3A_442 = arith.cmpi ne, %get3A_439, %ne3A_441 : vector<16xi32>
      %lt3A_443 = arith.constant 512 : i32
      %lt3A_444 = vector.broadcast %lt3A_443 : i32 to vector<16xi32>
      %lt3A_445 = arith.cmpi slt, %get3A_439, %lt3A_444 : vector<16xi32>
      %and3A_446 = arith.andi %ne3A_442, %lt3A_445 : vector<16xi1>
      tpu.vector_store_idx %arg9[%add3A_47, %get3A_439], %broadcast_in_dim3A_10 masked %and3A_446 {add = true} : memref<128x512xf32, #tpu.memory_space<vmem>>[vector<16xi32>, vector<16xi32>], vector<16xf32>, vector<16xi1>
      %mul3A_447 = arith.constant 16 : i32
      %mul3A_448 = arith.muli %scan3A_43, %mul3A_447 : i32
      %get3A_449 = arith.constant 31 : i32
      %get3A_450 = arith.index_cast %get3A_449 : i32 to index
      %get3A_451 = arith.index_cast %mul3A_448 : i32 to index
      %get3A_452 = tpu.vector_load %arg7[%get3A_450, %get3A_451] {strides = array<i32>} : memref<32x128xi32, #tpu.memory_space<vmem>>, vector<16xi32>,
      %ne3A_453 = arith.constant 0 : i32
      %ne3A_454 = vector.broadcast %ne3A_453 : i32 to vector<16xi32>
      %ne3A_455 = arith.cmpi ne, %get3A_452, %ne3A_454 : vector<16xi32>
      %lt3A_456 = arith.constant 512 : i32
      %lt3A_457 = vector.broadcast %lt3A_456 : i32 to vector<16xi32>
      %lt3A_458 = arith.cmpi slt, %get3A_452, %lt3A_457 : vector<16xi32>
      %and3A_459 = arith.andi %ne3A_455, %lt3A_458 : vector<16xi1>
      tpu.vector_store_idx %arg9[%add3A_47, %get3A_452], %broadcast_in_dim3A_10 masked %and3A_459 {add = true} : memref<128x512xf32, #tpu.memory_space<vmem>>[vector<16xi32>, vector<16xi32>], vector<16xf32>, vector<16xi1>
    }
    %scan3A_18 = arith.constant 8 : i32
    "tpu.region"() ({
      %run_scoped3A = tpu.sem_alloc : memref<!tpu.dma_semaphore, #tpu.memory_space<semaphore_mem>>
      %dma_start3A = arith.constant 0 : i32
      %dma_start3A_43 = tpu.memref_slice %arg4[%mul3A_2, %dma_start3A] : memref<4096x512xf32, #tpu.memory_space<hbm>> -> memref<128x512xf32, #tpu.memory_space<hbm>>
      %dma_start3A_44 = arith.constant 0 : i32
      %dma_start3A_45 = tpu.memref_slice %arg4[%mul3A_2, %dma_start3A_44] : memref<4096x512xf32, #tpu.memory_space<hbm>> -> memref<128x512xf32, #tpu.memory_space<hbm>>
      tpu.enqueue_dma source(%arg9 : memref<128x512xf32, #tpu.memory_space<vmem>>) target(%dma_start3A_45 : memref<128x512xf32, #tpu.memory_space<hbm>>) target_semaphore(%run_scoped3A : memref<!tpu.dma_semaphore, #tpu.memory_space<semaphore_mem>>)
      %dma_wait3A = arith.constant 0 : i32
      %dma_wait3A_46 = tpu.memref_slice %arg4[%mul3A_2, %dma_wait3A] : memref<4096x512xf32, #tpu.memory_space<hbm>> -> memref<128x512xf32, #tpu.memory_space<hbm>>
      %dma_wait3A_47 = arith.constant 0 : i32
      %dma_wait3A_48 = tpu.memref_slice %arg4[%mul3A_2, %dma_wait3A_47] : memref<4096x512xf32, #tpu.memory_space<hbm>> -> memref<128x512xf32, #tpu.memory_space<hbm>>
      tpu.wait_dma2 semaphore(%run_scoped3A : memref<!tpu.dma_semaphore, #tpu.memory_space<semaphore_mem>>) src(%arg9 : memref<128x512xf32, #tpu.memory_space<vmem>>) dst(%dma_wait3A_48 : memref<128x512xf32, #tpu.memory_space<hbm>>)
      tpu.yield
    }) : () -> ()
    %scan3A_19 = arith.constant 0 : i32
    %scan3A_20 = arith.constant 0 : i32
    %scan3A_21 = arith.constant 8 : i32
    %scan3A_22 = arith.addi %scan3A_20, %scan3A_21 : i32
    %scan3A_23 = arith.constant 1 : i32
    scf.for %scan3A_43 = %scan3A_20 to %scan3A_22 step %scan3A_23  : i32 {
      %mul3A_44 = arith.constant 16 : i32
      %mul3A_45 = arith.muli %scan3A_43, %mul3A_44 : i32
      %add3A_46 = vector.broadcast %mul3A_45 : i32 to vector<16xi32>
      %add3A_47 = arith.addi %iota3A, %add3A_46 : vector<16xi32>
      %mul3A_48 = arith.constant 16 : i32
      %mul3A_49 = arith.muli %scan3A_43, %mul3A_48 : i32
      %get3A = arith.constant 0 : i32
      %get3A_50 = arith.index_cast %get3A : i32 to index
      %get3A_51 = arith.index_cast %mul3A_49 : i32 to index
      %get3A_52 = tpu.vector_load %arg7[%get3A_50, %get3A_51] {strides = array<i32>} : memref<32x128xi32, #tpu.memory_space<vmem>>, vector<16xi32>,
      %ne3A = arith.constant 0 : i32
      %ne3A_53 = vector.broadcast %ne3A : i32 to vector<16xi32>
      %ne3A_54 = arith.cmpi ne, %get3A_52, %ne3A_53 : vector<16xi32>
      %lt3A = arith.constant 512 : i32
      %lt3A_55 = vector.broadcast %lt3A : i32 to vector<16xi32>
      %lt3A_56 = arith.cmpi slt, %get3A_52, %lt3A_55 : vector<16xi32>
      %and3A = arith.andi %ne3A_54, %lt3A_56 : vector<16xi1>
      tpu.vector_store_idx %arg9[%add3A_47, %get3A_52], %broadcast_in_dim3A_12 masked %and3A {add = true} : memref<128x512xf32, #tpu.memory_space<vmem>>[vector<16xi32>, vector<16xi32>], vector<16xf32>, vector<16xi1>
      %mul3A_57 = arith.constant 16 : i32
      %mul3A_58 = arith.muli %scan3A_43, %mul3A_57 : i32
      %get3A_59 = arith.constant 1 : i32
      %get3A_60 = arith.index_cast %get3A_59 : i32 to index
      %get3A_61 = arith.index_cast %mul3A_58 : i32 to index
      %get3A_62 = tpu.vector_load %arg7[%get3A_60, %get3A_61] {strides = array<i32>} : memref<32x128xi32, #tpu.memory_space<vmem>>, vector<16xi32>,
      %ne3A_63 = arith.constant 0 : i32
      %ne3A_64 = vector.broadcast %ne3A_63 : i32 to vector<16xi32>
      %ne3A_65 = arith.cmpi ne, %get3A_62, %ne3A_64 : vector<16xi32>
      %lt3A_66 = arith.constant 512 : i32
      %lt3A_67 = vector.broadcast %lt3A_66 : i32 to vector<16xi32>
      %lt3A_68 = arith.cmpi slt, %get3A_62, %lt3A_67 : vector<16xi32>
      %and3A_69 = arith.andi %ne3A_65, %lt3A_68 : vector<16xi1>
      tpu.vector_store_idx %arg9[%add3A_47, %get3A_62], %broadcast_in_dim3A_12 masked %and3A_69 {add = true} : memref<128x512xf32, #tpu.memory_space<vmem>>[vector<16xi32>, vector<16xi32>], vector<16xf32>, vector<16xi1>
      %mul3A_70 = arith.constant 16 : i32
      %mul3A_71 = arith.muli %scan3A_43, %mul3A_70 : i32
      %get3A_72 = arith.constant 2 : i32
      %get3A_73 = arith.index_cast %get3A_72 : i32 to index
      %get3A_74 = arith.index_cast %mul3A_71 : i32 to index
      %get3A_75 = tpu.vector_load %arg7[%get3A_73, %get3A_74] {strides = array<i32>} : memref<32x128xi32, #tpu.memory_space<vmem>>, vector<16xi32>,
      %ne3A_76 = arith.constant 0 : i32
      %ne3A_77 = vector.broadcast %ne3A_76 : i32 to vector<16xi32>
      %ne3A_78 = arith.cmpi ne, %get3A_75, %ne3A_77 : vector<16xi32>
      %lt3A_79 = arith.constant 512 : i32
      %lt3A_80 = vector.broadcast %lt3A_79 : i32 to vector<16xi32>
      %lt3A_81 = arith.cmpi slt, %get3A_75, %lt3A_80 : vector<16xi32>
      %and3A_82 = arith.andi %ne3A_78, %lt3A_81 : vector<16xi1>
      tpu.vector_store_idx %arg9[%add3A_47, %get3A_75], %broadcast_in_dim3A_12 masked %and3A_82 {add = true} : memref<128x512xf32, #tpu.memory_space<vmem>>[vector<16xi32>, vector<16xi32>], vector<16xf32>, vector<16xi1>
      %mul3A_83 = arith.constant 16 : i32
      %mul3A_84 = arith.muli %scan3A_43, %mul3A_83 : i32
      %get3A_85 = arith.constant 3 : i32
      %get3A_86 = arith.index_cast %get3A_85 : i32 to index
      %get3A_87 = arith.index_cast %mul3A_84 : i32 to index
      %get3A_88 = tpu.vector_load %arg7[%get3A_86, %get3A_87] {strides = array<i32>} : memref<32x128xi32, #tpu.memory_space<vmem>>, vector<16xi32>,
      %ne3A_89 = arith.constant 0 : i32
      %ne3A_90 = vector.broadcast %ne3A_89 : i32 to vector<16xi32>
      %ne3A_91 = arith.cmpi ne, %get3A_88, %ne3A_90 : vector<16xi32>
      %lt3A_92 = arith.constant 512 : i32
      %lt3A_93 = vector.broadcast %lt3A_92 : i32 to vector<16xi32>
      %lt3A_94 = arith.cmpi slt, %get3A_88, %lt3A_93 : vector<16xi32>
      %and3A_95 = arith.andi %ne3A_91, %lt3A_94 : vector<16xi1>
      tpu.vector_store_idx %arg9[%add3A_47, %get3A_88], %broadcast_in_dim3A_12 masked %and3A_95 {add = true} : memref<128x512xf32, #tpu.memory_space<vmem>>[vector<16xi32>, vector<16xi32>], vector<16xf32>, vector<16xi1>
      %mul3A_96 = arith.constant 16 : i32
      %mul3A_97 = arith.muli %scan3A_43, %mul3A_96 : i32
      %get3A_98 = arith.constant 4 : i32
      %get3A_99 = arith.index_cast %get3A_98 : i32 to index
      %get3A_100 = arith.index_cast %mul3A_97 : i32 to index
      %get3A_101 = tpu.vector_load %arg7[%get3A_99, %get3A_100] {strides = array<i32>} : memref<32x128xi32, #tpu.memory_space<vmem>>, vector<16xi32>,
      %ne3A_102 = arith.constant 0 : i32
      %ne3A_103 = vector.broadcast %ne3A_102 : i32 to vector<16xi32>
      %ne3A_104 = arith.cmpi ne, %get3A_101, %ne3A_103 : vector<16xi32>
      %lt3A_105 = arith.constant 512 : i32
      %lt3A_106 = vector.broadcast %lt3A_105 : i32 to vector<16xi32>
      %lt3A_107 = arith.cmpi slt, %get3A_101, %lt3A_106 : vector<16xi32>
      %and3A_108 = arith.andi %ne3A_104, %lt3A_107 : vector<16xi1>
      tpu.vector_store_idx %arg9[%add3A_47, %get3A_101], %broadcast_in_dim3A_12 masked %and3A_108 {add = true} : memref<128x512xf32, #tpu.memory_space<vmem>>[vector<16xi32>, vector<16xi32>], vector<16xf32>, vector<16xi1>
      %mul3A_109 = arith.constant 16 : i32
      %mul3A_110 = arith.muli %scan3A_43, %mul3A_109 : i32
      %get3A_111 = arith.constant 5 : i32
      %get3A_112 = arith.index_cast %get3A_111 : i32 to index
      %get3A_113 = arith.index_cast %mul3A_110 : i32 to index
      %get3A_114 = tpu.vector_load %arg7[%get3A_112, %get3A_113] {strides = array<i32>} : memref<32x128xi32, #tpu.memory_space<vmem>>, vector<16xi32>,
      %ne3A_115 = arith.constant 0 : i32
      %ne3A_116 = vector.broadcast %ne3A_115 : i32 to vector<16xi32>
      %ne3A_117 = arith.cmpi ne, %get3A_114, %ne3A_116 : vector<16xi32>
      %lt3A_118 = arith.constant 512 : i32
      %lt3A_119 = vector.broadcast %lt3A_118 : i32 to vector<16xi32>
      %lt3A_120 = arith.cmpi slt, %get3A_114, %lt3A_119 : vector<16xi32>
      %and3A_121 = arith.andi %ne3A_117, %lt3A_120 : vector<16xi1>
      tpu.vector_store_idx %arg9[%add3A_47, %get3A_114], %broadcast_in_dim3A_12 masked %and3A_121 {add = true} : memref<128x512xf32, #tpu.memory_space<vmem>>[vector<16xi32>, vector<16xi32>], vector<16xf32>, vector<16xi1>
      %mul3A_122 = arith.constant 16 : i32
      %mul3A_123 = arith.muli %scan3A_43, %mul3A_122 : i32
      %get3A_124 = arith.constant 6 : i32
      %get3A_125 = arith.index_cast %get3A_124 : i32 to index
      %get3A_126 = arith.index_cast %mul3A_123 : i32 to index
      %get3A_127 = tpu.vector_load %arg7[%get3A_125, %get3A_126] {strides = array<i32>} : memref<32x128xi32, #tpu.memory_space<vmem>>, vector<16xi32>,
      %ne3A_128 = arith.constant 0 : i32
      %ne3A_129 = vector.broadcast %ne3A_128 : i32 to vector<16xi32>
      %ne3A_130 = arith.cmpi ne, %get3A_127, %ne3A_129 : vector<16xi32>
      %lt3A_131 = arith.constant 512 : i32
      %lt3A_132 = vector.broadcast %lt3A_131 : i32 to vector<16xi32>
      %lt3A_133 = arith.cmpi slt, %get3A_127, %lt3A_132 : vector<16xi32>
      %and3A_134 = arith.andi %ne3A_130, %lt3A_133 : vector<16xi1>
      tpu.vector_store_idx %arg9[%add3A_47, %get3A_127], %broadcast_in_dim3A_12 masked %and3A_134 {add = true} : memref<128x512xf32, #tpu.memory_space<vmem>>[vector<16xi32>, vector<16xi32>], vector<16xf32>, vector<16xi1>
      %mul3A_135 = arith.constant 16 : i32
      %mul3A_136 = arith.muli %scan3A_43, %mul3A_135 : i32
      %get3A_137 = arith.constant 7 : i32
      %get3A_138 = arith.index_cast %get3A_137 : i32 to index
      %get3A_139 = arith.index_cast %mul3A_136 : i32 to index
      %get3A_140 = tpu.vector_load %arg7[%get3A_138, %get3A_139] {strides = array<i32>} : memref<32x128xi32, #tpu.memory_space<vmem>>, vector<16xi32>,
      %ne3A_141 = arith.constant 0 : i32
      %ne3A_142 = vector.broadcast %ne3A_141 : i32 to vector<16xi32>
      %ne3A_143 = arith.cmpi ne, %get3A_140, %ne3A_142 : vector<16xi32>
      %lt3A_144 = arith.constant 512 : i32
      %lt3A_145 = vector.broadcast %lt3A_144 : i32 to vector<16xi32>
      %lt3A_146 = arith.cmpi slt, %get3A_140, %lt3A_145 : vector<16xi32>
      %and3A_147 = arith.andi %ne3A_143, %lt3A_146 : vector<16xi1>
      tpu.vector_store_idx %arg9[%add3A_47, %get3A_140], %broadcast_in_dim3A_12 masked %and3A_147 {add = true} : memref<128x512xf32, #tpu.memory_space<vmem>>[vector<16xi32>, vector<16xi32>], vector<16xf32>, vector<16xi1>
      %mul3A_148 = arith.constant 16 : i32
      %mul3A_149 = arith.muli %scan3A_43, %mul3A_148 : i32
      %get3A_150 = arith.constant 8 : i32
      %get3A_151 = arith.index_cast %get3A_150 : i32 to index
      %get3A_152 = arith.index_cast %mul3A_149 : i32 to index
      %get3A_153 = tpu.vector_load %arg7[%get3A_151, %get3A_152] {strides = array<i32>} : memref<32x128xi32, #tpu.memory_space<vmem>>, vector<16xi32>,
      %ne3A_154 = arith.constant 0 : i32
      %ne3A_155 = vector.broadcast %ne3A_154 : i32 to vector<16xi32>
      %ne3A_156 = arith.cmpi ne, %get3A_153, %ne3A_155 : vector<16xi32>
      %lt3A_157 = arith.constant 512 : i32
      %lt3A_158 = vector.broadcast %lt3A_157 : i32 to vector<16xi32>
      %lt3A_159 = arith.cmpi slt, %get3A_153, %lt3A_158 : vector<16xi32>
      %and3A_160 = arith.andi %ne3A_156, %lt3A_159 : vector<16xi1>
      tpu.vector_store_idx %arg9[%add3A_47, %get3A_153], %broadcast_in_dim3A_12 masked %and3A_160 {add = true} : memref<128x512xf32, #tpu.memory_space<vmem>>[vector<16xi32>, vector<16xi32>], vector<16xf32>, vector<16xi1>
      %mul3A_161 = arith.constant 16 : i32
      %mul3A_162 = arith.muli %scan3A_43, %mul3A_161 : i32
      %get3A_163 = arith.constant 9 : i32
      %get3A_164 = arith.index_cast %get3A_163 : i32 to index
      %get3A_165 = arith.index_cast %mul3A_162 : i32 to index
      %get3A_166 = tpu.vector_load %arg7[%get3A_164, %get3A_165] {strides = array<i32>} : memref<32x128xi32, #tpu.memory_space<vmem>>, vector<16xi32>,
      %ne3A_167 = arith.constant 0 : i32
      %ne3A_168 = vector.broadcast %ne3A_167 : i32 to vector<16xi32>
      %ne3A_169 = arith.cmpi ne, %get3A_166, %ne3A_168 : vector<16xi32>
      %lt3A_170 = arith.constant 512 : i32
      %lt3A_171 = vector.broadcast %lt3A_170 : i32 to vector<16xi32>
      %lt3A_172 = arith.cmpi slt, %get3A_166, %lt3A_171 : vector<16xi32>
      %and3A_173 = arith.andi %ne3A_169, %lt3A_172 : vector<16xi1>
      tpu.vector_store_idx %arg9[%add3A_47, %get3A_166], %broadcast_in_dim3A_12 masked %and3A_173 {add = true} : memref<128x512xf32, #tpu.memory_space<vmem>>[vector<16xi32>, vector<16xi32>], vector<16xf32>, vector<16xi1>
      %mul3A_174 = arith.constant 16 : i32
      %mul3A_175 = arith.muli %scan3A_43, %mul3A_174 : i32
      %get3A_176 = arith.constant 10 : i32
      %get3A_177 = arith.index_cast %get3A_176 : i32 to index
      %get3A_178 = arith.index_cast %mul3A_175 : i32 to index
      %get3A_179 = tpu.vector_load %arg7[%get3A_177, %get3A_178] {strides = array<i32>} : memref<32x128xi32, #tpu.memory_space<vmem>>, vector<16xi32>,
      %ne3A_180 = arith.constant 0 : i32
      %ne3A_181 = vector.broadcast %ne3A_180 : i32 to vector<16xi32>
      %ne3A_182 = arith.cmpi ne, %get3A_179, %ne3A_181 : vector<16xi32>
      %lt3A_183 = arith.constant 512 : i32
      %lt3A_184 = vector.broadcast %lt3A_183 : i32 to vector<16xi32>
      %lt3A_185 = arith.cmpi slt, %get3A_179, %lt3A_184 : vector<16xi32>
      %and3A_186 = arith.andi %ne3A_182, %lt3A_185 : vector<16xi1>
      tpu.vector_store_idx %arg9[%add3A_47, %get3A_179], %broadcast_in_dim3A_12 masked %and3A_186 {add = true} : memref<128x512xf32, #tpu.memory_space<vmem>>[vector<16xi32>, vector<16xi32>], vector<16xf32>, vector<16xi1>
      %mul3A_187 = arith.constant 16 : i32
      %mul3A_188 = arith.muli %scan3A_43, %mul3A_187 : i32
      %get3A_189 = arith.constant 11 : i32
      %get3A_190 = arith.index_cast %get3A_189 : i32 to index
      %get3A_191 = arith.index_cast %mul3A_188 : i32 to index
      %get3A_192 = tpu.vector_load %arg7[%get3A_190, %get3A_191] {strides = array<i32>} : memref<32x128xi32, #tpu.memory_space<vmem>>, vector<16xi32>,
      %ne3A_193 = arith.constant 0 : i32
      %ne3A_194 = vector.broadcast %ne3A_193 : i32 to vector<16xi32>
      %ne3A_195 = arith.cmpi ne, %get3A_192, %ne3A_194 : vector<16xi32>
      %lt3A_196 = arith.constant 512 : i32
      %lt3A_197 = vector.broadcast %lt3A_196 : i32 to vector<16xi32>
      %lt3A_198 = arith.cmpi slt, %get3A_192, %lt3A_197 : vector<16xi32>
      %and3A_199 = arith.andi %ne3A_195, %lt3A_198 : vector<16xi1>
      tpu.vector_store_idx %arg9[%add3A_47, %get3A_192], %broadcast_in_dim3A_12 masked %and3A_199 {add = true} : memref<128x512xf32, #tpu.memory_space<vmem>>[vector<16xi32>, vector<16xi32>], vector<16xf32>, vector<16xi1>
      %mul3A_200 = arith.constant 16 : i32
      %mul3A_201 = arith.muli %scan3A_43, %mul3A_200 : i32
      %get3A_202 = arith.constant 12 : i32
      %get3A_203 = arith.index_cast %get3A_202 : i32 to index
      %get3A_204 = arith.index_cast %mul3A_201 : i32 to index
      %get3A_205 = tpu.vector_load %arg7[%get3A_203, %get3A_204] {strides = array<i32>} : memref<32x128xi32, #tpu.memory_space<vmem>>, vector<16xi32>,
      %ne3A_206 = arith.constant 0 : i32
      %ne3A_207 = vector.broadcast %ne3A_206 : i32 to vector<16xi32>
      %ne3A_208 = arith.cmpi ne, %get3A_205, %ne3A_207 : vector<16xi32>
      %lt3A_209 = arith.constant 512 : i32
      %lt3A_210 = vector.broadcast %lt3A_209 : i32 to vector<16xi32>
      %lt3A_211 = arith.cmpi slt, %get3A_205, %lt3A_210 : vector<16xi32>
      %and3A_212 = arith.andi %ne3A_208, %lt3A_211 : vector<16xi1>
      tpu.vector_store_idx %arg9[%add3A_47, %get3A_205], %broadcast_in_dim3A_12 masked %and3A_212 {add = true} : memref<128x512xf32, #tpu.memory_space<vmem>>[vector<16xi32>, vector<16xi32>], vector<16xf32>, vector<16xi1>
      %mul3A_213 = arith.constant 16 : i32
      %mul3A_214 = arith.muli %scan3A_43, %mul3A_213 : i32
      %get3A_215 = arith.constant 13 : i32
      %get3A_216 = arith.index_cast %get3A_215 : i32 to index
      %get3A_217 = arith.index_cast %mul3A_214 : i32 to index
      %get3A_218 = tpu.vector_load %arg7[%get3A_216, %get3A_217] {strides = array<i32>} : memref<32x128xi32, #tpu.memory_space<vmem>>, vector<16xi32>,
      %ne3A_219 = arith.constant 0 : i32
      %ne3A_220 = vector.broadcast %ne3A_219 : i32 to vector<16xi32>
      %ne3A_221 = arith.cmpi ne, %get3A_218, %ne3A_220 : vector<16xi32>
      %lt3A_222 = arith.constant 512 : i32
      %lt3A_223 = vector.broadcast %lt3A_222 : i32 to vector<16xi32>
      %lt3A_224 = arith.cmpi slt, %get3A_218, %lt3A_223 : vector<16xi32>
      %and3A_225 = arith.andi %ne3A_221, %lt3A_224 : vector<16xi1>
      tpu.vector_store_idx %arg9[%add3A_47, %get3A_218], %broadcast_in_dim3A_12 masked %and3A_225 {add = true} : memref<128x512xf32, #tpu.memory_space<vmem>>[vector<16xi32>, vector<16xi32>], vector<16xf32>, vector<16xi1>
      %mul3A_226 = arith.constant 16 : i32
      %mul3A_227 = arith.muli %scan3A_43, %mul3A_226 : i32
      %get3A_228 = arith.constant 14 : i32
      %get3A_229 = arith.index_cast %get3A_228 : i32 to index
      %get3A_230 = arith.index_cast %mul3A_227 : i32 to index
      %get3A_231 = tpu.vector_load %arg7[%get3A_229, %get3A_230] {strides = array<i32>} : memref<32x128xi32, #tpu.memory_space<vmem>>, vector<16xi32>,
      %ne3A_232 = arith.constant 0 : i32
      %ne3A_233 = vector.broadcast %ne3A_232 : i32 to vector<16xi32>
      %ne3A_234 = arith.cmpi ne, %get3A_231, %ne3A_233 : vector<16xi32>
      %lt3A_235 = arith.constant 512 : i32
      %lt3A_236 = vector.broadcast %lt3A_235 : i32 to vector<16xi32>
      %lt3A_237 = arith.cmpi slt, %get3A_231, %lt3A_236 : vector<16xi32>
      %and3A_238 = arith.andi %ne3A_234, %lt3A_237 : vector<16xi1>
      tpu.vector_store_idx %arg9[%add3A_47, %get3A_231], %broadcast_in_dim3A_12 masked %and3A_238 {add = true} : memref<128x512xf32, #tpu.memory_space<vmem>>[vector<16xi32>, vector<16xi32>], vector<16xf32>, vector<16xi1>
      %mul3A_239 = arith.constant 16 : i32
      %mul3A_240 = arith.muli %scan3A_43, %mul3A_239 : i32
      %get3A_241 = arith.constant 15 : i32
      %get3A_242 = arith.index_cast %get3A_241 : i32 to index
      %get3A_243 = arith.index_cast %mul3A_240 : i32 to index
      %get3A_244 = tpu.vector_load %arg7[%get3A_242, %get3A_243] {strides = array<i32>} : memref<32x128xi32, #tpu.memory_space<vmem>>, vector<16xi32>,
      %ne3A_245 = arith.constant 0 : i32
      %ne3A_246 = vector.broadcast %ne3A_245 : i32 to vector<16xi32>
      %ne3A_247 = arith.cmpi ne, %get3A_244, %ne3A_246 : vector<16xi32>
      %lt3A_248 = arith.constant 512 : i32
      %lt3A_249 = vector.broadcast %lt3A_248 : i32 to vector<16xi32>
      %lt3A_250 = arith.cmpi slt, %get3A_244, %lt3A_249 : vector<16xi32>
      %and3A_251 = arith.andi %ne3A_247, %lt3A_250 : vector<16xi1>
      tpu.vector_store_idx %arg9[%add3A_47, %get3A_244], %broadcast_in_dim3A_12 masked %and3A_251 {add = true} : memref<128x512xf32, #tpu.memory_space<vmem>>[vector<16xi32>, vector<16xi32>], vector<16xf32>, vector<16xi1>
      %mul3A_252 = arith.constant 16 : i32
      %mul3A_253 = arith.muli %scan3A_43, %mul3A_252 : i32
      %get3A_254 = arith.constant 16 : i32
      %get3A_255 = arith.index_cast %get3A_254 : i32 to index
      %get3A_256 = arith.index_cast %mul3A_253 : i32 to index
      %get3A_257 = tpu.vector_load %arg7[%get3A_255, %get3A_256] {strides = array<i32>} : memref<32x128xi32, #tpu.memory_space<vmem>>, vector<16xi32>,
      %ne3A_258 = arith.constant 0 : i32
      %ne3A_259 = vector.broadcast %ne3A_258 : i32 to vector<16xi32>
      %ne3A_260 = arith.cmpi ne, %get3A_257, %ne3A_259 : vector<16xi32>
      %lt3A_261 = arith.constant 512 : i32
      %lt3A_262 = vector.broadcast %lt3A_261 : i32 to vector<16xi32>
      %lt3A_263 = arith.cmpi slt, %get3A_257, %lt3A_262 : vector<16xi32>
      %and3A_264 = arith.andi %ne3A_260, %lt3A_263 : vector<16xi1>
      tpu.vector_store_idx %arg9[%add3A_47, %get3A_257], %broadcast_in_dim3A_12 masked %and3A_264 {add = true} : memref<128x512xf32, #tpu.memory_space<vmem>>[vector<16xi32>, vector<16xi32>], vector<16xf32>, vector<16xi1>
      %mul3A_265 = arith.constant 16 : i32
      %mul3A_266 = arith.muli %scan3A_43, %mul3A_265 : i32
      %get3A_267 = arith.constant 17 : i32
      %get3A_268 = arith.index_cast %get3A_267 : i32 to index
      %get3A_269 = arith.index_cast %mul3A_266 : i32 to index
      %get3A_270 = tpu.vector_load %arg7[%get3A_268, %get3A_269] {strides = array<i32>} : memref<32x128xi32, #tpu.memory_space<vmem>>, vector<16xi32>,
      %ne3A_271 = arith.constant 0 : i32
      %ne3A_272 = vector.broadcast %ne3A_271 : i32 to vector<16xi32>
      %ne3A_273 = arith.cmpi ne, %get3A_270, %ne3A_272 : vector<16xi32>
      %lt3A_274 = arith.constant 512 : i32
      %lt3A_275 = vector.broadcast %lt3A_274 : i32 to vector<16xi32>
      %lt3A_276 = arith.cmpi slt, %get3A_270, %lt3A_275 : vector<16xi32>
      %and3A_277 = arith.andi %ne3A_273, %lt3A_276 : vector<16xi1>
      tpu.vector_store_idx %arg9[%add3A_47, %get3A_270], %broadcast_in_dim3A_12 masked %and3A_277 {add = true} : memref<128x512xf32, #tpu.memory_space<vmem>>[vector<16xi32>, vector<16xi32>], vector<16xf32>, vector<16xi1>
      %mul3A_278 = arith.constant 16 : i32
      %mul3A_279 = arith.muli %scan3A_43, %mul3A_278 : i32
      %get3A_280 = arith.constant 18 : i32
      %get3A_281 = arith.index_cast %get3A_280 : i32 to index
      %get3A_282 = arith.index_cast %mul3A_279 : i32 to index
      %get3A_283 = tpu.vector_load %arg7[%get3A_281, %get3A_282] {strides = array<i32>} : memref<32x128xi32, #tpu.memory_space<vmem>>, vector<16xi32>,
      %ne3A_284 = arith.constant 0 : i32
      %ne3A_285 = vector.broadcast %ne3A_284 : i32 to vector<16xi32>
      %ne3A_286 = arith.cmpi ne, %get3A_283, %ne3A_285 : vector<16xi32>
      %lt3A_287 = arith.constant 512 : i32
      %lt3A_288 = vector.broadcast %lt3A_287 : i32 to vector<16xi32>
      %lt3A_289 = arith.cmpi slt, %get3A_283, %lt3A_288 : vector<16xi32>
      %and3A_290 = arith.andi %ne3A_286, %lt3A_289 : vector<16xi1>
      tpu.vector_store_idx %arg9[%add3A_47, %get3A_283], %broadcast_in_dim3A_12 masked %and3A_290 {add = true} : memref<128x512xf32, #tpu.memory_space<vmem>>[vector<16xi32>, vector<16xi32>], vector<16xf32>, vector<16xi1>
      %mul3A_291 = arith.constant 16 : i32
      %mul3A_292 = arith.muli %scan3A_43, %mul3A_291 : i32
      %get3A_293 = arith.constant 19 : i32
      %get3A_294 = arith.index_cast %get3A_293 : i32 to index
      %get3A_295 = arith.index_cast %mul3A_292 : i32 to index
      %get3A_296 = tpu.vector_load %arg7[%get3A_294, %get3A_295] {strides = array<i32>} : memref<32x128xi32, #tpu.memory_space<vmem>>, vector<16xi32>,
      %ne3A_297 = arith.constant 0 : i32
      %ne3A_298 = vector.broadcast %ne3A_297 : i32 to vector<16xi32>
      %ne3A_299 = arith.cmpi ne, %get3A_296, %ne3A_298 : vector<16xi32>
      %lt3A_300 = arith.constant 512 : i32
      %lt3A_301 = vector.broadcast %lt3A_300 : i32 to vector<16xi32>
      %lt3A_302 = arith.cmpi slt, %get3A_296, %lt3A_301 : vector<16xi32>
      %and3A_303 = arith.andi %ne3A_299, %lt3A_302 : vector<16xi1>
      tpu.vector_store_idx %arg9[%add3A_47, %get3A_296], %broadcast_in_dim3A_12 masked %and3A_303 {add = true} : memref<128x512xf32, #tpu.memory_space<vmem>>[vector<16xi32>, vector<16xi32>], vector<16xf32>, vector<16xi1>
      %mul3A_304 = arith.constant 16 : i32
      %mul3A_305 = arith.muli %scan3A_43, %mul3A_304 : i32
      %get3A_306 = arith.constant 20 : i32
      %get3A_307 = arith.index_cast %get3A_306 : i32 to index
      %get3A_308 = arith.index_cast %mul3A_305 : i32 to index
      %get3A_309 = tpu.vector_load %arg7[%get3A_307, %get3A_308] {strides = array<i32>} : memref<32x128xi32, #tpu.memory_space<vmem>>, vector<16xi32>,
      %ne3A_310 = arith.constant 0 : i32
      %ne3A_311 = vector.broadcast %ne3A_310 : i32 to vector<16xi32>
      %ne3A_312 = arith.cmpi ne, %get3A_309, %ne3A_311 : vector<16xi32>
      %lt3A_313 = arith.constant 512 : i32
      %lt3A_314 = vector.broadcast %lt3A_313 : i32 to vector<16xi32>
      %lt3A_315 = arith.cmpi slt, %get3A_309, %lt3A_314 : vector<16xi32>
      %and3A_316 = arith.andi %ne3A_312, %lt3A_315 : vector<16xi1>
      tpu.vector_store_idx %arg9[%add3A_47, %get3A_309], %broadcast_in_dim3A_12 masked %and3A_316 {add = true} : memref<128x512xf32, #tpu.memory_space<vmem>>[vector<16xi32>, vector<16xi32>], vector<16xf32>, vector<16xi1>
      %mul3A_317 = arith.constant 16 : i32
      %mul3A_318 = arith.muli %scan3A_43, %mul3A_317 : i32
      %get3A_319 = arith.constant 21 : i32
      %get3A_320 = arith.index_cast %get3A_319 : i32 to index
      %get3A_321 = arith.index_cast %mul3A_318 : i32 to index
      %get3A_322 = tpu.vector_load %arg7[%get3A_320, %get3A_321] {strides = array<i32>} : memref<32x128xi32, #tpu.memory_space<vmem>>, vector<16xi32>,
      %ne3A_323 = arith.constant 0 : i32
      %ne3A_324 = vector.broadcast %ne3A_323 : i32 to vector<16xi32>
      %ne3A_325 = arith.cmpi ne, %get3A_322, %ne3A_324 : vector<16xi32>
      %lt3A_326 = arith.constant 512 : i32
      %lt3A_327 = vector.broadcast %lt3A_326 : i32 to vector<16xi32>
      %lt3A_328 = arith.cmpi slt, %get3A_322, %lt3A_327 : vector<16xi32>
      %and3A_329 = arith.andi %ne3A_325, %lt3A_328 : vector<16xi1>
      tpu.vector_store_idx %arg9[%add3A_47, %get3A_322], %broadcast_in_dim3A_12 masked %and3A_329 {add = true} : memref<128x512xf32, #tpu.memory_space<vmem>>[vector<16xi32>, vector<16xi32>], vector<16xf32>, vector<16xi1>
      %mul3A_330 = arith.constant 16 : i32
      %mul3A_331 = arith.muli %scan3A_43, %mul3A_330 : i32
      %get3A_332 = arith.constant 22 : i32
      %get3A_333 = arith.index_cast %get3A_332 : i32 to index
      %get3A_334 = arith.index_cast %mul3A_331 : i32 to index
      %get3A_335 = tpu.vector_load %arg7[%get3A_333, %get3A_334] {strides = array<i32>} : memref<32x128xi32, #tpu.memory_space<vmem>>, vector<16xi32>,
      %ne3A_336 = arith.constant 0 : i32
      %ne3A_337 = vector.broadcast %ne3A_336 : i32 to vector<16xi32>
      %ne3A_338 = arith.cmpi ne, %get3A_335, %ne3A_337 : vector<16xi32>
      %lt3A_339 = arith.constant 512 : i32
      %lt3A_340 = vector.broadcast %lt3A_339 : i32 to vector<16xi32>
      %lt3A_341 = arith.cmpi slt, %get3A_335, %lt3A_340 : vector<16xi32>
      %and3A_342 = arith.andi %ne3A_338, %lt3A_341 : vector<16xi1>
      tpu.vector_store_idx %arg9[%add3A_47, %get3A_335], %broadcast_in_dim3A_12 masked %and3A_342 {add = true} : memref<128x512xf32, #tpu.memory_space<vmem>>[vector<16xi32>, vector<16xi32>], vector<16xf32>, vector<16xi1>
      %mul3A_343 = arith.constant 16 : i32
      %mul3A_344 = arith.muli %scan3A_43, %mul3A_343 : i32
      %get3A_345 = arith.constant 23 : i32
      %get3A_346 = arith.index_cast %get3A_345 : i32 to index
      %get3A_347 = arith.index_cast %mul3A_344 : i32 to index
      %get3A_348 = tpu.vector_load %arg7[%get3A_346, %get3A_347] {strides = array<i32>} : memref<32x128xi32, #tpu.memory_space<vmem>>, vector<16xi32>,
      %ne3A_349 = arith.constant 0 : i32
      %ne3A_350 = vector.broadcast %ne3A_349 : i32 to vector<16xi32>
      %ne3A_351 = arith.cmpi ne, %get3A_348, %ne3A_350 : vector<16xi32>
      %lt3A_352 = arith.constant 512 : i32
      %lt3A_353 = vector.broadcast %lt3A_352 : i32 to vector<16xi32>
      %lt3A_354 = arith.cmpi slt, %get3A_348, %lt3A_353 : vector<16xi32>
      %and3A_355 = arith.andi %ne3A_351, %lt3A_354 : vector<16xi1>
      tpu.vector_store_idx %arg9[%add3A_47, %get3A_348], %broadcast_in_dim3A_12 masked %and3A_355 {add = true} : memref<128x512xf32, #tpu.memory_space<vmem>>[vector<16xi32>, vector<16xi32>], vector<16xf32>, vector<16xi1>
      %mul3A_356 = arith.constant 16 : i32
      %mul3A_357 = arith.muli %scan3A_43, %mul3A_356 : i32
      %get3A_358 = arith.constant 24 : i32
      %get3A_359 = arith.index_cast %get3A_358 : i32 to index
      %get3A_360 = arith.index_cast %mul3A_357 : i32 to index
      %get3A_361 = tpu.vector_load %arg7[%get3A_359, %get3A_360] {strides = array<i32>} : memref<32x128xi32, #tpu.memory_space<vmem>>, vector<16xi32>,
      %ne3A_362 = arith.constant 0 : i32
      %ne3A_363 = vector.broadcast %ne3A_362 : i32 to vector<16xi32>
      %ne3A_364 = arith.cmpi ne, %get3A_361, %ne3A_363 : vector<16xi32>
      %lt3A_365 = arith.constant 512 : i32
      %lt3A_366 = vector.broadcast %lt3A_365 : i32 to vector<16xi32>
      %lt3A_367 = arith.cmpi slt, %get3A_361, %lt3A_366 : vector<16xi32>
      %and3A_368 = arith.andi %ne3A_364, %lt3A_367 : vector<16xi1>
      tpu.vector_store_idx %arg9[%add3A_47, %get3A_361], %broadcast_in_dim3A_12 masked %and3A_368 {add = true} : memref<128x512xf32, #tpu.memory_space<vmem>>[vector<16xi32>, vector<16xi32>], vector<16xf32>, vector<16xi1>
      %mul3A_369 = arith.constant 16 : i32
      %mul3A_370 = arith.muli %scan3A_43, %mul3A_369 : i32
      %get3A_371 = arith.constant 25 : i32
      %get3A_372 = arith.index_cast %get3A_371 : i32 to index
      %get3A_373 = arith.index_cast %mul3A_370 : i32 to index
      %get3A_374 = tpu.vector_load %arg7[%get3A_372, %get3A_373] {strides = array<i32>} : memref<32x128xi32, #tpu.memory_space<vmem>>, vector<16xi32>,
      %ne3A_375 = arith.constant 0 : i32
      %ne3A_376 = vector.broadcast %ne3A_375 : i32 to vector<16xi32>
      %ne3A_377 = arith.cmpi ne, %get3A_374, %ne3A_376 : vector<16xi32>
      %lt3A_378 = arith.constant 512 : i32
      %lt3A_379 = vector.broadcast %lt3A_378 : i32 to vector<16xi32>
      %lt3A_380 = arith.cmpi slt, %get3A_374, %lt3A_379 : vector<16xi32>
      %and3A_381 = arith.andi %ne3A_377, %lt3A_380 : vector<16xi1>
      tpu.vector_store_idx %arg9[%add3A_47, %get3A_374], %broadcast_in_dim3A_12 masked %and3A_381 {add = true} : memref<128x512xf32, #tpu.memory_space<vmem>>[vector<16xi32>, vector<16xi32>], vector<16xf32>, vector<16xi1>
      %mul3A_382 = arith.constant 16 : i32
      %mul3A_383 = arith.muli %scan3A_43, %mul3A_382 : i32
      %get3A_384 = arith.constant 26 : i32
      %get3A_385 = arith.index_cast %get3A_384 : i32 to index
      %get3A_386 = arith.index_cast %mul3A_383 : i32 to index
      %get3A_387 = tpu.vector_load %arg7[%get3A_385, %get3A_386] {strides = array<i32>} : memref<32x128xi32, #tpu.memory_space<vmem>>, vector<16xi32>,
      %ne3A_388 = arith.constant 0 : i32
      %ne3A_389 = vector.broadcast %ne3A_388 : i32 to vector<16xi32>
      %ne3A_390 = arith.cmpi ne, %get3A_387, %ne3A_389 : vector<16xi32>
      %lt3A_391 = arith.constant 512 : i32
      %lt3A_392 = vector.broadcast %lt3A_391 : i32 to vector<16xi32>
      %lt3A_393 = arith.cmpi slt, %get3A_387, %lt3A_392 : vector<16xi32>
      %and3A_394 = arith.andi %ne3A_390, %lt3A_393 : vector<16xi1>
      tpu.vector_store_idx %arg9[%add3A_47, %get3A_387], %broadcast_in_dim3A_12 masked %and3A_394 {add = true} : memref<128x512xf32, #tpu.memory_space<vmem>>[vector<16xi32>, vector<16xi32>], vector<16xf32>, vector<16xi1>
      %mul3A_395 = arith.constant 16 : i32
      %mul3A_396 = arith.muli %scan3A_43, %mul3A_395 : i32
      %get3A_397 = arith.constant 27 : i32
      %get3A_398 = arith.index_cast %get3A_397 : i32 to index
      %get3A_399 = arith.index_cast %mul3A_396 : i32 to index
      %get3A_400 = tpu.vector_load %arg7[%get3A_398, %get3A_399] {strides = array<i32>} : memref<32x128xi32, #tpu.memory_space<vmem>>, vector<16xi32>,
      %ne3A_401 = arith.constant 0 : i32
      %ne3A_402 = vector.broadcast %ne3A_401 : i32 to vector<16xi32>
      %ne3A_403 = arith.cmpi ne, %get3A_400, %ne3A_402 : vector<16xi32>
      %lt3A_404 = arith.constant 512 : i32
      %lt3A_405 = vector.broadcast %lt3A_404 : i32 to vector<16xi32>
      %lt3A_406 = arith.cmpi slt, %get3A_400, %lt3A_405 : vector<16xi32>
      %and3A_407 = arith.andi %ne3A_403, %lt3A_406 : vector<16xi1>
      tpu.vector_store_idx %arg9[%add3A_47, %get3A_400], %broadcast_in_dim3A_12 masked %and3A_407 {add = true} : memref<128x512xf32, #tpu.memory_space<vmem>>[vector<16xi32>, vector<16xi32>], vector<16xf32>, vector<16xi1>
      %mul3A_408 = arith.constant 16 : i32
      %mul3A_409 = arith.muli %scan3A_43, %mul3A_408 : i32
      %get3A_410 = arith.constant 28 : i32
      %get3A_411 = arith.index_cast %get3A_410 : i32 to index
      %get3A_412 = arith.index_cast %mul3A_409 : i32 to index
      %get3A_413 = tpu.vector_load %arg7[%get3A_411, %get3A_412] {strides = array<i32>} : memref<32x128xi32, #tpu.memory_space<vmem>>, vector<16xi32>,
      %ne3A_414 = arith.constant 0 : i32
      %ne3A_415 = vector.broadcast %ne3A_414 : i32 to vector<16xi32>
      %ne3A_416 = arith.cmpi ne, %get3A_413, %ne3A_415 : vector<16xi32>
      %lt3A_417 = arith.constant 512 : i32
      %lt3A_418 = vector.broadcast %lt3A_417 : i32 to vector<16xi32>
      %lt3A_419 = arith.cmpi slt, %get3A_413, %lt3A_418 : vector<16xi32>
      %and3A_420 = arith.andi %ne3A_416, %lt3A_419 : vector<16xi1>
      tpu.vector_store_idx %arg9[%add3A_47, %get3A_413], %broadcast_in_dim3A_12 masked %and3A_420 {add = true} : memref<128x512xf32, #tpu.memory_space<vmem>>[vector<16xi32>, vector<16xi32>], vector<16xf32>, vector<16xi1>
      %mul3A_421 = arith.constant 16 : i32
      %mul3A_422 = arith.muli %scan3A_43, %mul3A_421 : i32
      %get3A_423 = arith.constant 29 : i32
      %get3A_424 = arith.index_cast %get3A_423 : i32 to index
      %get3A_425 = arith.index_cast %mul3A_422 : i32 to index
      %get3A_426 = tpu.vector_load %arg7[%get3A_424, %get3A_425] {strides = array<i32>} : memref<32x128xi32, #tpu.memory_space<vmem>>, vector<16xi32>,
      %ne3A_427 = arith.constant 0 : i32
      %ne3A_428 = vector.broadcast %ne3A_427 : i32 to vector<16xi32>
      %ne3A_429 = arith.cmpi ne, %get3A_426, %ne3A_428 : vector<16xi32>
      %lt3A_430 = arith.constant 512 : i32
      %lt3A_431 = vector.broadcast %lt3A_430 : i32 to vector<16xi32>
      %lt3A_432 = arith.cmpi slt, %get3A_426, %lt3A_431 : vector<16xi32>
      %and3A_433 = arith.andi %ne3A_429, %lt3A_432 : vector<16xi1>
      tpu.vector_store_idx %arg9[%add3A_47, %get3A_426], %broadcast_in_dim3A_12 masked %and3A_433 {add = true} : memref<128x512xf32, #tpu.memory_space<vmem>>[vector<16xi32>, vector<16xi32>], vector<16xf32>, vector<16xi1>
      %mul3A_434 = arith.constant 16 : i32
      %mul3A_435 = arith.muli %scan3A_43, %mul3A_434 : i32
      %get3A_436 = arith.constant 30 : i32
      %get3A_437 = arith.index_cast %get3A_436 : i32 to index
      %get3A_438 = arith.index_cast %mul3A_435 : i32 to index
      %get3A_439 = tpu.vector_load %arg7[%get3A_437, %get3A_438] {strides = array<i32>} : memref<32x128xi32, #tpu.memory_space<vmem>>, vector<16xi32>,
      %ne3A_440 = arith.constant 0 : i32
      %ne3A_441 = vector.broadcast %ne3A_440 : i32 to vector<16xi32>
      %ne3A_442 = arith.cmpi ne, %get3A_439, %ne3A_441 : vector<16xi32>
      %lt3A_443 = arith.constant 512 : i32
      %lt3A_444 = vector.broadcast %lt3A_443 : i32 to vector<16xi32>
      %lt3A_445 = arith.cmpi slt, %get3A_439, %lt3A_444 : vector<16xi32>
      %and3A_446 = arith.andi %ne3A_442, %lt3A_445 : vector<16xi1>
      tpu.vector_store_idx %arg9[%add3A_47, %get3A_439], %broadcast_in_dim3A_12 masked %and3A_446 {add = true} : memref<128x512xf32, #tpu.memory_space<vmem>>[vector<16xi32>, vector<16xi32>], vector<16xf32>, vector<16xi1>
      %mul3A_447 = arith.constant 16 : i32
      %mul3A_448 = arith.muli %scan3A_43, %mul3A_447 : i32
      %get3A_449 = arith.constant 31 : i32
      %get3A_450 = arith.index_cast %get3A_449 : i32 to index
      %get3A_451 = arith.index_cast %mul3A_448 : i32 to index
      %get3A_452 = tpu.vector_load %arg7[%get3A_450, %get3A_451] {strides = array<i32>} : memref<32x128xi32, #tpu.memory_space<vmem>>, vector<16xi32>,
      %ne3A_453 = arith.constant 0 : i32
      %ne3A_454 = vector.broadcast %ne3A_453 : i32 to vector<16xi32>
      %ne3A_455 = arith.cmpi ne, %get3A_452, %ne3A_454 : vector<16xi32>
      %lt3A_456 = arith.constant 512 : i32
      %lt3A_457 = vector.broadcast %lt3A_456 : i32 to vector<16xi32>
      %lt3A_458 = arith.cmpi slt, %get3A_452, %lt3A_457 : vector<16xi32>
      %and3A_459 = arith.andi %ne3A_455, %lt3A_458 : vector<16xi1>
      tpu.vector_store_idx %arg9[%add3A_47, %get3A_452], %broadcast_in_dim3A_12 masked %and3A_459 {add = true} : memref<128x512xf32, #tpu.memory_space<vmem>>[vector<16xi32>, vector<16xi32>], vector<16xf32>, vector<16xi1>
    }
    %scan3A_24 = arith.constant 8 : i32
    %scan3A_25 = arith.constant 0 : i32
    %scan3A_26 = arith.constant 0 : i32
    %scan3A_27 = arith.constant 8 : i32
    %scan3A_28 = arith.addi %scan3A_26, %scan3A_27 : i32
    %scan3A_29 = arith.constant 1 : i32
    scf.for %scan3A_43 = %scan3A_26 to %scan3A_28 step %scan3A_29  : i32 {
      %mul3A_44 = arith.constant 16 : i32
      %mul3A_45 = arith.muli %scan3A_43, %mul3A_44 : i32
      %add3A_46 = vector.broadcast %mul3A_45 : i32 to vector<16xi32>
      %add3A_47 = arith.addi %iota3A, %add3A_46 : vector<16xi32>
      %mul3A_48 = arith.constant 16 : i32
      %mul3A_49 = arith.muli %scan3A_43, %mul3A_48 : i32
      %get3A = arith.constant 0 : i32
      %get3A_50 = arith.index_cast %get3A : i32 to index
      %get3A_51 = arith.index_cast %mul3A_49 : i32 to index
      %get3A_52 = tpu.vector_load %arg8[%get3A_50, %get3A_51] {strides = array<i32>} : memref<32x128xi32, #tpu.memory_space<vmem>>, vector<16xi32>,
      %ne3A = arith.constant 0 : i32
      %ne3A_53 = vector.broadcast %ne3A : i32 to vector<16xi32>
      %ne3A_54 = arith.cmpi ne, %get3A_52, %ne3A_53 : vector<16xi32>
      %lt3A = arith.constant 512 : i32
      %lt3A_55 = vector.broadcast %lt3A : i32 to vector<16xi32>
      %lt3A_56 = arith.cmpi slt, %get3A_52, %lt3A_55 : vector<16xi32>
      %and3A = arith.andi %ne3A_54, %lt3A_56 : vector<16xi1>
      tpu.vector_store_idx %arg9[%add3A_47, %get3A_52], %broadcast_in_dim3A_10 masked %and3A {add = true} : memref<128x512xf32, #tpu.memory_space<vmem>>[vector<16xi32>, vector<16xi32>], vector<16xf32>, vector<16xi1>
      %mul3A_57 = arith.constant 16 : i32
      %mul3A_58 = arith.muli %scan3A_43, %mul3A_57 : i32
      %get3A_59 = arith.constant 1 : i32
      %get3A_60 = arith.index_cast %get3A_59 : i32 to index
      %get3A_61 = arith.index_cast %mul3A_58 : i32 to index
      %get3A_62 = tpu.vector_load %arg8[%get3A_60, %get3A_61] {strides = array<i32>} : memref<32x128xi32, #tpu.memory_space<vmem>>, vector<16xi32>,
      %ne3A_63 = arith.constant 0 : i32
      %ne3A_64 = vector.broadcast %ne3A_63 : i32 to vector<16xi32>
      %ne3A_65 = arith.cmpi ne, %get3A_62, %ne3A_64 : vector<16xi32>
      %lt3A_66 = arith.constant 512 : i32
      %lt3A_67 = vector.broadcast %lt3A_66 : i32 to vector<16xi32>
      %lt3A_68 = arith.cmpi slt, %get3A_62, %lt3A_67 : vector<16xi32>
      %and3A_69 = arith.andi %ne3A_65, %lt3A_68 : vector<16xi1>
      tpu.vector_store_idx %arg9[%add3A_47, %get3A_62], %broadcast_in_dim3A_10 masked %and3A_69 {add = true} : memref<128x512xf32, #tpu.memory_space<vmem>>[vector<16xi32>, vector<16xi32>], vector<16xf32>, vector<16xi1>
      %mul3A_70 = arith.constant 16 : i32
      %mul3A_71 = arith.muli %scan3A_43, %mul3A_70 : i32
      %get3A_72 = arith.constant 2 : i32
      %get3A_73 = arith.index_cast %get3A_72 : i32 to index
      %get3A_74 = arith.index_cast %mul3A_71 : i32 to index
      %get3A_75 = tpu.vector_load %arg8[%get3A_73, %get3A_74] {strides = array<i32>} : memref<32x128xi32, #tpu.memory_space<vmem>>, vector<16xi32>,
      %ne3A_76 = arith.constant 0 : i32
      %ne3A_77 = vector.broadcast %ne3A_76 : i32 to vector<16xi32>
      %ne3A_78 = arith.cmpi ne, %get3A_75, %ne3A_77 : vector<16xi32>
      %lt3A_79 = arith.constant 512 : i32
      %lt3A_80 = vector.broadcast %lt3A_79 : i32 to vector<16xi32>
      %lt3A_81 = arith.cmpi slt, %get3A_75, %lt3A_80 : vector<16xi32>
      %and3A_82 = arith.andi %ne3A_78, %lt3A_81 : vector<16xi1>
      tpu.vector_store_idx %arg9[%add3A_47, %get3A_75], %broadcast_in_dim3A_10 masked %and3A_82 {add = true} : memref<128x512xf32, #tpu.memory_space<vmem>>[vector<16xi32>, vector<16xi32>], vector<16xf32>, vector<16xi1>
      %mul3A_83 = arith.constant 16 : i32
      %mul3A_84 = arith.muli %scan3A_43, %mul3A_83 : i32
      %get3A_85 = arith.constant 3 : i32
      %get3A_86 = arith.index_cast %get3A_85 : i32 to index
      %get3A_87 = arith.index_cast %mul3A_84 : i32 to index
      %get3A_88 = tpu.vector_load %arg8[%get3A_86, %get3A_87] {strides = array<i32>} : memref<32x128xi32, #tpu.memory_space<vmem>>, vector<16xi32>,
      %ne3A_89 = arith.constant 0 : i32
      %ne3A_90 = vector.broadcast %ne3A_89 : i32 to vector<16xi32>
      %ne3A_91 = arith.cmpi ne, %get3A_88, %ne3A_90 : vector<16xi32>
      %lt3A_92 = arith.constant 512 : i32
      %lt3A_93 = vector.broadcast %lt3A_92 : i32 to vector<16xi32>
      %lt3A_94 = arith.cmpi slt, %get3A_88, %lt3A_93 : vector<16xi32>
      %and3A_95 = arith.andi %ne3A_91, %lt3A_94 : vector<16xi1>
      tpu.vector_store_idx %arg9[%add3A_47, %get3A_88], %broadcast_in_dim3A_10 masked %and3A_95 {add = true} : memref<128x512xf32, #tpu.memory_space<vmem>>[vector<16xi32>, vector<16xi32>], vector<16xf32>, vector<16xi1>
      %mul3A_96 = arith.constant 16 : i32
      %mul3A_97 = arith.muli %scan3A_43, %mul3A_96 : i32
      %get3A_98 = arith.constant 4 : i32
      %get3A_99 = arith.index_cast %get3A_98 : i32 to index
      %get3A_100 = arith.index_cast %mul3A_97 : i32 to index
      %get3A_101 = tpu.vector_load %arg8[%get3A_99, %get3A_100] {strides = array<i32>} : memref<32x128xi32, #tpu.memory_space<vmem>>, vector<16xi32>,
      %ne3A_102 = arith.constant 0 : i32
      %ne3A_103 = vector.broadcast %ne3A_102 : i32 to vector<16xi32>
      %ne3A_104 = arith.cmpi ne, %get3A_101, %ne3A_103 : vector<16xi32>
      %lt3A_105 = arith.constant 512 : i32
      %lt3A_106 = vector.broadcast %lt3A_105 : i32 to vector<16xi32>
      %lt3A_107 = arith.cmpi slt, %get3A_101, %lt3A_106 : vector<16xi32>
      %and3A_108 = arith.andi %ne3A_104, %lt3A_107 : vector<16xi1>
      tpu.vector_store_idx %arg9[%add3A_47, %get3A_101], %broadcast_in_dim3A_10 masked %and3A_108 {add = true} : memref<128x512xf32, #tpu.memory_space<vmem>>[vector<16xi32>, vector<16xi32>], vector<16xf32>, vector<16xi1>
      %mul3A_109 = arith.constant 16 : i32
      %mul3A_110 = arith.muli %scan3A_43, %mul3A_109 : i32
      %get3A_111 = arith.constant 5 : i32
      %get3A_112 = arith.index_cast %get3A_111 : i32 to index
      %get3A_113 = arith.index_cast %mul3A_110 : i32 to index
      %get3A_114 = tpu.vector_load %arg8[%get3A_112, %get3A_113] {strides = array<i32>} : memref<32x128xi32, #tpu.memory_space<vmem>>, vector<16xi32>,
      %ne3A_115 = arith.constant 0 : i32
      %ne3A_116 = vector.broadcast %ne3A_115 : i32 to vector<16xi32>
      %ne3A_117 = arith.cmpi ne, %get3A_114, %ne3A_116 : vector<16xi32>
      %lt3A_118 = arith.constant 512 : i32
      %lt3A_119 = vector.broadcast %lt3A_118 : i32 to vector<16xi32>
      %lt3A_120 = arith.cmpi slt, %get3A_114, %lt3A_119 : vector<16xi32>
      %and3A_121 = arith.andi %ne3A_117, %lt3A_120 : vector<16xi1>
      tpu.vector_store_idx %arg9[%add3A_47, %get3A_114], %broadcast_in_dim3A_10 masked %and3A_121 {add = true} : memref<128x512xf32, #tpu.memory_space<vmem>>[vector<16xi32>, vector<16xi32>], vector<16xf32>, vector<16xi1>
      %mul3A_122 = arith.constant 16 : i32
      %mul3A_123 = arith.muli %scan3A_43, %mul3A_122 : i32
      %get3A_124 = arith.constant 6 : i32
      %get3A_125 = arith.index_cast %get3A_124 : i32 to index
      %get3A_126 = arith.index_cast %mul3A_123 : i32 to index
      %get3A_127 = tpu.vector_load %arg8[%get3A_125, %get3A_126] {strides = array<i32>} : memref<32x128xi32, #tpu.memory_space<vmem>>, vector<16xi32>,
      %ne3A_128 = arith.constant 0 : i32
      %ne3A_129 = vector.broadcast %ne3A_128 : i32 to vector<16xi32>
      %ne3A_130 = arith.cmpi ne, %get3A_127, %ne3A_129 : vector<16xi32>
      %lt3A_131 = arith.constant 512 : i32
      %lt3A_132 = vector.broadcast %lt3A_131 : i32 to vector<16xi32>
      %lt3A_133 = arith.cmpi slt, %get3A_127, %lt3A_132 : vector<16xi32>
      %and3A_134 = arith.andi %ne3A_130, %lt3A_133 : vector<16xi1>
      tpu.vector_store_idx %arg9[%add3A_47, %get3A_127], %broadcast_in_dim3A_10 masked %and3A_134 {add = true} : memref<128x512xf32, #tpu.memory_space<vmem>>[vector<16xi32>, vector<16xi32>], vector<16xf32>, vector<16xi1>
      %mul3A_135 = arith.constant 16 : i32
      %mul3A_136 = arith.muli %scan3A_43, %mul3A_135 : i32
      %get3A_137 = arith.constant 7 : i32
      %get3A_138 = arith.index_cast %get3A_137 : i32 to index
      %get3A_139 = arith.index_cast %mul3A_136 : i32 to index
      %get3A_140 = tpu.vector_load %arg8[%get3A_138, %get3A_139] {strides = array<i32>} : memref<32x128xi32, #tpu.memory_space<vmem>>, vector<16xi32>,
      %ne3A_141 = arith.constant 0 : i32
      %ne3A_142 = vector.broadcast %ne3A_141 : i32 to vector<16xi32>
      %ne3A_143 = arith.cmpi ne, %get3A_140, %ne3A_142 : vector<16xi32>
      %lt3A_144 = arith.constant 512 : i32
      %lt3A_145 = vector.broadcast %lt3A_144 : i32 to vector<16xi32>
      %lt3A_146 = arith.cmpi slt, %get3A_140, %lt3A_145 : vector<16xi32>
      %and3A_147 = arith.andi %ne3A_143, %lt3A_146 : vector<16xi1>
      tpu.vector_store_idx %arg9[%add3A_47, %get3A_140], %broadcast_in_dim3A_10 masked %and3A_147 {add = true} : memref<128x512xf32, #tpu.memory_space<vmem>>[vector<16xi32>, vector<16xi32>], vector<16xf32>, vector<16xi1>
      %mul3A_148 = arith.constant 16 : i32
      %mul3A_149 = arith.muli %scan3A_43, %mul3A_148 : i32
      %get3A_150 = arith.constant 8 : i32
      %get3A_151 = arith.index_cast %get3A_150 : i32 to index
      %get3A_152 = arith.index_cast %mul3A_149 : i32 to index
      %get3A_153 = tpu.vector_load %arg8[%get3A_151, %get3A_152] {strides = array<i32>} : memref<32x128xi32, #tpu.memory_space<vmem>>, vector<16xi32>,
      %ne3A_154 = arith.constant 0 : i32
      %ne3A_155 = vector.broadcast %ne3A_154 : i32 to vector<16xi32>
      %ne3A_156 = arith.cmpi ne, %get3A_153, %ne3A_155 : vector<16xi32>
      %lt3A_157 = arith.constant 512 : i32
      %lt3A_158 = vector.broadcast %lt3A_157 : i32 to vector<16xi32>
      %lt3A_159 = arith.cmpi slt, %get3A_153, %lt3A_158 : vector<16xi32>
      %and3A_160 = arith.andi %ne3A_156, %lt3A_159 : vector<16xi1>
      tpu.vector_store_idx %arg9[%add3A_47, %get3A_153], %broadcast_in_dim3A_10 masked %and3A_160 {add = true} : memref<128x512xf32, #tpu.memory_space<vmem>>[vector<16xi32>, vector<16xi32>], vector<16xf32>, vector<16xi1>
      %mul3A_161 = arith.constant 16 : i32
      %mul3A_162 = arith.muli %scan3A_43, %mul3A_161 : i32
      %get3A_163 = arith.constant 9 : i32
      %get3A_164 = arith.index_cast %get3A_163 : i32 to index
      %get3A_165 = arith.index_cast %mul3A_162 : i32 to index
      %get3A_166 = tpu.vector_load %arg8[%get3A_164, %get3A_165] {strides = array<i32>} : memref<32x128xi32, #tpu.memory_space<vmem>>, vector<16xi32>,
      %ne3A_167 = arith.constant 0 : i32
      %ne3A_168 = vector.broadcast %ne3A_167 : i32 to vector<16xi32>
      %ne3A_169 = arith.cmpi ne, %get3A_166, %ne3A_168 : vector<16xi32>
      %lt3A_170 = arith.constant 512 : i32
      %lt3A_171 = vector.broadcast %lt3A_170 : i32 to vector<16xi32>
      %lt3A_172 = arith.cmpi slt, %get3A_166, %lt3A_171 : vector<16xi32>
      %and3A_173 = arith.andi %ne3A_169, %lt3A_172 : vector<16xi1>
      tpu.vector_store_idx %arg9[%add3A_47, %get3A_166], %broadcast_in_dim3A_10 masked %and3A_173 {add = true} : memref<128x512xf32, #tpu.memory_space<vmem>>[vector<16xi32>, vector<16xi32>], vector<16xf32>, vector<16xi1>
      %mul3A_174 = arith.constant 16 : i32
      %mul3A_175 = arith.muli %scan3A_43, %mul3A_174 : i32
      %get3A_176 = arith.constant 10 : i32
      %get3A_177 = arith.index_cast %get3A_176 : i32 to index
      %get3A_178 = arith.index_cast %mul3A_175 : i32 to index
      %get3A_179 = tpu.vector_load %arg8[%get3A_177, %get3A_178] {strides = array<i32>} : memref<32x128xi32, #tpu.memory_space<vmem>>, vector<16xi32>,
      %ne3A_180 = arith.constant 0 : i32
      %ne3A_181 = vector.broadcast %ne3A_180 : i32 to vector<16xi32>
      %ne3A_182 = arith.cmpi ne, %get3A_179, %ne3A_181 : vector<16xi32>
      %lt3A_183 = arith.constant 512 : i32
      %lt3A_184 = vector.broadcast %lt3A_183 : i32 to vector<16xi32>
      %lt3A_185 = arith.cmpi slt, %get3A_179, %lt3A_184 : vector<16xi32>
      %and3A_186 = arith.andi %ne3A_182, %lt3A_185 : vector<16xi1>
      tpu.vector_store_idx %arg9[%add3A_47, %get3A_179], %broadcast_in_dim3A_10 masked %and3A_186 {add = true} : memref<128x512xf32, #tpu.memory_space<vmem>>[vector<16xi32>, vector<16xi32>], vector<16xf32>, vector<16xi1>
      %mul3A_187 = arith.constant 16 : i32
      %mul3A_188 = arith.muli %scan3A_43, %mul3A_187 : i32
      %get3A_189 = arith.constant 11 : i32
      %get3A_190 = arith.index_cast %get3A_189 : i32 to index
      %get3A_191 = arith.index_cast %mul3A_188 : i32 to index
      %get3A_192 = tpu.vector_load %arg8[%get3A_190, %get3A_191] {strides = array<i32>} : memref<32x128xi32, #tpu.memory_space<vmem>>, vector<16xi32>,
      %ne3A_193 = arith.constant 0 : i32
      %ne3A_194 = vector.broadcast %ne3A_193 : i32 to vector<16xi32>
      %ne3A_195 = arith.cmpi ne, %get3A_192, %ne3A_194 : vector<16xi32>
      %lt3A_196 = arith.constant 512 : i32
      %lt3A_197 = vector.broadcast %lt3A_196 : i32 to vector<16xi32>
      %lt3A_198 = arith.cmpi slt, %get3A_192, %lt3A_197 : vector<16xi32>
      %and3A_199 = arith.andi %ne3A_195, %lt3A_198 : vector<16xi1>
      tpu.vector_store_idx %arg9[%add3A_47, %get3A_192], %broadcast_in_dim3A_10 masked %and3A_199 {add = true} : memref<128x512xf32, #tpu.memory_space<vmem>>[vector<16xi32>, vector<16xi32>], vector<16xf32>, vector<16xi1>
      %mul3A_200 = arith.constant 16 : i32
      %mul3A_201 = arith.muli %scan3A_43, %mul3A_200 : i32
      %get3A_202 = arith.constant 12 : i32
      %get3A_203 = arith.index_cast %get3A_202 : i32 to index
      %get3A_204 = arith.index_cast %mul3A_201 : i32 to index
      %get3A_205 = tpu.vector_load %arg8[%get3A_203, %get3A_204] {strides = array<i32>} : memref<32x128xi32, #tpu.memory_space<vmem>>, vector<16xi32>,
      %ne3A_206 = arith.constant 0 : i32
      %ne3A_207 = vector.broadcast %ne3A_206 : i32 to vector<16xi32>
      %ne3A_208 = arith.cmpi ne, %get3A_205, %ne3A_207 : vector<16xi32>
      %lt3A_209 = arith.constant 512 : i32
      %lt3A_210 = vector.broadcast %lt3A_209 : i32 to vector<16xi32>
      %lt3A_211 = arith.cmpi slt, %get3A_205, %lt3A_210 : vector<16xi32>
      %and3A_212 = arith.andi %ne3A_208, %lt3A_211 : vector<16xi1>
      tpu.vector_store_idx %arg9[%add3A_47, %get3A_205], %broadcast_in_dim3A_10 masked %and3A_212 {add = true} : memref<128x512xf32, #tpu.memory_space<vmem>>[vector<16xi32>, vector<16xi32>], vector<16xf32>, vector<16xi1>
      %mul3A_213 = arith.constant 16 : i32
      %mul3A_214 = arith.muli %scan3A_43, %mul3A_213 : i32
      %get3A_215 = arith.constant 13 : i32
      %get3A_216 = arith.index_cast %get3A_215 : i32 to index
      %get3A_217 = arith.index_cast %mul3A_214 : i32 to index
      %get3A_218 = tpu.vector_load %arg8[%get3A_216, %get3A_217] {strides = array<i32>} : memref<32x128xi32, #tpu.memory_space<vmem>>, vector<16xi32>,
      %ne3A_219 = arith.constant 0 : i32
      %ne3A_220 = vector.broadcast %ne3A_219 : i32 to vector<16xi32>
      %ne3A_221 = arith.cmpi ne, %get3A_218, %ne3A_220 : vector<16xi32>
      %lt3A_222 = arith.constant 512 : i32
      %lt3A_223 = vector.broadcast %lt3A_222 : i32 to vector<16xi32>
      %lt3A_224 = arith.cmpi slt, %get3A_218, %lt3A_223 : vector<16xi32>
      %and3A_225 = arith.andi %ne3A_221, %lt3A_224 : vector<16xi1>
      tpu.vector_store_idx %arg9[%add3A_47, %get3A_218], %broadcast_in_dim3A_10 masked %and3A_225 {add = true} : memref<128x512xf32, #tpu.memory_space<vmem>>[vector<16xi32>, vector<16xi32>], vector<16xf32>, vector<16xi1>
      %mul3A_226 = arith.constant 16 : i32
      %mul3A_227 = arith.muli %scan3A_43, %mul3A_226 : i32
      %get3A_228 = arith.constant 14 : i32
      %get3A_229 = arith.index_cast %get3A_228 : i32 to index
      %get3A_230 = arith.index_cast %mul3A_227 : i32 to index
      %get3A_231 = tpu.vector_load %arg8[%get3A_229, %get3A_230] {strides = array<i32>} : memref<32x128xi32, #tpu.memory_space<vmem>>, vector<16xi32>,
      %ne3A_232 = arith.constant 0 : i32
      %ne3A_233 = vector.broadcast %ne3A_232 : i32 to vector<16xi32>
      %ne3A_234 = arith.cmpi ne, %get3A_231, %ne3A_233 : vector<16xi32>
      %lt3A_235 = arith.constant 512 : i32
      %lt3A_236 = vector.broadcast %lt3A_235 : i32 to vector<16xi32>
      %lt3A_237 = arith.cmpi slt, %get3A_231, %lt3A_236 : vector<16xi32>
      %and3A_238 = arith.andi %ne3A_234, %lt3A_237 : vector<16xi1>
      tpu.vector_store_idx %arg9[%add3A_47, %get3A_231], %broadcast_in_dim3A_10 masked %and3A_238 {add = true} : memref<128x512xf32, #tpu.memory_space<vmem>>[vector<16xi32>, vector<16xi32>], vector<16xf32>, vector<16xi1>
      %mul3A_239 = arith.constant 16 : i32
      %mul3A_240 = arith.muli %scan3A_43, %mul3A_239 : i32
      %get3A_241 = arith.constant 15 : i32
      %get3A_242 = arith.index_cast %get3A_241 : i32 to index
      %get3A_243 = arith.index_cast %mul3A_240 : i32 to index
      %get3A_244 = tpu.vector_load %arg8[%get3A_242, %get3A_243] {strides = array<i32>} : memref<32x128xi32, #tpu.memory_space<vmem>>, vector<16xi32>,
      %ne3A_245 = arith.constant 0 : i32
      %ne3A_246 = vector.broadcast %ne3A_245 : i32 to vector<16xi32>
      %ne3A_247 = arith.cmpi ne, %get3A_244, %ne3A_246 : vector<16xi32>
      %lt3A_248 = arith.constant 512 : i32
      %lt3A_249 = vector.broadcast %lt3A_248 : i32 to vector<16xi32>
      %lt3A_250 = arith.cmpi slt, %get3A_244, %lt3A_249 : vector<16xi32>
      %and3A_251 = arith.andi %ne3A_247, %lt3A_250 : vector<16xi1>
      tpu.vector_store_idx %arg9[%add3A_47, %get3A_244], %broadcast_in_dim3A_10 masked %and3A_251 {add = true} : memref<128x512xf32, #tpu.memory_space<vmem>>[vector<16xi32>, vector<16xi32>], vector<16xf32>, vector<16xi1>
      %mul3A_252 = arith.constant 16 : i32
      %mul3A_253 = arith.muli %scan3A_43, %mul3A_252 : i32
      %get3A_254 = arith.constant 16 : i32
      %get3A_255 = arith.index_cast %get3A_254 : i32 to index
      %get3A_256 = arith.index_cast %mul3A_253 : i32 to index
      %get3A_257 = tpu.vector_load %arg8[%get3A_255, %get3A_256] {strides = array<i32>} : memref<32x128xi32, #tpu.memory_space<vmem>>, vector<16xi32>,
      %ne3A_258 = arith.constant 0 : i32
      %ne3A_259 = vector.broadcast %ne3A_258 : i32 to vector<16xi32>
      %ne3A_260 = arith.cmpi ne, %get3A_257, %ne3A_259 : vector<16xi32>
      %lt3A_261 = arith.constant 512 : i32
      %lt3A_262 = vector.broadcast %lt3A_261 : i32 to vector<16xi32>
      %lt3A_263 = arith.cmpi slt, %get3A_257, %lt3A_262 : vector<16xi32>
      %and3A_264 = arith.andi %ne3A_260, %lt3A_263 : vector<16xi1>
      tpu.vector_store_idx %arg9[%add3A_47, %get3A_257], %broadcast_in_dim3A_10 masked %and3A_264 {add = true} : memref<128x512xf32, #tpu.memory_space<vmem>>[vector<16xi32>, vector<16xi32>], vector<16xf32>, vector<16xi1>
      %mul3A_265 = arith.constant 16 : i32
      %mul3A_266 = arith.muli %scan3A_43, %mul3A_265 : i32
      %get3A_267 = arith.constant 17 : i32
      %get3A_268 = arith.index_cast %get3A_267 : i32 to index
      %get3A_269 = arith.index_cast %mul3A_266 : i32 to index
      %get3A_270 = tpu.vector_load %arg8[%get3A_268, %get3A_269] {strides = array<i32>} : memref<32x128xi32, #tpu.memory_space<vmem>>, vector<16xi32>,
      %ne3A_271 = arith.constant 0 : i32
      %ne3A_272 = vector.broadcast %ne3A_271 : i32 to vector<16xi32>
      %ne3A_273 = arith.cmpi ne, %get3A_270, %ne3A_272 : vector<16xi32>
      %lt3A_274 = arith.constant 512 : i32
      %lt3A_275 = vector.broadcast %lt3A_274 : i32 to vector<16xi32>
      %lt3A_276 = arith.cmpi slt, %get3A_270, %lt3A_275 : vector<16xi32>
      %and3A_277 = arith.andi %ne3A_273, %lt3A_276 : vector<16xi1>
      tpu.vector_store_idx %arg9[%add3A_47, %get3A_270], %broadcast_in_dim3A_10 masked %and3A_277 {add = true} : memref<128x512xf32, #tpu.memory_space<vmem>>[vector<16xi32>, vector<16xi32>], vector<16xf32>, vector<16xi1>
      %mul3A_278 = arith.constant 16 : i32
      %mul3A_279 = arith.muli %scan3A_43, %mul3A_278 : i32
      %get3A_280 = arith.constant 18 : i32
      %get3A_281 = arith.index_cast %get3A_280 : i32 to index
      %get3A_282 = arith.index_cast %mul3A_279 : i32 to index
      %get3A_283 = tpu.vector_load %arg8[%get3A_281, %get3A_282] {strides = array<i32>} : memref<32x128xi32, #tpu.memory_space<vmem>>, vector<16xi32>,
      %ne3A_284 = arith.constant 0 : i32
      %ne3A_285 = vector.broadcast %ne3A_284 : i32 to vector<16xi32>
      %ne3A_286 = arith.cmpi ne, %get3A_283, %ne3A_285 : vector<16xi32>
      %lt3A_287 = arith.constant 512 : i32
      %lt3A_288 = vector.broadcast %lt3A_287 : i32 to vector<16xi32>
      %lt3A_289 = arith.cmpi slt, %get3A_283, %lt3A_288 : vector<16xi32>
      %and3A_290 = arith.andi %ne3A_286, %lt3A_289 : vector<16xi1>
      tpu.vector_store_idx %arg9[%add3A_47, %get3A_283], %broadcast_in_dim3A_10 masked %and3A_290 {add = true} : memref<128x512xf32, #tpu.memory_space<vmem>>[vector<16xi32>, vector<16xi32>], vector<16xf32>, vector<16xi1>
      %mul3A_291 = arith.constant 16 : i32
      %mul3A_292 = arith.muli %scan3A_43, %mul3A_291 : i32
      %get3A_293 = arith.constant 19 : i32
      %get3A_294 = arith.index_cast %get3A_293 : i32 to index
      %get3A_295 = arith.index_cast %mul3A_292 : i32 to index
      %get3A_296 = tpu.vector_load %arg8[%get3A_294, %get3A_295] {strides = array<i32>} : memref<32x128xi32, #tpu.memory_space<vmem>>, vector<16xi32>,
      %ne3A_297 = arith.constant 0 : i32
      %ne3A_298 = vector.broadcast %ne3A_297 : i32 to vector<16xi32>
      %ne3A_299 = arith.cmpi ne, %get3A_296, %ne3A_298 : vector<16xi32>
      %lt3A_300 = arith.constant 512 : i32
      %lt3A_301 = vector.broadcast %lt3A_300 : i32 to vector<16xi32>
      %lt3A_302 = arith.cmpi slt, %get3A_296, %lt3A_301 : vector<16xi32>
      %and3A_303 = arith.andi %ne3A_299, %lt3A_302 : vector<16xi1>
      tpu.vector_store_idx %arg9[%add3A_47, %get3A_296], %broadcast_in_dim3A_10 masked %and3A_303 {add = true} : memref<128x512xf32, #tpu.memory_space<vmem>>[vector<16xi32>, vector<16xi32>], vector<16xf32>, vector<16xi1>
      %mul3A_304 = arith.constant 16 : i32
      %mul3A_305 = arith.muli %scan3A_43, %mul3A_304 : i32
      %get3A_306 = arith.constant 20 : i32
      %get3A_307 = arith.index_cast %get3A_306 : i32 to index
      %get3A_308 = arith.index_cast %mul3A_305 : i32 to index
      %get3A_309 = tpu.vector_load %arg8[%get3A_307, %get3A_308] {strides = array<i32>} : memref<32x128xi32, #tpu.memory_space<vmem>>, vector<16xi32>,
      %ne3A_310 = arith.constant 0 : i32
      %ne3A_311 = vector.broadcast %ne3A_310 : i32 to vector<16xi32>
      %ne3A_312 = arith.cmpi ne, %get3A_309, %ne3A_311 : vector<16xi32>
      %lt3A_313 = arith.constant 512 : i32
      %lt3A_314 = vector.broadcast %lt3A_313 : i32 to vector<16xi32>
      %lt3A_315 = arith.cmpi slt, %get3A_309, %lt3A_314 : vector<16xi32>
      %and3A_316 = arith.andi %ne3A_312, %lt3A_315 : vector<16xi1>
      tpu.vector_store_idx %arg9[%add3A_47, %get3A_309], %broadcast_in_dim3A_10 masked %and3A_316 {add = true} : memref<128x512xf32, #tpu.memory_space<vmem>>[vector<16xi32>, vector<16xi32>], vector<16xf32>, vector<16xi1>
      %mul3A_317 = arith.constant 16 : i32
      %mul3A_318 = arith.muli %scan3A_43, %mul3A_317 : i32
      %get3A_319 = arith.constant 21 : i32
      %get3A_320 = arith.index_cast %get3A_319 : i32 to index
      %get3A_321 = arith.index_cast %mul3A_318 : i32 to index
      %get3A_322 = tpu.vector_load %arg8[%get3A_320, %get3A_321] {strides = array<i32>} : memref<32x128xi32, #tpu.memory_space<vmem>>, vector<16xi32>,
      %ne3A_323 = arith.constant 0 : i32
      %ne3A_324 = vector.broadcast %ne3A_323 : i32 to vector<16xi32>
      %ne3A_325 = arith.cmpi ne, %get3A_322, %ne3A_324 : vector<16xi32>
      %lt3A_326 = arith.constant 512 : i32
      %lt3A_327 = vector.broadcast %lt3A_326 : i32 to vector<16xi32>
      %lt3A_328 = arith.cmpi slt, %get3A_322, %lt3A_327 : vector<16xi32>
      %and3A_329 = arith.andi %ne3A_325, %lt3A_328 : vector<16xi1>
      tpu.vector_store_idx %arg9[%add3A_47, %get3A_322], %broadcast_in_dim3A_10 masked %and3A_329 {add = true} : memref<128x512xf32, #tpu.memory_space<vmem>>[vector<16xi32>, vector<16xi32>], vector<16xf32>, vector<16xi1>
      %mul3A_330 = arith.constant 16 : i32
      %mul3A_331 = arith.muli %scan3A_43, %mul3A_330 : i32
      %get3A_332 = arith.constant 22 : i32
      %get3A_333 = arith.index_cast %get3A_332 : i32 to index
      %get3A_334 = arith.index_cast %mul3A_331 : i32 to index
      %get3A_335 = tpu.vector_load %arg8[%get3A_333, %get3A_334] {strides = array<i32>} : memref<32x128xi32, #tpu.memory_space<vmem>>, vector<16xi32>,
      %ne3A_336 = arith.constant 0 : i32
      %ne3A_337 = vector.broadcast %ne3A_336 : i32 to vector<16xi32>
      %ne3A_338 = arith.cmpi ne, %get3A_335, %ne3A_337 : vector<16xi32>
      %lt3A_339 = arith.constant 512 : i32
      %lt3A_340 = vector.broadcast %lt3A_339 : i32 to vector<16xi32>
      %lt3A_341 = arith.cmpi slt, %get3A_335, %lt3A_340 : vector<16xi32>
      %and3A_342 = arith.andi %ne3A_338, %lt3A_341 : vector<16xi1>
      tpu.vector_store_idx %arg9[%add3A_47, %get3A_335], %broadcast_in_dim3A_10 masked %and3A_342 {add = true} : memref<128x512xf32, #tpu.memory_space<vmem>>[vector<16xi32>, vector<16xi32>], vector<16xf32>, vector<16xi1>
      %mul3A_343 = arith.constant 16 : i32
      %mul3A_344 = arith.muli %scan3A_43, %mul3A_343 : i32
      %get3A_345 = arith.constant 23 : i32
      %get3A_346 = arith.index_cast %get3A_345 : i32 to index
      %get3A_347 = arith.index_cast %mul3A_344 : i32 to index
      %get3A_348 = tpu.vector_load %arg8[%get3A_346, %get3A_347] {strides = array<i32>} : memref<32x128xi32, #tpu.memory_space<vmem>>, vector<16xi32>,
      %ne3A_349 = arith.constant 0 : i32
      %ne3A_350 = vector.broadcast %ne3A_349 : i32 to vector<16xi32>
      %ne3A_351 = arith.cmpi ne, %get3A_348, %ne3A_350 : vector<16xi32>
      %lt3A_352 = arith.constant 512 : i32
      %lt3A_353 = vector.broadcast %lt3A_352 : i32 to vector<16xi32>
      %lt3A_354 = arith.cmpi slt, %get3A_348, %lt3A_353 : vector<16xi32>
      %and3A_355 = arith.andi %ne3A_351, %lt3A_354 : vector<16xi1>
      tpu.vector_store_idx %arg9[%add3A_47, %get3A_348], %broadcast_in_dim3A_10 masked %and3A_355 {add = true} : memref<128x512xf32, #tpu.memory_space<vmem>>[vector<16xi32>, vector<16xi32>], vector<16xf32>, vector<16xi1>
      %mul3A_356 = arith.constant 16 : i32
      %mul3A_357 = arith.muli %scan3A_43, %mul3A_356 : i32
      %get3A_358 = arith.constant 24 : i32
      %get3A_359 = arith.index_cast %get3A_358 : i32 to index
      %get3A_360 = arith.index_cast %mul3A_357 : i32 to index
      %get3A_361 = tpu.vector_load %arg8[%get3A_359, %get3A_360] {strides = array<i32>} : memref<32x128xi32, #tpu.memory_space<vmem>>, vector<16xi32>,
      %ne3A_362 = arith.constant 0 : i32
      %ne3A_363 = vector.broadcast %ne3A_362 : i32 to vector<16xi32>
      %ne3A_364 = arith.cmpi ne, %get3A_361, %ne3A_363 : vector<16xi32>
      %lt3A_365 = arith.constant 512 : i32
      %lt3A_366 = vector.broadcast %lt3A_365 : i32 to vector<16xi32>
      %lt3A_367 = arith.cmpi slt, %get3A_361, %lt3A_366 : vector<16xi32>
      %and3A_368 = arith.andi %ne3A_364, %lt3A_367 : vector<16xi1>
      tpu.vector_store_idx %arg9[%add3A_47, %get3A_361], %broadcast_in_dim3A_10 masked %and3A_368 {add = true} : memref<128x512xf32, #tpu.memory_space<vmem>>[vector<16xi32>, vector<16xi32>], vector<16xf32>, vector<16xi1>
      %mul3A_369 = arith.constant 16 : i32
      %mul3A_370 = arith.muli %scan3A_43, %mul3A_369 : i32
      %get3A_371 = arith.constant 25 : i32
      %get3A_372 = arith.index_cast %get3A_371 : i32 to index
      %get3A_373 = arith.index_cast %mul3A_370 : i32 to index
      %get3A_374 = tpu.vector_load %arg8[%get3A_372, %get3A_373] {strides = array<i32>} : memref<32x128xi32, #tpu.memory_space<vmem>>, vector<16xi32>,
      %ne3A_375 = arith.constant 0 : i32
      %ne3A_376 = vector.broadcast %ne3A_375 : i32 to vector<16xi32>
      %ne3A_377 = arith.cmpi ne, %get3A_374, %ne3A_376 : vector<16xi32>
      %lt3A_378 = arith.constant 512 : i32
      %lt3A_379 = vector.broadcast %lt3A_378 : i32 to vector<16xi32>
      %lt3A_380 = arith.cmpi slt, %get3A_374, %lt3A_379 : vector<16xi32>
      %and3A_381 = arith.andi %ne3A_377, %lt3A_380 : vector<16xi1>
      tpu.vector_store_idx %arg9[%add3A_47, %get3A_374], %broadcast_in_dim3A_10 masked %and3A_381 {add = true} : memref<128x512xf32, #tpu.memory_space<vmem>>[vector<16xi32>, vector<16xi32>], vector<16xf32>, vector<16xi1>
      %mul3A_382 = arith.constant 16 : i32
      %mul3A_383 = arith.muli %scan3A_43, %mul3A_382 : i32
      %get3A_384 = arith.constant 26 : i32
      %get3A_385 = arith.index_cast %get3A_384 : i32 to index
      %get3A_386 = arith.index_cast %mul3A_383 : i32 to index
      %get3A_387 = tpu.vector_load %arg8[%get3A_385, %get3A_386] {strides = array<i32>} : memref<32x128xi32, #tpu.memory_space<vmem>>, vector<16xi32>,
      %ne3A_388 = arith.constant 0 : i32
      %ne3A_389 = vector.broadcast %ne3A_388 : i32 to vector<16xi32>
      %ne3A_390 = arith.cmpi ne, %get3A_387, %ne3A_389 : vector<16xi32>
      %lt3A_391 = arith.constant 512 : i32
      %lt3A_392 = vector.broadcast %lt3A_391 : i32 to vector<16xi32>
      %lt3A_393 = arith.cmpi slt, %get3A_387, %lt3A_392 : vector<16xi32>
      %and3A_394 = arith.andi %ne3A_390, %lt3A_393 : vector<16xi1>
      tpu.vector_store_idx %arg9[%add3A_47, %get3A_387], %broadcast_in_dim3A_10 masked %and3A_394 {add = true} : memref<128x512xf32, #tpu.memory_space<vmem>>[vector<16xi32>, vector<16xi32>], vector<16xf32>, vector<16xi1>
      %mul3A_395 = arith.constant 16 : i32
      %mul3A_396 = arith.muli %scan3A_43, %mul3A_395 : i32
      %get3A_397 = arith.constant 27 : i32
      %get3A_398 = arith.index_cast %get3A_397 : i32 to index
      %get3A_399 = arith.index_cast %mul3A_396 : i32 to index
      %get3A_400 = tpu.vector_load %arg8[%get3A_398, %get3A_399] {strides = array<i32>} : memref<32x128xi32, #tpu.memory_space<vmem>>, vector<16xi32>,
      %ne3A_401 = arith.constant 0 : i32
      %ne3A_402 = vector.broadcast %ne3A_401 : i32 to vector<16xi32>
      %ne3A_403 = arith.cmpi ne, %get3A_400, %ne3A_402 : vector<16xi32>
      %lt3A_404 = arith.constant 512 : i32
      %lt3A_405 = vector.broadcast %lt3A_404 : i32 to vector<16xi32>
      %lt3A_406 = arith.cmpi slt, %get3A_400, %lt3A_405 : vector<16xi32>
      %and3A_407 = arith.andi %ne3A_403, %lt3A_406 : vector<16xi1>
      tpu.vector_store_idx %arg9[%add3A_47, %get3A_400], %broadcast_in_dim3A_10 masked %and3A_407 {add = true} : memref<128x512xf32, #tpu.memory_space<vmem>>[vector<16xi32>, vector<16xi32>], vector<16xf32>, vector<16xi1>
      %mul3A_408 = arith.constant 16 : i32
      %mul3A_409 = arith.muli %scan3A_43, %mul3A_408 : i32
      %get3A_410 = arith.constant 28 : i32
      %get3A_411 = arith.index_cast %get3A_410 : i32 to index
      %get3A_412 = arith.index_cast %mul3A_409 : i32 to index
      %get3A_413 = tpu.vector_load %arg8[%get3A_411, %get3A_412] {strides = array<i32>} : memref<32x128xi32, #tpu.memory_space<vmem>>, vector<16xi32>,
      %ne3A_414 = arith.constant 0 : i32
      %ne3A_415 = vector.broadcast %ne3A_414 : i32 to vector<16xi32>
      %ne3A_416 = arith.cmpi ne, %get3A_413, %ne3A_415 : vector<16xi32>
      %lt3A_417 = arith.constant 512 : i32
      %lt3A_418 = vector.broadcast %lt3A_417 : i32 to vector<16xi32>
      %lt3A_419 = arith.cmpi slt, %get3A_413, %lt3A_418 : vector<16xi32>
      %and3A_420 = arith.andi %ne3A_416, %lt3A_419 : vector<16xi1>
      tpu.vector_store_idx %arg9[%add3A_47, %get3A_413], %broadcast_in_dim3A_10 masked %and3A_420 {add = true} : memref<128x512xf32, #tpu.memory_space<vmem>>[vector<16xi32>, vector<16xi32>], vector<16xf32>, vector<16xi1>
      %mul3A_421 = arith.constant 16 : i32
      %mul3A_422 = arith.muli %scan3A_43, %mul3A_421 : i32
      %get3A_423 = arith.constant 29 : i32
      %get3A_424 = arith.index_cast %get3A_423 : i32 to index
      %get3A_425 = arith.index_cast %mul3A_422 : i32 to index
      %get3A_426 = tpu.vector_load %arg8[%get3A_424, %get3A_425] {strides = array<i32>} : memref<32x128xi32, #tpu.memory_space<vmem>>, vector<16xi32>,
      %ne3A_427 = arith.constant 0 : i32
      %ne3A_428 = vector.broadcast %ne3A_427 : i32 to vector<16xi32>
      %ne3A_429 = arith.cmpi ne, %get3A_426, %ne3A_428 : vector<16xi32>
      %lt3A_430 = arith.constant 512 : i32
      %lt3A_431 = vector.broadcast %lt3A_430 : i32 to vector<16xi32>
      %lt3A_432 = arith.cmpi slt, %get3A_426, %lt3A_431 : vector<16xi32>
      %and3A_433 = arith.andi %ne3A_429, %lt3A_432 : vector<16xi1>
      tpu.vector_store_idx %arg9[%add3A_47, %get3A_426], %broadcast_in_dim3A_10 masked %and3A_433 {add = true} : memref<128x512xf32, #tpu.memory_space<vmem>>[vector<16xi32>, vector<16xi32>], vector<16xf32>, vector<16xi1>
      %mul3A_434 = arith.constant 16 : i32
      %mul3A_435 = arith.muli %scan3A_43, %mul3A_434 : i32
      %get3A_436 = arith.constant 30 : i32
      %get3A_437 = arith.index_cast %get3A_436 : i32 to index
      %get3A_438 = arith.index_cast %mul3A_435 : i32 to index
      %get3A_439 = tpu.vector_load %arg8[%get3A_437, %get3A_438] {strides = array<i32>} : memref<32x128xi32, #tpu.memory_space<vmem>>, vector<16xi32>,
      %ne3A_440 = arith.constant 0 : i32
      %ne3A_441 = vector.broadcast %ne3A_440 : i32 to vector<16xi32>
      %ne3A_442 = arith.cmpi ne, %get3A_439, %ne3A_441 : vector<16xi32>
      %lt3A_443 = arith.constant 512 : i32
      %lt3A_444 = vector.broadcast %lt3A_443 : i32 to vector<16xi32>
      %lt3A_445 = arith.cmpi slt, %get3A_439, %lt3A_444 : vector<16xi32>
      %and3A_446 = arith.andi %ne3A_442, %lt3A_445 : vector<16xi1>
      tpu.vector_store_idx %arg9[%add3A_47, %get3A_439], %broadcast_in_dim3A_10 masked %and3A_446 {add = true} : memref<128x512xf32, #tpu.memory_space<vmem>>[vector<16xi32>, vector<16xi32>], vector<16xf32>, vector<16xi1>
      %mul3A_447 = arith.constant 16 : i32
      %mul3A_448 = arith.muli %scan3A_43, %mul3A_447 : i32
      %get3A_449 = arith.constant 31 : i32
      %get3A_450 = arith.index_cast %get3A_449 : i32 to index
      %get3A_451 = arith.index_cast %mul3A_448 : i32 to index
      %get3A_452 = tpu.vector_load %arg8[%get3A_450, %get3A_451] {strides = array<i32>} : memref<32x128xi32, #tpu.memory_space<vmem>>, vector<16xi32>,
      %ne3A_453 = arith.constant 0 : i32
      %ne3A_454 = vector.broadcast %ne3A_453 : i32 to vector<16xi32>
      %ne3A_455 = arith.cmpi ne, %get3A_452, %ne3A_454 : vector<16xi32>
      %lt3A_456 = arith.constant 512 : i32
      %lt3A_457 = vector.broadcast %lt3A_456 : i32 to vector<16xi32>
      %lt3A_458 = arith.cmpi slt, %get3A_452, %lt3A_457 : vector<16xi32>
      %and3A_459 = arith.andi %ne3A_455, %lt3A_458 : vector<16xi1>
      tpu.vector_store_idx %arg9[%add3A_47, %get3A_452], %broadcast_in_dim3A_10 masked %and3A_459 {add = true} : memref<128x512xf32, #tpu.memory_space<vmem>>[vector<16xi32>, vector<16xi32>], vector<16xf32>, vector<16xi1>
    }
    %scan3A_30 = arith.constant 8 : i32
    "tpu.region"() ({
      %run_scoped3A = tpu.sem_alloc : memref<!tpu.dma_semaphore, #tpu.memory_space<semaphore_mem>>
      %dma_start3A = arith.constant 0 : i32
      %dma_start3A_43 = tpu.memref_slice %arg5[%mul3A_2, %dma_start3A] : memref<4096x512xf32, #tpu.memory_space<hbm>> -> memref<128x512xf32, #tpu.memory_space<hbm>>
      %dma_start3A_44 = arith.constant 0 : i32
      %dma_start3A_45 = tpu.memref_slice %arg5[%mul3A_2, %dma_start3A_44] : memref<4096x512xf32, #tpu.memory_space<hbm>> -> memref<128x512xf32, #tpu.memory_space<hbm>>
      tpu.enqueue_dma source(%arg9 : memref<128x512xf32, #tpu.memory_space<vmem>>) target(%dma_start3A_45 : memref<128x512xf32, #tpu.memory_space<hbm>>) target_semaphore(%run_scoped3A : memref<!tpu.dma_semaphore, #tpu.memory_space<semaphore_mem>>)
      %dma_wait3A = arith.constant 0 : i32
      %dma_wait3A_46 = tpu.memref_slice %arg5[%mul3A_2, %dma_wait3A] : memref<4096x512xf32, #tpu.memory_space<hbm>> -> memref<128x512xf32, #tpu.memory_space<hbm>>
      %dma_wait3A_47 = arith.constant 0 : i32
      %dma_wait3A_48 = tpu.memref_slice %arg5[%mul3A_2, %dma_wait3A_47] : memref<4096x512xf32, #tpu.memory_space<hbm>> -> memref<128x512xf32, #tpu.memory_space<hbm>>
      tpu.wait_dma2 semaphore(%run_scoped3A : memref<!tpu.dma_semaphore, #tpu.memory_space<semaphore_mem>>) src(%arg9 : memref<128x512xf32, #tpu.memory_space<vmem>>) dst(%dma_wait3A_48 : memref<128x512xf32, #tpu.memory_space<hbm>>)
      tpu.yield
    }) : () -> ()
    %scan3A_31 = arith.constant 0 : i32
    %scan3A_32 = arith.constant 0 : i32
    %scan3A_33 = arith.constant 8 : i32
    %scan3A_34 = arith.addi %scan3A_32, %scan3A_33 : i32
    %scan3A_35 = arith.constant 1 : i32
    scf.for %scan3A_43 = %scan3A_32 to %scan3A_34 step %scan3A_35  : i32 {
      %mul3A_44 = arith.constant 16 : i32
      %mul3A_45 = arith.muli %scan3A_43, %mul3A_44 : i32
      %add3A_46 = vector.broadcast %mul3A_45 : i32 to vector<16xi32>
      %add3A_47 = arith.addi %iota3A, %add3A_46 : vector<16xi32>
      %mul3A_48 = arith.constant 16 : i32
      %mul3A_49 = arith.muli %scan3A_43, %mul3A_48 : i32
      %get3A = arith.constant 0 : i32
      %get3A_50 = arith.index_cast %get3A : i32 to index
      %get3A_51 = arith.index_cast %mul3A_49 : i32 to index
      %get3A_52 = tpu.vector_load %arg8[%get3A_50, %get3A_51] {strides = array<i32>} : memref<32x128xi32, #tpu.memory_space<vmem>>, vector<16xi32>,
      %ne3A = arith.constant 0 : i32
      %ne3A_53 = vector.broadcast %ne3A : i32 to vector<16xi32>
      %ne3A_54 = arith.cmpi ne, %get3A_52, %ne3A_53 : vector<16xi32>
      %lt3A = arith.constant 512 : i32
      %lt3A_55 = vector.broadcast %lt3A : i32 to vector<16xi32>
      %lt3A_56 = arith.cmpi slt, %get3A_52, %lt3A_55 : vector<16xi32>
      %and3A = arith.andi %ne3A_54, %lt3A_56 : vector<16xi1>
      tpu.vector_store_idx %arg9[%add3A_47, %get3A_52], %broadcast_in_dim3A_12 masked %and3A {add = true} : memref<128x512xf32, #tpu.memory_space<vmem>>[vector<16xi32>, vector<16xi32>], vector<16xf32>, vector<16xi1>
      %mul3A_57 = arith.constant 16 : i32
      %mul3A_58 = arith.muli %scan3A_43, %mul3A_57 : i32
      %get3A_59 = arith.constant 1 : i32
      %get3A_60 = arith.index_cast %get3A_59 : i32 to index
      %get3A_61 = arith.index_cast %mul3A_58 : i32 to index
      %get3A_62 = tpu.vector_load %arg8[%get3A_60, %get3A_61] {strides = array<i32>} : memref<32x128xi32, #tpu.memory_space<vmem>>, vector<16xi32>,
      %ne3A_63 = arith.constant 0 : i32
      %ne3A_64 = vector.broadcast %ne3A_63 : i32 to vector<16xi32>
      %ne3A_65 = arith.cmpi ne, %get3A_62, %ne3A_64 : vector<16xi32>
      %lt3A_66 = arith.constant 512 : i32
      %lt3A_67 = vector.broadcast %lt3A_66 : i32 to vector<16xi32>
      %lt3A_68 = arith.cmpi slt, %get3A_62, %lt3A_67 : vector<16xi32>
      %and3A_69 = arith.andi %ne3A_65, %lt3A_68 : vector<16xi1>
      tpu.vector_store_idx %arg9[%add3A_47, %get3A_62], %broadcast_in_dim3A_12 masked %and3A_69 {add = true} : memref<128x512xf32, #tpu.memory_space<vmem>>[vector<16xi32>, vector<16xi32>], vector<16xf32>, vector<16xi1>
      %mul3A_70 = arith.constant 16 : i32
      %mul3A_71 = arith.muli %scan3A_43, %mul3A_70 : i32
      %get3A_72 = arith.constant 2 : i32
      %get3A_73 = arith.index_cast %get3A_72 : i32 to index
      %get3A_74 = arith.index_cast %mul3A_71 : i32 to index
      %get3A_75 = tpu.vector_load %arg8[%get3A_73, %get3A_74] {strides = array<i32>} : memref<32x128xi32, #tpu.memory_space<vmem>>, vector<16xi32>,
      %ne3A_76 = arith.constant 0 : i32
      %ne3A_77 = vector.broadcast %ne3A_76 : i32 to vector<16xi32>
      %ne3A_78 = arith.cmpi ne, %get3A_75, %ne3A_77 : vector<16xi32>
      %lt3A_79 = arith.constant 512 : i32
      %lt3A_80 = vector.broadcast %lt3A_79 : i32 to vector<16xi32>
      %lt3A_81 = arith.cmpi slt, %get3A_75, %lt3A_80 : vector<16xi32>
      %and3A_82 = arith.andi %ne3A_78, %lt3A_81 : vector<16xi1>
      tpu.vector_store_idx %arg9[%add3A_47, %get3A_75], %broadcast_in_dim3A_12 masked %and3A_82 {add = true} : memref<128x512xf32, #tpu.memory_space<vmem>>[vector<16xi32>, vector<16xi32>], vector<16xf32>, vector<16xi1>
      %mul3A_83 = arith.constant 16 : i32
      %mul3A_84 = arith.muli %scan3A_43, %mul3A_83 : i32
      %get3A_85 = arith.constant 3 : i32
      %get3A_86 = arith.index_cast %get3A_85 : i32 to index
      %get3A_87 = arith.index_cast %mul3A_84 : i32 to index
      %get3A_88 = tpu.vector_load %arg8[%get3A_86, %get3A_87] {strides = array<i32>} : memref<32x128xi32, #tpu.memory_space<vmem>>, vector<16xi32>,
      %ne3A_89 = arith.constant 0 : i32
      %ne3A_90 = vector.broadcast %ne3A_89 : i32 to vector<16xi32>
      %ne3A_91 = arith.cmpi ne, %get3A_88, %ne3A_90 : vector<16xi32>
      %lt3A_92 = arith.constant 512 : i32
      %lt3A_93 = vector.broadcast %lt3A_92 : i32 to vector<16xi32>
      %lt3A_94 = arith.cmpi slt, %get3A_88, %lt3A_93 : vector<16xi32>
      %and3A_95 = arith.andi %ne3A_91, %lt3A_94 : vector<16xi1>
      tpu.vector_store_idx %arg9[%add3A_47, %get3A_88], %broadcast_in_dim3A_12 masked %and3A_95 {add = true} : memref<128x512xf32, #tpu.memory_space<vmem>>[vector<16xi32>, vector<16xi32>], vector<16xf32>, vector<16xi1>
      %mul3A_96 = arith.constant 16 : i32
      %mul3A_97 = arith.muli %scan3A_43, %mul3A_96 : i32
      %get3A_98 = arith.constant 4 : i32
      %get3A_99 = arith.index_cast %get3A_98 : i32 to index
      %get3A_100 = arith.index_cast %mul3A_97 : i32 to index
      %get3A_101 = tpu.vector_load %arg8[%get3A_99, %get3A_100] {strides = array<i32>} : memref<32x128xi32, #tpu.memory_space<vmem>>, vector<16xi32>,
      %ne3A_102 = arith.constant 0 : i32
      %ne3A_103 = vector.broadcast %ne3A_102 : i32 to vector<16xi32>
      %ne3A_104 = arith.cmpi ne, %get3A_101, %ne3A_103 : vector<16xi32>
      %lt3A_105 = arith.constant 512 : i32
      %lt3A_106 = vector.broadcast %lt3A_105 : i32 to vector<16xi32>
      %lt3A_107 = arith.cmpi slt, %get3A_101, %lt3A_106 : vector<16xi32>
      %and3A_108 = arith.andi %ne3A_104, %lt3A_107 : vector<16xi1>
      tpu.vector_store_idx %arg9[%add3A_47, %get3A_101], %broadcast_in_dim3A_12 masked %and3A_108 {add = true} : memref<128x512xf32, #tpu.memory_space<vmem>>[vector<16xi32>, vector<16xi32>], vector<16xf32>, vector<16xi1>
      %mul3A_109 = arith.constant 16 : i32
      %mul3A_110 = arith.muli %scan3A_43, %mul3A_109 : i32
      %get3A_111 = arith.constant 5 : i32
      %get3A_112 = arith.index_cast %get3A_111 : i32 to index
      %get3A_113 = arith.index_cast %mul3A_110 : i32 to index
      %get3A_114 = tpu.vector_load %arg8[%get3A_112, %get3A_113] {strides = array<i32>} : memref<32x128xi32, #tpu.memory_space<vmem>>, vector<16xi32>,
      %ne3A_115 = arith.constant 0 : i32
      %ne3A_116 = vector.broadcast %ne3A_115 : i32 to vector<16xi32>
      %ne3A_117 = arith.cmpi ne, %get3A_114, %ne3A_116 : vector<16xi32>
      %lt3A_118 = arith.constant 512 : i32
      %lt3A_119 = vector.broadcast %lt3A_118 : i32 to vector<16xi32>
      %lt3A_120 = arith.cmpi slt, %get3A_114, %lt3A_119 : vector<16xi32>
      %and3A_121 = arith.andi %ne3A_117, %lt3A_120 : vector<16xi1>
      tpu.vector_store_idx %arg9[%add3A_47, %get3A_114], %broadcast_in_dim3A_12 masked %and3A_121 {add = true} : memref<128x512xf32, #tpu.memory_space<vmem>>[vector<16xi32>, vector<16xi32>], vector<16xf32>, vector<16xi1>
      %mul3A_122 = arith.constant 16 : i32
      %mul3A_123 = arith.muli %scan3A_43, %mul3A_122 : i32
      %get3A_124 = arith.constant 6 : i32
      %get3A_125 = arith.index_cast %get3A_124 : i32 to index
      %get3A_126 = arith.index_cast %mul3A_123 : i32 to index
      %get3A_127 = tpu.vector_load %arg8[%get3A_125, %get3A_126] {strides = array<i32>} : memref<32x128xi32, #tpu.memory_space<vmem>>, vector<16xi32>,
      %ne3A_128 = arith.constant 0 : i32
      %ne3A_129 = vector.broadcast %ne3A_128 : i32 to vector<16xi32>
      %ne3A_130 = arith.cmpi ne, %get3A_127, %ne3A_129 : vector<16xi32>
      %lt3A_131 = arith.constant 512 : i32
      %lt3A_132 = vector.broadcast %lt3A_131 : i32 to vector<16xi32>
      %lt3A_133 = arith.cmpi slt, %get3A_127, %lt3A_132 : vector<16xi32>
      %and3A_134 = arith.andi %ne3A_130, %lt3A_133 : vector<16xi1>
      tpu.vector_store_idx %arg9[%add3A_47, %get3A_127], %broadcast_in_dim3A_12 masked %and3A_134 {add = true} : memref<128x512xf32, #tpu.memory_space<vmem>>[vector<16xi32>, vector<16xi32>], vector<16xf32>, vector<16xi1>
      %mul3A_135 = arith.constant 16 : i32
      %mul3A_136 = arith.muli %scan3A_43, %mul3A_135 : i32
      %get3A_137 = arith.constant 7 : i32
      %get3A_138 = arith.index_cast %get3A_137 : i32 to index
      %get3A_139 = arith.index_cast %mul3A_136 : i32 to index
      %get3A_140 = tpu.vector_load %arg8[%get3A_138, %get3A_139] {strides = array<i32>} : memref<32x128xi32, #tpu.memory_space<vmem>>, vector<16xi32>,
      %ne3A_141 = arith.constant 0 : i32
      %ne3A_142 = vector.broadcast %ne3A_141 : i32 to vector<16xi32>
      %ne3A_143 = arith.cmpi ne, %get3A_140, %ne3A_142 : vector<16xi32>
      %lt3A_144 = arith.constant 512 : i32
      %lt3A_145 = vector.broadcast %lt3A_144 : i32 to vector<16xi32>
      %lt3A_146 = arith.cmpi slt, %get3A_140, %lt3A_145 : vector<16xi32>
      %and3A_147 = arith.andi %ne3A_143, %lt3A_146 : vector<16xi1>
      tpu.vector_store_idx %arg9[%add3A_47, %get3A_140], %broadcast_in_dim3A_12 masked %and3A_147 {add = true} : memref<128x512xf32, #tpu.memory_space<vmem>>[vector<16xi32>, vector<16xi32>], vector<16xf32>, vector<16xi1>
      %mul3A_148 = arith.constant 16 : i32
      %mul3A_149 = arith.muli %scan3A_43, %mul3A_148 : i32
      %get3A_150 = arith.constant 8 : i32
      %get3A_151 = arith.index_cast %get3A_150 : i32 to index
      %get3A_152 = arith.index_cast %mul3A_149 : i32 to index
      %get3A_153 = tpu.vector_load %arg8[%get3A_151, %get3A_152] {strides = array<i32>} : memref<32x128xi32, #tpu.memory_space<vmem>>, vector<16xi32>,
      %ne3A_154 = arith.constant 0 : i32
      %ne3A_155 = vector.broadcast %ne3A_154 : i32 to vector<16xi32>
      %ne3A_156 = arith.cmpi ne, %get3A_153, %ne3A_155 : vector<16xi32>
      %lt3A_157 = arith.constant 512 : i32
      %lt3A_158 = vector.broadcast %lt3A_157 : i32 to vector<16xi32>
      %lt3A_159 = arith.cmpi slt, %get3A_153, %lt3A_158 : vector<16xi32>
      %and3A_160 = arith.andi %ne3A_156, %lt3A_159 : vector<16xi1>
      tpu.vector_store_idx %arg9[%add3A_47, %get3A_153], %broadcast_in_dim3A_12 masked %and3A_160 {add = true} : memref<128x512xf32, #tpu.memory_space<vmem>>[vector<16xi32>, vector<16xi32>], vector<16xf32>, vector<16xi1>
      %mul3A_161 = arith.constant 16 : i32
      %mul3A_162 = arith.muli %scan3A_43, %mul3A_161 : i32
      %get3A_163 = arith.constant 9 : i32
      %get3A_164 = arith.index_cast %get3A_163 : i32 to index
      %get3A_165 = arith.index_cast %mul3A_162 : i32 to index
      %get3A_166 = tpu.vector_load %arg8[%get3A_164, %get3A_165] {strides = array<i32>} : memref<32x128xi32, #tpu.memory_space<vmem>>, vector<16xi32>,
      %ne3A_167 = arith.constant 0 : i32
      %ne3A_168 = vector.broadcast %ne3A_167 : i32 to vector<16xi32>
      %ne3A_169 = arith.cmpi ne, %get3A_166, %ne3A_168 : vector<16xi32>
      %lt3A_170 = arith.constant 512 : i32
      %lt3A_171 = vector.broadcast %lt3A_170 : i32 to vector<16xi32>
      %lt3A_172 = arith.cmpi slt, %get3A_166, %lt3A_171 : vector<16xi32>
      %and3A_173 = arith.andi %ne3A_169, %lt3A_172 : vector<16xi1>
      tpu.vector_store_idx %arg9[%add3A_47, %get3A_166], %broadcast_in_dim3A_12 masked %and3A_173 {add = true} : memref<128x512xf32, #tpu.memory_space<vmem>>[vector<16xi32>, vector<16xi32>], vector<16xf32>, vector<16xi1>
      %mul3A_174 = arith.constant 16 : i32
      %mul3A_175 = arith.muli %scan3A_43, %mul3A_174 : i32
      %get3A_176 = arith.constant 10 : i32
      %get3A_177 = arith.index_cast %get3A_176 : i32 to index
      %get3A_178 = arith.index_cast %mul3A_175 : i32 to index
      %get3A_179 = tpu.vector_load %arg8[%get3A_177, %get3A_178] {strides = array<i32>} : memref<32x128xi32, #tpu.memory_space<vmem>>, vector<16xi32>,
      %ne3A_180 = arith.constant 0 : i32
      %ne3A_181 = vector.broadcast %ne3A_180 : i32 to vector<16xi32>
      %ne3A_182 = arith.cmpi ne, %get3A_179, %ne3A_181 : vector<16xi32>
      %lt3A_183 = arith.constant 512 : i32
      %lt3A_184 = vector.broadcast %lt3A_183 : i32 to vector<16xi32>
      %lt3A_185 = arith.cmpi slt, %get3A_179, %lt3A_184 : vector<16xi32>
      %and3A_186 = arith.andi %ne3A_182, %lt3A_185 : vector<16xi1>
      tpu.vector_store_idx %arg9[%add3A_47, %get3A_179], %broadcast_in_dim3A_12 masked %and3A_186 {add = true} : memref<128x512xf32, #tpu.memory_space<vmem>>[vector<16xi32>, vector<16xi32>], vector<16xf32>, vector<16xi1>
      %mul3A_187 = arith.constant 16 : i32
      %mul3A_188 = arith.muli %scan3A_43, %mul3A_187 : i32
      %get3A_189 = arith.constant 11 : i32
      %get3A_190 = arith.index_cast %get3A_189 : i32 to index
      %get3A_191 = arith.index_cast %mul3A_188 : i32 to index
      %get3A_192 = tpu.vector_load %arg8[%get3A_190, %get3A_191] {strides = array<i32>} : memref<32x128xi32, #tpu.memory_space<vmem>>, vector<16xi32>,
      %ne3A_193 = arith.constant 0 : i32
      %ne3A_194 = vector.broadcast %ne3A_193 : i32 to vector<16xi32>
      %ne3A_195 = arith.cmpi ne, %get3A_192, %ne3A_194 : vector<16xi32>
      %lt3A_196 = arith.constant 512 : i32
      %lt3A_197 = vector.broadcast %lt3A_196 : i32 to vector<16xi32>
      %lt3A_198 = arith.cmpi slt, %get3A_192, %lt3A_197 : vector<16xi32>
      %and3A_199 = arith.andi %ne3A_195, %lt3A_198 : vector<16xi1>
      tpu.vector_store_idx %arg9[%add3A_47, %get3A_192], %broadcast_in_dim3A_12 masked %and3A_199 {add = true} : memref<128x512xf32, #tpu.memory_space<vmem>>[vector<16xi32>, vector<16xi32>], vector<16xf32>, vector<16xi1>
      %mul3A_200 = arith.constant 16 : i32
      %mul3A_201 = arith.muli %scan3A_43, %mul3A_200 : i32
      %get3A_202 = arith.constant 12 : i32
      %get3A_203 = arith.index_cast %get3A_202 : i32 to index
      %get3A_204 = arith.index_cast %mul3A_201 : i32 to index
      %get3A_205 = tpu.vector_load %arg8[%get3A_203, %get3A_204] {strides = array<i32>} : memref<32x128xi32, #tpu.memory_space<vmem>>, vector<16xi32>,
      %ne3A_206 = arith.constant 0 : i32
      %ne3A_207 = vector.broadcast %ne3A_206 : i32 to vector<16xi32>
      %ne3A_208 = arith.cmpi ne, %get3A_205, %ne3A_207 : vector<16xi32>
      %lt3A_209 = arith.constant 512 : i32
      %lt3A_210 = vector.broadcast %lt3A_209 : i32 to vector<16xi32>
      %lt3A_211 = arith.cmpi slt, %get3A_205, %lt3A_210 : vector<16xi32>
      %and3A_212 = arith.andi %ne3A_208, %lt3A_211 : vector<16xi1>
      tpu.vector_store_idx %arg9[%add3A_47, %get3A_205], %broadcast_in_dim3A_12 masked %and3A_212 {add = true} : memref<128x512xf32, #tpu.memory_space<vmem>>[vector<16xi32>, vector<16xi32>], vector<16xf32>, vector<16xi1>
      %mul3A_213 = arith.constant 16 : i32
      %mul3A_214 = arith.muli %scan3A_43, %mul3A_213 : i32
      %get3A_215 = arith.constant 13 : i32
      %get3A_216 = arith.index_cast %get3A_215 : i32 to index
      %get3A_217 = arith.index_cast %mul3A_214 : i32 to index
      %get3A_218 = tpu.vector_load %arg8[%get3A_216, %get3A_217] {strides = array<i32>} : memref<32x128xi32, #tpu.memory_space<vmem>>, vector<16xi32>,
      %ne3A_219 = arith.constant 0 : i32
      %ne3A_220 = vector.broadcast %ne3A_219 : i32 to vector<16xi32>
      %ne3A_221 = arith.cmpi ne, %get3A_218, %ne3A_220 : vector<16xi32>
      %lt3A_222 = arith.constant 512 : i32
      %lt3A_223 = vector.broadcast %lt3A_222 : i32 to vector<16xi32>
      %lt3A_224 = arith.cmpi slt, %get3A_218, %lt3A_223 : vector<16xi32>
      %and3A_225 = arith.andi %ne3A_221, %lt3A_224 : vector<16xi1>
      tpu.vector_store_idx %arg9[%add3A_47, %get3A_218], %broadcast_in_dim3A_12 masked %and3A_225 {add = true} : memref<128x512xf32, #tpu.memory_space<vmem>>[vector<16xi32>, vector<16xi32>], vector<16xf32>, vector<16xi1>
      %mul3A_226 = arith.constant 16 : i32
      %mul3A_227 = arith.muli %scan3A_43, %mul3A_226 : i32
      %get3A_228 = arith.constant 14 : i32
      %get3A_229 = arith.index_cast %get3A_228 : i32 to index
      %get3A_230 = arith.index_cast %mul3A_227 : i32 to index
      %get3A_231 = tpu.vector_load %arg8[%get3A_229, %get3A_230] {strides = array<i32>} : memref<32x128xi32, #tpu.memory_space<vmem>>, vector<16xi32>,
      %ne3A_232 = arith.constant 0 : i32
      %ne3A_233 = vector.broadcast %ne3A_232 : i32 to vector<16xi32>
      %ne3A_234 = arith.cmpi ne, %get3A_231, %ne3A_233 : vector<16xi32>
      %lt3A_235 = arith.constant 512 : i32
      %lt3A_236 = vector.broadcast %lt3A_235 : i32 to vector<16xi32>
      %lt3A_237 = arith.cmpi slt, %get3A_231, %lt3A_236 : vector<16xi32>
      %and3A_238 = arith.andi %ne3A_234, %lt3A_237 : vector<16xi1>
      tpu.vector_store_idx %arg9[%add3A_47, %get3A_231], %broadcast_in_dim3A_12 masked %and3A_238 {add = true} : memref<128x512xf32, #tpu.memory_space<vmem>>[vector<16xi32>, vector<16xi32>], vector<16xf32>, vector<16xi1>
      %mul3A_239 = arith.constant 16 : i32
      %mul3A_240 = arith.muli %scan3A_43, %mul3A_239 : i32
      %get3A_241 = arith.constant 15 : i32
      %get3A_242 = arith.index_cast %get3A_241 : i32 to index
      %get3A_243 = arith.index_cast %mul3A_240 : i32 to index
      %get3A_244 = tpu.vector_load %arg8[%get3A_242, %get3A_243] {strides = array<i32>} : memref<32x128xi32, #tpu.memory_space<vmem>>, vector<16xi32>,
      %ne3A_245 = arith.constant 0 : i32
      %ne3A_246 = vector.broadcast %ne3A_245 : i32 to vector<16xi32>
      %ne3A_247 = arith.cmpi ne, %get3A_244, %ne3A_246 : vector<16xi32>
      %lt3A_248 = arith.constant 512 : i32
      %lt3A_249 = vector.broadcast %lt3A_248 : i32 to vector<16xi32>
      %lt3A_250 = arith.cmpi slt, %get3A_244, %lt3A_249 : vector<16xi32>
      %and3A_251 = arith.andi %ne3A_247, %lt3A_250 : vector<16xi1>
      tpu.vector_store_idx %arg9[%add3A_47, %get3A_244], %broadcast_in_dim3A_12 masked %and3A_251 {add = true} : memref<128x512xf32, #tpu.memory_space<vmem>>[vector<16xi32>, vector<16xi32>], vector<16xf32>, vector<16xi1>
      %mul3A_252 = arith.constant 16 : i32
      %mul3A_253 = arith.muli %scan3A_43, %mul3A_252 : i32
      %get3A_254 = arith.constant 16 : i32
      %get3A_255 = arith.index_cast %get3A_254 : i32 to index
      %get3A_256 = arith.index_cast %mul3A_253 : i32 to index
      %get3A_257 = tpu.vector_load %arg8[%get3A_255, %get3A_256] {strides = array<i32>} : memref<32x128xi32, #tpu.memory_space<vmem>>, vector<16xi32>,
      %ne3A_258 = arith.constant 0 : i32
      %ne3A_259 = vector.broadcast %ne3A_258 : i32 to vector<16xi32>
      %ne3A_260 = arith.cmpi ne, %get3A_257, %ne3A_259 : vector<16xi32>
      %lt3A_261 = arith.constant 512 : i32
      %lt3A_262 = vector.broadcast %lt3A_261 : i32 to vector<16xi32>
      %lt3A_263 = arith.cmpi slt, %get3A_257, %lt3A_262 : vector<16xi32>
      %and3A_264 = arith.andi %ne3A_260, %lt3A_263 : vector<16xi1>
      tpu.vector_store_idx %arg9[%add3A_47, %get3A_257], %broadcast_in_dim3A_12 masked %and3A_264 {add = true} : memref<128x512xf32, #tpu.memory_space<vmem>>[vector<16xi32>, vector<16xi32>], vector<16xf32>, vector<16xi1>
      %mul3A_265 = arith.constant 16 : i32
      %mul3A_266 = arith.muli %scan3A_43, %mul3A_265 : i32
      %get3A_267 = arith.constant 17 : i32
      %get3A_268 = arith.index_cast %get3A_267 : i32 to index
      %get3A_269 = arith.index_cast %mul3A_266 : i32 to index
      %get3A_270 = tpu.vector_load %arg8[%get3A_268, %get3A_269] {strides = array<i32>} : memref<32x128xi32, #tpu.memory_space<vmem>>, vector<16xi32>,
      %ne3A_271 = arith.constant 0 : i32
      %ne3A_272 = vector.broadcast %ne3A_271 : i32 to vector<16xi32>
      %ne3A_273 = arith.cmpi ne, %get3A_270, %ne3A_272 : vector<16xi32>
      %lt3A_274 = arith.constant 512 : i32
      %lt3A_275 = vector.broadcast %lt3A_274 : i32 to vector<16xi32>
      %lt3A_276 = arith.cmpi slt, %get3A_270, %lt3A_275 : vector<16xi32>
      %and3A_277 = arith.andi %ne3A_273, %lt3A_276 : vector<16xi1>
      tpu.vector_store_idx %arg9[%add3A_47, %get3A_270], %broadcast_in_dim3A_12 masked %and3A_277 {add = true} : memref<128x512xf32, #tpu.memory_space<vmem>>[vector<16xi32>, vector<16xi32>], vector<16xf32>, vector<16xi1>
      %mul3A_278 = arith.constant 16 : i32
      %mul3A_279 = arith.muli %scan3A_43, %mul3A_278 : i32
      %get3A_280 = arith.constant 18 : i32
      %get3A_281 = arith.index_cast %get3A_280 : i32 to index
      %get3A_282 = arith.index_cast %mul3A_279 : i32 to index
      %get3A_283 = tpu.vector_load %arg8[%get3A_281, %get3A_282] {strides = array<i32>} : memref<32x128xi32, #tpu.memory_space<vmem>>, vector<16xi32>,
      %ne3A_284 = arith.constant 0 : i32
      %ne3A_285 = vector.broadcast %ne3A_284 : i32 to vector<16xi32>
      %ne3A_286 = arith.cmpi ne, %get3A_283, %ne3A_285 : vector<16xi32>
      %lt3A_287 = arith.constant 512 : i32
      %lt3A_288 = vector.broadcast %lt3A_287 : i32 to vector<16xi32>
      %lt3A_289 = arith.cmpi slt, %get3A_283, %lt3A_288 : vector<16xi32>
      %and3A_290 = arith.andi %ne3A_286, %lt3A_289 : vector<16xi1>
      tpu.vector_store_idx %arg9[%add3A_47, %get3A_283], %broadcast_in_dim3A_12 masked %and3A_290 {add = true} : memref<128x512xf32, #tpu.memory_space<vmem>>[vector<16xi32>, vector<16xi32>], vector<16xf32>, vector<16xi1>
      %mul3A_291 = arith.constant 16 : i32
      %mul3A_292 = arith.muli %scan3A_43, %mul3A_291 : i32
      %get3A_293 = arith.constant 19 : i32
      %get3A_294 = arith.index_cast %get3A_293 : i32 to index
      %get3A_295 = arith.index_cast %mul3A_292 : i32 to index
      %get3A_296 = tpu.vector_load %arg8[%get3A_294, %get3A_295] {strides = array<i32>} : memref<32x128xi32, #tpu.memory_space<vmem>>, vector<16xi32>,
      %ne3A_297 = arith.constant 0 : i32
      %ne3A_298 = vector.broadcast %ne3A_297 : i32 to vector<16xi32>
      %ne3A_299 = arith.cmpi ne, %get3A_296, %ne3A_298 : vector<16xi32>
      %lt3A_300 = arith.constant 512 : i32
      %lt3A_301 = vector.broadcast %lt3A_300 : i32 to vector<16xi32>
      %lt3A_302 = arith.cmpi slt, %get3A_296, %lt3A_301 : vector<16xi32>
      %and3A_303 = arith.andi %ne3A_299, %lt3A_302 : vector<16xi1>
      tpu.vector_store_idx %arg9[%add3A_47, %get3A_296], %broadcast_in_dim3A_12 masked %and3A_303 {add = true} : memref<128x512xf32, #tpu.memory_space<vmem>>[vector<16xi32>, vector<16xi32>], vector<16xf32>, vector<16xi1>
      %mul3A_304 = arith.constant 16 : i32
      %mul3A_305 = arith.muli %scan3A_43, %mul3A_304 : i32
      %get3A_306 = arith.constant 20 : i32
      %get3A_307 = arith.index_cast %get3A_306 : i32 to index
      %get3A_308 = arith.index_cast %mul3A_305 : i32 to index
      %get3A_309 = tpu.vector_load %arg8[%get3A_307, %get3A_308] {strides = array<i32>} : memref<32x128xi32, #tpu.memory_space<vmem>>, vector<16xi32>,
      %ne3A_310 = arith.constant 0 : i32
      %ne3A_311 = vector.broadcast %ne3A_310 : i32 to vector<16xi32>
      %ne3A_312 = arith.cmpi ne, %get3A_309, %ne3A_311 : vector<16xi32>
      %lt3A_313 = arith.constant 512 : i32
      %lt3A_314 = vector.broadcast %lt3A_313 : i32 to vector<16xi32>
      %lt3A_315 = arith.cmpi slt, %get3A_309, %lt3A_314 : vector<16xi32>
      %and3A_316 = arith.andi %ne3A_312, %lt3A_315 : vector<16xi1>
      tpu.vector_store_idx %arg9[%add3A_47, %get3A_309], %broadcast_in_dim3A_12 masked %and3A_316 {add = true} : memref<128x512xf32, #tpu.memory_space<vmem>>[vector<16xi32>, vector<16xi32>], vector<16xf32>, vector<16xi1>
      %mul3A_317 = arith.constant 16 : i32
      %mul3A_318 = arith.muli %scan3A_43, %mul3A_317 : i32
      %get3A_319 = arith.constant 21 : i32
      %get3A_320 = arith.index_cast %get3A_319 : i32 to index
      %get3A_321 = arith.index_cast %mul3A_318 : i32 to index
      %get3A_322 = tpu.vector_load %arg8[%get3A_320, %get3A_321] {strides = array<i32>} : memref<32x128xi32, #tpu.memory_space<vmem>>, vector<16xi32>,
      %ne3A_323 = arith.constant 0 : i32
      %ne3A_324 = vector.broadcast %ne3A_323 : i32 to vector<16xi32>
      %ne3A_325 = arith.cmpi ne, %get3A_322, %ne3A_324 : vector<16xi32>
      %lt3A_326 = arith.constant 512 : i32
      %lt3A_327 = vector.broadcast %lt3A_326 : i32 to vector<16xi32>
      %lt3A_328 = arith.cmpi slt, %get3A_322, %lt3A_327 : vector<16xi32>
      %and3A_329 = arith.andi %ne3A_325, %lt3A_328 : vector<16xi1>
      tpu.vector_store_idx %arg9[%add3A_47, %get3A_322], %broadcast_in_dim3A_12 masked %and3A_329 {add = true} : memref<128x512xf32, #tpu.memory_space<vmem>>[vector<16xi32>, vector<16xi32>], vector<16xf32>, vector<16xi1>
      %mul3A_330 = arith.constant 16 : i32
      %mul3A_331 = arith.muli %scan3A_43, %mul3A_330 : i32
      %get3A_332 = arith.constant 22 : i32
      %get3A_333 = arith.index_cast %get3A_332 : i32 to index
      %get3A_334 = arith.index_cast %mul3A_331 : i32 to index
      %get3A_335 = tpu.vector_load %arg8[%get3A_333, %get3A_334] {strides = array<i32>} : memref<32x128xi32, #tpu.memory_space<vmem>>, vector<16xi32>,
      %ne3A_336 = arith.constant 0 : i32
      %ne3A_337 = vector.broadcast %ne3A_336 : i32 to vector<16xi32>
      %ne3A_338 = arith.cmpi ne, %get3A_335, %ne3A_337 : vector<16xi32>
      %lt3A_339 = arith.constant 512 : i32
      %lt3A_340 = vector.broadcast %lt3A_339 : i32 to vector<16xi32>
      %lt3A_341 = arith.cmpi slt, %get3A_335, %lt3A_340 : vector<16xi32>
      %and3A_342 = arith.andi %ne3A_338, %lt3A_341 : vector<16xi1>
      tpu.vector_store_idx %arg9[%add3A_47, %get3A_335], %broadcast_in_dim3A_12 masked %and3A_342 {add = true} : memref<128x512xf32, #tpu.memory_space<vmem>>[vector<16xi32>, vector<16xi32>], vector<16xf32>, vector<16xi1>
      %mul3A_343 = arith.constant 16 : i32
      %mul3A_344 = arith.muli %scan3A_43, %mul3A_343 : i32
      %get3A_345 = arith.constant 23 : i32
      %get3A_346 = arith.index_cast %get3A_345 : i32 to index
      %get3A_347 = arith.index_cast %mul3A_344 : i32 to index
      %get3A_348 = tpu.vector_load %arg8[%get3A_346, %get3A_347] {strides = array<i32>} : memref<32x128xi32, #tpu.memory_space<vmem>>, vector<16xi32>,
      %ne3A_349 = arith.constant 0 : i32
      %ne3A_350 = vector.broadcast %ne3A_349 : i32 to vector<16xi32>
      %ne3A_351 = arith.cmpi ne, %get3A_348, %ne3A_350 : vector<16xi32>
      %lt3A_352 = arith.constant 512 : i32
      %lt3A_353 = vector.broadcast %lt3A_352 : i32 to vector<16xi32>
      %lt3A_354 = arith.cmpi slt, %get3A_348, %lt3A_353 : vector<16xi32>
      %and3A_355 = arith.andi %ne3A_351, %lt3A_354 : vector<16xi1>
      tpu.vector_store_idx %arg9[%add3A_47, %get3A_348], %broadcast_in_dim3A_12 masked %and3A_355 {add = true} : memref<128x512xf32, #tpu.memory_space<vmem>>[vector<16xi32>, vector<16xi32>], vector<16xf32>, vector<16xi1>
      %mul3A_356 = arith.constant 16 : i32
      %mul3A_357 = arith.muli %scan3A_43, %mul3A_356 : i32
      %get3A_358 = arith.constant 24 : i32
      %get3A_359 = arith.index_cast %get3A_358 : i32 to index
      %get3A_360 = arith.index_cast %mul3A_357 : i32 to index
      %get3A_361 = tpu.vector_load %arg8[%get3A_359, %get3A_360] {strides = array<i32>} : memref<32x128xi32, #tpu.memory_space<vmem>>, vector<16xi32>,
      %ne3A_362 = arith.constant 0 : i32
      %ne3A_363 = vector.broadcast %ne3A_362 : i32 to vector<16xi32>
      %ne3A_364 = arith.cmpi ne, %get3A_361, %ne3A_363 : vector<16xi32>
      %lt3A_365 = arith.constant 512 : i32
      %lt3A_366 = vector.broadcast %lt3A_365 : i32 to vector<16xi32>
      %lt3A_367 = arith.cmpi slt, %get3A_361, %lt3A_366 : vector<16xi32>
      %and3A_368 = arith.andi %ne3A_364, %lt3A_367 : vector<16xi1>
      tpu.vector_store_idx %arg9[%add3A_47, %get3A_361], %broadcast_in_dim3A_12 masked %and3A_368 {add = true} : memref<128x512xf32, #tpu.memory_space<vmem>>[vector<16xi32>, vector<16xi32>], vector<16xf32>, vector<16xi1>
      %mul3A_369 = arith.constant 16 : i32
      %mul3A_370 = arith.muli %scan3A_43, %mul3A_369 : i32
      %get3A_371 = arith.constant 25 : i32
      %get3A_372 = arith.index_cast %get3A_371 : i32 to index
      %get3A_373 = arith.index_cast %mul3A_370 : i32 to index
      %get3A_374 = tpu.vector_load %arg8[%get3A_372, %get3A_373] {strides = array<i32>} : memref<32x128xi32, #tpu.memory_space<vmem>>, vector<16xi32>,
      %ne3A_375 = arith.constant 0 : i32
      %ne3A_376 = vector.broadcast %ne3A_375 : i32 to vector<16xi32>
      %ne3A_377 = arith.cmpi ne, %get3A_374, %ne3A_376 : vector<16xi32>
      %lt3A_378 = arith.constant 512 : i32
      %lt3A_379 = vector.broadcast %lt3A_378 : i32 to vector<16xi32>
      %lt3A_380 = arith.cmpi slt, %get3A_374, %lt3A_379 : vector<16xi32>
      %and3A_381 = arith.andi %ne3A_377, %lt3A_380 : vector<16xi1>
      tpu.vector_store_idx %arg9[%add3A_47, %get3A_374], %broadcast_in_dim3A_12 masked %and3A_381 {add = true} : memref<128x512xf32, #tpu.memory_space<vmem>>[vector<16xi32>, vector<16xi32>], vector<16xf32>, vector<16xi1>
      %mul3A_382 = arith.constant 16 : i32
      %mul3A_383 = arith.muli %scan3A_43, %mul3A_382 : i32
      %get3A_384 = arith.constant 26 : i32
      %get3A_385 = arith.index_cast %get3A_384 : i32 to index
      %get3A_386 = arith.index_cast %mul3A_383 : i32 to index
      %get3A_387 = tpu.vector_load %arg8[%get3A_385, %get3A_386] {strides = array<i32>} : memref<32x128xi32, #tpu.memory_space<vmem>>, vector<16xi32>,
      %ne3A_388 = arith.constant 0 : i32
      %ne3A_389 = vector.broadcast %ne3A_388 : i32 to vector<16xi32>
      %ne3A_390 = arith.cmpi ne, %get3A_387, %ne3A_389 : vector<16xi32>
      %lt3A_391 = arith.constant 512 : i32
      %lt3A_392 = vector.broadcast %lt3A_391 : i32 to vector<16xi32>
      %lt3A_393 = arith.cmpi slt, %get3A_387, %lt3A_392 : vector<16xi32>
      %and3A_394 = arith.andi %ne3A_390, %lt3A_393 : vector<16xi1>
      tpu.vector_store_idx %arg9[%add3A_47, %get3A_387], %broadcast_in_dim3A_12 masked %and3A_394 {add = true} : memref<128x512xf32, #tpu.memory_space<vmem>>[vector<16xi32>, vector<16xi32>], vector<16xf32>, vector<16xi1>
      %mul3A_395 = arith.constant 16 : i32
      %mul3A_396 = arith.muli %scan3A_43, %mul3A_395 : i32
      %get3A_397 = arith.constant 27 : i32
      %get3A_398 = arith.index_cast %get3A_397 : i32 to index
      %get3A_399 = arith.index_cast %mul3A_396 : i32 to index
      %get3A_400 = tpu.vector_load %arg8[%get3A_398, %get3A_399] {strides = array<i32>} : memref<32x128xi32, #tpu.memory_space<vmem>>, vector<16xi32>,
      %ne3A_401 = arith.constant 0 : i32
      %ne3A_402 = vector.broadcast %ne3A_401 : i32 to vector<16xi32>
      %ne3A_403 = arith.cmpi ne, %get3A_400, %ne3A_402 : vector<16xi32>
      %lt3A_404 = arith.constant 512 : i32
      %lt3A_405 = vector.broadcast %lt3A_404 : i32 to vector<16xi32>
      %lt3A_406 = arith.cmpi slt, %get3A_400, %lt3A_405 : vector<16xi32>
      %and3A_407 = arith.andi %ne3A_403, %lt3A_406 : vector<16xi1>
      tpu.vector_store_idx %arg9[%add3A_47, %get3A_400], %broadcast_in_dim3A_12 masked %and3A_407 {add = true} : memref<128x512xf32, #tpu.memory_space<vmem>>[vector<16xi32>, vector<16xi32>], vector<16xf32>, vector<16xi1>
      %mul3A_408 = arith.constant 16 : i32
      %mul3A_409 = arith.muli %scan3A_43, %mul3A_408 : i32
      %get3A_410 = arith.constant 28 : i32
      %get3A_411 = arith.index_cast %get3A_410 : i32 to index
      %get3A_412 = arith.index_cast %mul3A_409 : i32 to index
      %get3A_413 = tpu.vector_load %arg8[%get3A_411, %get3A_412] {strides = array<i32>} : memref<32x128xi32, #tpu.memory_space<vmem>>, vector<16xi32>,
      %ne3A_414 = arith.constant 0 : i32
      %ne3A_415 = vector.broadcast %ne3A_414 : i32 to vector<16xi32>
      %ne3A_416 = arith.cmpi ne, %get3A_413, %ne3A_415 : vector<16xi32>
      %lt3A_417 = arith.constant 512 : i32
      %lt3A_418 = vector.broadcast %lt3A_417 : i32 to vector<16xi32>
      %lt3A_419 = arith.cmpi slt, %get3A_413, %lt3A_418 : vector<16xi32>
      %and3A_420 = arith.andi %ne3A_416, %lt3A_419 : vector<16xi1>
      tpu.vector_store_idx %arg9[%add3A_47, %get3A_413], %broadcast_in_dim3A_12 masked %and3A_420 {add = true} : memref<128x512xf32, #tpu.memory_space<vmem>>[vector<16xi32>, vector<16xi32>], vector<16xf32>, vector<16xi1>
      %mul3A_421 = arith.constant 16 : i32
      %mul3A_422 = arith.muli %scan3A_43, %mul3A_421 : i32
      %get3A_423 = arith.constant 29 : i32
      %get3A_424 = arith.index_cast %get3A_423 : i32 to index
      %get3A_425 = arith.index_cast %mul3A_422 : i32 to index
      %get3A_426 = tpu.vector_load %arg8[%get3A_424, %get3A_425] {strides = array<i32>} : memref<32x128xi32, #tpu.memory_space<vmem>>, vector<16xi32>,
      %ne3A_427 = arith.constant 0 : i32
      %ne3A_428 = vector.broadcast %ne3A_427 : i32 to vector<16xi32>
      %ne3A_429 = arith.cmpi ne, %get3A_426, %ne3A_428 : vector<16xi32>
      %lt3A_430 = arith.constant 512 : i32
      %lt3A_431 = vector.broadcast %lt3A_430 : i32 to vector<16xi32>
      %lt3A_432 = arith.cmpi slt, %get3A_426, %lt3A_431 : vector<16xi32>
      %and3A_433 = arith.andi %ne3A_429, %lt3A_432 : vector<16xi1>
      tpu.vector_store_idx %arg9[%add3A_47, %get3A_426], %broadcast_in_dim3A_12 masked %and3A_433 {add = true} : memref<128x512xf32, #tpu.memory_space<vmem>>[vector<16xi32>, vector<16xi32>], vector<16xf32>, vector<16xi1>
      %mul3A_434 = arith.constant 16 : i32
      %mul3A_435 = arith.muli %scan3A_43, %mul3A_434 : i32
      %get3A_436 = arith.constant 30 : i32
      %get3A_437 = arith.index_cast %get3A_436 : i32 to index
      %get3A_438 = arith.index_cast %mul3A_435 : i32 to index
      %get3A_439 = tpu.vector_load %arg8[%get3A_437, %get3A_438] {strides = array<i32>} : memref<32x128xi32, #tpu.memory_space<vmem>>, vector<16xi32>,
      %ne3A_440 = arith.constant 0 : i32
      %ne3A_441 = vector.broadcast %ne3A_440 : i32 to vector<16xi32>
      %ne3A_442 = arith.cmpi ne, %get3A_439, %ne3A_441 : vector<16xi32>
      %lt3A_443 = arith.constant 512 : i32
      %lt3A_444 = vector.broadcast %lt3A_443 : i32 to vector<16xi32>
      %lt3A_445 = arith.cmpi slt, %get3A_439, %lt3A_444 : vector<16xi32>
      %and3A_446 = arith.andi %ne3A_442, %lt3A_445 : vector<16xi1>
      tpu.vector_store_idx %arg9[%add3A_47, %get3A_439], %broadcast_in_dim3A_12 masked %and3A_446 {add = true} : memref<128x512xf32, #tpu.memory_space<vmem>>[vector<16xi32>, vector<16xi32>], vector<16xf32>, vector<16xi1>
      %mul3A_447 = arith.constant 16 : i32
      %mul3A_448 = arith.muli %scan3A_43, %mul3A_447 : i32
      %get3A_449 = arith.constant 31 : i32
      %get3A_450 = arith.index_cast %get3A_449 : i32 to index
      %get3A_451 = arith.index_cast %mul3A_448 : i32 to index
      %get3A_452 = tpu.vector_load %arg8[%get3A_450, %get3A_451] {strides = array<i32>} : memref<32x128xi32, #tpu.memory_space<vmem>>, vector<16xi32>,
      %ne3A_453 = arith.constant 0 : i32
      %ne3A_454 = vector.broadcast %ne3A_453 : i32 to vector<16xi32>
      %ne3A_455 = arith.cmpi ne, %get3A_452, %ne3A_454 : vector<16xi32>
      %lt3A_456 = arith.constant 512 : i32
      %lt3A_457 = vector.broadcast %lt3A_456 : i32 to vector<16xi32>
      %lt3A_458 = arith.cmpi slt, %get3A_452, %lt3A_457 : vector<16xi32>
      %and3A_459 = arith.andi %ne3A_455, %lt3A_458 : vector<16xi1>
      tpu.vector_store_idx %arg9[%add3A_47, %get3A_452], %broadcast_in_dim3A_12 masked %and3A_459 {add = true} : memref<128x512xf32, #tpu.memory_space<vmem>>[vector<16xi32>, vector<16xi32>], vector<16xf32>, vector<16xi1>
    }
    %scan3A_36 = arith.constant 8 : i32
    %scan3A_37 = arith.constant 0 : i32
    %scan3A_38 = arith.constant 0 : i32
    %scan3A_39 = arith.constant 8 : i32
    %scan3A_40 = arith.addi %scan3A_38, %scan3A_39 : i32
    %scan3A_41 = arith.constant 1 : i32
    scf.for %scan3A_43 = %scan3A_38 to %scan3A_40 step %scan3A_41  : i32 {
      %mul3A_44 = arith.constant 16 : i32
      %mul3A_45 = arith.muli %scan3A_43, %mul3A_44 : i32
      %add3A_46 = vector.broadcast %mul3A_45 : i32 to vector<16xi32>
      %add3A_47 = arith.addi %iota3A, %add3A_46 : vector<16xi32>
      %mul3A_48 = arith.constant 16 : i32
      %mul3A_49 = arith.muli %scan3A_43, %mul3A_48 : i32
      %get3A = arith.constant 0 : i32
      %get3A_50 = arith.index_cast %get3A : i32 to index
      %get3A_51 = arith.index_cast %mul3A_49 : i32 to index
      %get3A_52 = tpu.vector_load %arg8[%get3A_50, %get3A_51] {strides = array<i32>} : memref<32x128xi32, #tpu.memory_space<vmem>>, vector<16xi32>,
      %ge3A = arith.constant 512 : i32
      %ge3A_53 = vector.broadcast %ge3A : i32 to vector<16xi32>
      %ge3A_54 = arith.cmpi sge, %get3A_52, %ge3A_53 : vector<16xi32>
      %sub3A = arith.constant 512 : i32
      %sub3A_55 = vector.broadcast %sub3A : i32 to vector<16xi32>
      %sub3A_56 = arith.subi %get3A_52, %sub3A_55 : vector<16xi32>
      tpu.vector_store_idx %arg9[%add3A_47, %sub3A_56], %broadcast_in_dim3A_10 masked %ge3A_54 {add = true} : memref<128x512xf32, #tpu.memory_space<vmem>>[vector<16xi32>, vector<16xi32>], vector<16xf32>, vector<16xi1>
      %mul3A_57 = arith.constant 16 : i32
      %mul3A_58 = arith.muli %scan3A_43, %mul3A_57 : i32
      %get3A_59 = arith.constant 1 : i32
      %get3A_60 = arith.index_cast %get3A_59 : i32 to index
      %get3A_61 = arith.index_cast %mul3A_58 : i32 to index
      %get3A_62 = tpu.vector_load %arg8[%get3A_60, %get3A_61] {strides = array<i32>} : memref<32x128xi32, #tpu.memory_space<vmem>>, vector<16xi32>,
      %ge3A_63 = arith.constant 512 : i32
      %ge3A_64 = vector.broadcast %ge3A_63 : i32 to vector<16xi32>
      %ge3A_65 = arith.cmpi sge, %get3A_62, %ge3A_64 : vector<16xi32>
      %sub3A_66 = arith.constant 512 : i32
      %sub3A_67 = vector.broadcast %sub3A_66 : i32 to vector<16xi32>
      %sub3A_68 = arith.subi %get3A_62, %sub3A_67 : vector<16xi32>
      tpu.vector_store_idx %arg9[%add3A_47, %sub3A_68], %broadcast_in_dim3A_10 masked %ge3A_65 {add = true} : memref<128x512xf32, #tpu.memory_space<vmem>>[vector<16xi32>, vector<16xi32>], vector<16xf32>, vector<16xi1>
      %mul3A_69 = arith.constant 16 : i32
      %mul3A_70 = arith.muli %scan3A_43, %mul3A_69 : i32
      %get3A_71 = arith.constant 2 : i32
      %get3A_72 = arith.index_cast %get3A_71 : i32 to index
      %get3A_73 = arith.index_cast %mul3A_70 : i32 to index
      %get3A_74 = tpu.vector_load %arg8[%get3A_72, %get3A_73] {strides = array<i32>} : memref<32x128xi32, #tpu.memory_space<vmem>>, vector<16xi32>,
      %ge3A_75 = arith.constant 512 : i32
      %ge3A_76 = vector.broadcast %ge3A_75 : i32 to vector<16xi32>
      %ge3A_77 = arith.cmpi sge, %get3A_74, %ge3A_76 : vector<16xi32>
      %sub3A_78 = arith.constant 512 : i32
      %sub3A_79 = vector.broadcast %sub3A_78 : i32 to vector<16xi32>
      %sub3A_80 = arith.subi %get3A_74, %sub3A_79 : vector<16xi32>
      tpu.vector_store_idx %arg9[%add3A_47, %sub3A_80], %broadcast_in_dim3A_10 masked %ge3A_77 {add = true} : memref<128x512xf32, #tpu.memory_space<vmem>>[vector<16xi32>, vector<16xi32>], vector<16xf32>, vector<16xi1>
      %mul3A_81 = arith.constant 16 : i32
      %mul3A_82 = arith.muli %scan3A_43, %mul3A_81 : i32
      %get3A_83 = arith.constant 3 : i32
      %get3A_84 = arith.index_cast %get3A_83 : i32 to index
      %get3A_85 = arith.index_cast %mul3A_82 : i32 to index
      %get3A_86 = tpu.vector_load %arg8[%get3A_84, %get3A_85] {strides = array<i32>} : memref<32x128xi32, #tpu.memory_space<vmem>>, vector<16xi32>,
      %ge3A_87 = arith.constant 512 : i32
      %ge3A_88 = vector.broadcast %ge3A_87 : i32 to vector<16xi32>
      %ge3A_89 = arith.cmpi sge, %get3A_86, %ge3A_88 : vector<16xi32>
      %sub3A_90 = arith.constant 512 : i32
      %sub3A_91 = vector.broadcast %sub3A_90 : i32 to vector<16xi32>
      %sub3A_92 = arith.subi %get3A_86, %sub3A_91 : vector<16xi32>
      tpu.vector_store_idx %arg9[%add3A_47, %sub3A_92], %broadcast_in_dim3A_10 masked %ge3A_89 {add = true} : memref<128x512xf32, #tpu.memory_space<vmem>>[vector<16xi32>, vector<16xi32>], vector<16xf32>, vector<16xi1>
      %mul3A_93 = arith.constant 16 : i32
      %mul3A_94 = arith.muli %scan3A_43, %mul3A_93 : i32
      %get3A_95 = arith.constant 4 : i32
      %get3A_96 = arith.index_cast %get3A_95 : i32 to index
      %get3A_97 = arith.index_cast %mul3A_94 : i32 to index
      %get3A_98 = tpu.vector_load %arg8[%get3A_96, %get3A_97] {strides = array<i32>} : memref<32x128xi32, #tpu.memory_space<vmem>>, vector<16xi32>,
      %ge3A_99 = arith.constant 512 : i32
      %ge3A_100 = vector.broadcast %ge3A_99 : i32 to vector<16xi32>
      %ge3A_101 = arith.cmpi sge, %get3A_98, %ge3A_100 : vector<16xi32>
      %sub3A_102 = arith.constant 512 : i32
      %sub3A_103 = vector.broadcast %sub3A_102 : i32 to vector<16xi32>
      %sub3A_104 = arith.subi %get3A_98, %sub3A_103 : vector<16xi32>
      tpu.vector_store_idx %arg9[%add3A_47, %sub3A_104], %broadcast_in_dim3A_10 masked %ge3A_101 {add = true} : memref<128x512xf32, #tpu.memory_space<vmem>>[vector<16xi32>, vector<16xi32>], vector<16xf32>, vector<16xi1>
      %mul3A_105 = arith.constant 16 : i32
      %mul3A_106 = arith.muli %scan3A_43, %mul3A_105 : i32
      %get3A_107 = arith.constant 5 : i32
      %get3A_108 = arith.index_cast %get3A_107 : i32 to index
      %get3A_109 = arith.index_cast %mul3A_106 : i32 to index
      %get3A_110 = tpu.vector_load %arg8[%get3A_108, %get3A_109] {strides = array<i32>} : memref<32x128xi32, #tpu.memory_space<vmem>>, vector<16xi32>,
      %ge3A_111 = arith.constant 512 : i32
      %ge3A_112 = vector.broadcast %ge3A_111 : i32 to vector<16xi32>
      %ge3A_113 = arith.cmpi sge, %get3A_110, %ge3A_112 : vector<16xi32>
      %sub3A_114 = arith.constant 512 : i32
      %sub3A_115 = vector.broadcast %sub3A_114 : i32 to vector<16xi32>
      %sub3A_116 = arith.subi %get3A_110, %sub3A_115 : vector<16xi32>
      tpu.vector_store_idx %arg9[%add3A_47, %sub3A_116], %broadcast_in_dim3A_10 masked %ge3A_113 {add = true} : memref<128x512xf32, #tpu.memory_space<vmem>>[vector<16xi32>, vector<16xi32>], vector<16xf32>, vector<16xi1>
      %mul3A_117 = arith.constant 16 : i32
      %mul3A_118 = arith.muli %scan3A_43, %mul3A_117 : i32
      %get3A_119 = arith.constant 6 : i32
      %get3A_120 = arith.index_cast %get3A_119 : i32 to index
      %get3A_121 = arith.index_cast %mul3A_118 : i32 to index
      %get3A_122 = tpu.vector_load %arg8[%get3A_120, %get3A_121] {strides = array<i32>} : memref<32x128xi32, #tpu.memory_space<vmem>>, vector<16xi32>,
      %ge3A_123 = arith.constant 512 : i32
      %ge3A_124 = vector.broadcast %ge3A_123 : i32 to vector<16xi32>
      %ge3A_125 = arith.cmpi sge, %get3A_122, %ge3A_124 : vector<16xi32>
      %sub3A_126 = arith.constant 512 : i32
      %sub3A_127 = vector.broadcast %sub3A_126 : i32 to vector<16xi32>
      %sub3A_128 = arith.subi %get3A_122, %sub3A_127 : vector<16xi32>
      tpu.vector_store_idx %arg9[%add3A_47, %sub3A_128], %broadcast_in_dim3A_10 masked %ge3A_125 {add = true} : memref<128x512xf32, #tpu.memory_space<vmem>>[vector<16xi32>, vector<16xi32>], vector<16xf32>, vector<16xi1>
      %mul3A_129 = arith.constant 16 : i32
      %mul3A_130 = arith.muli %scan3A_43, %mul3A_129 : i32
      %get3A_131 = arith.constant 7 : i32
      %get3A_132 = arith.index_cast %get3A_131 : i32 to index
      %get3A_133 = arith.index_cast %mul3A_130 : i32 to index
      %get3A_134 = tpu.vector_load %arg8[%get3A_132, %get3A_133] {strides = array<i32>} : memref<32x128xi32, #tpu.memory_space<vmem>>, vector<16xi32>,
      %ge3A_135 = arith.constant 512 : i32
      %ge3A_136 = vector.broadcast %ge3A_135 : i32 to vector<16xi32>
      %ge3A_137 = arith.cmpi sge, %get3A_134, %ge3A_136 : vector<16xi32>
      %sub3A_138 = arith.constant 512 : i32
      %sub3A_139 = vector.broadcast %sub3A_138 : i32 to vector<16xi32>
      %sub3A_140 = arith.subi %get3A_134, %sub3A_139 : vector<16xi32>
      tpu.vector_store_idx %arg9[%add3A_47, %sub3A_140], %broadcast_in_dim3A_10 masked %ge3A_137 {add = true} : memref<128x512xf32, #tpu.memory_space<vmem>>[vector<16xi32>, vector<16xi32>], vector<16xf32>, vector<16xi1>
      %mul3A_141 = arith.constant 16 : i32
      %mul3A_142 = arith.muli %scan3A_43, %mul3A_141 : i32
      %get3A_143 = arith.constant 8 : i32
      %get3A_144 = arith.index_cast %get3A_143 : i32 to index
      %get3A_145 = arith.index_cast %mul3A_142 : i32 to index
      %get3A_146 = tpu.vector_load %arg8[%get3A_144, %get3A_145] {strides = array<i32>} : memref<32x128xi32, #tpu.memory_space<vmem>>, vector<16xi32>,
      %ge3A_147 = arith.constant 512 : i32
      %ge3A_148 = vector.broadcast %ge3A_147 : i32 to vector<16xi32>
      %ge3A_149 = arith.cmpi sge, %get3A_146, %ge3A_148 : vector<16xi32>
      %sub3A_150 = arith.constant 512 : i32
      %sub3A_151 = vector.broadcast %sub3A_150 : i32 to vector<16xi32>
      %sub3A_152 = arith.subi %get3A_146, %sub3A_151 : vector<16xi32>
      tpu.vector_store_idx %arg9[%add3A_47, %sub3A_152], %broadcast_in_dim3A_10 masked %ge3A_149 {add = true} : memref<128x512xf32, #tpu.memory_space<vmem>>[vector<16xi32>, vector<16xi32>], vector<16xf32>, vector<16xi1>
      %mul3A_153 = arith.constant 16 : i32
      %mul3A_154 = arith.muli %scan3A_43, %mul3A_153 : i32
      %get3A_155 = arith.constant 9 : i32
      %get3A_156 = arith.index_cast %get3A_155 : i32 to index
      %get3A_157 = arith.index_cast %mul3A_154 : i32 to index
      %get3A_158 = tpu.vector_load %arg8[%get3A_156, %get3A_157] {strides = array<i32>} : memref<32x128xi32, #tpu.memory_space<vmem>>, vector<16xi32>,
      %ge3A_159 = arith.constant 512 : i32
      %ge3A_160 = vector.broadcast %ge3A_159 : i32 to vector<16xi32>
      %ge3A_161 = arith.cmpi sge, %get3A_158, %ge3A_160 : vector<16xi32>
      %sub3A_162 = arith.constant 512 : i32
      %sub3A_163 = vector.broadcast %sub3A_162 : i32 to vector<16xi32>
      %sub3A_164 = arith.subi %get3A_158, %sub3A_163 : vector<16xi32>
      tpu.vector_store_idx %arg9[%add3A_47, %sub3A_164], %broadcast_in_dim3A_10 masked %ge3A_161 {add = true} : memref<128x512xf32, #tpu.memory_space<vmem>>[vector<16xi32>, vector<16xi32>], vector<16xf32>, vector<16xi1>
      %mul3A_165 = arith.constant 16 : i32
      %mul3A_166 = arith.muli %scan3A_43, %mul3A_165 : i32
      %get3A_167 = arith.constant 10 : i32
      %get3A_168 = arith.index_cast %get3A_167 : i32 to index
      %get3A_169 = arith.index_cast %mul3A_166 : i32 to index
      %get3A_170 = tpu.vector_load %arg8[%get3A_168, %get3A_169] {strides = array<i32>} : memref<32x128xi32, #tpu.memory_space<vmem>>, vector<16xi32>,
      %ge3A_171 = arith.constant 512 : i32
      %ge3A_172 = vector.broadcast %ge3A_171 : i32 to vector<16xi32>
      %ge3A_173 = arith.cmpi sge, %get3A_170, %ge3A_172 : vector<16xi32>
      %sub3A_174 = arith.constant 512 : i32
      %sub3A_175 = vector.broadcast %sub3A_174 : i32 to vector<16xi32>
      %sub3A_176 = arith.subi %get3A_170, %sub3A_175 : vector<16xi32>
      tpu.vector_store_idx %arg9[%add3A_47, %sub3A_176], %broadcast_in_dim3A_10 masked %ge3A_173 {add = true} : memref<128x512xf32, #tpu.memory_space<vmem>>[vector<16xi32>, vector<16xi32>], vector<16xf32>, vector<16xi1>
      %mul3A_177 = arith.constant 16 : i32
      %mul3A_178 = arith.muli %scan3A_43, %mul3A_177 : i32
      %get3A_179 = arith.constant 11 : i32
      %get3A_180 = arith.index_cast %get3A_179 : i32 to index
      %get3A_181 = arith.index_cast %mul3A_178 : i32 to index
      %get3A_182 = tpu.vector_load %arg8[%get3A_180, %get3A_181] {strides = array<i32>} : memref<32x128xi32, #tpu.memory_space<vmem>>, vector<16xi32>,
      %ge3A_183 = arith.constant 512 : i32
      %ge3A_184 = vector.broadcast %ge3A_183 : i32 to vector<16xi32>
      %ge3A_185 = arith.cmpi sge, %get3A_182, %ge3A_184 : vector<16xi32>
      %sub3A_186 = arith.constant 512 : i32
      %sub3A_187 = vector.broadcast %sub3A_186 : i32 to vector<16xi32>
      %sub3A_188 = arith.subi %get3A_182, %sub3A_187 : vector<16xi32>
      tpu.vector_store_idx %arg9[%add3A_47, %sub3A_188], %broadcast_in_dim3A_10 masked %ge3A_185 {add = true} : memref<128x512xf32, #tpu.memory_space<vmem>>[vector<16xi32>, vector<16xi32>], vector<16xf32>, vector<16xi1>
      %mul3A_189 = arith.constant 16 : i32
      %mul3A_190 = arith.muli %scan3A_43, %mul3A_189 : i32
      %get3A_191 = arith.constant 12 : i32
      %get3A_192 = arith.index_cast %get3A_191 : i32 to index
      %get3A_193 = arith.index_cast %mul3A_190 : i32 to index
      %get3A_194 = tpu.vector_load %arg8[%get3A_192, %get3A_193] {strides = array<i32>} : memref<32x128xi32, #tpu.memory_space<vmem>>, vector<16xi32>,
      %ge3A_195 = arith.constant 512 : i32
      %ge3A_196 = vector.broadcast %ge3A_195 : i32 to vector<16xi32>
      %ge3A_197 = arith.cmpi sge, %get3A_194, %ge3A_196 : vector<16xi32>
      %sub3A_198 = arith.constant 512 : i32
      %sub3A_199 = vector.broadcast %sub3A_198 : i32 to vector<16xi32>
      %sub3A_200 = arith.subi %get3A_194, %sub3A_199 : vector<16xi32>
      tpu.vector_store_idx %arg9[%add3A_47, %sub3A_200], %broadcast_in_dim3A_10 masked %ge3A_197 {add = true} : memref<128x512xf32, #tpu.memory_space<vmem>>[vector<16xi32>, vector<16xi32>], vector<16xf32>, vector<16xi1>
      %mul3A_201 = arith.constant 16 : i32
      %mul3A_202 = arith.muli %scan3A_43, %mul3A_201 : i32
      %get3A_203 = arith.constant 13 : i32
      %get3A_204 = arith.index_cast %get3A_203 : i32 to index
      %get3A_205 = arith.index_cast %mul3A_202 : i32 to index
      %get3A_206 = tpu.vector_load %arg8[%get3A_204, %get3A_205] {strides = array<i32>} : memref<32x128xi32, #tpu.memory_space<vmem>>, vector<16xi32>,
      %ge3A_207 = arith.constant 512 : i32
      %ge3A_208 = vector.broadcast %ge3A_207 : i32 to vector<16xi32>
      %ge3A_209 = arith.cmpi sge, %get3A_206, %ge3A_208 : vector<16xi32>
      %sub3A_210 = arith.constant 512 : i32
      %sub3A_211 = vector.broadcast %sub3A_210 : i32 to vector<16xi32>
      %sub3A_212 = arith.subi %get3A_206, %sub3A_211 : vector<16xi32>
      tpu.vector_store_idx %arg9[%add3A_47, %sub3A_212], %broadcast_in_dim3A_10 masked %ge3A_209 {add = true} : memref<128x512xf32, #tpu.memory_space<vmem>>[vector<16xi32>, vector<16xi32>], vector<16xf32>, vector<16xi1>
      %mul3A_213 = arith.constant 16 : i32
      %mul3A_214 = arith.muli %scan3A_43, %mul3A_213 : i32
      %get3A_215 = arith.constant 14 : i32
      %get3A_216 = arith.index_cast %get3A_215 : i32 to index
      %get3A_217 = arith.index_cast %mul3A_214 : i32 to index
      %get3A_218 = tpu.vector_load %arg8[%get3A_216, %get3A_217] {strides = array<i32>} : memref<32x128xi32, #tpu.memory_space<vmem>>, vector<16xi32>,
      %ge3A_219 = arith.constant 512 : i32
      %ge3A_220 = vector.broadcast %ge3A_219 : i32 to vector<16xi32>
      %ge3A_221 = arith.cmpi sge, %get3A_218, %ge3A_220 : vector<16xi32>
      %sub3A_222 = arith.constant 512 : i32
      %sub3A_223 = vector.broadcast %sub3A_222 : i32 to vector<16xi32>
      %sub3A_224 = arith.subi %get3A_218, %sub3A_223 : vector<16xi32>
      tpu.vector_store_idx %arg9[%add3A_47, %sub3A_224], %broadcast_in_dim3A_10 masked %ge3A_221 {add = true} : memref<128x512xf32, #tpu.memory_space<vmem>>[vector<16xi32>, vector<16xi32>], vector<16xf32>, vector<16xi1>
      %mul3A_225 = arith.constant 16 : i32
      %mul3A_226 = arith.muli %scan3A_43, %mul3A_225 : i32
      %get3A_227 = arith.constant 15 : i32
      %get3A_228 = arith.index_cast %get3A_227 : i32 to index
      %get3A_229 = arith.index_cast %mul3A_226 : i32 to index
      %get3A_230 = tpu.vector_load %arg8[%get3A_228, %get3A_229] {strides = array<i32>} : memref<32x128xi32, #tpu.memory_space<vmem>>, vector<16xi32>,
      %ge3A_231 = arith.constant 512 : i32
      %ge3A_232 = vector.broadcast %ge3A_231 : i32 to vector<16xi32>
      %ge3A_233 = arith.cmpi sge, %get3A_230, %ge3A_232 : vector<16xi32>
      %sub3A_234 = arith.constant 512 : i32
      %sub3A_235 = vector.broadcast %sub3A_234 : i32 to vector<16xi32>
      %sub3A_236 = arith.subi %get3A_230, %sub3A_235 : vector<16xi32>
      tpu.vector_store_idx %arg9[%add3A_47, %sub3A_236], %broadcast_in_dim3A_10 masked %ge3A_233 {add = true} : memref<128x512xf32, #tpu.memory_space<vmem>>[vector<16xi32>, vector<16xi32>], vector<16xf32>, vector<16xi1>
      %mul3A_237 = arith.constant 16 : i32
      %mul3A_238 = arith.muli %scan3A_43, %mul3A_237 : i32
      %get3A_239 = arith.constant 16 : i32
      %get3A_240 = arith.index_cast %get3A_239 : i32 to index
      %get3A_241 = arith.index_cast %mul3A_238 : i32 to index
      %get3A_242 = tpu.vector_load %arg8[%get3A_240, %get3A_241] {strides = array<i32>} : memref<32x128xi32, #tpu.memory_space<vmem>>, vector<16xi32>,
      %ge3A_243 = arith.constant 512 : i32
      %ge3A_244 = vector.broadcast %ge3A_243 : i32 to vector<16xi32>
      %ge3A_245 = arith.cmpi sge, %get3A_242, %ge3A_244 : vector<16xi32>
      %sub3A_246 = arith.constant 512 : i32
      %sub3A_247 = vector.broadcast %sub3A_246 : i32 to vector<16xi32>
      %sub3A_248 = arith.subi %get3A_242, %sub3A_247 : vector<16xi32>
      tpu.vector_store_idx %arg9[%add3A_47, %sub3A_248], %broadcast_in_dim3A_10 masked %ge3A_245 {add = true} : memref<128x512xf32, #tpu.memory_space<vmem>>[vector<16xi32>, vector<16xi32>], vector<16xf32>, vector<16xi1>
      %mul3A_249 = arith.constant 16 : i32
      %mul3A_250 = arith.muli %scan3A_43, %mul3A_249 : i32
      %get3A_251 = arith.constant 17 : i32
      %get3A_252 = arith.index_cast %get3A_251 : i32 to index
      %get3A_253 = arith.index_cast %mul3A_250 : i32 to index
      %get3A_254 = tpu.vector_load %arg8[%get3A_252, %get3A_253] {strides = array<i32>} : memref<32x128xi32, #tpu.memory_space<vmem>>, vector<16xi32>,
      %ge3A_255 = arith.constant 512 : i32
      %ge3A_256 = vector.broadcast %ge3A_255 : i32 to vector<16xi32>
      %ge3A_257 = arith.cmpi sge, %get3A_254, %ge3A_256 : vector<16xi32>
      %sub3A_258 = arith.constant 512 : i32
      %sub3A_259 = vector.broadcast %sub3A_258 : i32 to vector<16xi32>
      %sub3A_260 = arith.subi %get3A_254, %sub3A_259 : vector<16xi32>
      tpu.vector_store_idx %arg9[%add3A_47, %sub3A_260], %broadcast_in_dim3A_10 masked %ge3A_257 {add = true} : memref<128x512xf32, #tpu.memory_space<vmem>>[vector<16xi32>, vector<16xi32>], vector<16xf32>, vector<16xi1>
      %mul3A_261 = arith.constant 16 : i32
      %mul3A_262 = arith.muli %scan3A_43, %mul3A_261 : i32
      %get3A_263 = arith.constant 18 : i32
      %get3A_264 = arith.index_cast %get3A_263 : i32 to index
      %get3A_265 = arith.index_cast %mul3A_262 : i32 to index
      %get3A_266 = tpu.vector_load %arg8[%get3A_264, %get3A_265] {strides = array<i32>} : memref<32x128xi32, #tpu.memory_space<vmem>>, vector<16xi32>,
      %ge3A_267 = arith.constant 512 : i32
      %ge3A_268 = vector.broadcast %ge3A_267 : i32 to vector<16xi32>
      %ge3A_269 = arith.cmpi sge, %get3A_266, %ge3A_268 : vector<16xi32>
      %sub3A_270 = arith.constant 512 : i32
      %sub3A_271 = vector.broadcast %sub3A_270 : i32 to vector<16xi32>
      %sub3A_272 = arith.subi %get3A_266, %sub3A_271 : vector<16xi32>
      tpu.vector_store_idx %arg9[%add3A_47, %sub3A_272], %broadcast_in_dim3A_10 masked %ge3A_269 {add = true} : memref<128x512xf32, #tpu.memory_space<vmem>>[vector<16xi32>, vector<16xi32>], vector<16xf32>, vector<16xi1>
      %mul3A_273 = arith.constant 16 : i32
      %mul3A_274 = arith.muli %scan3A_43, %mul3A_273 : i32
      %get3A_275 = arith.constant 19 : i32
      %get3A_276 = arith.index_cast %get3A_275 : i32 to index
      %get3A_277 = arith.index_cast %mul3A_274 : i32 to index
      %get3A_278 = tpu.vector_load %arg8[%get3A_276, %get3A_277] {strides = array<i32>} : memref<32x128xi32, #tpu.memory_space<vmem>>, vector<16xi32>,
      %ge3A_279 = arith.constant 512 : i32
      %ge3A_280 = vector.broadcast %ge3A_279 : i32 to vector<16xi32>
      %ge3A_281 = arith.cmpi sge, %get3A_278, %ge3A_280 : vector<16xi32>
      %sub3A_282 = arith.constant 512 : i32
      %sub3A_283 = vector.broadcast %sub3A_282 : i32 to vector<16xi32>
      %sub3A_284 = arith.subi %get3A_278, %sub3A_283 : vector<16xi32>
      tpu.vector_store_idx %arg9[%add3A_47, %sub3A_284], %broadcast_in_dim3A_10 masked %ge3A_281 {add = true} : memref<128x512xf32, #tpu.memory_space<vmem>>[vector<16xi32>, vector<16xi32>], vector<16xf32>, vector<16xi1>
      %mul3A_285 = arith.constant 16 : i32
      %mul3A_286 = arith.muli %scan3A_43, %mul3A_285 : i32
      %get3A_287 = arith.constant 20 : i32
      %get3A_288 = arith.index_cast %get3A_287 : i32 to index
      %get3A_289 = arith.index_cast %mul3A_286 : i32 to index
      %get3A_290 = tpu.vector_load %arg8[%get3A_288, %get3A_289] {strides = array<i32>} : memref<32x128xi32, #tpu.memory_space<vmem>>, vector<16xi32>,
      %ge3A_291 = arith.constant 512 : i32
      %ge3A_292 = vector.broadcast %ge3A_291 : i32 to vector<16xi32>
      %ge3A_293 = arith.cmpi sge, %get3A_290, %ge3A_292 : vector<16xi32>
      %sub3A_294 = arith.constant 512 : i32
      %sub3A_295 = vector.broadcast %sub3A_294 : i32 to vector<16xi32>
      %sub3A_296 = arith.subi %get3A_290, %sub3A_295 : vector<16xi32>
      tpu.vector_store_idx %arg9[%add3A_47, %sub3A_296], %broadcast_in_dim3A_10 masked %ge3A_293 {add = true} : memref<128x512xf32, #tpu.memory_space<vmem>>[vector<16xi32>, vector<16xi32>], vector<16xf32>, vector<16xi1>
      %mul3A_297 = arith.constant 16 : i32
      %mul3A_298 = arith.muli %scan3A_43, %mul3A_297 : i32
      %get3A_299 = arith.constant 21 : i32
      %get3A_300 = arith.index_cast %get3A_299 : i32 to index
      %get3A_301 = arith.index_cast %mul3A_298 : i32 to index
      %get3A_302 = tpu.vector_load %arg8[%get3A_300, %get3A_301] {strides = array<i32>} : memref<32x128xi32, #tpu.memory_space<vmem>>, vector<16xi32>,
      %ge3A_303 = arith.constant 512 : i32
      %ge3A_304 = vector.broadcast %ge3A_303 : i32 to vector<16xi32>
      %ge3A_305 = arith.cmpi sge, %get3A_302, %ge3A_304 : vector<16xi32>
      %sub3A_306 = arith.constant 512 : i32
      %sub3A_307 = vector.broadcast %sub3A_306 : i32 to vector<16xi32>
      %sub3A_308 = arith.subi %get3A_302, %sub3A_307 : vector<16xi32>
      tpu.vector_store_idx %arg9[%add3A_47, %sub3A_308], %broadcast_in_dim3A_10 masked %ge3A_305 {add = true} : memref<128x512xf32, #tpu.memory_space<vmem>>[vector<16xi32>, vector<16xi32>], vector<16xf32>, vector<16xi1>
      %mul3A_309 = arith.constant 16 : i32
      %mul3A_310 = arith.muli %scan3A_43, %mul3A_309 : i32
      %get3A_311 = arith.constant 22 : i32
      %get3A_312 = arith.index_cast %get3A_311 : i32 to index
      %get3A_313 = arith.index_cast %mul3A_310 : i32 to index
      %get3A_314 = tpu.vector_load %arg8[%get3A_312, %get3A_313] {strides = array<i32>} : memref<32x128xi32, #tpu.memory_space<vmem>>, vector<16xi32>,
      %ge3A_315 = arith.constant 512 : i32
      %ge3A_316 = vector.broadcast %ge3A_315 : i32 to vector<16xi32>
      %ge3A_317 = arith.cmpi sge, %get3A_314, %ge3A_316 : vector<16xi32>
      %sub3A_318 = arith.constant 512 : i32
      %sub3A_319 = vector.broadcast %sub3A_318 : i32 to vector<16xi32>
      %sub3A_320 = arith.subi %get3A_314, %sub3A_319 : vector<16xi32>
      tpu.vector_store_idx %arg9[%add3A_47, %sub3A_320], %broadcast_in_dim3A_10 masked %ge3A_317 {add = true} : memref<128x512xf32, #tpu.memory_space<vmem>>[vector<16xi32>, vector<16xi32>], vector<16xf32>, vector<16xi1>
      %mul3A_321 = arith.constant 16 : i32
      %mul3A_322 = arith.muli %scan3A_43, %mul3A_321 : i32
      %get3A_323 = arith.constant 23 : i32
      %get3A_324 = arith.index_cast %get3A_323 : i32 to index
      %get3A_325 = arith.index_cast %mul3A_322 : i32 to index
      %get3A_326 = tpu.vector_load %arg8[%get3A_324, %get3A_325] {strides = array<i32>} : memref<32x128xi32, #tpu.memory_space<vmem>>, vector<16xi32>,
      %ge3A_327 = arith.constant 512 : i32
      %ge3A_328 = vector.broadcast %ge3A_327 : i32 to vector<16xi32>
      %ge3A_329 = arith.cmpi sge, %get3A_326, %ge3A_328 : vector<16xi32>
      %sub3A_330 = arith.constant 512 : i32
      %sub3A_331 = vector.broadcast %sub3A_330 : i32 to vector<16xi32>
      %sub3A_332 = arith.subi %get3A_326, %sub3A_331 : vector<16xi32>
      tpu.vector_store_idx %arg9[%add3A_47, %sub3A_332], %broadcast_in_dim3A_10 masked %ge3A_329 {add = true} : memref<128x512xf32, #tpu.memory_space<vmem>>[vector<16xi32>, vector<16xi32>], vector<16xf32>, vector<16xi1>
      %mul3A_333 = arith.constant 16 : i32
      %mul3A_334 = arith.muli %scan3A_43, %mul3A_333 : i32
      %get3A_335 = arith.constant 24 : i32
      %get3A_336 = arith.index_cast %get3A_335 : i32 to index
      %get3A_337 = arith.index_cast %mul3A_334 : i32 to index
      %get3A_338 = tpu.vector_load %arg8[%get3A_336, %get3A_337] {strides = array<i32>} : memref<32x128xi32, #tpu.memory_space<vmem>>, vector<16xi32>,
      %ge3A_339 = arith.constant 512 : i32
      %ge3A_340 = vector.broadcast %ge3A_339 : i32 to vector<16xi32>
      %ge3A_341 = arith.cmpi sge, %get3A_338, %ge3A_340 : vector<16xi32>
      %sub3A_342 = arith.constant 512 : i32
      %sub3A_343 = vector.broadcast %sub3A_342 : i32 to vector<16xi32>
      %sub3A_344 = arith.subi %get3A_338, %sub3A_343 : vector<16xi32>
      tpu.vector_store_idx %arg9[%add3A_47, %sub3A_344], %broadcast_in_dim3A_10 masked %ge3A_341 {add = true} : memref<128x512xf32, #tpu.memory_space<vmem>>[vector<16xi32>, vector<16xi32>], vector<16xf32>, vector<16xi1>
      %mul3A_345 = arith.constant 16 : i32
      %mul3A_346 = arith.muli %scan3A_43, %mul3A_345 : i32
      %get3A_347 = arith.constant 25 : i32
      %get3A_348 = arith.index_cast %get3A_347 : i32 to index
      %get3A_349 = arith.index_cast %mul3A_346 : i32 to index
      %get3A_350 = tpu.vector_load %arg8[%get3A_348, %get3A_349] {strides = array<i32>} : memref<32x128xi32, #tpu.memory_space<vmem>>, vector<16xi32>,
      %ge3A_351 = arith.constant 512 : i32
      %ge3A_352 = vector.broadcast %ge3A_351 : i32 to vector<16xi32>
      %ge3A_353 = arith.cmpi sge, %get3A_350, %ge3A_352 : vector<16xi32>
      %sub3A_354 = arith.constant 512 : i32
      %sub3A_355 = vector.broadcast %sub3A_354 : i32 to vector<16xi32>
      %sub3A_356 = arith.subi %get3A_350, %sub3A_355 : vector<16xi32>
      tpu.vector_store_idx %arg9[%add3A_47, %sub3A_356], %broadcast_in_dim3A_10 masked %ge3A_353 {add = true} : memref<128x512xf32, #tpu.memory_space<vmem>>[vector<16xi32>, vector<16xi32>], vector<16xf32>, vector<16xi1>
      %mul3A_357 = arith.constant 16 : i32
      %mul3A_358 = arith.muli %scan3A_43, %mul3A_357 : i32
      %get3A_359 = arith.constant 26 : i32
      %get3A_360 = arith.index_cast %get3A_359 : i32 to index
      %get3A_361 = arith.index_cast %mul3A_358 : i32 to index
      %get3A_362 = tpu.vector_load %arg8[%get3A_360, %get3A_361] {strides = array<i32>} : memref<32x128xi32, #tpu.memory_space<vmem>>, vector<16xi32>,
      %ge3A_363 = arith.constant 512 : i32
      %ge3A_364 = vector.broadcast %ge3A_363 : i32 to vector<16xi32>
      %ge3A_365 = arith.cmpi sge, %get3A_362, %ge3A_364 : vector<16xi32>
      %sub3A_366 = arith.constant 512 : i32
      %sub3A_367 = vector.broadcast %sub3A_366 : i32 to vector<16xi32>
      %sub3A_368 = arith.subi %get3A_362, %sub3A_367 : vector<16xi32>
      tpu.vector_store_idx %arg9[%add3A_47, %sub3A_368], %broadcast_in_dim3A_10 masked %ge3A_365 {add = true} : memref<128x512xf32, #tpu.memory_space<vmem>>[vector<16xi32>, vector<16xi32>], vector<16xf32>, vector<16xi1>
      %mul3A_369 = arith.constant 16 : i32
      %mul3A_370 = arith.muli %scan3A_43, %mul3A_369 : i32
      %get3A_371 = arith.constant 27 : i32
      %get3A_372 = arith.index_cast %get3A_371 : i32 to index
      %get3A_373 = arith.index_cast %mul3A_370 : i32 to index
      %get3A_374 = tpu.vector_load %arg8[%get3A_372, %get3A_373] {strides = array<i32>} : memref<32x128xi32, #tpu.memory_space<vmem>>, vector<16xi32>,
      %ge3A_375 = arith.constant 512 : i32
      %ge3A_376 = vector.broadcast %ge3A_375 : i32 to vector<16xi32>
      %ge3A_377 = arith.cmpi sge, %get3A_374, %ge3A_376 : vector<16xi32>
      %sub3A_378 = arith.constant 512 : i32
      %sub3A_379 = vector.broadcast %sub3A_378 : i32 to vector<16xi32>
      %sub3A_380 = arith.subi %get3A_374, %sub3A_379 : vector<16xi32>
      tpu.vector_store_idx %arg9[%add3A_47, %sub3A_380], %broadcast_in_dim3A_10 masked %ge3A_377 {add = true} : memref<128x512xf32, #tpu.memory_space<vmem>>[vector<16xi32>, vector<16xi32>], vector<16xf32>, vector<16xi1>
      %mul3A_381 = arith.constant 16 : i32
      %mul3A_382 = arith.muli %scan3A_43, %mul3A_381 : i32
      %get3A_383 = arith.constant 28 : i32
      %get3A_384 = arith.index_cast %get3A_383 : i32 to index
      %get3A_385 = arith.index_cast %mul3A_382 : i32 to index
      %get3A_386 = tpu.vector_load %arg8[%get3A_384, %get3A_385] {strides = array<i32>} : memref<32x128xi32, #tpu.memory_space<vmem>>, vector<16xi32>,
      %ge3A_387 = arith.constant 512 : i32
      %ge3A_388 = vector.broadcast %ge3A_387 : i32 to vector<16xi32>
      %ge3A_389 = arith.cmpi sge, %get3A_386, %ge3A_388 : vector<16xi32>
      %sub3A_390 = arith.constant 512 : i32
      %sub3A_391 = vector.broadcast %sub3A_390 : i32 to vector<16xi32>
      %sub3A_392 = arith.subi %get3A_386, %sub3A_391 : vector<16xi32>
      tpu.vector_store_idx %arg9[%add3A_47, %sub3A_392], %broadcast_in_dim3A_10 masked %ge3A_389 {add = true} : memref<128x512xf32, #tpu.memory_space<vmem>>[vector<16xi32>, vector<16xi32>], vector<16xf32>, vector<16xi1>
      %mul3A_393 = arith.constant 16 : i32
      %mul3A_394 = arith.muli %scan3A_43, %mul3A_393 : i32
      %get3A_395 = arith.constant 29 : i32
      %get3A_396 = arith.index_cast %get3A_395 : i32 to index
      %get3A_397 = arith.index_cast %mul3A_394 : i32 to index
      %get3A_398 = tpu.vector_load %arg8[%get3A_396, %get3A_397] {strides = array<i32>} : memref<32x128xi32, #tpu.memory_space<vmem>>, vector<16xi32>,
      %ge3A_399 = arith.constant 512 : i32
      %ge3A_400 = vector.broadcast %ge3A_399 : i32 to vector<16xi32>
      %ge3A_401 = arith.cmpi sge, %get3A_398, %ge3A_400 : vector<16xi32>
      %sub3A_402 = arith.constant 512 : i32
      %sub3A_403 = vector.broadcast %sub3A_402 : i32 to vector<16xi32>
      %sub3A_404 = arith.subi %get3A_398, %sub3A_403 : vector<16xi32>
      tpu.vector_store_idx %arg9[%add3A_47, %sub3A_404], %broadcast_in_dim3A_10 masked %ge3A_401 {add = true} : memref<128x512xf32, #tpu.memory_space<vmem>>[vector<16xi32>, vector<16xi32>], vector<16xf32>, vector<16xi1>
      %mul3A_405 = arith.constant 16 : i32
      %mul3A_406 = arith.muli %scan3A_43, %mul3A_405 : i32
      %get3A_407 = arith.constant 30 : i32
      %get3A_408 = arith.index_cast %get3A_407 : i32 to index
      %get3A_409 = arith.index_cast %mul3A_406 : i32 to index
      %get3A_410 = tpu.vector_load %arg8[%get3A_408, %get3A_409] {strides = array<i32>} : memref<32x128xi32, #tpu.memory_space<vmem>>, vector<16xi32>,
      %ge3A_411 = arith.constant 512 : i32
      %ge3A_412 = vector.broadcast %ge3A_411 : i32 to vector<16xi32>
      %ge3A_413 = arith.cmpi sge, %get3A_410, %ge3A_412 : vector<16xi32>
      %sub3A_414 = arith.constant 512 : i32
      %sub3A_415 = vector.broadcast %sub3A_414 : i32 to vector<16xi32>
      %sub3A_416 = arith.subi %get3A_410, %sub3A_415 : vector<16xi32>
      tpu.vector_store_idx %arg9[%add3A_47, %sub3A_416], %broadcast_in_dim3A_10 masked %ge3A_413 {add = true} : memref<128x512xf32, #tpu.memory_space<vmem>>[vector<16xi32>, vector<16xi32>], vector<16xf32>, vector<16xi1>
      %mul3A_417 = arith.constant 16 : i32
      %mul3A_418 = arith.muli %scan3A_43, %mul3A_417 : i32
      %get3A_419 = arith.constant 31 : i32
      %get3A_420 = arith.index_cast %get3A_419 : i32 to index
      %get3A_421 = arith.index_cast %mul3A_418 : i32 to index
      %get3A_422 = tpu.vector_load %arg8[%get3A_420, %get3A_421] {strides = array<i32>} : memref<32x128xi32, #tpu.memory_space<vmem>>, vector<16xi32>,
      %ge3A_423 = arith.constant 512 : i32
      %ge3A_424 = vector.broadcast %ge3A_423 : i32 to vector<16xi32>
      %ge3A_425 = arith.cmpi sge, %get3A_422, %ge3A_424 : vector<16xi32>
      %sub3A_426 = arith.constant 512 : i32
      %sub3A_427 = vector.broadcast %sub3A_426 : i32 to vector<16xi32>
      %sub3A_428 = arith.subi %get3A_422, %sub3A_427 : vector<16xi32>
      tpu.vector_store_idx %arg9[%add3A_47, %sub3A_428], %broadcast_in_dim3A_10 masked %ge3A_425 {add = true} : memref<128x512xf32, #tpu.memory_space<vmem>>[vector<16xi32>, vector<16xi32>], vector<16xf32>, vector<16xi1>
    }
    %scan3A_42 = arith.constant 8 : i32
    "tpu.region"() ({
      %run_scoped3A = tpu.sem_alloc : memref<!tpu.dma_semaphore, #tpu.memory_space<semaphore_mem>>
      %dma_start3A = arith.constant 0 : i32
      %dma_start3A_43 = tpu.memref_slice %arg6[%mul3A_2, %dma_start3A] : memref<4096x512xf32, #tpu.memory_space<hbm>> -> memref<128x512xf32, #tpu.memory_space<hbm>>
      %dma_start3A_44 = arith.constant 0 : i32
      %dma_start3A_45 = tpu.memref_slice %arg6[%mul3A_2, %dma_start3A_44] : memref<4096x512xf32, #tpu.memory_space<hbm>> -> memref<128x512xf32, #tpu.memory_space<hbm>>
      tpu.enqueue_dma source(%arg9 : memref<128x512xf32, #tpu.memory_space<vmem>>) target(%dma_start3A_45 : memref<128x512xf32, #tpu.memory_space<hbm>>) target_semaphore(%run_scoped3A : memref<!tpu.dma_semaphore, #tpu.memory_space<semaphore_mem>>)
      %dma_wait3A = arith.constant 0 : i32
      %dma_wait3A_46 = tpu.memref_slice %arg6[%mul3A_2, %dma_wait3A] : memref<4096x512xf32, #tpu.memory_space<hbm>> -> memref<128x512xf32, #tpu.memory_space<hbm>>
      %dma_wait3A_47 = arith.constant 0 : i32
      %dma_wait3A_48 = tpu.memref_slice %arg6[%mul3A_2, %dma_wait3A_47] : memref<4096x512xf32, #tpu.memory_space<hbm>> -> memref<128x512xf32, #tpu.memory_space<hbm>>
      tpu.wait_dma2 semaphore(%run_scoped3A : memref<!tpu.dma_semaphore, #tpu.memory_space<semaphore_mem>>) src(%arg9 : memref<128x512xf32, #tpu.memory_space<vmem>>) dst(%dma_wait3A_48 : memref<128x512xf32, #tpu.memory_space<hbm>>)
      tpu.yield
    }) : () -> ()
    return
  }
}

module attributes {stable_mosaic.version = 14 : i64} {
  func.func @_proj_body(%arg0: i32, %arg1: memref<1x512x256xf32, #tpu.memory_space<vmem>>, %arg2: memref<1x512x256xf32, #tpu.memory_space<vmem>>, %arg3: memref<1x512x32xi32, #tpu.memory_space<vmem>>, %arg4: memref<1x512x32xi32, #tpu.memory_space<vmem>>, %arg5: memref<256x256xf32, #tpu.memory_space<vmem>>, %arg6: memref<1x256xf32, #tpu.memory_space<vmem>>, %arg7: memref<256x256xf32, #tpu.memory_space<vmem>>, %arg8: memref<1x256xf32, #tpu.memory_space<vmem>>, %arg9: memref<256x256xf32, #tpu.memory_space<vmem>>, %arg10: memref<256x256xf32, #tpu.memory_space<vmem>>, %arg11: memref<1x512x256xbf16, #tpu.memory_space<vmem>>, %arg12: memref<1x512x256xbf16, #tpu.memory_space<vmem>>, %arg13: memref<1x512x256xbf16, #tpu.memory_space<vmem>>) attributes {dimension_semantics = [#tpu.dimension_semantics<arbitrary>], iteration_bounds = array<i64: 8>, scalar_prefetch = 0 : i64, scratch_operands = 0 : i64, tpu.core_type = #tpu.core_type<tc>, window_params = [{transform_indices = @transform_0, window_bounds = array<i64: 1, 512, 256>}, {transform_indices = @transform_1, window_bounds = array<i64: 1, 512, 256>}, {transform_indices = @transform_2, window_bounds = array<i64: 1, 512, 32>}, {transform_indices = @transform_3, window_bounds = array<i64: 1, 512, 32>}, {pipeline_mode = #tpu.pipeline_mode<synchronous>, transform_indices = @transform_4, window_bounds = array<i64: 256, 256>}, {pipeline_mode = #tpu.pipeline_mode<synchronous>, transform_indices = @transform_5, window_bounds = array<i64: 1, 256>}, {pipeline_mode = #tpu.pipeline_mode<synchronous>, transform_indices = @transform_6, window_bounds = array<i64: 256, 256>}, {pipeline_mode = #tpu.pipeline_mode<synchronous>, transform_indices = @transform_7, window_bounds = array<i64: 1, 256>}, {pipeline_mode = #tpu.pipeline_mode<synchronous>, transform_indices = @transform_8, window_bounds = array<i64: 256, 256>}, {pipeline_mode = #tpu.pipeline_mode<synchronous>, transform_indices = @transform_9, window_bounds = array<i64: 256, 256>}, {transform_indices = @transform_10, window_bounds = array<i64: 1, 512, 256>}, {transform_indices = @transform_11, window_bounds = array<i64: 1, 512, 256>}, {transform_indices = @transform_12, window_bounds = array<i64: 1, 512, 256>}]} {
    %get3A = arith.constant 0 : index
    %get3A_0 = arith.constant 0 : index
    %get3A_1 = arith.constant 0 : index
    %get3A_2 = vector.load %arg3[%get3A, %get3A_0, %get3A_1] : memref<1x512x32xi32, #tpu.memory_space<vmem>>, vector<1x512x32xi32>
    %get3A_3 = vector.shape_cast %get3A_2 : vector<1x512x32xi32> to vector<512x32xi32>
    %get3A_4 = arith.constant 0 : index
    %get3A_5 = arith.constant 0 : index
    %get3A_6 = arith.constant 0 : index
    %get3A_7 = vector.load %arg4[%get3A_4, %get3A_5, %get3A_6] : memref<1x512x32xi32, #tpu.memory_space<vmem>>, vector<1x512x32xi32>
    %get3A_8 = vector.shape_cast %get3A_7 : vector<1x512x32xi32> to vector<512x32xi32>
    %reduce_sum3A = arith.constant dense<0> : vector<512xi32>
    %reduce_sum3A_9 = vector.multi_reduction <add>, %get3A_3, %reduce_sum3A [1] : vector<512x32xi32> to vector<512xi32>
    %ne3A = arith.constant 0 : i32
    %ne3A_10 = vector.broadcast %ne3A : i32 to vector<512xi32>
    %ne3A_11 = arith.cmpi ne, %reduce_sum3A_9, %ne3A_10 : vector<512xi32>
    %convert_element_type3A = arith.extui %ne3A_11 : vector<512xi1> to vector<512xi32>
    %convert_element_type3A_12 = arith.sitofp %convert_element_type3A : vector<512xi32> to vector<512xf32>
    %broadcast_in_dim3A = vector.shape_cast %convert_element_type3A_12 : vector<512xf32> to vector<512x1xf32>
    %reduce_sum3A_13 = arith.constant dense<0> : vector<512xi32>
    %reduce_sum3A_14 = vector.multi_reduction <add>, %get3A_8, %reduce_sum3A_13 [1] : vector<512x32xi32> to vector<512xi32>
    %ne3A_15 = arith.constant 0 : i32
    %ne3A_16 = vector.broadcast %ne3A_15 : i32 to vector<512xi32>
    %ne3A_17 = arith.cmpi ne, %reduce_sum3A_14, %ne3A_16 : vector<512xi32>
    %convert_element_type3A_18 = arith.extui %ne3A_17 : vector<512xi1> to vector<512xi32>
    %convert_element_type3A_19 = arith.sitofp %convert_element_type3A_18 : vector<512xi32> to vector<512xf32>
    %broadcast_in_dim3A_20 = vector.shape_cast %convert_element_type3A_19 : vector<512xf32> to vector<512x1xf32>
    %get3A_21 = arith.constant 0 : index
    %get3A_22 = arith.constant 0 : index
    %get3A_23 = arith.constant 0 : index
    %get3A_24 = vector.load %arg1[%get3A_21, %get3A_22, %get3A_23] : memref<1x512x256xf32, #tpu.memory_space<vmem>>, vector<1x512x256xf32>
    %get3A_25 = vector.shape_cast %get3A_24 : vector<1x512x256xf32> to vector<512x256xf32>
    %get3A_26 = arith.constant 0 : index
    %get3A_27 = arith.constant 0 : index
    %get3A_28 = vector.load %arg5[%get3A_26, %get3A_27] : memref<256x256xf32, #tpu.memory_space<vmem>>, vector<256x256xf32>
    %convert_element_type3A_29 = arith.truncf %get3A_25 : vector<512x256xf32> to vector<512x256xbf16>
    %convert_element_type3A_30 = arith.truncf %get3A_28 : vector<256x256xf32> to vector<256x256xbf16>
    %dot_general3A = arith.constant dense<0.000000e+00> : vector<512x256xf32>
    %dot_general3A_31 = tpu.matmul %convert_element_type3A_29, %convert_element_type3A_30, %dot_general3A {dimension_numbers = #tpu.dot_dimension_numbers<[1], [0], [0], [1], [0, 0, 1, 1], [], []>, transpose_lhs_hint = false} : vector<512x256xbf16>, vector<256x256xbf16>, vector<512x256xf32> -> vector<512x256xf32>
    %get3A_32 = arith.constant 0 : index
    %get3A_33 = arith.constant 0 : index
    %get3A_34 = vector.load %arg6[%get3A_32, %get3A_33] : memref<1x256xf32, #tpu.memory_space<vmem>>, vector<1x256xf32>
    %add3A = vector.broadcast %get3A_34 : vector<1x256xf32> to vector<512x256xf32>
    %add3A_35 = arith.addf %dot_general3A_31, %add3A : vector<512x256xf32>
    %tanh3A = math.tanh %add3A_35 : vector<512x256xf32>
    %mul3A = vector.broadcast %broadcast_in_dim3A : vector<512x1xf32> to vector<512x256xf32>
    %mul3A_36 = arith.mulf %tanh3A, %mul3A : vector<512x256xf32>
    %iota3A = tpu.iota {dimensions = array<i32: 0>} : vector<512x1xi32>
    %eq3A = arith.constant 1 : i32
    %eq3A_37 = vector.broadcast %eq3A : i32 to vector<512x1xi32>
    %eq3A_38 = arith.cmpi eq, %iota3A, %eq3A_37 : vector<512x1xi32>
    %jit3A = arith.constant 1.000000e+00 : f32
    %broadcast_in_dim3A_39 = vector.shape_cast %eq3A_38 : vector<512x1xi1> to vector<512x1xi1>
    %broadcast_in_dim3A_40 = vector.broadcast %broadcast_in_dim3A_39 : vector<512x1xi1> to vector<512x256xi1>
    %broadcast_in_dim3A_41 = vector.broadcast %jit3A : f32 to vector<512x256xf32>
    %select_n3A = arith.select %broadcast_in_dim3A_40, %broadcast_in_dim3A_41, %mul3A_36 : vector<512x256xi1>, vector<512x256xf32>
    %get3A_42 = arith.constant 0 : index
    %get3A_43 = arith.constant 0 : index
    %get3A_44 = arith.constant 0 : index
    %get3A_45 = vector.load %arg2[%get3A_42, %get3A_43, %get3A_44] : memref<1x512x256xf32, #tpu.memory_space<vmem>>, vector<1x512x256xf32>
    %get3A_46 = vector.shape_cast %get3A_45 : vector<1x512x256xf32> to vector<512x256xf32>
    %get3A_47 = arith.constant 0 : index
    %get3A_48 = arith.constant 0 : index
    %get3A_49 = vector.load %arg7[%get3A_47, %get3A_48] : memref<256x256xf32, #tpu.memory_space<vmem>>, vector<256x256xf32>
    %convert_element_type3A_50 = arith.truncf %get3A_46 : vector<512x256xf32> to vector<512x256xbf16>
    %convert_element_type3A_51 = arith.truncf %get3A_49 : vector<256x256xf32> to vector<256x256xbf16>
    %dot_general3A_52 = arith.constant dense<0.000000e+00> : vector<512x256xf32>
    %dot_general3A_53 = tpu.matmul %convert_element_type3A_50, %convert_element_type3A_51, %dot_general3A_52 {dimension_numbers = #tpu.dot_dimension_numbers<[1], [0], [0], [1], [0, 0, 1, 1], [], []>, transpose_lhs_hint = false} : vector<512x256xbf16>, vector<256x256xbf16>, vector<512x256xf32> -> vector<512x256xf32>
    %get3A_54 = arith.constant 0 : index
    %get3A_55 = arith.constant 0 : index
    %get3A_56 = vector.load %arg8[%get3A_54, %get3A_55] : memref<1x256xf32, #tpu.memory_space<vmem>>, vector<1x256xf32>
    %add3A_57 = vector.broadcast %get3A_56 : vector<1x256xf32> to vector<512x256xf32>
    %add3A_58 = arith.addf %dot_general3A_53, %add3A_57 : vector<512x256xf32>
    %tanh3A_59 = math.tanh %add3A_58 : vector<512x256xf32>
    %mul3A_60 = vector.broadcast %broadcast_in_dim3A_20 : vector<512x1xf32> to vector<512x256xf32>
    %mul3A_61 = arith.mulf %tanh3A_59, %mul3A_60 : vector<512x256xf32>
    %convert_element_type3A_62 = arith.truncf %select_n3A : vector<512x256xf32> to vector<512x256xbf16>
    %broadcast_in_dim3A_63 = vector.shape_cast %convert_element_type3A_62 : vector<512x256xbf16> to vector<1x512x256xbf16>
    %swap3A = arith.constant 0 : index
    %swap3A_64 = arith.constant 0 : index
    %swap3A_65 = arith.constant 0 : index
    %swap3A_66 = vector.load %arg11[%swap3A, %swap3A_64, %swap3A_65] : memref<1x512x256xbf16, #tpu.memory_space<vmem>>, vector<1x512x256xbf16>
    tpu.vector_store %arg11[%swap3A, %swap3A_64, %swap3A_65], %broadcast_in_dim3A_63 {strides = array<i32>} : memref<1x512x256xbf16, #tpu.memory_space<vmem>>, vector<1x512x256xbf16>,
    %get3A_67 = arith.constant 0 : index
    %get3A_68 = arith.constant 0 : index
    %get3A_69 = vector.load %arg9[%get3A_67, %get3A_68] : memref<256x256xf32, #tpu.memory_space<vmem>>, vector<256x256xf32>
    %convert_element_type3A_70 = arith.truncf %mul3A_61 : vector<512x256xf32> to vector<512x256xbf16>
    %convert_element_type3A_71 = arith.truncf %get3A_69 : vector<256x256xf32> to vector<256x256xbf16>
    %dot_general3A_72 = arith.constant dense<0.000000e+00> : vector<512x256xf32>
    %dot_general3A_73 = tpu.matmul %convert_element_type3A_70, %convert_element_type3A_71, %dot_general3A_72 {dimension_numbers = #tpu.dot_dimension_numbers<[1], [0], [0], [1], [0, 0, 1, 1], [], []>, transpose_lhs_hint = false} : vector<512x256xbf16>, vector<256x256xbf16>, vector<512x256xf32> -> vector<512x256xf32>
    %convert_element_type3A_74 = arith.truncf %dot_general3A_73 : vector<512x256xf32> to vector<512x256xbf16>
    %broadcast_in_dim3A_75 = vector.shape_cast %convert_element_type3A_74 : vector<512x256xbf16> to vector<1x512x256xbf16>
    %swap3A_76 = arith.constant 0 : index
    %swap3A_77 = arith.constant 0 : index
    %swap3A_78 = arith.constant 0 : index
    %swap3A_79 = vector.load %arg12[%swap3A_76, %swap3A_77, %swap3A_78] : memref<1x512x256xbf16, #tpu.memory_space<vmem>>, vector<1x512x256xbf16>
    tpu.vector_store %arg12[%swap3A_76, %swap3A_77, %swap3A_78], %broadcast_in_dim3A_75 {strides = array<i32>} : memref<1x512x256xbf16, #tpu.memory_space<vmem>>, vector<1x512x256xbf16>,
    %get3A_80 = arith.constant 0 : index
    %get3A_81 = arith.constant 0 : index
    %get3A_82 = vector.load %arg10[%get3A_80, %get3A_81] : memref<256x256xf32, #tpu.memory_space<vmem>>, vector<256x256xf32>
    %convert_element_type3A_83 = arith.truncf %mul3A_61 : vector<512x256xf32> to vector<512x256xbf16>
    %convert_element_type3A_84 = arith.truncf %get3A_82 : vector<256x256xf32> to vector<256x256xbf16>
    %dot_general3A_85 = arith.constant dense<0.000000e+00> : vector<512x256xf32>
    %dot_general3A_86 = tpu.matmul %convert_element_type3A_83, %convert_element_type3A_84, %dot_general3A_85 {dimension_numbers = #tpu.dot_dimension_numbers<[1], [0], [0], [1], [0, 0, 1, 1], [], []>, transpose_lhs_hint = false} : vector<512x256xbf16>, vector<256x256xbf16>, vector<512x256xf32> -> vector<512x256xf32>
    %convert_element_type3A_87 = arith.truncf %dot_general3A_86 : vector<512x256xf32> to vector<512x256xbf16>
    %broadcast_in_dim3A_88 = vector.shape_cast %convert_element_type3A_87 : vector<512x256xbf16> to vector<1x512x256xbf16>
    %swap3A_89 = arith.constant 0 : index
    %swap3A_90 = arith.constant 0 : index
    %swap3A_91 = arith.constant 0 : index
    %swap3A_92 = vector.load %arg13[%swap3A_89, %swap3A_90, %swap3A_91] : memref<1x512x256xbf16, #tpu.memory_space<vmem>>, vector<1x512x256xbf16>
    tpu.vector_store %arg13[%swap3A_89, %swap3A_90, %swap3A_91], %broadcast_in_dim3A_88 {strides = array<i32>} : memref<1x512x256xbf16, #tpu.memory_space<vmem>>, vector<1x512x256xbf16>,
    return
  }
  func.func @transform_0(%arg0: i32) -> (i32, i32, i32) {
    %c0_i32 = arith.constant 0 : i32
    %c0_i32_0 = arith.constant 0 : i32
    %c0_i32_1 = arith.constant 0 : i32
    return %arg0, %c0_i32, %c0_i32_0 : i32, i32, i32
  }
  func.func @transform_1(%arg0: i32) -> (i32, i32, i32) {
    %c0_i32 = arith.constant 0 : i32
    %c0_i32_0 = arith.constant 0 : i32
    %c0_i32_1 = arith.constant 0 : i32
    return %arg0, %c0_i32, %c0_i32_0 : i32, i32, i32
  }
  func.func @transform_2(%arg0: i32) -> (i32, i32, i32) {
    %c0_i32 = arith.constant 0 : i32
    %c0_i32_0 = arith.constant 0 : i32
    %c0_i32_1 = arith.constant 0 : i32
    return %arg0, %c0_i32, %c0_i32_0 : i32, i32, i32
  }
  func.func @transform_3(%arg0: i32) -> (i32, i32, i32) {
    %c0_i32 = arith.constant 0 : i32
    %c0_i32_0 = arith.constant 0 : i32
    %c0_i32_1 = arith.constant 0 : i32
    return %arg0, %c0_i32, %c0_i32_0 : i32, i32, i32
  }
  func.func @transform_4(%arg0: i32) -> (i32, i32) {
    %c0_i32 = arith.constant 0 : i32
    %c0_i32_0 = arith.constant 0 : i32
    %c0_i32_1 = arith.constant 0 : i32
    return %c0_i32, %c0_i32_0 : i32, i32
  }
  func.func @transform_5(%arg0: i32) -> (i32, i32) {
    %c0_i32 = arith.constant 0 : i32
    %c0_i32_0 = arith.constant 0 : i32
    %c0_i32_1 = arith.constant 0 : i32
    return %c0_i32, %c0_i32_0 : i32, i32
  }
  func.func @transform_6(%arg0: i32) -> (i32, i32) {
    %c0_i32 = arith.constant 0 : i32
    %c0_i32_0 = arith.constant 0 : i32
    %c0_i32_1 = arith.constant 0 : i32
    return %c0_i32, %c0_i32_0 : i32, i32
  }
  func.func @transform_7(%arg0: i32) -> (i32, i32) {
    %c0_i32 = arith.constant 0 : i32
    %c0_i32_0 = arith.constant 0 : i32
    %c0_i32_1 = arith.constant 0 : i32
    return %c0_i32, %c0_i32_0 : i32, i32
  }
  func.func @transform_8(%arg0: i32) -> (i32, i32) {
    %c0_i32 = arith.constant 0 : i32
    %c0_i32_0 = arith.constant 0 : i32
    %c0_i32_1 = arith.constant 0 : i32
    return %c0_i32, %c0_i32_0 : i32, i32
  }
  func.func @transform_9(%arg0: i32) -> (i32, i32) {
    %c0_i32 = arith.constant 0 : i32
    %c0_i32_0 = arith.constant 0 : i32
    %c0_i32_1 = arith.constant 0 : i32
    return %c0_i32, %c0_i32_0 : i32, i32
  }
  func.func @transform_10(%arg0: i32) -> (i32, i32, i32) {
    %c0_i32 = arith.constant 0 : i32
    %c0_i32_0 = arith.constant 0 : i32
    %c0_i32_1 = arith.constant 0 : i32
    return %arg0, %c0_i32, %c0_i32_0 : i32, i32, i32
  }
  func.func @transform_11(%arg0: i32) -> (i32, i32, i32) {
    %c0_i32 = arith.constant 0 : i32
    %c0_i32_0 = arith.constant 0 : i32
    %c0_i32_1 = arith.constant 0 : i32
    return %arg0, %c0_i32, %c0_i32_0 : i32, i32, i32
  }
  func.func @transform_12(%arg0: i32) -> (i32, i32, i32) {
    %c0_i32 = arith.constant 0 : i32
    %c0_i32_0 = arith.constant 0 : i32
    %c0_i32_1 = arith.constant 0 : i32
    return %arg0, %c0_i32, %c0_i32_0 : i32, i32, i32
  }
}

module attributes {stable_mosaic.version = 14 : i64} {
  func.func @_gru_body(%arg0: i32, %arg1: memref<1x512x256xbf16, #tpu.memory_space<vmem>>, %arg2: memref<1x512x256xbf16, #tpu.memory_space<vmem>>, %arg3: memref<1x512x256xbf16, #tpu.memory_space<vmem>>, %arg4: memref<512x512xf32, #tpu.memory_space<vmem>>, %arg5: memref<512x512xf32, #tpu.memory_space<vmem>>, %arg6: memref<512x512xf32, #tpu.memory_space<vmem>>, %arg7: memref<512x256xf32, #tpu.memory_space<vmem>>, %arg8: memref<1x256xf32, #tpu.memory_space<vmem>>, %arg9: memref<512x256xf32, #tpu.memory_space<vmem>>, %arg10: memref<1x256xf32, #tpu.memory_space<vmem>>, %arg11: memref<512x256xf32, #tpu.memory_space<vmem>>, %arg12: memref<1x256xf32, #tpu.memory_space<vmem>>, %arg13: memref<1x1x256xf32, #tpu.memory_space<vmem>>) attributes {dimension_semantics = [#tpu.dimension_semantics<arbitrary>], iteration_bounds = array<i64: 8>, scalar_prefetch = 0 : i64, scratch_operands = 0 : i64, tpu.core_type = #tpu.core_type<tc>, window_params = [{transform_indices = @transform_0, window_bounds = array<i64: 1, 512, 256>}, {transform_indices = @transform_1, window_bounds = array<i64: 1, 512, 256>}, {transform_indices = @transform_2, window_bounds = array<i64: 1, 512, 256>}, {transform_indices = @transform_3, window_bounds = array<i64: 512, 512>}, {transform_indices = @transform_4, window_bounds = array<i64: 512, 512>}, {transform_indices = @transform_5, window_bounds = array<i64: 512, 512>}, {pipeline_mode = #tpu.pipeline_mode<synchronous>, transform_indices = @transform_6, window_bounds = array<i64: 512, 256>}, {pipeline_mode = #tpu.pipeline_mode<synchronous>, transform_indices = @transform_7, window_bounds = array<i64: 1, 256>}, {pipeline_mode = #tpu.pipeline_mode<synchronous>, transform_indices = @transform_8, window_bounds = array<i64: 512, 256>}, {pipeline_mode = #tpu.pipeline_mode<synchronous>, transform_indices = @transform_9, window_bounds = array<i64: 1, 256>}, {pipeline_mode = #tpu.pipeline_mode<synchronous>, transform_indices = @transform_10, window_bounds = array<i64: 512, 256>}, {pipeline_mode = #tpu.pipeline_mode<synchronous>, transform_indices = @transform_11, window_bounds = array<i64: 1, 256>}, {transform_indices = @transform_12, window_bounds = array<i64: 1, 1, 256>}]} {
    %get3A = arith.constant 0 : index
    %get3A_0 = arith.constant 0 : index
    %get3A_1 = vector.load %arg4[%get3A, %get3A_0] : memref<512x512xf32, #tpu.memory_space<vmem>>, vector<512x512xf32>
    %convert_element_type3A = arith.truncf %get3A_1 : vector<512x512xf32> to vector<512x512xbf16>
    %get3A_2 = arith.constant 0 : index
    %get3A_3 = arith.constant 0 : index
    %get3A_4 = vector.load %arg5[%get3A_2, %get3A_3] : memref<512x512xf32, #tpu.memory_space<vmem>>, vector<512x512xf32>
    %get3A_5 = arith.constant 0 : index
    %get3A_6 = arith.constant 0 : index
    %get3A_7 = arith.constant 0 : index
    %get3A_8 = vector.load %arg2[%get3A_5, %get3A_6, %get3A_7] : memref<1x512x256xbf16, #tpu.memory_space<vmem>>, vector<1x512x256xbf16>
    %get3A_9 = vector.shape_cast %get3A_8 : vector<1x512x256xbf16> to vector<512x256xbf16>
    %convert_element_type3A_10 = arith.truncf %get3A_4 : vector<512x512xf32> to vector<512x512xbf16>
    %dot_general3A = arith.constant dense<0.000000e+00> : vector<512x256xf32>
    %dot_general3A_11 = tpu.matmul %convert_element_type3A_10, %get3A_9, %dot_general3A {dimension_numbers = #tpu.dot_dimension_numbers<[1], [0], [0], [1], [0, 0, 1, 1], [], []>, transpose_lhs_hint = false} : vector<512x512xbf16>, vector<512x256xbf16>, vector<512x256xf32> -> vector<512x256xf32>
    %get3A_12 = arith.constant 0 : index
    %get3A_13 = arith.constant 0 : index
    %get3A_14 = vector.load %arg6[%get3A_12, %get3A_13] : memref<512x512xf32, #tpu.memory_space<vmem>>, vector<512x512xf32>
    %get3A_15 = arith.constant 0 : index
    %get3A_16 = arith.constant 0 : index
    %get3A_17 = arith.constant 0 : index
    %get3A_18 = vector.load %arg3[%get3A_15, %get3A_16, %get3A_17] : memref<1x512x256xbf16, #tpu.memory_space<vmem>>, vector<1x512x256xbf16>
    %get3A_19 = vector.shape_cast %get3A_18 : vector<1x512x256xbf16> to vector<512x256xbf16>
    %convert_element_type3A_20 = arith.truncf %get3A_14 : vector<512x512xf32> to vector<512x512xbf16>
    %dot_general3A_21 = arith.constant dense<0.000000e+00> : vector<512x256xf32>
    %dot_general3A_22 = tpu.matmul %convert_element_type3A_20, %get3A_19, %dot_general3A_21 {dimension_numbers = #tpu.dot_dimension_numbers<[1], [0], [0], [1], [0, 0, 1, 1], [], []>, transpose_lhs_hint = false} : vector<512x512xbf16>, vector<512x256xbf16>, vector<512x256xf32> -> vector<512x256xf32>
    %add3A = arith.addf %dot_general3A_11, %dot_general3A_22 : vector<512x256xf32>
    %get3A_23 = arith.constant 0 : index
    %get3A_24 = arith.constant 0 : index
    %get3A_25 = arith.constant 0 : index
    %get3A_26 = vector.load %arg1[%get3A_23, %get3A_24, %get3A_25] : memref<1x512x256xbf16, #tpu.memory_space<vmem>>, vector<1x512x256xbf16>
    %get3A_27 = vector.shape_cast %get3A_26 : vector<1x512x256xbf16> to vector<512x256xbf16>
    %convert_element_type3A_28 = arith.extf %get3A_27 : vector<512x256xbf16> to vector<512x256xf32>
    %get3A_29 = arith.constant 0 : index
    %get3A_30 = arith.constant 0 : index
    %get3A_31 = vector.load %arg7[%get3A_29, %get3A_30] : memref<512x256xf32, #tpu.memory_space<vmem>>, vector<256x256xf32>
    %get3A_32 = arith.constant 256 : index
    %get3A_33 = arith.constant 0 : index
    %get3A_34 = vector.load %arg7[%get3A_32, %get3A_33] : memref<512x256xf32, #tpu.memory_space<vmem>>, vector<256x256xf32>
    %get3A_35 = arith.constant 0 : index
    %get3A_36 = arith.constant 0 : index
    %get3A_37 = vector.load %arg9[%get3A_35, %get3A_36] : memref<512x256xf32, #tpu.memory_space<vmem>>, vector<256x256xf32>
    %get3A_38 = arith.constant 256 : index
    %get3A_39 = arith.constant 0 : index
    %get3A_40 = vector.load %arg9[%get3A_38, %get3A_39] : memref<512x256xf32, #tpu.memory_space<vmem>>, vector<256x256xf32>
    %get3A_41 = arith.constant 0 : index
    %get3A_42 = arith.constant 0 : index
    %get3A_43 = vector.load %arg11[%get3A_41, %get3A_42] : memref<512x256xf32, #tpu.memory_space<vmem>>, vector<256x256xf32>
    %get3A_44 = arith.constant 256 : index
    %get3A_45 = arith.constant 0 : index
    %get3A_46 = vector.load %arg11[%get3A_44, %get3A_45] : memref<512x256xf32, #tpu.memory_space<vmem>>, vector<256x256xf32>
    %get3A_47 = arith.constant 0 : index
    %get3A_48 = arith.constant 0 : index
    %get3A_49 = vector.load %arg8[%get3A_47, %get3A_48] : memref<1x256xf32, #tpu.memory_space<vmem>>, vector<1x256xf32>
    %get3A_50 = arith.constant 0 : index
    %get3A_51 = arith.constant 0 : index
    %get3A_52 = vector.load %arg10[%get3A_50, %get3A_51] : memref<1x256xf32, #tpu.memory_space<vmem>>, vector<1x256xf32>
    %get3A_53 = arith.constant 0 : index
    %get3A_54 = arith.constant 0 : index
    %get3A_55 = vector.load %arg12[%get3A_53, %get3A_54] : memref<1x256xf32, #tpu.memory_space<vmem>>, vector<1x256xf32>
    %convert_element_type3A_56 = arith.truncf %convert_element_type3A_28 : vector<512x256xf32> to vector<512x256xbf16>
    %dot_general3A_57 = arith.constant dense<0.000000e+00> : vector<512x256xf32>
    %dot_general3A_58 = tpu.matmul %convert_element_type3A, %convert_element_type3A_56, %dot_general3A_57 {dimension_numbers = #tpu.dot_dimension_numbers<[1], [0], [0], [1], [0, 0, 1, 1], [], []>, transpose_lhs_hint = false} : vector<512x512xbf16>, vector<512x256xbf16>, vector<512x256xf32> -> vector<512x256xf32>
    %add3A_59 = arith.addf %dot_general3A_58, %add3A : vector<512x256xf32>
    %convert_element_type3A_60 = arith.truncf %add3A_59 : vector<512x256xf32> to vector<512x256xbf16>
    %convert_element_type3A_61 = arith.truncf %get3A_31 : vector<256x256xf32> to vector<256x256xbf16>
    %dot_general3A_62 = arith.constant dense<0.000000e+00> : vector<512x256xf32>
    %dot_general3A_63 = tpu.matmul %convert_element_type3A_60, %convert_element_type3A_61, %dot_general3A_62 {dimension_numbers = #tpu.dot_dimension_numbers<[1], [0], [0], [1], [0, 0, 1, 1], [], []>, transpose_lhs_hint = false} : vector<512x256xbf16>, vector<256x256xbf16>, vector<512x256xf32> -> vector<512x256xf32>
    %convert_element_type3A_64 = arith.truncf %convert_element_type3A_28 : vector<512x256xf32> to vector<512x256xbf16>
    %convert_element_type3A_65 = arith.truncf %get3A_34 : vector<256x256xf32> to vector<256x256xbf16>
    %dot_general3A_66 = arith.constant dense<0.000000e+00> : vector<512x256xf32>
    %dot_general3A_67 = tpu.matmul %convert_element_type3A_64, %convert_element_type3A_65, %dot_general3A_66 {dimension_numbers = #tpu.dot_dimension_numbers<[1], [0], [0], [1], [0, 0, 1, 1], [], []>, transpose_lhs_hint = false} : vector<512x256xbf16>, vector<256x256xbf16>, vector<512x256xf32> -> vector<512x256xf32>
    %add3A_68 = arith.addf %dot_general3A_63, %dot_general3A_67 : vector<512x256xf32>
    %add3A_69 = vector.broadcast %get3A_49 : vector<1x256xf32> to vector<512x256xf32>
    %add3A_70 = arith.addf %add3A_68, %add3A_69 : vector<512x256xf32>
    %mul3A = arith.constant 5.000000e-01 : f32
    %mul3A_71 = vector.broadcast %mul3A : f32 to vector<512x256xf32>
    %mul3A_72 = arith.mulf %mul3A_71, %add3A_70 : vector<512x256xf32>
    %tanh3A = math.tanh %mul3A_72 : vector<512x256xf32>
    %mul3A_73 = arith.constant 5.000000e-01 : f32
    %mul3A_74 = vector.broadcast %mul3A_73 : f32 to vector<512x256xf32>
    %mul3A_75 = arith.mulf %mul3A_74, %tanh3A : vector<512x256xf32>
    %add3A_76 = arith.constant 5.000000e-01 : f32
    %add3A_77 = vector.broadcast %add3A_76 : f32 to vector<512x256xf32>
    %add3A_78 = arith.addf %mul3A_75, %add3A_77 : vector<512x256xf32>
    %convert_element_type3A_79 = arith.truncf %add3A_59 : vector<512x256xf32> to vector<512x256xbf16>
    %convert_element_type3A_80 = arith.truncf %get3A_37 : vector<256x256xf32> to vector<256x256xbf16>
    %dot_general3A_81 = arith.constant dense<0.000000e+00> : vector<512x256xf32>
    %dot_general3A_82 = tpu.matmul %convert_element_type3A_79, %convert_element_type3A_80, %dot_general3A_81 {dimension_numbers = #tpu.dot_dimension_numbers<[1], [0], [0], [1], [0, 0, 1, 1], [], []>, transpose_lhs_hint = false} : vector<512x256xbf16>, vector<256x256xbf16>, vector<512x256xf32> -> vector<512x256xf32>
    %convert_element_type3A_83 = arith.truncf %convert_element_type3A_28 : vector<512x256xf32> to vector<512x256xbf16>
    %convert_element_type3A_84 = arith.truncf %get3A_40 : vector<256x256xf32> to vector<256x256xbf16>
    %dot_general3A_85 = arith.constant dense<0.000000e+00> : vector<512x256xf32>
    %dot_general3A_86 = tpu.matmul %convert_element_type3A_83, %convert_element_type3A_84, %dot_general3A_85 {dimension_numbers = #tpu.dot_dimension_numbers<[1], [0], [0], [1], [0, 0, 1, 1], [], []>, transpose_lhs_hint = false} : vector<512x256xbf16>, vector<256x256xbf16>, vector<512x256xf32> -> vector<512x256xf32>
    %add3A_87 = arith.addf %dot_general3A_82, %dot_general3A_86 : vector<512x256xf32>
    %add3A_88 = vector.broadcast %get3A_52 : vector<1x256xf32> to vector<512x256xf32>
    %add3A_89 = arith.addf %add3A_87, %add3A_88 : vector<512x256xf32>
    %mul3A_90 = arith.constant 5.000000e-01 : f32
    %mul3A_91 = vector.broadcast %mul3A_90 : f32 to vector<512x256xf32>
    %mul3A_92 = arith.mulf %mul3A_91, %add3A_89 : vector<512x256xf32>
    %tanh3A_93 = math.tanh %mul3A_92 : vector<512x256xf32>
    %mul3A_94 = arith.constant 5.000000e-01 : f32
    %mul3A_95 = vector.broadcast %mul3A_94 : f32 to vector<512x256xf32>
    %mul3A_96 = arith.mulf %mul3A_95, %tanh3A_93 : vector<512x256xf32>
    %add3A_97 = arith.constant 5.000000e-01 : f32
    %add3A_98 = vector.broadcast %add3A_97 : f32 to vector<512x256xf32>
    %add3A_99 = arith.addf %mul3A_96, %add3A_98 : vector<512x256xf32>
    %convert_element_type3A_100 = arith.truncf %add3A_59 : vector<512x256xf32> to vector<512x256xbf16>
    %convert_element_type3A_101 = arith.truncf %get3A_43 : vector<256x256xf32> to vector<256x256xbf16>
    %dot_general3A_102 = arith.constant dense<0.000000e+00> : vector<512x256xf32>
    %dot_general3A_103 = tpu.matmul %convert_element_type3A_100, %convert_element_type3A_101, %dot_general3A_102 {dimension_numbers = #tpu.dot_dimension_numbers<[1], [0], [0], [1], [0, 0, 1, 1], [], []>, transpose_lhs_hint = false} : vector<512x256xbf16>, vector<256x256xbf16>, vector<512x256xf32> -> vector<512x256xf32>
    %mul3A_104 = arith.mulf %add3A_99, %convert_element_type3A_28 : vector<512x256xf32>
    %convert_element_type3A_105 = arith.truncf %mul3A_104 : vector<512x256xf32> to vector<512x256xbf16>
    %convert_element_type3A_106 = arith.truncf %get3A_46 : vector<256x256xf32> to vector<256x256xbf16>
    %dot_general3A_107 = arith.constant dense<0.000000e+00> : vector<512x256xf32>
    %dot_general3A_108 = tpu.matmul %convert_element_type3A_105, %convert_element_type3A_106, %dot_general3A_107 {dimension_numbers = #tpu.dot_dimension_numbers<[1], [0], [0], [1], [0, 0, 1, 1], [], []>, transpose_lhs_hint = false} : vector<512x256xbf16>, vector<256x256xbf16>, vector<512x256xf32> -> vector<512x256xf32>
    %add3A_109 = arith.addf %dot_general3A_103, %dot_general3A_108 : vector<512x256xf32>
    %add3A_110 = vector.broadcast %get3A_55 : vector<1x256xf32> to vector<512x256xf32>
    %add3A_111 = arith.addf %add3A_109, %add3A_110 : vector<512x256xf32>
    %tanh3A_112 = math.tanh %add3A_111 : vector<512x256xf32>
    %sub3A = arith.subf %tanh3A_112, %convert_element_type3A_28 : vector<512x256xf32>
    %mul3A_113 = arith.mulf %add3A_78, %sub3A : vector<512x256xf32>
    %add3A_114 = arith.addf %convert_element_type3A_28, %mul3A_113 : vector<512x256xf32>
    %convert_element_type3A_115 = arith.truncf %add3A_114 : vector<512x256xf32> to vector<512x256xbf16>
    %dot_general3A_116 = arith.constant dense<0.000000e+00> : vector<512x256xf32>
    %dot_general3A_117 = tpu.matmul %convert_element_type3A, %convert_element_type3A_115, %dot_general3A_116 {dimension_numbers = #tpu.dot_dimension_numbers<[1], [0], [0], [1], [0, 0, 1, 1], [], []>, transpose_lhs_hint = false} : vector<512x512xbf16>, vector<512x256xbf16>, vector<512x256xf32> -> vector<512x256xf32>
    %add3A_118 = arith.addf %dot_general3A_117, %add3A : vector<512x256xf32>
    %convert_element_type3A_119 = arith.truncf %add3A_118 : vector<512x256xf32> to vector<512x256xbf16>
    %convert_element_type3A_120 = arith.truncf %get3A_31 : vector<256x256xf32> to vector<256x256xbf16>
    %dot_general3A_121 = arith.constant dense<0.000000e+00> : vector<512x256xf32>
    %dot_general3A_122 = tpu.matmul %convert_element_type3A_119, %convert_element_type3A_120, %dot_general3A_121 {dimension_numbers = #tpu.dot_dimension_numbers<[1], [0], [0], [1], [0, 0, 1, 1], [], []>, transpose_lhs_hint = false} : vector<512x256xbf16>, vector<256x256xbf16>, vector<512x256xf32> -> vector<512x256xf32>
    %convert_element_type3A_123 = arith.truncf %add3A_114 : vector<512x256xf32> to vector<512x256xbf16>
    %convert_element_type3A_124 = arith.truncf %get3A_34 : vector<256x256xf32> to vector<256x256xbf16>
    %dot_general3A_125 = arith.constant dense<0.000000e+00> : vector<512x256xf32>
    %dot_general3A_126 = tpu.matmul %convert_element_type3A_123, %convert_element_type3A_124, %dot_general3A_125 {dimension_numbers = #tpu.dot_dimension_numbers<[1], [0], [0], [1], [0, 0, 1, 1], [], []>, transpose_lhs_hint = false} : vector<512x256xbf16>, vector<256x256xbf16>, vector<512x256xf32> -> vector<512x256xf32>
    %add3A_127 = arith.addf %dot_general3A_122, %dot_general3A_126 : vector<512x256xf32>
    %add3A_128 = vector.broadcast %get3A_49 : vector<1x256xf32> to vector<512x256xf32>
    %add3A_129 = arith.addf %add3A_127, %add3A_128 : vector<512x256xf32>
    %mul3A_130 = arith.constant 5.000000e-01 : f32
    %mul3A_131 = vector.broadcast %mul3A_130 : f32 to vector<512x256xf32>
    %mul3A_132 = arith.mulf %mul3A_131, %add3A_129 : vector<512x256xf32>
    %tanh3A_133 = math.tanh %mul3A_132 : vector<512x256xf32>
    %mul3A_134 = arith.constant 5.000000e-01 : f32
    %mul3A_135 = vector.broadcast %mul3A_134 : f32 to vector<512x256xf32>
    %mul3A_136 = arith.mulf %mul3A_135, %tanh3A_133 : vector<512x256xf32>
    %add3A_137 = arith.constant 5.000000e-01 : f32
    %add3A_138 = vector.broadcast %add3A_137 : f32 to vector<512x256xf32>
    %add3A_139 = arith.addf %mul3A_136, %add3A_138 : vector<512x256xf32>
    %convert_element_type3A_140 = arith.truncf %add3A_118 : vector<512x256xf32> to vector<512x256xbf16>
    %convert_element_type3A_141 = arith.truncf %get3A_37 : vector<256x256xf32> to vector<256x256xbf16>
    %dot_general3A_142 = arith.constant dense<0.000000e+00> : vector<512x256xf32>
    %dot_general3A_143 = tpu.matmul %convert_element_type3A_140, %convert_element_type3A_141, %dot_general3A_142 {dimension_numbers = #tpu.dot_dimension_numbers<[1], [0], [0], [1], [0, 0, 1, 1], [], []>, transpose_lhs_hint = false} : vector<512x256xbf16>, vector<256x256xbf16>, vector<512x256xf32> -> vector<512x256xf32>
    %convert_element_type3A_144 = arith.truncf %add3A_114 : vector<512x256xf32> to vector<512x256xbf16>
    %convert_element_type3A_145 = arith.truncf %get3A_40 : vector<256x256xf32> to vector<256x256xbf16>
    %dot_general3A_146 = arith.constant dense<0.000000e+00> : vector<512x256xf32>
    %dot_general3A_147 = tpu.matmul %convert_element_type3A_144, %convert_element_type3A_145, %dot_general3A_146 {dimension_numbers = #tpu.dot_dimension_numbers<[1], [0], [0], [1], [0, 0, 1, 1], [], []>, transpose_lhs_hint = false} : vector<512x256xbf16>, vector<256x256xbf16>, vector<512x256xf32> -> vector<512x256xf32>
    %add3A_148 = arith.addf %dot_general3A_143, %dot_general3A_147 : vector<512x256xf32>
    %add3A_149 = vector.broadcast %get3A_52 : vector<1x256xf32> to vector<512x256xf32>
    %add3A_150 = arith.addf %add3A_148, %add3A_149 : vector<512x256xf32>
    %mul3A_151 = arith.constant 5.000000e-01 : f32
    %mul3A_152 = vector.broadcast %mul3A_151 : f32 to vector<512x256xf32>
    %mul3A_153 = arith.mulf %mul3A_152, %add3A_150 : vector<512x256xf32>
    %tanh3A_154 = math.tanh %mul3A_153 : vector<512x256xf32>
    %mul3A_155 = arith.constant 5.000000e-01 : f32
    %mul3A_156 = vector.broadcast %mul3A_155 : f32 to vector<512x256xf32>
    %mul3A_157 = arith.mulf %mul3A_156, %tanh3A_154 : vector<512x256xf32>
    %add3A_158 = arith.constant 5.000000e-01 : f32
    %add3A_159 = vector.broadcast %add3A_158 : f32 to vector<512x256xf32>
    %add3A_160 = arith.addf %mul3A_157, %add3A_159 : vector<512x256xf32>
    %convert_element_type3A_161 = arith.truncf %add3A_118 : vector<512x256xf32> to vector<512x256xbf16>
    %convert_element_type3A_162 = arith.truncf %get3A_43 : vector<256x256xf32> to vector<256x256xbf16>
    %dot_general3A_163 = arith.constant dense<0.000000e+00> : vector<512x256xf32>
    %dot_general3A_164 = tpu.matmul %convert_element_type3A_161, %convert_element_type3A_162, %dot_general3A_163 {dimension_numbers = #tpu.dot_dimension_numbers<[1], [0], [0], [1], [0, 0, 1, 1], [], []>, transpose_lhs_hint = false} : vector<512x256xbf16>, vector<256x256xbf16>, vector<512x256xf32> -> vector<512x256xf32>
    %mul3A_165 = arith.mulf %add3A_160, %add3A_114 : vector<512x256xf32>
    %convert_element_type3A_166 = arith.truncf %mul3A_165 : vector<512x256xf32> to vector<512x256xbf16>
    %convert_element_type3A_167 = arith.truncf %get3A_46 : vector<256x256xf32> to vector<256x256xbf16>
    %dot_general3A_168 = arith.constant dense<0.000000e+00> : vector<512x256xf32>
    %dot_general3A_169 = tpu.matmul %convert_element_type3A_166, %convert_element_type3A_167, %dot_general3A_168 {dimension_numbers = #tpu.dot_dimension_numbers<[1], [0], [0], [1], [0, 0, 1, 1], [], []>, transpose_lhs_hint = false} : vector<512x256xbf16>, vector<256x256xbf16>, vector<512x256xf32> -> vector<512x256xf32>
    %add3A_170 = arith.addf %dot_general3A_164, %dot_general3A_169 : vector<512x256xf32>
    %add3A_171 = vector.broadcast %get3A_55 : vector<1x256xf32> to vector<512x256xf32>
    %add3A_172 = arith.addf %add3A_170, %add3A_171 : vector<512x256xf32>
    %tanh3A_173 = math.tanh %add3A_172 : vector<512x256xf32>
    %sub3A_174 = arith.subf %tanh3A_173, %add3A_114 : vector<512x256xf32>
    %mul3A_175 = arith.mulf %add3A_139, %sub3A_174 : vector<512x256xf32>
    %add3A_176 = arith.addf %add3A_114, %mul3A_175 : vector<512x256xf32>
    %convert_element_type3A_177 = arith.truncf %add3A_176 : vector<512x256xf32> to vector<512x256xbf16>
    %dot_general3A_178 = arith.constant dense<0.000000e+00> : vector<512x256xf32>
    %dot_general3A_179 = tpu.matmul %convert_element_type3A, %convert_element_type3A_177, %dot_general3A_178 {dimension_numbers = #tpu.dot_dimension_numbers<[1], [0], [0], [1], [0, 0, 1, 1], [], []>, transpose_lhs_hint = false} : vector<512x512xbf16>, vector<512x256xbf16>, vector<512x256xf32> -> vector<512x256xf32>
    %add3A_180 = arith.addf %dot_general3A_179, %add3A : vector<512x256xf32>
    %convert_element_type3A_181 = arith.truncf %add3A_180 : vector<512x256xf32> to vector<512x256xbf16>
    %convert_element_type3A_182 = arith.truncf %get3A_31 : vector<256x256xf32> to vector<256x256xbf16>
    %dot_general3A_183 = arith.constant dense<0.000000e+00> : vector<512x256xf32>
    %dot_general3A_184 = tpu.matmul %convert_element_type3A_181, %convert_element_type3A_182, %dot_general3A_183 {dimension_numbers = #tpu.dot_dimension_numbers<[1], [0], [0], [1], [0, 0, 1, 1], [], []>, transpose_lhs_hint = false} : vector<512x256xbf16>, vector<256x256xbf16>, vector<512x256xf32> -> vector<512x256xf32>
    %convert_element_type3A_185 = arith.truncf %add3A_176 : vector<512x256xf32> to vector<512x256xbf16>
    %convert_element_type3A_186 = arith.truncf %get3A_34 : vector<256x256xf32> to vector<256x256xbf16>
    %dot_general3A_187 = arith.constant dense<0.000000e+00> : vector<512x256xf32>
    %dot_general3A_188 = tpu.matmul %convert_element_type3A_185, %convert_element_type3A_186, %dot_general3A_187 {dimension_numbers = #tpu.dot_dimension_numbers<[1], [0], [0], [1], [0, 0, 1, 1], [], []>, transpose_lhs_hint = false} : vector<512x256xbf16>, vector<256x256xbf16>, vector<512x256xf32> -> vector<512x256xf32>
    %add3A_189 = arith.addf %dot_general3A_184, %dot_general3A_188 : vector<512x256xf32>
    %add3A_190 = vector.broadcast %get3A_49 : vector<1x256xf32> to vector<512x256xf32>
    %add3A_191 = arith.addf %add3A_189, %add3A_190 : vector<512x256xf32>
    %mul3A_192 = arith.constant 5.000000e-01 : f32
    %mul3A_193 = vector.broadcast %mul3A_192 : f32 to vector<512x256xf32>
    %mul3A_194 = arith.mulf %mul3A_193, %add3A_191 : vector<512x256xf32>
    %tanh3A_195 = math.tanh %mul3A_194 : vector<512x256xf32>
    %mul3A_196 = arith.constant 5.000000e-01 : f32
    %mul3A_197 = vector.broadcast %mul3A_196 : f32 to vector<512x256xf32>
    %mul3A_198 = arith.mulf %mul3A_197, %tanh3A_195 : vector<512x256xf32>
    %add3A_199 = arith.constant 5.000000e-01 : f32
    %add3A_200 = vector.broadcast %add3A_199 : f32 to vector<512x256xf32>
    %add3A_201 = arith.addf %mul3A_198, %add3A_200 : vector<512x256xf32>
    %convert_element_type3A_202 = arith.truncf %add3A_180 : vector<512x256xf32> to vector<512x256xbf16>
    %convert_element_type3A_203 = arith.truncf %get3A_37 : vector<256x256xf32> to vector<256x256xbf16>
    %dot_general3A_204 = arith.constant dense<0.000000e+00> : vector<512x256xf32>
    %dot_general3A_205 = tpu.matmul %convert_element_type3A_202, %convert_element_type3A_203, %dot_general3A_204 {dimension_numbers = #tpu.dot_dimension_numbers<[1], [0], [0], [1], [0, 0, 1, 1], [], []>, transpose_lhs_hint = false} : vector<512x256xbf16>, vector<256x256xbf16>, vector<512x256xf32> -> vector<512x256xf32>
    %convert_element_type3A_206 = arith.truncf %add3A_176 : vector<512x256xf32> to vector<512x256xbf16>
    %convert_element_type3A_207 = arith.truncf %get3A_40 : vector<256x256xf32> to vector<256x256xbf16>
    %dot_general3A_208 = arith.constant dense<0.000000e+00> : vector<512x256xf32>
    %dot_general3A_209 = tpu.matmul %convert_element_type3A_206, %convert_element_type3A_207, %dot_general3A_208 {dimension_numbers = #tpu.dot_dimension_numbers<[1], [0], [0], [1], [0, 0, 1, 1], [], []>, transpose_lhs_hint = false} : vector<512x256xbf16>, vector<256x256xbf16>, vector<512x256xf32> -> vector<512x256xf32>
    %add3A_210 = arith.addf %dot_general3A_205, %dot_general3A_209 : vector<512x256xf32>
    %add3A_211 = vector.broadcast %get3A_52 : vector<1x256xf32> to vector<512x256xf32>
    %add3A_212 = arith.addf %add3A_210, %add3A_211 : vector<512x256xf32>
    %mul3A_213 = arith.constant 5.000000e-01 : f32
    %mul3A_214 = vector.broadcast %mul3A_213 : f32 to vector<512x256xf32>
    %mul3A_215 = arith.mulf %mul3A_214, %add3A_212 : vector<512x256xf32>
    %tanh3A_216 = math.tanh %mul3A_215 : vector<512x256xf32>
    %mul3A_217 = arith.constant 5.000000e-01 : f32
    %mul3A_218 = vector.broadcast %mul3A_217 : f32 to vector<512x256xf32>
    %mul3A_219 = arith.mulf %mul3A_218, %tanh3A_216 : vector<512x256xf32>
    %add3A_220 = arith.constant 5.000000e-01 : f32
    %add3A_221 = vector.broadcast %add3A_220 : f32 to vector<512x256xf32>
    %add3A_222 = arith.addf %mul3A_219, %add3A_221 : vector<512x256xf32>
    %convert_element_type3A_223 = arith.truncf %add3A_180 : vector<512x256xf32> to vector<512x256xbf16>
    %convert_element_type3A_224 = arith.truncf %get3A_43 : vector<256x256xf32> to vector<256x256xbf16>
    %dot_general3A_225 = arith.constant dense<0.000000e+00> : vector<512x256xf32>
    %dot_general3A_226 = tpu.matmul %convert_element_type3A_223, %convert_element_type3A_224, %dot_general3A_225 {dimension_numbers = #tpu.dot_dimension_numbers<[1], [0], [0], [1], [0, 0, 1, 1], [], []>, transpose_lhs_hint = false} : vector<512x256xbf16>, vector<256x256xbf16>, vector<512x256xf32> -> vector<512x256xf32>
    %mul3A_227 = arith.mulf %add3A_222, %add3A_176 : vector<512x256xf32>
    %convert_element_type3A_228 = arith.truncf %mul3A_227 : vector<512x256xf32> to vector<512x256xbf16>
    %convert_element_type3A_229 = arith.truncf %get3A_46 : vector<256x256xf32> to vector<256x256xbf16>
    %dot_general3A_230 = arith.constant dense<0.000000e+00> : vector<512x256xf32>
    %dot_general3A_231 = tpu.matmul %convert_element_type3A_228, %convert_element_type3A_229, %dot_general3A_230 {dimension_numbers = #tpu.dot_dimension_numbers<[1], [0], [0], [1], [0, 0, 1, 1], [], []>, transpose_lhs_hint = false} : vector<512x256xbf16>, vector<256x256xbf16>, vector<512x256xf32> -> vector<512x256xf32>
    %add3A_232 = arith.addf %dot_general3A_226, %dot_general3A_231 : vector<512x256xf32>
    %add3A_233 = vector.broadcast %get3A_55 : vector<1x256xf32> to vector<512x256xf32>
    %add3A_234 = arith.addf %add3A_232, %add3A_233 : vector<512x256xf32>
    %tanh3A_235 = math.tanh %add3A_234 : vector<512x256xf32>
    %sub3A_236 = arith.subf %tanh3A_235, %add3A_176 : vector<512x256xf32>
    %mul3A_237 = arith.mulf %add3A_201, %sub3A_236 : vector<512x256xf32>
    %add3A_238 = arith.addf %add3A_176, %mul3A_237 : vector<512x256xf32>
    %convert_element_type3A_239 = arith.truncf %add3A_238 : vector<512x256xf32> to vector<512x256xbf16>
    %dot_general3A_240 = arith.constant dense<0.000000e+00> : vector<512x256xf32>
    %dot_general3A_241 = tpu.matmul %convert_element_type3A, %convert_element_type3A_239, %dot_general3A_240 {dimension_numbers = #tpu.dot_dimension_numbers<[1], [0], [0], [1], [0, 0, 1, 1], [], []>, transpose_lhs_hint = false} : vector<512x512xbf16>, vector<512x256xbf16>, vector<512x256xf32> -> vector<512x256xf32>
    %add3A_242 = arith.addf %dot_general3A_241, %add3A : vector<512x256xf32>
    %convert_element_type3A_243 = arith.truncf %add3A_242 : vector<512x256xf32> to vector<512x256xbf16>
    %convert_element_type3A_244 = arith.truncf %get3A_31 : vector<256x256xf32> to vector<256x256xbf16>
    %dot_general3A_245 = arith.constant dense<0.000000e+00> : vector<512x256xf32>
    %dot_general3A_246 = tpu.matmul %convert_element_type3A_243, %convert_element_type3A_244, %dot_general3A_245 {dimension_numbers = #tpu.dot_dimension_numbers<[1], [0], [0], [1], [0, 0, 1, 1], [], []>, transpose_lhs_hint = false} : vector<512x256xbf16>, vector<256x256xbf16>, vector<512x256xf32> -> vector<512x256xf32>
    %convert_element_type3A_247 = arith.truncf %add3A_238 : vector<512x256xf32> to vector<512x256xbf16>
    %convert_element_type3A_248 = arith.truncf %get3A_34 : vector<256x256xf32> to vector<256x256xbf16>
    %dot_general3A_249 = arith.constant dense<0.000000e+00> : vector<512x256xf32>
    %dot_general3A_250 = tpu.matmul %convert_element_type3A_247, %convert_element_type3A_248, %dot_general3A_249 {dimension_numbers = #tpu.dot_dimension_numbers<[1], [0], [0], [1], [0, 0, 1, 1], [], []>, transpose_lhs_hint = false} : vector<512x256xbf16>, vector<256x256xbf16>, vector<512x256xf32> -> vector<512x256xf32>
    %add3A_251 = arith.addf %dot_general3A_246, %dot_general3A_250 : vector<512x256xf32>
    %add3A_252 = vector.broadcast %get3A_49 : vector<1x256xf32> to vector<512x256xf32>
    %add3A_253 = arith.addf %add3A_251, %add3A_252 : vector<512x256xf32>
    %mul3A_254 = arith.constant 5.000000e-01 : f32
    %mul3A_255 = vector.broadcast %mul3A_254 : f32 to vector<512x256xf32>
    %mul3A_256 = arith.mulf %mul3A_255, %add3A_253 : vector<512x256xf32>
    %tanh3A_257 = math.tanh %mul3A_256 : vector<512x256xf32>
    %mul3A_258 = arith.constant 5.000000e-01 : f32
    %mul3A_259 = vector.broadcast %mul3A_258 : f32 to vector<512x256xf32>
    %mul3A_260 = arith.mulf %mul3A_259, %tanh3A_257 : vector<512x256xf32>
    %add3A_261 = arith.constant 5.000000e-01 : f32
    %add3A_262 = vector.broadcast %add3A_261 : f32 to vector<512x256xf32>
    %add3A_263 = arith.addf %mul3A_260, %add3A_262 : vector<512x256xf32>
    %convert_element_type3A_264 = arith.truncf %add3A_242 : vector<512x256xf32> to vector<512x256xbf16>
    %convert_element_type3A_265 = arith.truncf %get3A_37 : vector<256x256xf32> to vector<256x256xbf16>
    %dot_general3A_266 = arith.constant dense<0.000000e+00> : vector<512x256xf32>
    %dot_general3A_267 = tpu.matmul %convert_element_type3A_264, %convert_element_type3A_265, %dot_general3A_266 {dimension_numbers = #tpu.dot_dimension_numbers<[1], [0], [0], [1], [0, 0, 1, 1], [], []>, transpose_lhs_hint = false} : vector<512x256xbf16>, vector<256x256xbf16>, vector<512x256xf32> -> vector<512x256xf32>
    %convert_element_type3A_268 = arith.truncf %add3A_238 : vector<512x256xf32> to vector<512x256xbf16>
    %convert_element_type3A_269 = arith.truncf %get3A_40 : vector<256x256xf32> to vector<256x256xbf16>
    %dot_general3A_270 = arith.constant dense<0.000000e+00> : vector<512x256xf32>
    %dot_general3A_271 = tpu.matmul %convert_element_type3A_268, %convert_element_type3A_269, %dot_general3A_270 {dimension_numbers = #tpu.dot_dimension_numbers<[1], [0], [0], [1], [0, 0, 1, 1], [], []>, transpose_lhs_hint = false} : vector<512x256xbf16>, vector<256x256xbf16>, vector<512x256xf32> -> vector<512x256xf32>
    %add3A_272 = arith.addf %dot_general3A_267, %dot_general3A_271 : vector<512x256xf32>
    %add3A_273 = vector.broadcast %get3A_52 : vector<1x256xf32> to vector<512x256xf32>
    %add3A_274 = arith.addf %add3A_272, %add3A_273 : vector<512x256xf32>
    %mul3A_275 = arith.constant 5.000000e-01 : f32
    %mul3A_276 = vector.broadcast %mul3A_275 : f32 to vector<512x256xf32>
    %mul3A_277 = arith.mulf %mul3A_276, %add3A_274 : vector<512x256xf32>
    %tanh3A_278 = math.tanh %mul3A_277 : vector<512x256xf32>
    %mul3A_279 = arith.constant 5.000000e-01 : f32
    %mul3A_280 = vector.broadcast %mul3A_279 : f32 to vector<512x256xf32>
    %mul3A_281 = arith.mulf %mul3A_280, %tanh3A_278 : vector<512x256xf32>
    %add3A_282 = arith.constant 5.000000e-01 : f32
    %add3A_283 = vector.broadcast %add3A_282 : f32 to vector<512x256xf32>
    %add3A_284 = arith.addf %mul3A_281, %add3A_283 : vector<512x256xf32>
    %convert_element_type3A_285 = arith.truncf %add3A_242 : vector<512x256xf32> to vector<512x256xbf16>
    %convert_element_type3A_286 = arith.truncf %get3A_43 : vector<256x256xf32> to vector<256x256xbf16>
    %dot_general3A_287 = arith.constant dense<0.000000e+00> : vector<512x256xf32>
    %dot_general3A_288 = tpu.matmul %convert_element_type3A_285, %convert_element_type3A_286, %dot_general3A_287 {dimension_numbers = #tpu.dot_dimension_numbers<[1], [0], [0], [1], [0, 0, 1, 1], [], []>, transpose_lhs_hint = false} : vector<512x256xbf16>, vector<256x256xbf16>, vector<512x256xf32> -> vector<512x256xf32>
    %mul3A_289 = arith.mulf %add3A_284, %add3A_238 : vector<512x256xf32>
    %convert_element_type3A_290 = arith.truncf %mul3A_289 : vector<512x256xf32> to vector<512x256xbf16>
    %convert_element_type3A_291 = arith.truncf %get3A_46 : vector<256x256xf32> to vector<256x256xbf16>
    %dot_general3A_292 = arith.constant dense<0.000000e+00> : vector<512x256xf32>
    %dot_general3A_293 = tpu.matmul %convert_element_type3A_290, %convert_element_type3A_291, %dot_general3A_292 {dimension_numbers = #tpu.dot_dimension_numbers<[1], [0], [0], [1], [0, 0, 1, 1], [], []>, transpose_lhs_hint = false} : vector<512x256xbf16>, vector<256x256xbf16>, vector<512x256xf32> -> vector<512x256xf32>
    %add3A_294 = arith.addf %dot_general3A_288, %dot_general3A_293 : vector<512x256xf32>
    %add3A_295 = vector.broadcast %get3A_55 : vector<1x256xf32> to vector<512x256xf32>
    %add3A_296 = arith.addf %add3A_294, %add3A_295 : vector<512x256xf32>
    %tanh3A_297 = math.tanh %add3A_296 : vector<512x256xf32>
    %sub3A_298 = arith.subf %tanh3A_297, %add3A_238 : vector<512x256xf32>
    %mul3A_299 = arith.mulf %add3A_263, %sub3A_298 : vector<512x256xf32>
    %add3A_300 = arith.addf %add3A_238, %mul3A_299 : vector<512x256xf32>
    %convert_element_type3A_301 = arith.truncf %add3A_300 : vector<512x256xf32> to vector<512x256xbf16>
    %dot_general3A_302 = arith.constant dense<0.000000e+00> : vector<512x256xf32>
    %dot_general3A_303 = tpu.matmul %convert_element_type3A, %convert_element_type3A_301, %dot_general3A_302 {dimension_numbers = #tpu.dot_dimension_numbers<[1], [0], [0], [1], [0, 0, 1, 1], [], []>, transpose_lhs_hint = false} : vector<512x512xbf16>, vector<512x256xbf16>, vector<512x256xf32> -> vector<512x256xf32>
    %add3A_304 = arith.addf %dot_general3A_303, %add3A : vector<512x256xf32>
    %convert_element_type3A_305 = arith.truncf %add3A_304 : vector<512x256xf32> to vector<512x256xbf16>
    %convert_element_type3A_306 = arith.truncf %get3A_31 : vector<256x256xf32> to vector<256x256xbf16>
    %dot_general3A_307 = arith.constant dense<0.000000e+00> : vector<512x256xf32>
    %dot_general3A_308 = tpu.matmul %convert_element_type3A_305, %convert_element_type3A_306, %dot_general3A_307 {dimension_numbers = #tpu.dot_dimension_numbers<[1], [0], [0], [1], [0, 0, 1, 1], [], []>, transpose_lhs_hint = false} : vector<512x256xbf16>, vector<256x256xbf16>, vector<512x256xf32> -> vector<512x256xf32>
    %convert_element_type3A_309 = arith.truncf %add3A_300 : vector<512x256xf32> to vector<512x256xbf16>
    %convert_element_type3A_310 = arith.truncf %get3A_34 : vector<256x256xf32> to vector<256x256xbf16>
    %dot_general3A_311 = arith.constant dense<0.000000e+00> : vector<512x256xf32>
    %dot_general3A_312 = tpu.matmul %convert_element_type3A_309, %convert_element_type3A_310, %dot_general3A_311 {dimension_numbers = #tpu.dot_dimension_numbers<[1], [0], [0], [1], [0, 0, 1, 1], [], []>, transpose_lhs_hint = false} : vector<512x256xbf16>, vector<256x256xbf16>, vector<512x256xf32> -> vector<512x256xf32>
    %add3A_313 = arith.addf %dot_general3A_308, %dot_general3A_312 : vector<512x256xf32>
    %add3A_314 = vector.broadcast %get3A_49 : vector<1x256xf32> to vector<512x256xf32>
    %add3A_315 = arith.addf %add3A_313, %add3A_314 : vector<512x256xf32>
    %mul3A_316 = arith.constant 5.000000e-01 : f32
    %mul3A_317 = vector.broadcast %mul3A_316 : f32 to vector<512x256xf32>
    %mul3A_318 = arith.mulf %mul3A_317, %add3A_315 : vector<512x256xf32>
    %tanh3A_319 = math.tanh %mul3A_318 : vector<512x256xf32>
    %mul3A_320 = arith.constant 5.000000e-01 : f32
    %mul3A_321 = vector.broadcast %mul3A_320 : f32 to vector<512x256xf32>
    %mul3A_322 = arith.mulf %mul3A_321, %tanh3A_319 : vector<512x256xf32>
    %add3A_323 = arith.constant 5.000000e-01 : f32
    %add3A_324 = vector.broadcast %add3A_323 : f32 to vector<512x256xf32>
    %add3A_325 = arith.addf %mul3A_322, %add3A_324 : vector<512x256xf32>
    %convert_element_type3A_326 = arith.truncf %add3A_304 : vector<512x256xf32> to vector<512x256xbf16>
    %convert_element_type3A_327 = arith.truncf %get3A_37 : vector<256x256xf32> to vector<256x256xbf16>
    %dot_general3A_328 = arith.constant dense<0.000000e+00> : vector<512x256xf32>
    %dot_general3A_329 = tpu.matmul %convert_element_type3A_326, %convert_element_type3A_327, %dot_general3A_328 {dimension_numbers = #tpu.dot_dimension_numbers<[1], [0], [0], [1], [0, 0, 1, 1], [], []>, transpose_lhs_hint = false} : vector<512x256xbf16>, vector<256x256xbf16>, vector<512x256xf32> -> vector<512x256xf32>
    %convert_element_type3A_330 = arith.truncf %add3A_300 : vector<512x256xf32> to vector<512x256xbf16>
    %convert_element_type3A_331 = arith.truncf %get3A_40 : vector<256x256xf32> to vector<256x256xbf16>
    %dot_general3A_332 = arith.constant dense<0.000000e+00> : vector<512x256xf32>
    %dot_general3A_333 = tpu.matmul %convert_element_type3A_330, %convert_element_type3A_331, %dot_general3A_332 {dimension_numbers = #tpu.dot_dimension_numbers<[1], [0], [0], [1], [0, 0, 1, 1], [], []>, transpose_lhs_hint = false} : vector<512x256xbf16>, vector<256x256xbf16>, vector<512x256xf32> -> vector<512x256xf32>
    %add3A_334 = arith.addf %dot_general3A_329, %dot_general3A_333 : vector<512x256xf32>
    %add3A_335 = vector.broadcast %get3A_52 : vector<1x256xf32> to vector<512x256xf32>
    %add3A_336 = arith.addf %add3A_334, %add3A_335 : vector<512x256xf32>
    %mul3A_337 = arith.constant 5.000000e-01 : f32
    %mul3A_338 = vector.broadcast %mul3A_337 : f32 to vector<512x256xf32>
    %mul3A_339 = arith.mulf %mul3A_338, %add3A_336 : vector<512x256xf32>
    %tanh3A_340 = math.tanh %mul3A_339 : vector<512x256xf32>
    %mul3A_341 = arith.constant 5.000000e-01 : f32
    %mul3A_342 = vector.broadcast %mul3A_341 : f32 to vector<512x256xf32>
    %mul3A_343 = arith.mulf %mul3A_342, %tanh3A_340 : vector<512x256xf32>
    %add3A_344 = arith.constant 5.000000e-01 : f32
    %add3A_345 = vector.broadcast %add3A_344 : f32 to vector<512x256xf32>
    %add3A_346 = arith.addf %mul3A_343, %add3A_345 : vector<512x256xf32>
    %convert_element_type3A_347 = arith.truncf %add3A_304 : vector<512x256xf32> to vector<512x256xbf16>
    %convert_element_type3A_348 = arith.truncf %get3A_43 : vector<256x256xf32> to vector<256x256xbf16>
    %dot_general3A_349 = arith.constant dense<0.000000e+00> : vector<512x256xf32>
    %dot_general3A_350 = tpu.matmul %convert_element_type3A_347, %convert_element_type3A_348, %dot_general3A_349 {dimension_numbers = #tpu.dot_dimension_numbers<[1], [0], [0], [1], [0, 0, 1, 1], [], []>, transpose_lhs_hint = false} : vector<512x256xbf16>, vector<256x256xbf16>, vector<512x256xf32> -> vector<512x256xf32>
    %mul3A_351 = arith.mulf %add3A_346, %add3A_300 : vector<512x256xf32>
    %convert_element_type3A_352 = arith.truncf %mul3A_351 : vector<512x256xf32> to vector<512x256xbf16>
    %convert_element_type3A_353 = arith.truncf %get3A_46 : vector<256x256xf32> to vector<256x256xbf16>
    %dot_general3A_354 = arith.constant dense<0.000000e+00> : vector<512x256xf32>
    %dot_general3A_355 = tpu.matmul %convert_element_type3A_352, %convert_element_type3A_353, %dot_general3A_354 {dimension_numbers = #tpu.dot_dimension_numbers<[1], [0], [0], [1], [0, 0, 1, 1], [], []>, transpose_lhs_hint = false} : vector<512x256xbf16>, vector<256x256xbf16>, vector<512x256xf32> -> vector<512x256xf32>
    %add3A_356 = arith.addf %dot_general3A_350, %dot_general3A_355 : vector<512x256xf32>
    %add3A_357 = vector.broadcast %get3A_55 : vector<1x256xf32> to vector<512x256xf32>
    %add3A_358 = arith.addf %add3A_356, %add3A_357 : vector<512x256xf32>
    %tanh3A_359 = math.tanh %add3A_358 : vector<512x256xf32>
    %sub3A_360 = arith.subf %tanh3A_359, %add3A_300 : vector<512x256xf32>
    %mul3A_361 = arith.mulf %add3A_325, %sub3A_360 : vector<512x256xf32>
    %add3A_362 = arith.addf %add3A_300, %mul3A_361 : vector<512x256xf32>
    %slice3A = vector.extract_strided_slice %add3A_362 {offsets = [1, 0], sizes = [1, 256], strides = [1, 1]} : vector<512x256xf32> to vector<1x256xf32>
    %squeeze3A = vector.shape_cast %slice3A : vector<1x256xf32> to vector<256xf32>
    %broadcast_in_dim3A = vector.shape_cast %squeeze3A : vector<256xf32> to vector<1x1x256xf32>
    %swap3A = arith.constant 0 : index
    %swap3A_363 = arith.constant 0 : index
    %swap3A_364 = arith.constant 0 : index
    %swap3A_365 = vector.load %arg13[%swap3A, %swap3A_363, %swap3A_364] : memref<1x1x256xf32, #tpu.memory_space<vmem>>, vector<1x1x256xf32>
    tpu.vector_store %arg13[%swap3A, %swap3A_363, %swap3A_364], %broadcast_in_dim3A {strides = array<i32>} : memref<1x1x256xf32, #tpu.memory_space<vmem>>, vector<1x1x256xf32>,
    return
  }
  func.func @transform_0(%arg0: i32) -> (i32, i32, i32) {
    %c0_i32 = arith.constant 0 : i32
    %c0_i32_0 = arith.constant 0 : i32
    %c0_i32_1 = arith.constant 0 : i32
    return %arg0, %c0_i32, %c0_i32_0 : i32, i32, i32
  }
  func.func @transform_1(%arg0: i32) -> (i32, i32, i32) {
    %c0_i32 = arith.constant 0 : i32
    %c0_i32_0 = arith.constant 0 : i32
    %c0_i32_1 = arith.constant 0 : i32
    return %arg0, %c0_i32, %c0_i32_0 : i32, i32, i32
  }
  func.func @transform_2(%arg0: i32) -> (i32, i32, i32) {
    %c0_i32 = arith.constant 0 : i32
    %c0_i32_0 = arith.constant 0 : i32
    %c0_i32_1 = arith.constant 0 : i32
    return %arg0, %c0_i32, %c0_i32_0 : i32, i32, i32
  }
  func.func @transform_3(%arg0: i32) -> (i32, i32) {
    %c0_i32 = arith.constant 0 : i32
    %c0_i32_0 = arith.constant 0 : i32
    return %arg0, %c0_i32 : i32, i32
  }
  func.func @transform_4(%arg0: i32) -> (i32, i32) {
    %c0_i32 = arith.constant 0 : i32
    %c0_i32_0 = arith.constant 0 : i32
    return %arg0, %c0_i32 : i32, i32
  }
  func.func @transform_5(%arg0: i32) -> (i32, i32) {
    %c0_i32 = arith.constant 0 : i32
    %c0_i32_0 = arith.constant 0 : i32
    return %arg0, %c0_i32 : i32, i32
  }
  func.func @transform_6(%arg0: i32) -> (i32, i32) {
    %c0_i32 = arith.constant 0 : i32
    %c0_i32_0 = arith.constant 0 : i32
    %c0_i32_1 = arith.constant 0 : i32
    return %c0_i32, %c0_i32_0 : i32, i32
  }
  func.func @transform_7(%arg0: i32) -> (i32, i32) {
    %c0_i32 = arith.constant 0 : i32
    %c0_i32_0 = arith.constant 0 : i32
    %c0_i32_1 = arith.constant 0 : i32
    return %c0_i32, %c0_i32_0 : i32, i32
  }
  func.func @transform_8(%arg0: i32) -> (i32, i32) {
    %c0_i32 = arith.constant 0 : i32
    %c0_i32_0 = arith.constant 0 : i32
    %c0_i32_1 = arith.constant 0 : i32
    return %c0_i32, %c0_i32_0 : i32, i32
  }
  func.func @transform_9(%arg0: i32) -> (i32, i32) {
    %c0_i32 = arith.constant 0 : i32
    %c0_i32_0 = arith.constant 0 : i32
    %c0_i32_1 = arith.constant 0 : i32
    return %c0_i32, %c0_i32_0 : i32, i32
  }
  func.func @transform_10(%arg0: i32) -> (i32, i32) {
    %c0_i32 = arith.constant 0 : i32
    %c0_i32_0 = arith.constant 0 : i32
    %c0_i32_1 = arith.constant 0 : i32
    return %c0_i32, %c0_i32_0 : i32, i32
  }
  func.func @transform_11(%arg0: i32) -> (i32, i32) {
    %c0_i32 = arith.constant 0 : i32
    %c0_i32_0 = arith.constant 0 : i32
    %c0_i32_1 = arith.constant 0 : i32
    return %c0_i32, %c0_i32_0 : i32, i32
  }
  func.func @transform_12(%arg0: i32) -> (i32, i32, i32) {
    %c0_i32 = arith.constant 0 : i32
    %c0_i32_0 = arith.constant 0 : i32
    %c0_i32_1 = arith.constant 0 : i32
    return %arg0, %c0_i32, %c0_i32_0 : i32, i32, i32
  }
}

</mosaic_0001>

<sc_bundles>
// kernel: kernel.5.cloned.1.call-start
scs
__scs_entry_jumppad:
0x0: {  	(pc) =	sbr.rel $0x88, $3  }
0x1: {  	(tag) =	ssettag $0x0;
	lr =	simm.s32 $0x1  }
0x2: {  	[smem:$0x3F91] =	sst lr;
	_ =	strace $0xD0000000  }
0x3: {  	_ = 	snop  }
0x4: {  	_ = 	snop  }
0x5: {  	_ = 	snop  }
0x6: {  	_ = 	snop  }
0x7: {  	_ = 	snop  }
__scs_overlays_trampoline_lowered:
0x8: {  	[smem:$0x3FA0] =	sst s0  }
0x9: {  	[smem:$0x3FA1] =	sst s1  }
0xa: {  	[smem:$0x3FA2] =	sst s2  }
0xb: {  	[smem:$0x3FA3] =	sst s3  }
0xc: {  	[smem:$0x3FA4] =	sst s4  }
0xd: {  	[smem:$0x3FA5] =	sst s5  }
0xe: {  	[smem:$0x3FA6] =	sst s6  }
0xf: {  	[smem:$0x3FA7] =	sst s7  }
0x10: {  	[smem:$0x3FA8] =	sst s8  }
0x11: {  	[smem:$0x3FA9] =	sst s9;
	s0 =	simm.s32 @!p0 $0x0  }
0x12: {  	s1 =	sld [smem:$0x3F8F];
	s0 =	simm.s32 @p0 $0x1  }
0x13: {  	[smem:$0x3FAA] =	sst s0;
	s0 =	simm.s32 @!p1 $0x0  }
0x14: {  	s2 =	sld [smem:$0x3F8E];
	s0 =	simm.s32 @p1 $0x1  }
0x15: {  	[smem:$0x3FAB] =	sst s0;
	s0 =	simm.s32 @!p2 $0x0  }
0x16: {  	s3 =	sld [smem:$0x3FDB];
	s0 =	simm.s32 @p2 $0x1  }
0x17: {  	s4 =	simm.s32 $0x1BF5;
	[smem:$0x3FAD] =	sst s0  }
0x18: {  	s0 =	sld [smem:$0x3F90];
	_ =	swait.ge [sflag:s4], $0x0  }
0x19: {  	s7 =	sld [smem:$0x3F91]  }
0x1a: {  	s8 =	sadd.s32 $0xFFFFE003, lr  }
0x1b: {  	s9 =	sadd.s32 $0xFFFFFEF7, lr;
	s5 =	simm.s32 $0xFFFFFFFF;
	p2 =	slt.u32 s8, $0xFFFFF086  }
0x1c: {  	p1 =	slt.u32 s9, $0xF7A;
	s5 =	simm.s32 @!p2 $0x0  }
0x1d: {  	s5 =	simm.s32 @p1 $0x1;
	p0 =	seq.s32 s7, s2  }
0x1e: {  	s7 =	smul.u32 @!p0 $0xF7A, s2;
	p2 =	seq.s32 @!p0 s5, $0x0  }
0x1f: {  	s9 =	smul.u32 $0xF7A, s1;
	s8 =	simm.s32 @!p0 $0x1BF5;
	p2 =	por !p2, p0  }
0x20: {  	[sflag:s8] =	ssyncset.s32 @!p0 $0xFFFFF086;
	s6 =	sadd.s32 @!p0 s3, s7;
	s7 =	simm.s32 @!p0 $0x108  }
0x21: {  	s3 =	sadd.s32 s3, s9;
	s6 =	sadd.s32 @!p0 $0x88, s6;
	s7 =	simm.s32 @p2 $0x1082  }
0x22: {  	[simem:s7], [sflag:s8] =	dma.local @!p0 [hbm:s6], $0xF7A  }
0x23: {  	s9 =	sor.u32 $0xD0000000, s2;
	s6 =	simm.s32 $0x108;
	_ =	swait.ge @!p0 [sflag:s8], $0x0  }
0x24: {  	s3 =	sadd.s32 $0x88, s3;
	s6 =	simm.s32 @!p1 $0x1082;
	[sflag:s4] =	ssyncset.s32 $0xFFFFF086  }
0x25: {  	[simem:s6], [sflag:s4] =	dma.local [hbm:s3], $0xF7A  }
0x26: {  	[smem:$0x3F91] =	sst s1;
	(tag) =	ssettag s2;
	_ =	strace s9  }
0x27: {  	s1 =	sld [smem:$0x3FA1]  }
0x28: {  	s2 =	sld [smem:$0x3FA2]  }
0x29: {  	s4 =	sld [smem:$0x3FA4]  }
0x2a: {  	p0 =	seq.s32 s5, $0x0;
	s5 =	sld [smem:$0x3FA5]  }
0x2b: {  	s6 =	sld [smem:$0x3FA6]  }
0x2c: {  	s7 =	sld [smem:$0x3FA7]  }
0x2d: {  	s3 =	simm.s32 $0x108;
	s8 =	sld [smem:$0x3FA8]  }
0x2e: {  	s3 =	simm.s32 @!p0 $0x1082;
	s9 =	sld [smem:$0x3FA9]  }
0x2f: {  	lr =	sadd.s32 s0, s3;
	s0 =	sld [smem:$0x3FA0]  }
0x30: {  	s3 =	sld [smem:$0x3FA3]  }
0x31: {  	[smem:$0x3FAC] =	sst s10  }
0x32: {  	s10 =	sld [smem:$0x3FAA];
	_ =	sdelay $0x3  }
0x33: {  	p0 =	seq.s32 s10, $0x1;
	s10 =	sld [smem:$0x3FAC];
	_ =	sdelay $0x3  }
0x34: {  	[smem:$0x3FAC] =	sst s10  }
0x35: {  	s10 =	sld [smem:$0x3FAB];
	_ =	sdelay $0x3  }
0x36: {  	p1 =	seq.s32 s10, $0x1;
	s10 =	sld [smem:$0x3FAC];
	_ =	sdelay $0x3  }
0x37: {  	[smem:$0x3FAC] =	sst s10  }
0x38: {  	s10 =	sld [smem:$0x3FAD]  }
0x39: {  	_ = 	snop;
	(pc) =	sbr.ind lr, $3  }
0x3a: {  	_ = 	snop  }
0x3b: {  	_ = 	snop  }
0x3c: {  	p2 =	seq.s32 s10, $0x1;
	s10 =	sld [smem:$0x3FAC]  }
0x3d: {  	_ =	shalt  }
0x3e: {  	_ =	shalt  }
0x3f: {  	_ =	shalt  }
0x40: {  	_ =	shalt  }
0x41: {  	_ =	shalt  }
0x42: {  	_ =	shalt  }
0x43: {  	_ =	shalt  }
0x44: {  	_ =	shalt  }
0x45: {  	_ =	shalt  }
0x46: {  	_ =	shalt  }
0x47: {  	_ =	shalt  }
0x48: {  	_ =	shalt  }
0x49: {  	_ =	shalt  }
0x4a: {  	_ =	shalt  }
0x4b: {  	_ =	shalt  }
0x4c: {  	_ =	shalt  }
0x4d: {  	_ =	shalt  }
0x4e: {  	_ =	shalt  }
0x4f: {  	_ =	shalt  }
0x50: {  	_ =	shalt  }
0x51: {  	_ =	shalt  }
0x52: {  	_ =	shalt  }
0x53: {  	_ =	shalt  }
0x54: {  	_ =	shalt  }
0x55: {  	_ =	shalt  }
0x56: {  	_ =	shalt  }
0x57: {  	_ =	shalt  }
0x58: {  	_ =	shalt  }
0x59: {  	_ =	shalt  }
0x5a: {  	_ =	shalt  }
0x5b: {  	_ =	shalt  }
0x5c: {  	_ =	shalt  }
0x5d: {  	_ =	shalt  }
0x5e: {  	_ =	shalt  }
0x5f: {  	_ =	shalt  }
0x60: {  	_ =	shalt  }
0x61: {  	_ =	shalt  }
0x62: {  	_ =	shalt  }
0x63: {  	_ =	shalt  }
0x64: {  	_ =	shalt  }
0x65: {  	_ =	shalt  }
0x66: {  	_ =	shalt  }
0x67: {  	_ =	shalt  }
0x68: {  	_ =	shalt  }
0x69: {  	_ =	shalt  }
0x6a: {  	_ =	shalt  }
0x6b: {  	_ =	shalt  }
0x6c: {  	_ =	shalt  }
0x6d: {  	_ =	shalt  }
0x6e: {  	_ =	shalt  }
0x6f: {  	_ =	shalt  }
0x70: {  	_ =	shalt  }
0x71: {  	_ =	shalt  }
0x72: {  	_ =	shalt  }
0x73: {  	_ =	shalt  }
0x74: {  	_ =	shalt  }
0x75: {  	_ =	shalt  }
0x76: {  	_ =	shalt  }
0x77: {  	_ =	shalt  }
0x78: {  	_ =	shalt  }
0x79: {  	_ =	shalt  }
0x7a: {  	_ =	shalt  }
0x7b: {  	_ =	shalt  }
0x7c: {  	_ =	shalt  }
0x7d: {  	_ =	shalt  }
0x7e: {  	_ =	shalt  }
0x7f: {  	_ =	shalt  }
0x80: {  	_ =	shalt  }
0x81: {  	_ =	shalt  }
0x82: {  	_ =	shalt  }
0x83: {  	_ =	shalt  }
0x84: {  	_ =	shalt  }
0x85: {  	_ =	shalt  }
0x86: {  	_ =	shalt  }
0x87: {  	_ =	shalt  }
.Lfunc_end0:
.L_simem_size_0:
called_computation_lowered:
.L_overlay_start_0:
0x88: {  	s2 =	sld [smem:$0x3FD9]  }
0x89: {  	s3 =	sld [smem:$0x3FFE];
	_ =	sdelay $0x1  }
0x8a: {  	s1 =	srdreg.scid  }
0x8b: {  	s0 =	sand.u32 $0x1, s1  }
0x8c: {  	s16 =	sshll.u32 s0, $0xA;
	s2 =	sadd.s32 s3, s2  }
0x8d: {  	s2 =	sadd.s32 s2, s16  }
0x8e: {  	[smem:$0x3FB8] =	sst s2  }
0x8f: {  	_ = 	snop  }
0x90: {  	(tm) =	ssettm $0x1  }
0x91: {  	s17 =	sld [smem:$0x3FFB];
	_ =	sdelay $0x3  }
0x92: {  	_ =	strace s17  }
0x93: {  	s2 =	sld [smem:$0x3FFC];
	_ =	sdelay $0x3  }
0x94: {  	_ =	strace s2  }
0x95: {  	s2 =	sld [smem:$0x3FFD];
	_ =	sdelay $0x3  }
0x96: {  	_ =	strace s2  }
0x97: {  	_ =	strace $0x8FFFFFFF  }
0x98: {  	s18 =	sld [smem:$0x3FDB];
	_ =	sdelay $0x1  }
0x99: {  	s19 =	simm.s32 $_scs_section_size  }
0x9a: {  	s4 =	simm.s32 $_size__tile_overlayer_lowered;
	s5 =	simm.s32 $_tile_overlayer_lowered  }
0x9b: {  	s22 =	simm.s32 $0x1BFF;
	s21 =	sshll.u32 s5, $0x1;
	s2 =	sadd.s32 s19, s18  }
0x9c: {  	s6 =	simm.s32 $0x0;
	s20 =	sshll.u32 s4, $0x1;
	s4 =	sadd.s32 s21, s2  }
0x9d: {  	[timem:s6], [sflag:s22] =	dma.local [hbm:s4], s20  }
0x9e: {  	_ =	swait.ge [sflag:s22], s20  }
0x9f: {  	s3 =	ssub.s32 $0x0, s20;
	[sflag:s22] =	ssyncset.done $0x0  }
0xa0: {  	[sflag:s22] =	ssyncadd.s32 s3;
	_ =	sdelay $0x1  }
0xa1: {  	s23 =	simm.s32 $0x1B8B  }
0xa2: {  	_ =	swait.ge [sflag:s23], $0x1  }
0xa3: {  	[sflag:s23] =	ssyncset.done $0x0  }
0xa4: {  	s25 =	simm.s32 $0x1B8E;
	s24 =	sld [smem:$0x3FFE];
	[sflag:s23] =	ssyncadd.s32 $0xFFFFFFFF  }
0xa5: {  	s26 =	simm.s32 $execute0_lowered;
	[smem:$0x3FD2] =	sst s25  }
0xa6: {  	s4 =	sshll.u32 s26, $0x1;
	_ =	strace $0x80000046;
	[dreg:$0x1] =	wrdreg $0xFFFFFFFF  }
0xa7: {  	s28 =	simm.s32 $_size_execute0_lowered;
	s2 =	sadd.s32 s2, s4;
	[dreg:$0x0] =	wrdreg $0x0  }
0xa8: {  	s4 =	sshll.u32 s28, $0x1;
	[dreg:$0x2] =	wrdreg s2  }
0xa9: {  	[dreg:$0x3] =	wrdreg s4  }
0xaa: {  	[dreg:$0x4] =	wrdreg $0xC0  }
0xab: {  	_ =	task [dreg:s6], $0x5FFFF  }
0xac: {  	[dreg:$0x1] =	wrdreg $0xFFFFFFFF  }
0xad: {  	[dreg:$0x0] =	wrdreg $0x60  }
0xae: {  	[dreg:$0x2] =	wrdreg s24  }
0xaf: {  	[dreg:$0x3] =	wrdreg $0x9  }
0xb0: {  	_ =	task.clear_ibuf [dreg:s6], $0x4FFFF;
	_ =	strace $0x90000046  }
0xb1: {  	s29 =	simm.s32 $0x9;
	_ =	strace $0x80000048  }
0xb2: {  	_ =	swait.ge [sflag:s29], $0x1  }
0xb3: {  	[sflag:s29] =	ssyncadd.s32 $0xFFFFFFFF  }
0xb4: {  	_ =	strace $0x90000048  }
0xb5: {  	_ =	sfence  }
0xb6: {  	s30 =	sld [smem:$0x0];
	_ =	sdelay $0x2  }
0xb7: {  	s31 =	sshll.u32 s1, $0xD;
	s1 =	sshrl.u32 s1, $0x2  }
0xb8: {  	s3 =	sand.u32 $0x4000, s31;
	s1 =	sadd.s32 s1, s30  }
0xb9: {  	s0 =	sor.u32 s3, s0;
	s1 =	sshll.u32 s1, $0x11  }
0xba: {  	s0 =	sor.u32 s1, s0  }
0xbb: {  	s0 =	sadd.s32 $0x8F2B, s0  }
0xbc: {  	[sflag:s0] =	ssyncadd.remote.s32 $0x1  }
0xbd: {  	_ =	sfence.sel $0xFFFF  }
0xbe: {  	[dreg:$0x0] =	wrdreg $0xFFFFFFFF;
	(pc) =	sbr.abs _section_cstart, $3  }
0xbf: {  	[dreg:$0x1] =	wrdreg $0xFFFFFFFF  }
0xc0: {  	_ =	task.clear_ibuf [dreg:s6], $0x2FFFF;
	_ =	strace $0x9FFFFFFF  }
0xc1: {  	(tm) =	ssettm $0x7FFFFFFF  }
tec
execute0_lowered:
.L_overlay_start_1:
0x0: {  	(tag) =	ssettag $0x1  }
0x1: {  	s3 =	rddreg [dreg:$0x0];
	s2 =	srdreg.scid  }
0x2: {  	s0 =	rddreg [dreg:$0x1];
	s1 =	stileid.u32;
	s10 =	simm.s32 $0x8000  }
0x3: {  	s11 =	simm.s32 $0x1;
	s12 =	simm.s32 $0x1000;
	s13 =	simm.s32 $0x2000  }
0x4: {  	s14 =	simm.s32 $0x0;
	s4 =	sand.u32 $0x1, s2;
	s2 =	simm.s32 $0x0  }
0x5: {  	s5 =	sshll.u32 s1, $0x8;
	s6 =	sshll.u32 s4, $0x7;
	[smem:$0x7FF] =	sst s2  }
0x6: {  	s4 =	ssub.s32 $0x2, s4;
	s5 =	sor.u32 s6, s5;
	_ =	strace $0x80000047  }
0x7: {  	s7 =	sshrl.u32 s4, $0x1;
	s6 =	sshll.u32 s5, $0x6;
	s5 =	sadd.s32 s5, s3  }
0x8: {  	v2 =	vlaneseq.u32;
	s9 =	ssub.s32 s4, s7;
	s8 =	sadd.s32 s6, s3;
	s3 =	sadd.s32 $0x6C00, s5  }
0x9: {  	v0 =	vimm.f32 $0.0e+00;
	v1 =	vmul.u32 $0x200, v2;
	v2 =	vand.u32 $0x7, v2;
	s4 =	sadd.s32 $0x2C00, s5;
	s5 =	sadd.s32 $0xAC00, s8;
	s6 =	sadd.s32 $0x4AC00, s8  }
0xa: {  	v3 =	vimm.f32 $1.000000000e+00;
	v4 =	vimm.f32 $-1.000000000e+00;
	v2 =	vmul.u32 $0x80, v2;
	s7 =	sadd.s32 $0x8AC00, s8;
	s8 =	smax.u32 s9, $0x1;
	s9 =	simm.s32 $0x400  }
.LBB2_1:
0xb: {  	[tilespmem:s2], [sflag:$0x1] =	stream.strided.gather [hbm4b:s3+s9], $0x1000, s10, s9, $0x38;
	[tilespmem:$0x12000] =	vst v63  }
0xc: {  	_ =	swait.ge [sflag:s11], $0x1000  }
0xd: {  	[sflag:s11] =	ssyncset.done $0x0  }
0xe: {  	[sflag:s11] =	ssyncadd.s32 $0xFFFFF000  }
0xf: {  	[tilespmem:s12], [sflag:$0x1] =	stream.strided.gather [hbm4b:s4+s9], $0x1000, s10, s9, $0x38;
	[tilespmem:$0x12000] =	vst v63  }
0x10: {  	_ =	swait.ge [sflag:s11], $0x1000  }
0x11: {  	s15 =	sand.u32 $0xF000, s2;
	s16 =	sand.u32 $0x380, s2;
	[sflag:s11] =	ssyncset.done $0x0  }
0x12: {  	s15 =	sor.u32 s16, s15;
	[sflag:s11] =	ssyncadd.s32 $0xFFFFF000  }
0x13: {  	[tilespmem:s15+$0x2C70] =	vst v0  }
0x14: {  	[tilespmem:s15+$0x2000] =	vst v0  }
0x15: {  	[tilespmem:s15+$0x2010] =	vst v0  }
0x16: {  	[tilespmem:s15+$0x2020] =	vst v0  }
0x17: {  	[tilespmem:s15+$0x2030] =	vst v0  }
0x18: {  	[tilespmem:s15+$0x2040] =	vst v0  }
0x19: {  	[tilespmem:s15+$0x2050] =	vst v0  }
0x1a: {  	[tilespmem:s15+$0x2060] =	vst v0  }
0x1b: {  	[tilespmem:s15+$0x2070] =	vst v0  }
0x1c: {  	[tilespmem:s15+$0x2400] =	vst v0  }
0x1d: {  	[tilespmem:s15+$0x2410] =	vst v0  }
0x1e: {  	[tilespmem:s15+$0x2420] =	vst v0  }
0x1f: {  	[tilespmem:s15+$0x2430] =	vst v0  }
0x20: {  	[tilespmem:s15+$0x2440] =	vst v0  }
0x21: {  	[tilespmem:s15+$0x2450] =	vst v0  }
0x22: {  	[tilespmem:s15+$0x2460] =	vst v0  }
0x23: {  	[tilespmem:s15+$0x2470] =	vst v0  }
0x24: {  	[tilespmem:s15+$0x2800] =	vst v0  }
0x25: {  	[tilespmem:s15+$0x2810] =	vst v0  }
0x26: {  	[tilespmem:s15+$0x2820] =	vst v0  }
0x27: {  	[tilespmem:s15+$0x2830] =	vst v0  }
0x28: {  	[tilespmem:s15+$0x2840] =	vst v0  }
0x29: {  	[tilespmem:s15+$0x2850] =	vst v0  }
0x2a: {  	[tilespmem:s15+$0x2860] =	vst v0  }
0x2b: {  	[tilespmem:s15+$0x2870] =	vst v0  }
0x2c: {  	[tilespmem:s15+$0x2C00] =	vst v0  }
0x2d: {  	[tilespmem:s15+$0x2C10] =	vst v0  }
0x2e: {  	[tilespmem:s15+$0x2C20] =	vst v0  }
0x2f: {  	[tilespmem:s15+$0x2C30] =	vst v0  }
0x30: {  	s17 =	simm.s32 $0x200;
	s16 =	simm.s32 $0x80;
	[tilespmem:s15+$0x2C40] =	vst v0  }
0x31: {  	s18 =	sand.u32 $0xF000, s17;
	s17 =	simm.s32 $0x400;
	s19 =	sand.u32 $0x380, s16;
	[tilespmem:s15+$0x2C50] =	vst v0  }
.LBB2_2:
0x32: {  	p0 =	sne.s32 s17, $0xFE00;
	[tilespmem:s15+$0x2C60] =	vst v0;
	s15 =	sor.u32 s19, s18  }
0x33: {  	[tilespmem:s15+$0x2C70] =	vst v0  }
0x34: {  	[tilespmem:s15+$0x2000] =	vst v0  }
0x35: {  	[tilespmem:s15+$0x2010] =	vst v0  }
0x36: {  	[tilespmem:s15+$0x2020] =	vst v0  }
0x37: {  	[tilespmem:s15+$0x2030] =	vst v0  }
0x38: {  	[tilespmem:s15+$0x2040] =	vst v0  }
0x39: {  	[tilespmem:s15+$0x2050] =	vst v0  }
0x3a: {  	[tilespmem:s15+$0x2060] =	vst v0  }
0x3b: {  	[tilespmem:s15+$0x2070] =	vst v0  }
0x3c: {  	[tilespmem:s15+$0x2400] =	vst v0  }
0x3d: {  	[tilespmem:s15+$0x2410] =	vst v0  }
0x3e: {  	[tilespmem:s15+$0x2420] =	vst v0  }
0x3f: {  	[tilespmem:s15+$0x2430] =	vst v0  }
0x40: {  	[tilespmem:s15+$0x2440] =	vst v0  }
0x41: {  	[tilespmem:s15+$0x2450] =	vst v0  }
0x42: {  	[tilespmem:s15+$0x2460] =	vst v0  }
0x43: {  	[tilespmem:s15+$0x2470] =	vst v0  }
0x44: {  	[tilespmem:s15+$0x2800] =	vst v0  }
0x45: {  	[tilespmem:s15+$0x2810] =	vst v0  }
0x46: {  	[tilespmem:s15+$0x2820] =	vst v0  }
0x47: {  	[tilespmem:s15+$0x2830] =	vst v0  }
0x48: {  	[tilespmem:s15+$0x2840] =	vst v0  }
0x49: {  	[tilespmem:s15+$0x2850] =	vst v0  }
0x4a: {  	[tilespmem:s15+$0x2860] =	vst v0  }
0x4b: {  	[tilespmem:s15+$0x2870] =	vst v0  }
0x4c: {  	[tilespmem:s15+$0x2C00] =	vst v0  }
.Ltmp0:
0x4d: {  	[tilespmem:s15+$0x2C10] =	vst v0;
	(pc) =	sbr.rel @p0 .LBB2_2-.Ltmp0, $4  }
0x4e: {  	[tilespmem:s15+$0x2C20] =	vst v0  }
0x4f: {  	[tilespmem:s15+$0x2C30] =	vst v0  }
0x50: {  	s16 =	sadd.s32 $0x80, s16;
	[tilespmem:s15+$0x2C40] =	vst v0  }
0x51: {  	s18 =	sand.u32 $0xF000, s17;
	s17 =	sadd.s32 $0x200, s17;
	s19 =	sand.u32 $0x380, s16;
	[tilespmem:s15+$0x2C50] =	vst v0  }
0x52: {  	s16 =	sor.u32 s19, s18;
	[tilespmem:s15+$0x2C60] =	vst v0  }
0x53: {  	[tilespmem:s16+$0x2C70] =	vst v0  }
0x54: {  	[tilespmem:s16+$0x2000] =	vst v0  }
0x55: {  	[tilespmem:s16+$0x2010] =	vst v0  }
0x56: {  	[tilespmem:s16+$0x2020] =	vst v0  }
0x57: {  	[tilespmem:s16+$0x2030] =	vst v0  }
0x58: {  	[tilespmem:s16+$0x2040] =	vst v0  }
0x59: {  	[tilespmem:s16+$0x2050] =	vst v0  }
0x5a: {  	[tilespmem:s16+$0x2060] =	vst v0  }
0x5b: {  	[tilespmem:s16+$0x2070] =	vst v0  }
0x5c: {  	[tilespmem:s16+$0x2400] =	vst v0  }
0x5d: {  	[tilespmem:s16+$0x2410] =	vst v0  }
0x5e: {  	[tilespmem:s16+$0x2420] =	vst v0  }
0x5f: {  	[tilespmem:s16+$0x2430] =	vst v0  }
0x60: {  	[tilespmem:s16+$0x2440] =	vst v0  }
0x61: {  	[tilespmem:s16+$0x2450] =	vst v0  }
0x62: {  	[tilespmem:s16+$0x2460] =	vst v0  }
0x63: {  	[tilespmem:s16+$0x2470] =	vst v0  }
0x64: {  	[tilespmem:s16+$0x2800] =	vst v0  }
0x65: {  	[tilespmem:s16+$0x2810] =	vst v0  }
0x66: {  	[tilespmem:s16+$0x2820] =	vst v0  }
0x67: {  	[tilespmem:s16+$0x2830] =	vst v0  }
0x68: {  	[tilespmem:s16+$0x2840] =	vst v0  }
0x69: {  	[tilespmem:s16+$0x2850] =	vst v0  }
0x6a: {  	[tilespmem:s16+$0x2860] =	vst v0  }
0x6b: {  	[tilespmem:s16+$0x2870] =	vst v0  }
0x6c: {  	[tilespmem:s16+$0x2C00] =	vst v0  }
0x6d: {  	[tilespmem:s16+$0x2C10] =	vst v0  }
0x6e: {  	[tilespmem:s16+$0x2C20] =	vst v0  }
0x6f: {  	[tilespmem:s16+$0x2C30] =	vst v0  }
0x70: {  	[tilespmem:s16+$0x2C40] =	vst v0  }
0x71: {  	[tilespmem:s16+$0x2C50] =	vst v0  }
0x72: {  	s15 =	simm.s32 $0x0;
	[tilespmem:s16+$0x2C60] =	vst v0;
	s16 =	simm.s32 $0x800  }
.LBB2_4:
0x73: {  	v6 =	vld [tilespmem:s16+$0xFFFFF800];
	_ =	sdelay $0x2  }
0x74: {  	v5 =	vmov s15  }
0x75: {  	v5 =	vshll.u32 v5, $0x9  }
0x76: {  	v5 =	vor.u32 v1, v5;
	v7 =	vshll.u32 v6, $0x3  }
0x77: {  	v5 =	vand.u32 $0xF000, v5;
	vm0 =	vne.s32 v6, $0x0;
	v7 =	vand.u32 $0xFFFFFC00, v7  }
0x78: {  	vm1 =	vlt.s32 v6, $0x200;
	v6 =	vand.u32 $0x7F, v6;
	v7 =	vadd.s32 v5, v7  }
0x79: {  	vm0 =	vmand vm0, vm1;
	v6 =	vor.u32 v6, v7  }
0x7a: {  	v6 =	vor.u32 v2, v6;
	_ =	sdelay $0x4  }
0x7b: {  	[tilespmem:v6+s13+$0x0] =	vst.idx.add.f32.msk vm0, v3  }
0x7c: {  	v6 =	vld [tilespmem:s16+$0xFFFFF880];
	_ =	sdelay $0x4  }
0x7d: {  	v7 =	vshll.u32 v6, $0x3  }
0x7e: {  	vm14 =	vne.s32 v6, $0x0;
	v7 =	vand.u32 $0xFFFFFC00, v7  }
0x7f: {  	vm15 =	vlt.s32 v6, $0x200;
	v6 =	vand.u32 $0x7F, v6;
	v7 =	vadd.s32 v5, v7  }
0x80: {  	vm0 =	vmand vm14, vm15;
	v6 =	vor.u32 v6, v7  }
0x81: {  	v6 =	vor.u32 v2, v6;
	_ =	sdelay $0x4  }
0x82: {  	[tilespmem:v6+s13+$0x0] =	vst.idx.add.f32.msk vm0, v3  }
0x83: {  	v6 =	vld [tilespmem:s16+$0xFFFFF900];
	_ =	sdelay $0x4  }
0x84: {  	v7 =	vshll.u32 v6, $0x3  }
0x85: {  	vm4 =	vne.s32 v6, $0x0;
	v7 =	vand.u32 $0xFFFFFC00, v7  }
0x86: {  	vm5 =	vlt.s32 v6, $0x200;
	v6 =	vand.u32 $0x7F, v6;
	v7 =	vadd.s32 v5, v7  }
0x87: {  	vm0 =	vmand vm4, vm5;
	v6 =	vor.u32 v6, v7  }
0x88: {  	v6 =	vor.u32 v2, v6;
	_ =	sdelay $0x4  }
0x89: {  	[tilespmem:v6+s13+$0x0] =	vst.idx.add.f32.msk vm0, v3  }
0x8a: {  	v6 =	vld [tilespmem:s16+$0xFFFFF980];
	_ =	sdelay $0x4  }
0x8b: {  	v7 =	vshll.u32 v6, $0x3  }
0x8c: {  	vm6 =	vne.s32 v6, $0x0;
	v7 =	vand.u32 $0xFFFFFC00, v7  }
0x8d: {  	vm7 =	vlt.s32 v6, $0x200;
	v6 =	vand.u32 $0x7F, v6;
	v7 =	vadd.s32 v5, v7  }
0x8e: {  	vm0 =	vmand vm6, vm7;
	v6 =	vor.u32 v6, v7  }
0x8f: {  	v6 =	vor.u32 v2, v6;
	_ =	sdelay $0x4  }
0x90: {  	[tilespmem:v6+s13+$0x0] =	vst.idx.add.f32.msk vm0, v3  }
0x91: {  	v6 =	vld [tilespmem:s16+$0xFFFFFA00];
	_ =	sdelay $0x4  }
0x92: {  	v7 =	vshll.u32 v6, $0x3  }
0x93: {  	vm8 =	vne.s32 v6, $0x0;
	v7 =	vand.u32 $0xFFFFFC00, v7  }
0x94: {  	vm9 =	vlt.s32 v6, $0x200;
	v6 =	vand.u32 $0x7F, v6;
	v7 =	vadd.s32 v5, v7  }
0x95: {  	vm0 =	vmand vm8, vm9;
	v6 =	vor.u32 v6, v7  }
0x96: {  	v6 =	vor.u32 v2, v6;
	_ =	sdelay $0x4  }
0x97: {  	[tilespmem:v6+s13+$0x0] =	vst.idx.add.f32.msk vm0, v3  }
0x98: {  	v6 =	vld [tilespmem:s16+$0xFFFFFA80];
	_ =	sdelay $0x4  }
0x99: {  	v7 =	vshll.u32 v6, $0x3  }
0x9a: {  	vm10 =	vne.s32 v6, $0x0;
	v7 =	vand.u32 $0xFFFFFC00, v7  }
0x9b: {  	vm11 =	vlt.s32 v6, $0x200;
	v6 =	vand.u32 $0x7F, v6;
	v7 =	vadd.s32 v5, v7  }
0x9c: {  	vm0 =	vmand vm10, vm11;
	v6 =	vor.u32 v6, v7  }
0x9d: {  	v6 =	vor.u32 v2, v6;
	_ =	sdelay $0x4  }
0x9e: {  	[tilespmem:v6+s13+$0x0] =	vst.idx.add.f32.msk vm0, v3  }
0x9f: {  	v6 =	vld [tilespmem:s16+$0xFFFFFB00];
	_ =	sdelay $0x4  }
0xa0: {  	v7 =	vshll.u32 v6, $0x3  }
0xa1: {  	vm12 =	vne.s32 v6, $0x0;
	v7 =	vand.u32 $0xFFFFFC00, v7  }
0xa2: {  	vm13 =	vlt.s32 v6, $0x200;
	v6 =	vand.u32 $0x7F, v6;
	v7 =	vadd.s32 v5, v7  }
0xa3: {  	vm0 =	vmand vm12, vm13;
	v6 =	vor.u32 v6, v7  }
0xa4: {  	v6 =	vor.u32 v2, v6;
	_ =	sdelay $0x4  }
0xa5: {  	[tilespmem:v6+s13+$0x0] =	vst.idx.add.f32.msk vm0, v3  }
0xa6: {  	v6 =	vld [tilespmem:s16+$0xFFFFFB80];
	_ =	sdelay $0x4  }
0xa7: {  	v7 =	vshll.u32 v6, $0x3  }
0xa8: {  	vm14 =	vne.s32 v6, $0x0;
	v7 =	vand.u32 $0xFFFFFC00, v7  }
0xa9: {  	vm15 =	vlt.s32 v6, $0x200;
	v6 =	vand.u32 $0x7F, v6;
	v7 =	vadd.s32 v5, v7  }
0xaa: {  	vm0 =	vmand vm14, vm15;
	v6 =	vor.u32 v6, v7  }
0xab: {  	v6 =	vor.u32 v2, v6;
	_ =	sdelay $0x4  }
0xac: {  	[tilespmem:v6+s13+$0x0] =	vst.idx.add.f32.msk vm0, v3  }
0xad: {  	v6 =	vld [tilespmem:s16+$0xFFFFFC00];
	_ =	sdelay $0x4  }
0xae: {  	v7 =	vshll.u32 v6, $0x3  }
0xaf: {  	vm4 =	vne.s32 v6, $0x0;
	v7 =	vand.u32 $0xFFFFFC00, v7  }
0xb0: {  	vm5 =	vlt.s32 v6, $0x200;
	v6 =	vand.u32 $0x7F, v6;
	v7 =	vadd.s32 v5, v7  }
0xb1: {  	vm0 =	vmand vm4, vm5;
	v6 =	vor.u32 v6, v7  }
0xb2: {  	v6 =	vor.u32 v2, v6;
	_ =	sdelay $0x4  }
0xb3: {  	[tilespmem:v6+s13+$0x0] =	vst.idx.add.f32.msk vm0, v3  }
0xb4: {  	v6 =	vld [tilespmem:s16+$0xFFFFFC80];
	_ =	sdelay $0x4  }
0xb5: {  	v7 =	vshll.u32 v6, $0x3  }
0xb6: {  	vm6 =	vne.s32 v6, $0x0;
	v7 =	vand.u32 $0xFFFFFC00, v7  }
0xb7: {  	vm7 =	vlt.s32 v6, $0x200;
	v6 =	vand.u32 $0x7F, v6;
	v7 =	vadd.s32 v5, v7  }
0xb8: {  	vm0 =	vmand vm6, vm7;
	v6 =	vor.u32 v6, v7  }
0xb9: {  	v6 =	vor.u32 v2, v6;
	_ =	sdelay $0x4  }
0xba: {  	[tilespmem:v6+s13+$0x0] =	vst.idx.add.f32.msk vm0, v3  }
0xbb: {  	v6 =	vld [tilespmem:s16+$0xFFFFFD00];
	_ =	sdelay $0x4  }
0xbc: {  	v7 =	vshll.u32 v6, $0x3  }
0xbd: {  	vm8 =	vne.s32 v6, $0x0;
	v7 =	vand.u32 $0xFFFFFC00, v7  }
0xbe: {  	vm9 =	vlt.s32 v6, $0x200;
	v6 =	vand.u32 $0x7F, v6;
	v7 =	vadd.s32 v5, v7  }
0xbf: {  	vm0 =	vmand vm8, vm9;
	v6 =	vor.u32 v6, v7  }
0xc0: {  	v6 =	vor.u32 v2, v6;
	_ =	sdelay $0x4  }
0xc1: {  	[tilespmem:v6+s13+$0x0] =	vst.idx.add.f32.msk vm0, v3  }
0xc2: {  	v6 =	vld [tilespmem:s16+$0xFFFFFD80];
	_ =	sdelay $0x4  }
0xc3: {  	v7 =	vshll.u32 v6, $0x3  }
0xc4: {  	vm10 =	vne.s32 v6, $0x0;
	v7 =	vand.u32 $0xFFFFFC00, v7  }
0xc5: {  	vm11 =	vlt.s32 v6, $0x200;
	v6 =	vand.u32 $0x7F, v6;
	v7 =	vadd.s32 v5, v7  }
0xc6: {  	vm0 =	vmand vm10, vm11;
	v6 =	vor.u32 v6, v7  }
0xc7: {  	v6 =	vor.u32 v2, v6;
	_ =	sdelay $0x4  }
0xc8: {  	[tilespmem:v6+s13+$0x0] =	vst.idx.add.f32.msk vm0, v3  }
0xc9: {  	v6 =	vld [tilespmem:s16+$0xFFFFFE00];
	_ =	sdelay $0x4  }
0xca: {  	v7 =	vshll.u32 v6, $0x3  }
0xcb: {  	vm12 =	vne.s32 v6, $0x0;
	v7 =	vand.u32 $0xFFFFFC00, v7  }
0xcc: {  	vm13 =	vlt.s32 v6, $0x200;
	v6 =	vand.u32 $0x7F, v6;
	v7 =	vadd.s32 v5, v7  }
0xcd: {  	vm0 =	vmand vm12, vm13;
	v6 =	vor.u32 v6, v7  }
0xce: {  	v6 =	vor.u32 v2, v6;
	_ =	sdelay $0x4  }
0xcf: {  	[tilespmem:v6+s13+$0x0] =	vst.idx.add.f32.msk vm0, v3  }
0xd0: {  	v6 =	vld [tilespmem:s16+$0xFFFFFE80];
	_ =	sdelay $0x4  }
0xd1: {  	v7 =	vshll.u32 v6, $0x3  }
0xd2: {  	vm14 =	vne.s32 v6, $0x0;
	v7 =	vand.u32 $0xFFFFFC00, v7  }
0xd3: {  	vm15 =	vlt.s32 v6, $0x200;
	v6 =	vand.u32 $0x7F, v6;
	v7 =	vadd.s32 v5, v7  }
0xd4: {  	vm0 =	vmand vm14, vm15;
	v6 =	vor.u32 v6, v7  }
0xd5: {  	v6 =	vor.u32 v2, v6;
	_ =	sdelay $0x4  }
0xd6: {  	[tilespmem:v6+s13+$0x0] =	vst.idx.add.f32.msk vm0, v3  }
0xd7: {  	v6 =	vld [tilespmem:s16+$0xFFFFFF00];
	_ =	sdelay $0x4  }
0xd8: {  	v7 =	vshll.u32 v6, $0x3  }
0xd9: {  	vm4 =	vne.s32 v6, $0x0;
	v7 =	vand.u32 $0xFFFFFC00, v7  }
0xda: {  	vm5 =	vlt.s32 v6, $0x200;
	v6 =	vand.u32 $0x7F, v6;
	v7 =	vadd.s32 v5, v7  }
0xdb: {  	vm0 =	vmand vm4, vm5;
	v6 =	vor.u32 v6, v7  }
0xdc: {  	v6 =	vor.u32 v2, v6;
	_ =	sdelay $0x4  }
0xdd: {  	[tilespmem:v6+s13+$0x0] =	vst.idx.add.f32.msk vm0, v3  }
0xde: {  	v6 =	vld [tilespmem:s16+$0xFFFFFF80];
	_ =	sdelay $0x4  }
0xdf: {  	v7 =	vshll.u32 v6, $0x3  }
0xe0: {  	vm6 =	vne.s32 v6, $0x0;
	v7 =	vand.u32 $0xFFFFFC00, v7  }
0xe1: {  	vm7 =	vlt.s32 v6, $0x200;
	v6 =	vand.u32 $0x7F, v6;
	v7 =	vadd.s32 v5, v7  }
0xe2: {  	vm0 =	vmand vm6, vm7;
	v6 =	vor.u32 v6, v7  }
0xe3: {  	v6 =	vor.u32 v2, v6;
	_ =	sdelay $0x4  }
0xe4: {  	[tilespmem:v6+s13+$0x0] =	vst.idx.add.f32.msk vm0, v3  }
0xe5: {  	v6 =	vld [tilespmem:s16+$0x0];
	_ =	sdelay $0x4  }
0xe6: {  	v7 =	vshll.u32 v6, $0x3  }
0xe7: {  	vm8 =	vne.s32 v6, $0x0;
	v7 =	vand.u32 $0xFFFFFC00, v7  }
0xe8: {  	vm9 =	vlt.s32 v6, $0x200;
	v6 =	vand.u32 $0x7F, v6;
	v7 =	vadd.s32 v5, v7  }
0xe9: {  	vm0 =	vmand vm8, vm9;
	v6 =	vor.u32 v6, v7  }
0xea: {  	v6 =	vor.u32 v2, v6;
	_ =	sdelay $0x4  }
0xeb: {  	[tilespmem:v6+s13+$0x0] =	vst.idx.add.f32.msk vm0, v3  }
0xec: {  	v6 =	vld [tilespmem:s16+$0x80];
	_ =	sdelay $0x4  }
0xed: {  	v7 =	vshll.u32 v6, $0x3  }
0xee: {  	vm10 =	vne.s32 v6, $0x0;
	v7 =	vand.u32 $0xFFFFFC00, v7  }
0xef: {  	vm11 =	vlt.s32 v6, $0x200;
	v6 =	vand.u32 $0x7F, v6;
	v7 =	vadd.s32 v5, v7  }
0xf0: {  	vm0 =	vmand vm10, vm11;
	v6 =	vor.u32 v6, v7  }
0xf1: {  	v6 =	vor.u32 v2, v6;
	_ =	sdelay $0x4  }
0xf2: {  	[tilespmem:v6+s13+$0x0] =	vst.idx.add.f32.msk vm0, v3  }
0xf3: {  	v6 =	vld [tilespmem:s16+$0x100];
	_ =	sdelay $0x4  }
0xf4: {  	v7 =	vshll.u32 v6, $0x3  }
0xf5: {  	vm12 =	vne.s32 v6, $0x0;
	v7 =	vand.u32 $0xFFFFFC00, v7  }
0xf6: {  	vm13 =	vlt.s32 v6, $0x200;
	v6 =	vand.u32 $0x7F, v6;
	v7 =	vadd.s32 v5, v7  }
0xf7: {  	vm0 =	vmand vm12, vm13;
	v6 =	vor.u32 v6, v7  }
0xf8: {  	v6 =	vor.u32 v2, v6;
	_ =	sdelay $0x4  }
0xf9: {  	[tilespmem:v6+s13+$0x0] =	vst.idx.add.f32.msk vm0, v3  }
0xfa: {  	v6 =	vld [tilespmem:s16+$0x180];
	_ =	sdelay $0x4  }
0xfb: {  	v7 =	vshll.u32 v6, $0x3  }
0xfc: {  	vm14 =	vne.s32 v6, $0x0;
	v7 =	vand.u32 $0xFFFFFC00, v7  }
0xfd: {  	vm15 =	vlt.s32 v6, $0x200;
	v6 =	vand.u32 $0x7F, v6;
	v7 =	vadd.s32 v5, v7  }
0xfe: {  	vm0 =	vmand vm14, vm15;
	v6 =	vor.u32 v6, v7  }
0xff: {  	v6 =	vor.u32 v2, v6;
	_ =	sdelay $0x4  }
0x100: {  	[tilespmem:v6+s13+$0x0] =	vst.idx.add.f32.msk vm0, v3  }
0x101: {  	v6 =	vld [tilespmem:s16+$0x200];
	_ =	sdelay $0x4  }
0x102: {  	v7 =	vshll.u32 v6, $0x3  }
0x103: {  	vm4 =	vne.s32 v6, $0x0;
	v7 =	vand.u32 $0xFFFFFC00, v7  }
0x104: {  	vm5 =	vlt.s32 v6, $0x200;
	v6 =	vand.u32 $0x7F, v6;
	v7 =	vadd.s32 v5, v7  }
0x105: {  	vm0 =	vmand vm4, vm5;
	v6 =	vor.u32 v6, v7  }
0x106: {  	v6 =	vor.u32 v2, v6;
	_ =	sdelay $0x4  }
0x107: {  	[tilespmem:v6+s13+$0x0] =	vst.idx.add.f32.msk vm0, v3  }
0x108: {  	v6 =	vld [tilespmem:s16+$0x280];
	_ =	sdelay $0x4  }
0x109: {  	v7 =	vshll.u32 v6, $0x3  }
0x10a: {  	vm6 =	vne.s32 v6, $0x0;
	v7 =	vand.u32 $0xFFFFFC00, v7  }
0x10b: {  	vm7 =	vlt.s32 v6, $0x200;
	v6 =	vand.u32 $0x7F, v6;
	v7 =	vadd.s32 v5, v7  }
0x10c: {  	vm0 =	vmand vm6, vm7;
	v6 =	vor.u32 v6, v7  }
0x10d: {  	v6 =	vor.u32 v2, v6;
	_ =	sdelay $0x4  }
0x10e: {  	[tilespmem:v6+s13+$0x0] =	vst.idx.add.f32.msk vm0, v3  }
0x10f: {  	v6 =	vld [tilespmem:s16+$0x300];
	_ =	sdelay $0x4  }
0x110: {  	v7 =	vshll.u32 v6, $0x3  }
0x111: {  	vm8 =	vne.s32 v6, $0x0;
	v7 =	vand.u32 $0xFFFFFC00, v7  }
0x112: {  	vm9 =	vlt.s32 v6, $0x200;
	v6 =	vand.u32 $0x7F, v6;
	v7 =	vadd.s32 v5, v7  }
0x113: {  	vm0 =	vmand vm8, vm9;
	v6 =	vor.u32 v6, v7  }
0x114: {  	v6 =	vor.u32 v2, v6;
	_ =	sdelay $0x4  }
0x115: {  	[tilespmem:v6+s13+$0x0] =	vst.idx.add.f32.msk vm0, v3  }
0x116: {  	v6 =	vld [tilespmem:s16+$0x380];
	_ =	sdelay $0x4  }
0x117: {  	v7 =	vshll.u32 v6, $0x3  }
0x118: {  	vm10 =	vne.s32 v6, $0x0;
	v7 =	vand.u32 $0xFFFFFC00, v7  }
0x119: {  	vm11 =	vlt.s32 v6, $0x200;
	v6 =	vand.u32 $0x7F, v6;
	v7 =	vadd.s32 v5, v7  }
0x11a: {  	vm0 =	vmand vm10, vm11;
	v6 =	vor.u32 v6, v7  }
0x11b: {  	v6 =	vor.u32 v2, v6;
	_ =	sdelay $0x4  }
0x11c: {  	[tilespmem:v6+s13+$0x0] =	vst.idx.add.f32.msk vm0, v3  }
0x11d: {  	v6 =	vld [tilespmem:s16+$0x400];
	_ =	sdelay $0x4  }
0x11e: {  	v7 =	vshll.u32 v6, $0x3  }
0x11f: {  	vm12 =	vne.s32 v6, $0x0;
	v7 =	vand.u32 $0xFFFFFC00, v7  }
0x120: {  	vm13 =	vlt.s32 v6, $0x200;
	v6 =	vand.u32 $0x7F, v6;
	v7 =	vadd.s32 v5, v7  }
0x121: {  	vm0 =	vmand vm12, vm13;
	v6 =	vor.u32 v6, v7  }
0x122: {  	v6 =	vor.u32 v2, v6;
	_ =	sdelay $0x4  }
0x123: {  	[tilespmem:v6+s13+$0x0] =	vst.idx.add.f32.msk vm0, v3  }
0x124: {  	v6 =	vld [tilespmem:s16+$0x480];
	_ =	sdelay $0x4  }
0x125: {  	v7 =	vshll.u32 v6, $0x3  }
0x126: {  	vm14 =	vne.s32 v6, $0x0;
	v7 =	vand.u32 $0xFFFFFC00, v7  }
0x127: {  	vm15 =	vlt.s32 v6, $0x200;
	v6 =	vand.u32 $0x7F, v6;
	v7 =	vadd.s32 v5, v7  }
0x128: {  	vm0 =	vmand vm14, vm15;
	v6 =	vor.u32 v6, v7  }
0x129: {  	v6 =	vor.u32 v2, v6;
	_ =	sdelay $0x4  }
0x12a: {  	[tilespmem:v6+s13+$0x0] =	vst.idx.add.f32.msk vm0, v3  }
0x12b: {  	v6 =	vld [tilespmem:s16+$0x500];
	_ =	sdelay $0x4  }
0x12c: {  	v7 =	vshll.u32 v6, $0x3  }
0x12d: {  	vm4 =	vne.s32 v6, $0x0;
	v7 =	vand.u32 $0xFFFFFC00, v7  }
0x12e: {  	vm5 =	vlt.s32 v6, $0x200;
	v6 =	vand.u32 $0x7F, v6;
	v7 =	vadd.s32 v5, v7  }
0x12f: {  	vm0 =	vmand vm4, vm5;
	v6 =	vor.u32 v6, v7  }
0x130: {  	v6 =	vor.u32 v2, v6;
	_ =	sdelay $0x4  }
0x131: {  	[tilespmem:v6+s13+$0x0] =	vst.idx.add.f32.msk vm0, v3  }
0x132: {  	v6 =	vld [tilespmem:s16+$0x580];
	_ =	sdelay $0x4  }
0x133: {  	v7 =	vshll.u32 v6, $0x3  }
0x134: {  	vm6 =	vne.s32 v6, $0x0;
	v7 =	vand.u32 $0xFFFFFC00, v7  }
0x135: {  	vm7 =	vlt.s32 v6, $0x200;
	v6 =	vand.u32 $0x7F, v6;
	v7 =	vadd.s32 v5, v7  }
0x136: {  	vm0 =	vmand vm6, vm7;
	v6 =	vor.u32 v6, v7  }
0x137: {  	v6 =	vor.u32 v2, v6;
	_ =	sdelay $0x4  }
0x138: {  	[tilespmem:v6+s13+$0x0] =	vst.idx.add.f32.msk vm0, v3  }
0x139: {  	v6 =	vld [tilespmem:s16+$0x600];
	_ =	sdelay $0x4  }
0x13a: {  	v7 =	vshll.u32 v6, $0x3  }
0x13b: {  	vm8 =	vne.s32 v6, $0x0;
	v7 =	vand.u32 $0xFFFFFC00, v7  }
0x13c: {  	vm9 =	vlt.s32 v6, $0x200;
	v6 =	vand.u32 $0x7F, v6;
	v7 =	vadd.s32 v5, v7  }
0x13d: {  	vm0 =	vmand vm8, vm9;
	v6 =	vor.u32 v6, v7  }
0x13e: {  	v6 =	vor.u32 v2, v6;
	_ =	sdelay $0x4  }
0x13f: {  	[tilespmem:v6+s13+$0x0] =	vst.idx.add.f32.msk vm0, v3  }
0x140: {  	v6 =	vld [tilespmem:s16+$0x680];
	_ =	sdelay $0x4  }
0x141: {  	v7 =	vshll.u32 v6, $0x3  }
0x142: {  	vm10 =	vne.s32 v6, $0x0;
	v7 =	vand.u32 $0xFFFFFC00, v7  }
0x143: {  	vm11 =	vlt.s32 v6, $0x200;
	v6 =	vand.u32 $0x7F, v6;
	v7 =	vadd.s32 v5, v7  }
0x144: {  	vm0 =	vmand vm10, vm11;
	v6 =	vor.u32 v6, v7  }
0x145: {  	v6 =	vor.u32 v2, v6;
	_ =	sdelay $0x4  }
0x146: {  	[tilespmem:v6+s13+$0x0] =	vst.idx.add.f32.msk vm0, v3  }
0x147: {  	v6 =	vld [tilespmem:s16+$0x700];
	_ =	sdelay $0x4  }
0x148: {  	v7 =	vshll.u32 v6, $0x3  }
0x149: {  	vm12 =	vne.s32 v6, $0x0;
	v7 =	vand.u32 $0xFFFFFC00, v7  }
0x14a: {  	vm13 =	vlt.s32 v6, $0x200;
	v6 =	vand.u32 $0x7F, v6;
	v7 =	vadd.s32 v5, v7  }
0x14b: {  	vm0 =	vmand vm12, vm13;
	v6 =	vor.u32 v6, v7  }
0x14c: {  	v6 =	vor.u32 v2, v6;
	_ =	sdelay $0x4  }
0x14d: {  	[tilespmem:v6+s13+$0x0] =	vst.idx.add.f32.msk vm0, v3  }
0x14e: {  	v6 =	vld [tilespmem:s16+$0x780];
	_ =	sdelay $0x4  }
0x14f: {  	v7 =	vshll.u32 v6, $0x3  }
0x150: {  	vm14 =	vne.s32 v6, $0x0;
	v7 =	vand.u32 $0xFFFFFC00, v7  }
0x151: {  	vm15 =	vlt.s32 v6, $0x200;
	v6 =	vand.u32 $0x7F, v6;
	v5 =	vadd.s32 v5, v7  }
0x152: {  	vm0 =	vmand vm14, vm15;
	v5 =	vor.u32 v6, v5  }
0x153: {  	p0 =	sne.s32 s15, $0x70;
	v5 =	vor.u32 v2, v5  }
.Ltmp1:
0x154: {  	_ = 	snop;
	(pc) =	sbr.rel @p0 .LBB2_4-.Ltmp1, $2  }
0x155: {  	_ =	sdelay $0x2  }
0x156: {  	s15 =	sadd.s32 $0x10, s15;
	s16 =	sadd.s32 $0x10, s16;
	[tilespmem:v5+s13+$0x0] =	vst.idx.add.f32.msk vm0, v3  }
0x157: {  	s15 =	simm.s32 $0x0  }
0x158: {  	[hbm4b:s5+s15] =	stream.linear.scatter [tilespmem:s13], [sflag:$0x1], $0x10000, $0x38;
	[tilespmem:$0x12000] =	vst v63  }
0x159: {  	_ =	swait.ge [sflag:s11], $0x10000  }
0x15a: {  	[sflag:s11] =	ssyncset.done $0x0  }
0x15b: {  	s16 =	simm.s32 $0x800;
	s17 =	simm.s32 $0x0;
	[sflag:s11] =	ssyncadd.s32 $0xFFFF0000  }
.LBB2_6:
0x15c: {  	v6 =	vld [tilespmem:s16+$0xFFFFF800];
	_ =	sdelay $0x2  }
0x15d: {  	v5 =	vmov s17  }
0x15e: {  	v5 =	vshll.u32 v5, $0x9  }
0x15f: {  	v5 =	vor.u32 v1, v5;
	v7 =	vshll.u32 v6, $0x3  }
0x160: {  	v5 =	vand.u32 $0xF000, v5;
	vm0 =	vne.s32 v6, $0x0;
	v7 =	vand.u32 $0xFFFFFC00, v7  }
0x161: {  	vm1 =	vlt.s32 v6, $0x200;
	v6 =	vand.u32 $0x7F, v6;
	v7 =	vadd.s32 v5, v7  }
0x162: {  	vm0 =	vmand vm0, vm1;
	v6 =	vor.u32 v6, v7  }
0x163: {  	v6 =	vor.u32 v2, v6;
	_ =	sdelay $0x4  }
0x164: {  	[tilespmem:v6+s13+$0x0] =	vst.idx.add.f32.msk vm0, v4  }
0x165: {  	v6 =	vld [tilespmem:s16+$0xFFFFF880];
	_ =	sdelay $0x4  }
0x166: {  	v7 =	vshll.u32 v6, $0x3  }
0x167: {  	vm14 =	vne.s32 v6, $0x0;
	v7 =	vand.u32 $0xFFFFFC00, v7  }
0x168: {  	vm15 =	vlt.s32 v6, $0x200;
	v6 =	vand.u32 $0x7F, v6;
	v7 =	vadd.s32 v5, v7  }
0x169: {  	vm0 =	vmand vm14, vm15;
	v6 =	vor.u32 v6, v7  }
0x16a: {  	v6 =	vor.u32 v2, v6;
	_ =	sdelay $0x4  }
0x16b: {  	[tilespmem:v6+s13+$0x0] =	vst.idx.add.f32.msk vm0, v4  }
0x16c: {  	v6 =	vld [tilespmem:s16+$0xFFFFF900];
	_ =	sdelay $0x4  }
0x16d: {  	v7 =	vshll.u32 v6, $0x3  }
0x16e: {  	vm4 =	vne.s32 v6, $0x0;
	v7 =	vand.u32 $0xFFFFFC00, v7  }
0x16f: {  	vm5 =	vlt.s32 v6, $0x200;
	v6 =	vand.u32 $0x7F, v6;
	v7 =	vadd.s32 v5, v7  }
0x170: {  	vm0 =	vmand vm4, vm5;
	v6 =	vor.u32 v6, v7  }
0x171: {  	v6 =	vor.u32 v2, v6;
	_ =	sdelay $0x4  }
0x172: {  	[tilespmem:v6+s13+$0x0] =	vst.idx.add.f32.msk vm0, v4  }
0x173: {  	v6 =	vld [tilespmem:s16+$0xFFFFF980];
	_ =	sdelay $0x4  }
0x174: {  	v7 =	vshll.u32 v6, $0x3  }
0x175: {  	vm6 =	vne.s32 v6, $0x0;
	v7 =	vand.u32 $0xFFFFFC00, v7  }
0x176: {  	vm7 =	vlt.s32 v6, $0x200;
	v6 =	vand.u32 $0x7F, v6;
	v7 =	vadd.s32 v5, v7  }
0x177: {  	vm0 =	vmand vm6, vm7;
	v6 =	vor.u32 v6, v7  }
0x178: {  	v6 =	vor.u32 v2, v6;
	_ =	sdelay $0x4  }
0x179: {  	[tilespmem:v6+s13+$0x0] =	vst.idx.add.f32.msk vm0, v4  }
0x17a: {  	v6 =	vld [tilespmem:s16+$0xFFFFFA00];
	_ =	sdelay $0x4  }
0x17b: {  	v7 =	vshll.u32 v6, $0x3  }
0x17c: {  	vm8 =	vne.s32 v6, $0x0;
	v7 =	vand.u32 $0xFFFFFC00, v7  }
0x17d: {  	vm9 =	vlt.s32 v6, $0x200;
	v6 =	vand.u32 $0x7F, v6;
	v7 =	vadd.s32 v5, v7  }
0x17e: {  	vm0 =	vmand vm8, vm9;
	v6 =	vor.u32 v6, v7  }
0x17f: {  	v6 =	vor.u32 v2, v6;
	_ =	sdelay $0x4  }
0x180: {  	[tilespmem:v6+s13+$0x0] =	vst.idx.add.f32.msk vm0, v4  }
0x181: {  	v6 =	vld [tilespmem:s16+$0xFFFFFA80];
	_ =	sdelay $0x4  }
0x182: {  	v7 =	vshll.u32 v6, $0x3  }
0x183: {  	vm10 =	vne.s32 v6, $0x0;
	v7 =	vand.u32 $0xFFFFFC00, v7  }
0x184: {  	vm11 =	vlt.s32 v6, $0x200;
	v6 =	vand.u32 $0x7F, v6;
	v7 =	vadd.s32 v5, v7  }
0x185: {  	vm0 =	vmand vm10, vm11;
	v6 =	vor.u32 v6, v7  }
0x186: {  	v6 =	vor.u32 v2, v6;
	_ =	sdelay $0x4  }
0x187: {  	[tilespmem:v6+s13+$0x0] =	vst.idx.add.f32.msk vm0, v4  }
0x188: {  	v6 =	vld [tilespmem:s16+$0xFFFFFB00];
	_ =	sdelay $0x4  }
0x189: {  	v7 =	vshll.u32 v6, $0x3  }
0x18a: {  	vm12 =	vne.s32 v6, $0x0;
	v7 =	vand.u32 $0xFFFFFC00, v7  }
0x18b: {  	vm13 =	vlt.s32 v6, $0x200;
	v6 =	vand.u32 $0x7F, v6;
	v7 =	vadd.s32 v5, v7  }
0x18c: {  	vm0 =	vmand vm12, vm13;
	v6 =	vor.u32 v6, v7  }
0x18d: {  	v6 =	vor.u32 v2, v6;
	_ =	sdelay $0x4  }
0x18e: {  	[tilespmem:v6+s13+$0x0] =	vst.idx.add.f32.msk vm0, v4  }
0x18f: {  	v6 =	vld [tilespmem:s16+$0xFFFFFB80];
	_ =	sdelay $0x4  }
0x190: {  	v7 =	vshll.u32 v6, $0x3  }
0x191: {  	vm14 =	vne.s32 v6, $0x0;
	v7 =	vand.u32 $0xFFFFFC00, v7  }
0x192: {  	vm15 =	vlt.s32 v6, $0x200;
	v6 =	vand.u32 $0x7F, v6;
	v7 =	vadd.s32 v5, v7  }
0x193: {  	vm0 =	vmand vm14, vm15;
	v6 =	vor.u32 v6, v7  }
0x194: {  	v6 =	vor.u32 v2, v6;
	_ =	sdelay $0x4  }
0x195: {  	[tilespmem:v6+s13+$0x0] =	vst.idx.add.f32.msk vm0, v4  }
0x196: {  	v6 =	vld [tilespmem:s16+$0xFFFFFC00];
	_ =	sdelay $0x4  }
0x197: {  	v7 =	vshll.u32 v6, $0x3  }
0x198: {  	vm4 =	vne.s32 v6, $0x0;
	v7 =	vand.u32 $0xFFFFFC00, v7  }
0x199: {  	vm5 =	vlt.s32 v6, $0x200;
	v6 =	vand.u32 $0x7F, v6;
	v7 =	vadd.s32 v5, v7  }
0x19a: {  	vm0 =	vmand vm4, vm5;
	v6 =	vor.u32 v6, v7  }
0x19b: {  	v6 =	vor.u32 v2, v6;
	_ =	sdelay $0x4  }
0x19c: {  	[tilespmem:v6+s13+$0x0] =	vst.idx.add.f32.msk vm0, v4  }
0x19d: {  	v6 =	vld [tilespmem:s16+$0xFFFFFC80];
	_ =	sdelay $0x4  }
0x19e: {  	v7 =	vshll.u32 v6, $0x3  }
0x19f: {  	vm6 =	vne.s32 v6, $0x0;
	v7 =	vand.u32 $0xFFFFFC00, v7  }
0x1a0: {  	vm7 =	vlt.s32 v6, $0x200;
	v6 =	vand.u32 $0x7F, v6;
	v7 =	vadd.s32 v5, v7  }
0x1a1: {  	vm0 =	vmand vm6, vm7;
	v6 =	vor.u32 v6, v7  }
0x1a2: {  	v6 =	vor.u32 v2, v6;
	_ =	sdelay $0x4  }
0x1a3: {  	[tilespmem:v6+s13+$0x0] =	vst.idx.add.f32.msk vm0, v4  }
0x1a4: {  	v6 =	vld [tilespmem:s16+$0xFFFFFD00];
	_ =	sdelay $0x4  }
0x1a5: {  	v7 =	vshll.u32 v6, $0x3  }
0x1a6: {  	vm8 =	vne.s32 v6, $0x0;
	v7 =	vand.u32 $0xFFFFFC00, v7  }
0x1a7: {  	vm9 =	vlt.s32 v6, $0x200;
	v6 =	vand.u32 $0x7F, v6;
	v7 =	vadd.s32 v5, v7  }
0x1a8: {  	vm0 =	vmand vm8, vm9;
	v6 =	vor.u32 v6, v7  }
0x1a9: {  	v6 =	vor.u32 v2, v6;
	_ =	sdelay $0x4  }
0x1aa: {  	[tilespmem:v6+s13+$0x0] =	vst.idx.add.f32.msk vm0, v4  }
0x1ab: {  	v6 =	vld [tilespmem:s16+$0xFFFFFD80];
	_ =	sdelay $0x4  }
0x1ac: {  	v7 =	vshll.u32 v6, $0x3  }
0x1ad: {  	vm10 =	vne.s32 v6, $0x0;
	v7 =	vand.u32 $0xFFFFFC00, v7  }
0x1ae: {  	vm11 =	vlt.s32 v6, $0x200;
	v6 =	vand.u32 $0x7F, v6;
	v7 =	vadd.s32 v5, v7  }
0x1af: {  	vm0 =	vmand vm10, vm11;
	v6 =	vor.u32 v6, v7  }
0x1b0: {  	v6 =	vor.u32 v2, v6;
	_ =	sdelay $0x4  }
0x1b1: {  	[tilespmem:v6+s13+$0x0] =	vst.idx.add.f32.msk vm0, v4  }
0x1b2: {  	v6 =	vld [tilespmem:s16+$0xFFFFFE00];
	_ =	sdelay $0x4  }
0x1b3: {  	v7 =	vshll.u32 v6, $0x3  }
0x1b4: {  	vm12 =	vne.s32 v6, $0x0;
	v7 =	vand.u32 $0xFFFFFC00, v7  }
0x1b5: {  	vm13 =	vlt.s32 v6, $0x200;
	v6 =	vand.u32 $0x7F, v6;
	v7 =	vadd.s32 v5, v7  }
0x1b6: {  	vm0 =	vmand vm12, vm13;
	v6 =	vor.u32 v6, v7  }
0x1b7: {  	v6 =	vor.u32 v2, v6;
	_ =	sdelay $0x4  }
0x1b8: {  	[tilespmem:v6+s13+$0x0] =	vst.idx.add.f32.msk vm0, v4  }
0x1b9: {  	v6 =	vld [tilespmem:s16+$0xFFFFFE80];
	_ =	sdelay $0x4  }
0x1ba: {  	v7 =	vshll.u32 v6, $0x3  }
0x1bb: {  	vm14 =	vne.s32 v6, $0x0;
	v7 =	vand.u32 $0xFFFFFC00, v7  }
0x1bc: {  	vm15 =	vlt.s32 v6, $0x200;
	v6 =	vand.u32 $0x7F, v6;
	v7 =	vadd.s32 v5, v7  }
0x1bd: {  	vm0 =	vmand vm14, vm15;
	v6 =	vor.u32 v6, v7  }
0x1be: {  	v6 =	vor.u32 v2, v6;
	_ =	sdelay $0x4  }
0x1bf: {  	[tilespmem:v6+s13+$0x0] =	vst.idx.add.f32.msk vm0, v4  }
0x1c0: {  	v6 =	vld [tilespmem:s16+$0xFFFFFF00];
	_ =	sdelay $0x4  }
0x1c1: {  	v7 =	vshll.u32 v6, $0x3  }
0x1c2: {  	vm4 =	vne.s32 v6, $0x0;
	v7 =	vand.u32 $0xFFFFFC00, v7  }
0x1c3: {  	vm5 =	vlt.s32 v6, $0x200;
	v6 =	vand.u32 $0x7F, v6;
	v7 =	vadd.s32 v5, v7  }
0x1c4: {  	vm0 =	vmand vm4, vm5;
	v6 =	vor.u32 v6, v7  }
0x1c5: {  	v6 =	vor.u32 v2, v6;
	_ =	sdelay $0x4  }
0x1c6: {  	[tilespmem:v6+s13+$0x0] =	vst.idx.add.f32.msk vm0, v4  }
0x1c7: {  	v6 =	vld [tilespmem:s16+$0xFFFFFF80];
	_ =	sdelay $0x4  }
0x1c8: {  	v7 =	vshll.u32 v6, $0x3  }
0x1c9: {  	vm6 =	vne.s32 v6, $0x0;
	v7 =	vand.u32 $0xFFFFFC00, v7  }
0x1ca: {  	vm7 =	vlt.s32 v6, $0x200;
	v6 =	vand.u32 $0x7F, v6;
	v7 =	vadd.s32 v5, v7  }
0x1cb: {  	vm0 =	vmand vm6, vm7;
	v6 =	vor.u32 v6, v7  }
0x1cc: {  	v6 =	vor.u32 v2, v6;
	_ =	sdelay $0x4  }
0x1cd: {  	[tilespmem:v6+s13+$0x0] =	vst.idx.add.f32.msk vm0, v4  }
0x1ce: {  	v6 =	vld [tilespmem:s16+$0x0];
	_ =	sdelay $0x4  }
0x1cf: {  	v7 =	vshll.u32 v6, $0x3  }
0x1d0: {  	vm8 =	vne.s32 v6, $0x0;
	v7 =	vand.u32 $0xFFFFFC00, v7  }
0x1d1: {  	vm9 =	vlt.s32 v6, $0x200;
	v6 =	vand.u32 $0x7F, v6;
	v7 =	vadd.s32 v5, v7  }
0x1d2: {  	vm0 =	vmand vm8, vm9;
	v6 =	vor.u32 v6, v7  }
0x1d3: {  	v6 =	vor.u32 v2, v6;
	_ =	sdelay $0x4  }
0x1d4: {  	[tilespmem:v6+s13+$0x0] =	vst.idx.add.f32.msk vm0, v4  }
0x1d5: {  	v6 =	vld [tilespmem:s16+$0x80];
	_ =	sdelay $0x4  }
0x1d6: {  	v7 =	vshll.u32 v6, $0x3  }
0x1d7: {  	vm10 =	vne.s32 v6, $0x0;
	v7 =	vand.u32 $0xFFFFFC00, v7  }
0x1d8: {  	vm11 =	vlt.s32 v6, $0x200;
	v6 =	vand.u32 $0x7F, v6;
	v7 =	vadd.s32 v5, v7  }
0x1d9: {  	vm0 =	vmand vm10, vm11;
	v6 =	vor.u32 v6, v7  }
0x1da: {  	v6 =	vor.u32 v2, v6;
	_ =	sdelay $0x4  }
0x1db: {  	[tilespmem:v6+s13+$0x0] =	vst.idx.add.f32.msk vm0, v4  }
0x1dc: {  	v6 =	vld [tilespmem:s16+$0x100];
	_ =	sdelay $0x4  }
0x1dd: {  	v7 =	vshll.u32 v6, $0x3  }
0x1de: {  	vm12 =	vne.s32 v6, $0x0;
	v7 =	vand.u32 $0xFFFFFC00, v7  }
0x1df: {  	vm13 =	vlt.s32 v6, $0x200;
	v6 =	vand.u32 $0x7F, v6;
	v7 =	vadd.s32 v5, v7  }
0x1e0: {  	vm0 =	vmand vm12, vm13;
	v6 =	vor.u32 v6, v7  }
0x1e1: {  	v6 =	vor.u32 v2, v6;
	_ =	sdelay $0x4  }
0x1e2: {  	[tilespmem:v6+s13+$0x0] =	vst.idx.add.f32.msk vm0, v4  }
0x1e3: {  	v6 =	vld [tilespmem:s16+$0x180];
	_ =	sdelay $0x4  }
0x1e4: {  	v7 =	vshll.u32 v6, $0x3  }
0x1e5: {  	vm14 =	vne.s32 v6, $0x0;
	v7 =	vand.u32 $0xFFFFFC00, v7  }
0x1e6: {  	vm15 =	vlt.s32 v6, $0x200;
	v6 =	vand.u32 $0x7F, v6;
	v7 =	vadd.s32 v5, v7  }
0x1e7: {  	vm0 =	vmand vm14, vm15;
	v6 =	vor.u32 v6, v7  }
0x1e8: {  	v6 =	vor.u32 v2, v6;
	_ =	sdelay $0x4  }
0x1e9: {  	[tilespmem:v6+s13+$0x0] =	vst.idx.add.f32.msk vm0, v4  }
0x1ea: {  	v6 =	vld [tilespmem:s16+$0x200];
	_ =	sdelay $0x4  }
0x1eb: {  	v7 =	vshll.u32 v6, $0x3  }
0x1ec: {  	vm4 =	vne.s32 v6, $0x0;
	v7 =	vand.u32 $0xFFFFFC00, v7  }
0x1ed: {  	vm5 =	vlt.s32 v6, $0x200;
	v6 =	vand.u32 $0x7F, v6;
	v7 =	vadd.s32 v5, v7  }
0x1ee: {  	vm0 =	vmand vm4, vm5;
	v6 =	vor.u32 v6, v7  }
0x1ef: {  	v6 =	vor.u32 v2, v6;
	_ =	sdelay $0x4  }
0x1f0: {  	[tilespmem:v6+s13+$0x0] =	vst.idx.add.f32.msk vm0, v4  }
0x1f1: {  	v6 =	vld [tilespmem:s16+$0x280];
	_ =	sdelay $0x4  }
0x1f2: {  	v7 =	vshll.u32 v6, $0x3  }
0x1f3: {  	vm6 =	vne.s32 v6, $0x0;
	v7 =	vand.u32 $0xFFFFFC00, v7  }
0x1f4: {  	vm7 =	vlt.s32 v6, $0x200;
	v6 =	vand.u32 $0x7F, v6;
	v7 =	vadd.s32 v5, v7  }
0x1f5: {  	vm0 =	vmand vm6, vm7;
	v6 =	vor.u32 v6, v7  }
0x1f6: {  	v6 =	vor.u32 v2, v6;
	_ =	sdelay $0x4  }
0x1f7: {  	[tilespmem:v6+s13+$0x0] =	vst.idx.add.f32.msk vm0, v4  }
0x1f8: {  	v6 =	vld [tilespmem:s16+$0x300];
	_ =	sdelay $0x4  }
0x1f9: {  	v7 =	vshll.u32 v6, $0x3  }
0x1fa: {  	vm8 =	vne.s32 v6, $0x0;
	v7 =	vand.u32 $0xFFFFFC00, v7  }
0x1fb: {  	vm9 =	vlt.s32 v6, $0x200;
	v6 =	vand.u32 $0x7F, v6;
	v7 =	vadd.s32 v5, v7  }
0x1fc: {  	vm0 =	vmand vm8, vm9;
	v6 =	vor.u32 v6, v7  }
0x1fd: {  	v6 =	vor.u32 v2, v6;
	_ =	sdelay $0x4  }
0x1fe: {  	[tilespmem:v6+s13+$0x0] =	vst.idx.add.f32.msk vm0, v4  }
0x1ff: {  	v6 =	vld [tilespmem:s16+$0x380];
	_ =	sdelay $0x4  }
0x200: {  	v7 =	vshll.u32 v6, $0x3  }
0x201: {  	vm10 =	vne.s32 v6, $0x0;
	v7 =	vand.u32 $0xFFFFFC00, v7  }
0x202: {  	vm11 =	vlt.s32 v6, $0x200;
	v6 =	vand.u32 $0x7F, v6;
	v7 =	vadd.s32 v5, v7  }
0x203: {  	vm0 =	vmand vm10, vm11;
	v6 =	vor.u32 v6, v7  }
0x204: {  	v6 =	vor.u32 v2, v6;
	_ =	sdelay $0x4  }
0x205: {  	[tilespmem:v6+s13+$0x0] =	vst.idx.add.f32.msk vm0, v4  }
0x206: {  	v6 =	vld [tilespmem:s16+$0x400];
	_ =	sdelay $0x4  }
0x207: {  	v7 =	vshll.u32 v6, $0x3  }
0x208: {  	vm12 =	vne.s32 v6, $0x0;
	v7 =	vand.u32 $0xFFFFFC00, v7  }
0x209: {  	vm13 =	vlt.s32 v6, $0x200;
	v6 =	vand.u32 $0x7F, v6;
	v7 =	vadd.s32 v5, v7  }
0x20a: {  	vm0 =	vmand vm12, vm13;
	v6 =	vor.u32 v6, v7  }
0x20b: {  	v6 =	vor.u32 v2, v6;
	_ =	sdelay $0x4  }
0x20c: {  	[tilespmem:v6+s13+$0x0] =	vst.idx.add.f32.msk vm0, v4  }
0x20d: {  	v6 =	vld [tilespmem:s16+$0x480];
	_ =	sdelay $0x4  }
0x20e: {  	v7 =	vshll.u32 v6, $0x3  }
0x20f: {  	vm14 =	vne.s32 v6, $0x0;
	v7 =	vand.u32 $0xFFFFFC00, v7  }
0x210: {  	vm15 =	vlt.s32 v6, $0x200;
	v6 =	vand.u32 $0x7F, v6;
	v7 =	vadd.s32 v5, v7  }
0x211: {  	vm0 =	vmand vm14, vm15;
	v6 =	vor.u32 v6, v7  }
0x212: {  	v6 =	vor.u32 v2, v6;
	_ =	sdelay $0x4  }
0x213: {  	[tilespmem:v6+s13+$0x0] =	vst.idx.add.f32.msk vm0, v4  }
0x214: {  	v6 =	vld [tilespmem:s16+$0x500];
	_ =	sdelay $0x4  }
0x215: {  	v7 =	vshll.u32 v6, $0x3  }
0x216: {  	vm4 =	vne.s32 v6, $0x0;
	v7 =	vand.u32 $0xFFFFFC00, v7  }
0x217: {  	vm5 =	vlt.s32 v6, $0x200;
	v6 =	vand.u32 $0x7F, v6;
	v7 =	vadd.s32 v5, v7  }
0x218: {  	vm0 =	vmand vm4, vm5;
	v6 =	vor.u32 v6, v7  }
0x219: {  	v6 =	vor.u32 v2, v6;
	_ =	sdelay $0x4  }
0x21a: {  	[tilespmem:v6+s13+$0x0] =	vst.idx.add.f32.msk vm0, v4  }
0x21b: {  	v6 =	vld [tilespmem:s16+$0x580];
	_ =	sdelay $0x4  }
0x21c: {  	v7 =	vshll.u32 v6, $0x3  }
0x21d: {  	vm6 =	vne.s32 v6, $0x0;
	v7 =	vand.u32 $0xFFFFFC00, v7  }
0x21e: {  	vm7 =	vlt.s32 v6, $0x200;
	v6 =	vand.u32 $0x7F, v6;
	v7 =	vadd.s32 v5, v7  }
0x21f: {  	vm0 =	vmand vm6, vm7;
	v6 =	vor.u32 v6, v7  }
0x220: {  	v6 =	vor.u32 v2, v6;
	_ =	sdelay $0x4  }
0x221: {  	[tilespmem:v6+s13+$0x0] =	vst.idx.add.f32.msk vm0, v4  }
0x222: {  	v6 =	vld [tilespmem:s16+$0x600];
	_ =	sdelay $0x4  }
0x223: {  	v7 =	vshll.u32 v6, $0x3  }
0x224: {  	vm8 =	vne.s32 v6, $0x0;
	v7 =	vand.u32 $0xFFFFFC00, v7  }
0x225: {  	vm9 =	vlt.s32 v6, $0x200;
	v6 =	vand.u32 $0x7F, v6;
	v7 =	vadd.s32 v5, v7  }
0x226: {  	vm0 =	vmand vm8, vm9;
	v6 =	vor.u32 v6, v7  }
0x227: {  	v6 =	vor.u32 v2, v6;
	_ =	sdelay $0x4  }
0x228: {  	[tilespmem:v6+s13+$0x0] =	vst.idx.add.f32.msk vm0, v4  }
0x229: {  	v6 =	vld [tilespmem:s16+$0x680];
	_ =	sdelay $0x4  }
0x22a: {  	v7 =	vshll.u32 v6, $0x3  }
0x22b: {  	vm10 =	vne.s32 v6, $0x0;
	v7 =	vand.u32 $0xFFFFFC00, v7  }
0x22c: {  	vm11 =	vlt.s32 v6, $0x200;
	v6 =	vand.u32 $0x7F, v6;
	v7 =	vadd.s32 v5, v7  }
0x22d: {  	vm0 =	vmand vm10, vm11;
	v6 =	vor.u32 v6, v7  }
0x22e: {  	v6 =	vor.u32 v2, v6;
	_ =	sdelay $0x4  }
0x22f: {  	[tilespmem:v6+s13+$0x0] =	vst.idx.add.f32.msk vm0, v4  }
0x230: {  	v6 =	vld [tilespmem:s16+$0x700];
	_ =	sdelay $0x4  }
0x231: {  	v7 =	vshll.u32 v6, $0x3  }
0x232: {  	vm12 =	vne.s32 v6, $0x0;
	v7 =	vand.u32 $0xFFFFFC00, v7  }
0x233: {  	vm13 =	vlt.s32 v6, $0x200;
	v6 =	vand.u32 $0x7F, v6;
	v7 =	vadd.s32 v5, v7  }
0x234: {  	vm0 =	vmand vm12, vm13;
	v6 =	vor.u32 v6, v7  }
0x235: {  	v6 =	vor.u32 v2, v6;
	_ =	sdelay $0x4  }
0x236: {  	[tilespmem:v6+s13+$0x0] =	vst.idx.add.f32.msk vm0, v4  }
0x237: {  	v6 =	vld [tilespmem:s16+$0x780];
	_ =	sdelay $0x4  }
0x238: {  	v7 =	vshll.u32 v6, $0x3  }
0x239: {  	vm14 =	vne.s32 v6, $0x0;
	v7 =	vand.u32 $0xFFFFFC00, v7  }
0x23a: {  	vm15 =	vlt.s32 v6, $0x200;
	v6 =	vand.u32 $0x7F, v6;
	v5 =	vadd.s32 v5, v7  }
0x23b: {  	vm0 =	vmand vm14, vm15;
	v5 =	vor.u32 v6, v5  }
0x23c: {  	p0 =	sne.s32 s17, $0x70;
	v5 =	vor.u32 v2, v5  }
.Ltmp2:
0x23d: {  	_ = 	snop;
	(pc) =	sbr.rel @p0 .LBB2_6-.Ltmp2, $2  }
0x23e: {  	_ =	sdelay $0x2  }
0x23f: {  	s17 =	sadd.s32 $0x10, s17;
	s16 =	sadd.s32 $0x10, s16;
	[tilespmem:v5+s13+$0x0] =	vst.idx.add.f32.msk vm0, v4  }
0x240: {  	s16 =	simm.s32 $0x1800  }
.LBB2_8:
0x241: {  	v6 =	vld [tilespmem:s16+$0xFFFFF800];
	_ =	sdelay $0x2  }
0x242: {  	v5 =	vmov s15  }
0x243: {  	v5 =	vshll.u32 v5, $0x9  }
0x244: {  	v5 =	vor.u32 v1, v5;
	v7 =	vshll.u32 v6, $0x3  }
0x245: {  	v5 =	vand.u32 $0xF000, v5;
	vm0 =	vne.s32 v6, $0x0;
	v7 =	vand.u32 $0xFFFFFC00, v7  }
0x246: {  	vm1 =	vlt.s32 v6, $0x200;
	v6 =	vand.u32 $0x7F, v6;
	v7 =	vadd.s32 v5, v7  }
0x247: {  	vm0 =	vmand vm0, vm1;
	v6 =	vor.u32 v6, v7  }
0x248: {  	v6 =	vor.u32 v2, v6;
	_ =	sdelay $0x4  }
0x249: {  	[tilespmem:v6+s13+$0x0] =	vst.idx.add.f32.msk vm0, v3  }
0x24a: {  	v6 =	vld [tilespmem:s16+$0xFFFFF880];
	_ =	sdelay $0x4  }
0x24b: {  	v7 =	vshll.u32 v6, $0x3  }
0x24c: {  	vm14 =	vne.s32 v6, $0x0;
	v7 =	vand.u32 $0xFFFFFC00, v7  }
0x24d: {  	vm15 =	vlt.s32 v6, $0x200;
	v6 =	vand.u32 $0x7F, v6;
	v7 =	vadd.s32 v5, v7  }
0x24e: {  	vm0 =	vmand vm14, vm15;
	v6 =	vor.u32 v6, v7  }
0x24f: {  	v6 =	vor.u32 v2, v6;
	_ =	sdelay $0x4  }
0x250: {  	[tilespmem:v6+s13+$0x0] =	vst.idx.add.f32.msk vm0, v3  }
0x251: {  	v6 =	vld [tilespmem:s16+$0xFFFFF900];
	_ =	sdelay $0x4  }
0x252: {  	v7 =	vshll.u32 v6, $0x3  }
0x253: {  	vm4 =	vne.s32 v6, $0x0;
	v7 =	vand.u32 $0xFFFFFC00, v7  }
0x254: {  	vm5 =	vlt.s32 v6, $0x200;
	v6 =	vand.u32 $0x7F, v6;
	v7 =	vadd.s32 v5, v7  }
0x255: {  	vm0 =	vmand vm4, vm5;
	v6 =	vor.u32 v6, v7  }
0x256: {  	v6 =	vor.u32 v2, v6;
	_ =	sdelay $0x4  }
0x257: {  	[tilespmem:v6+s13+$0x0] =	vst.idx.add.f32.msk vm0, v3  }
0x258: {  	v6 =	vld [tilespmem:s16+$0xFFFFF980];
	_ =	sdelay $0x4  }
0x259: {  	v7 =	vshll.u32 v6, $0x3  }
0x25a: {  	vm6 =	vne.s32 v6, $0x0;
	v7 =	vand.u32 $0xFFFFFC00, v7  }
0x25b: {  	vm7 =	vlt.s32 v6, $0x200;
	v6 =	vand.u32 $0x7F, v6;
	v7 =	vadd.s32 v5, v7  }
0x25c: {  	vm0 =	vmand vm6, vm7;
	v6 =	vor.u32 v6, v7  }
0x25d: {  	v6 =	vor.u32 v2, v6;
	_ =	sdelay $0x4  }
0x25e: {  	[tilespmem:v6+s13+$0x0] =	vst.idx.add.f32.msk vm0, v3  }
0x25f: {  	v6 =	vld [tilespmem:s16+$0xFFFFFA00];
	_ =	sdelay $0x4  }
0x260: {  	v7 =	vshll.u32 v6, $0x3  }
0x261: {  	vm8 =	vne.s32 v6, $0x0;
	v7 =	vand.u32 $0xFFFFFC00, v7  }
0x262: {  	vm9 =	vlt.s32 v6, $0x200;
	v6 =	vand.u32 $0x7F, v6;
	v7 =	vadd.s32 v5, v7  }
0x263: {  	vm0 =	vmand vm8, vm9;
	v6 =	vor.u32 v6, v7  }
0x264: {  	v6 =	vor.u32 v2, v6;
	_ =	sdelay $0x4  }
0x265: {  	[tilespmem:v6+s13+$0x0] =	vst.idx.add.f32.msk vm0, v3  }
0x266: {  	v6 =	vld [tilespmem:s16+$0xFFFFFA80];
	_ =	sdelay $0x4  }
0x267: {  	v7 =	vshll.u32 v6, $0x3  }
0x268: {  	vm10 =	vne.s32 v6, $0x0;
	v7 =	vand.u32 $0xFFFFFC00, v7  }
0x269: {  	vm11 =	vlt.s32 v6, $0x200;
	v6 =	vand.u32 $0x7F, v6;
	v7 =	vadd.s32 v5, v7  }
0x26a: {  	vm0 =	vmand vm10, vm11;
	v6 =	vor.u32 v6, v7  }
0x26b: {  	v6 =	vor.u32 v2, v6;
	_ =	sdelay $0x4  }
0x26c: {  	[tilespmem:v6+s13+$0x0] =	vst.idx.add.f32.msk vm0, v3  }
0x26d: {  	v6 =	vld [tilespmem:s16+$0xFFFFFB00];
	_ =	sdelay $0x4  }
0x26e: {  	v7 =	vshll.u32 v6, $0x3  }
0x26f: {  	vm12 =	vne.s32 v6, $0x0;
	v7 =	vand.u32 $0xFFFFFC00, v7  }
0x270: {  	vm13 =	vlt.s32 v6, $0x200;
	v6 =	vand.u32 $0x7F, v6;
	v7 =	vadd.s32 v5, v7  }
0x271: {  	vm0 =	vmand vm12, vm13;
	v6 =	vor.u32 v6, v7  }
0x272: {  	v6 =	vor.u32 v2, v6;
	_ =	sdelay $0x4  }
0x273: {  	[tilespmem:v6+s13+$0x0] =	vst.idx.add.f32.msk vm0, v3  }
0x274: {  	v6 =	vld [tilespmem:s16+$0xFFFFFB80];
	_ =	sdelay $0x4  }
0x275: {  	v7 =	vshll.u32 v6, $0x3  }
0x276: {  	vm14 =	vne.s32 v6, $0x0;
	v7 =	vand.u32 $0xFFFFFC00, v7  }
0x277: {  	vm15 =	vlt.s32 v6, $0x200;
	v6 =	vand.u32 $0x7F, v6;
	v7 =	vadd.s32 v5, v7  }
0x278: {  	vm0 =	vmand vm14, vm15;
	v6 =	vor.u32 v6, v7  }
0x279: {  	v6 =	vor.u32 v2, v6;
	_ =	sdelay $0x4  }
0x27a: {  	[tilespmem:v6+s13+$0x0] =	vst.idx.add.f32.msk vm0, v3  }
0x27b: {  	v6 =	vld [tilespmem:s16+$0xFFFFFC00];
	_ =	sdelay $0x4  }
0x27c: {  	v7 =	vshll.u32 v6, $0x3  }
0x27d: {  	vm4 =	vne.s32 v6, $0x0;
	v7 =	vand.u32 $0xFFFFFC00, v7  }
0x27e: {  	vm5 =	vlt.s32 v6, $0x200;
	v6 =	vand.u32 $0x7F, v6;
	v7 =	vadd.s32 v5, v7  }
0x27f: {  	vm0 =	vmand vm4, vm5;
	v6 =	vor.u32 v6, v7  }
0x280: {  	v6 =	vor.u32 v2, v6;
	_ =	sdelay $0x4  }
0x281: {  	[tilespmem:v6+s13+$0x0] =	vst.idx.add.f32.msk vm0, v3  }
0x282: {  	v6 =	vld [tilespmem:s16+$0xFFFFFC80];
	_ =	sdelay $0x4  }
0x283: {  	v7 =	vshll.u32 v6, $0x3  }
0x284: {  	vm6 =	vne.s32 v6, $0x0;
	v7 =	vand.u32 $0xFFFFFC00, v7  }
0x285: {  	vm7 =	vlt.s32 v6, $0x200;
	v6 =	vand.u32 $0x7F, v6;
	v7 =	vadd.s32 v5, v7  }
0x286: {  	vm0 =	vmand vm6, vm7;
	v6 =	vor.u32 v6, v7  }
0x287: {  	v6 =	vor.u32 v2, v6;
	_ =	sdelay $0x4  }
0x288: {  	[tilespmem:v6+s13+$0x0] =	vst.idx.add.f32.msk vm0, v3  }
0x289: {  	v6 =	vld [tilespmem:s16+$0xFFFFFD00];
	_ =	sdelay $0x4  }
0x28a: {  	v7 =	vshll.u32 v6, $0x3  }
0x28b: {  	vm8 =	vne.s32 v6, $0x0;
	v7 =	vand.u32 $0xFFFFFC00, v7  }
0x28c: {  	vm9 =	vlt.s32 v6, $0x200;
	v6 =	vand.u32 $0x7F, v6;
	v7 =	vadd.s32 v5, v7  }
0x28d: {  	vm0 =	vmand vm8, vm9;
	v6 =	vor.u32 v6, v7  }
0x28e: {  	v6 =	vor.u32 v2, v6;
	_ =	sdelay $0x4  }
0x28f: {  	[tilespmem:v6+s13+$0x0] =	vst.idx.add.f32.msk vm0, v3  }
0x290: {  	v6 =	vld [tilespmem:s16+$0xFFFFFD80];
	_ =	sdelay $0x4  }
0x291: {  	v7 =	vshll.u32 v6, $0x3  }
0x292: {  	vm10 =	vne.s32 v6, $0x0;
	v7 =	vand.u32 $0xFFFFFC00, v7  }
0x293: {  	vm11 =	vlt.s32 v6, $0x200;
	v6 =	vand.u32 $0x7F, v6;
	v7 =	vadd.s32 v5, v7  }
0x294: {  	vm0 =	vmand vm10, vm11;
	v6 =	vor.u32 v6, v7  }
0x295: {  	v6 =	vor.u32 v2, v6;
	_ =	sdelay $0x4  }
0x296: {  	[tilespmem:v6+s13+$0x0] =	vst.idx.add.f32.msk vm0, v3  }
0x297: {  	v6 =	vld [tilespmem:s16+$0xFFFFFE00];
	_ =	sdelay $0x4  }
0x298: {  	v7 =	vshll.u32 v6, $0x3  }
0x299: {  	vm12 =	vne.s32 v6, $0x0;
	v7 =	vand.u32 $0xFFFFFC00, v7  }
0x29a: {  	vm13 =	vlt.s32 v6, $0x200;
	v6 =	vand.u32 $0x7F, v6;
	v7 =	vadd.s32 v5, v7  }
0x29b: {  	vm0 =	vmand vm12, vm13;
	v6 =	vor.u32 v6, v7  }
0x29c: {  	v6 =	vor.u32 v2, v6;
	_ =	sdelay $0x4  }
0x29d: {  	[tilespmem:v6+s13+$0x0] =	vst.idx.add.f32.msk vm0, v3  }
0x29e: {  	v6 =	vld [tilespmem:s16+$0xFFFFFE80];
	_ =	sdelay $0x4  }
0x29f: {  	v7 =	vshll.u32 v6, $0x3  }
0x2a0: {  	vm14 =	vne.s32 v6, $0x0;
	v7 =	vand.u32 $0xFFFFFC00, v7  }
0x2a1: {  	vm15 =	vlt.s32 v6, $0x200;
	v6 =	vand.u32 $0x7F, v6;
	v7 =	vadd.s32 v5, v7  }
0x2a2: {  	vm0 =	vmand vm14, vm15;
	v6 =	vor.u32 v6, v7  }
0x2a3: {  	v6 =	vor.u32 v2, v6;
	_ =	sdelay $0x4  }
0x2a4: {  	[tilespmem:v6+s13+$0x0] =	vst.idx.add.f32.msk vm0, v3  }
0x2a5: {  	v6 =	vld [tilespmem:s16+$0xFFFFFF00];
	_ =	sdelay $0x4  }
0x2a6: {  	v7 =	vshll.u32 v6, $0x3  }
0x2a7: {  	vm4 =	vne.s32 v6, $0x0;
	v7 =	vand.u32 $0xFFFFFC00, v7  }
0x2a8: {  	vm5 =	vlt.s32 v6, $0x200;
	v6 =	vand.u32 $0x7F, v6;
	v7 =	vadd.s32 v5, v7  }
0x2a9: {  	vm0 =	vmand vm4, vm5;
	v6 =	vor.u32 v6, v7  }
0x2aa: {  	v6 =	vor.u32 v2, v6;
	_ =	sdelay $0x4  }
0x2ab: {  	[tilespmem:v6+s13+$0x0] =	vst.idx.add.f32.msk vm0, v3  }
0x2ac: {  	v6 =	vld [tilespmem:s16+$0xFFFFFF80];
	_ =	sdelay $0x4  }
0x2ad: {  	v7 =	vshll.u32 v6, $0x3  }
0x2ae: {  	vm6 =	vne.s32 v6, $0x0;
	v7 =	vand.u32 $0xFFFFFC00, v7  }
0x2af: {  	vm7 =	vlt.s32 v6, $0x200;
	v6 =	vand.u32 $0x7F, v6;
	v7 =	vadd.s32 v5, v7  }
0x2b0: {  	vm0 =	vmand vm6, vm7;
	v6 =	vor.u32 v6, v7  }
0x2b1: {  	v6 =	vor.u32 v2, v6;
	_ =	sdelay $0x4  }
0x2b2: {  	[tilespmem:v6+s13+$0x0] =	vst.idx.add.f32.msk vm0, v3  }
0x2b3: {  	v6 =	vld [tilespmem:s16+$0x0];
	_ =	sdelay $0x4  }
0x2b4: {  	v7 =	vshll.u32 v6, $0x3  }
0x2b5: {  	vm8 =	vne.s32 v6, $0x0;
	v7 =	vand.u32 $0xFFFFFC00, v7  }
0x2b6: {  	vm9 =	vlt.s32 v6, $0x200;
	v6 =	vand.u32 $0x7F, v6;
	v7 =	vadd.s32 v5, v7  }
0x2b7: {  	vm0 =	vmand vm8, vm9;
	v6 =	vor.u32 v6, v7  }
0x2b8: {  	v6 =	vor.u32 v2, v6;
	_ =	sdelay $0x4  }
0x2b9: {  	[tilespmem:v6+s13+$0x0] =	vst.idx.add.f32.msk vm0, v3  }
0x2ba: {  	v6 =	vld [tilespmem:s16+$0x80];
	_ =	sdelay $0x4  }
0x2bb: {  	v7 =	vshll.u32 v6, $0x3  }
0x2bc: {  	vm10 =	vne.s32 v6, $0x0;
	v7 =	vand.u32 $0xFFFFFC00, v7  }
0x2bd: {  	vm11 =	vlt.s32 v6, $0x200;
	v6 =	vand.u32 $0x7F, v6;
	v7 =	vadd.s32 v5, v7  }
0x2be: {  	vm0 =	vmand vm10, vm11;
	v6 =	vor.u32 v6, v7  }
0x2bf: {  	v6 =	vor.u32 v2, v6;
	_ =	sdelay $0x4  }
0x2c0: {  	[tilespmem:v6+s13+$0x0] =	vst.idx.add.f32.msk vm0, v3  }
0x2c1: {  	v6 =	vld [tilespmem:s16+$0x100];
	_ =	sdelay $0x4  }
0x2c2: {  	v7 =	vshll.u32 v6, $0x3  }
0x2c3: {  	vm12 =	vne.s32 v6, $0x0;
	v7 =	vand.u32 $0xFFFFFC00, v7  }
0x2c4: {  	vm13 =	vlt.s32 v6, $0x200;
	v6 =	vand.u32 $0x7F, v6;
	v7 =	vadd.s32 v5, v7  }
0x2c5: {  	vm0 =	vmand vm12, vm13;
	v6 =	vor.u32 v6, v7  }
0x2c6: {  	v6 =	vor.u32 v2, v6;
	_ =	sdelay $0x4  }
0x2c7: {  	[tilespmem:v6+s13+$0x0] =	vst.idx.add.f32.msk vm0, v3  }
0x2c8: {  	v6 =	vld [tilespmem:s16+$0x180];
	_ =	sdelay $0x4  }
0x2c9: {  	v7 =	vshll.u32 v6, $0x3  }
0x2ca: {  	vm14 =	vne.s32 v6, $0x0;
	v7 =	vand.u32 $0xFFFFFC00, v7  }
0x2cb: {  	vm15 =	vlt.s32 v6, $0x200;
	v6 =	vand.u32 $0x7F, v6;
	v7 =	vadd.s32 v5, v7  }
0x2cc: {  	vm0 =	vmand vm14, vm15;
	v6 =	vor.u32 v6, v7  }
0x2cd: {  	v6 =	vor.u32 v2, v6;
	_ =	sdelay $0x4  }
0x2ce: {  	[tilespmem:v6+s13+$0x0] =	vst.idx.add.f32.msk vm0, v3  }
0x2cf: {  	v6 =	vld [tilespmem:s16+$0x200];
	_ =	sdelay $0x4  }
0x2d0: {  	v7 =	vshll.u32 v6, $0x3  }
0x2d1: {  	vm4 =	vne.s32 v6, $0x0;
	v7 =	vand.u32 $0xFFFFFC00, v7  }
0x2d2: {  	vm5 =	vlt.s32 v6, $0x200;
	v6 =	vand.u32 $0x7F, v6;
	v7 =	vadd.s32 v5, v7  }
0x2d3: {  	vm0 =	vmand vm4, vm5;
	v6 =	vor.u32 v6, v7  }
0x2d4: {  	v6 =	vor.u32 v2, v6;
	_ =	sdelay $0x4  }
0x2d5: {  	[tilespmem:v6+s13+$0x0] =	vst.idx.add.f32.msk vm0, v3  }
0x2d6: {  	v6 =	vld [tilespmem:s16+$0x280];
	_ =	sdelay $0x4  }
0x2d7: {  	v7 =	vshll.u32 v6, $0x3  }
0x2d8: {  	vm6 =	vne.s32 v6, $0x0;
	v7 =	vand.u32 $0xFFFFFC00, v7  }
0x2d9: {  	vm7 =	vlt.s32 v6, $0x200;
	v6 =	vand.u32 $0x7F, v6;
	v7 =	vadd.s32 v5, v7  }
0x2da: {  	vm0 =	vmand vm6, vm7;
	v6 =	vor.u32 v6, v7  }
0x2db: {  	v6 =	vor.u32 v2, v6;
	_ =	sdelay $0x4  }
0x2dc: {  	[tilespmem:v6+s13+$0x0] =	vst.idx.add.f32.msk vm0, v3  }
0x2dd: {  	v6 =	vld [tilespmem:s16+$0x300];
	_ =	sdelay $0x4  }
0x2de: {  	v7 =	vshll.u32 v6, $0x3  }
0x2df: {  	vm8 =	vne.s32 v6, $0x0;
	v7 =	vand.u32 $0xFFFFFC00, v7  }
0x2e0: {  	vm9 =	vlt.s32 v6, $0x200;
	v6 =	vand.u32 $0x7F, v6;
	v7 =	vadd.s32 v5, v7  }
0x2e1: {  	vm0 =	vmand vm8, vm9;
	v6 =	vor.u32 v6, v7  }
0x2e2: {  	v6 =	vor.u32 v2, v6;
	_ =	sdelay $0x4  }
0x2e3: {  	[tilespmem:v6+s13+$0x0] =	vst.idx.add.f32.msk vm0, v3  }
0x2e4: {  	v6 =	vld [tilespmem:s16+$0x380];
	_ =	sdelay $0x4  }
0x2e5: {  	v7 =	vshll.u32 v6, $0x3  }
0x2e6: {  	vm10 =	vne.s32 v6, $0x0;
	v7 =	vand.u32 $0xFFFFFC00, v7  }
0x2e7: {  	vm11 =	vlt.s32 v6, $0x200;
	v6 =	vand.u32 $0x7F, v6;
	v7 =	vadd.s32 v5, v7  }
0x2e8: {  	vm0 =	vmand vm10, vm11;
	v6 =	vor.u32 v6, v7  }
0x2e9: {  	v6 =	vor.u32 v2, v6;
	_ =	sdelay $0x4  }
0x2ea: {  	[tilespmem:v6+s13+$0x0] =	vst.idx.add.f32.msk vm0, v3  }
0x2eb: {  	v6 =	vld [tilespmem:s16+$0x400];
	_ =	sdelay $0x4  }
0x2ec: {  	v7 =	vshll.u32 v6, $0x3  }
0x2ed: {  	vm12 =	vne.s32 v6, $0x0;
	v7 =	vand.u32 $0xFFFFFC00, v7  }
0x2ee: {  	vm13 =	vlt.s32 v6, $0x200;
	v6 =	vand.u32 $0x7F, v6;
	v7 =	vadd.s32 v5, v7  }
0x2ef: {  	vm0 =	vmand vm12, vm13;
	v6 =	vor.u32 v6, v7  }
0x2f0: {  	v6 =	vor.u32 v2, v6;
	_ =	sdelay $0x4  }
0x2f1: {  	[tilespmem:v6+s13+$0x0] =	vst.idx.add.f32.msk vm0, v3  }
0x2f2: {  	v6 =	vld [tilespmem:s16+$0x480];
	_ =	sdelay $0x4  }
0x2f3: {  	v7 =	vshll.u32 v6, $0x3  }
0x2f4: {  	vm14 =	vne.s32 v6, $0x0;
	v7 =	vand.u32 $0xFFFFFC00, v7  }
0x2f5: {  	vm15 =	vlt.s32 v6, $0x200;
	v6 =	vand.u32 $0x7F, v6;
	v7 =	vadd.s32 v5, v7  }
0x2f6: {  	vm0 =	vmand vm14, vm15;
	v6 =	vor.u32 v6, v7  }
0x2f7: {  	v6 =	vor.u32 v2, v6;
	_ =	sdelay $0x4  }
0x2f8: {  	[tilespmem:v6+s13+$0x0] =	vst.idx.add.f32.msk vm0, v3  }
0x2f9: {  	v6 =	vld [tilespmem:s16+$0x500];
	_ =	sdelay $0x4  }
0x2fa: {  	v7 =	vshll.u32 v6, $0x3  }
0x2fb: {  	vm4 =	vne.s32 v6, $0x0;
	v7 =	vand.u32 $0xFFFFFC00, v7  }
0x2fc: {  	vm5 =	vlt.s32 v6, $0x200;
	v6 =	vand.u32 $0x7F, v6;
	v7 =	vadd.s32 v5, v7  }
0x2fd: {  	vm0 =	vmand vm4, vm5;
	v6 =	vor.u32 v6, v7  }
0x2fe: {  	v6 =	vor.u32 v2, v6;
	_ =	sdelay $0x4  }
0x2ff: {  	[tilespmem:v6+s13+$0x0] =	vst.idx.add.f32.msk vm0, v3  }
0x300: {  	v6 =	vld [tilespmem:s16+$0x580];
	_ =	sdelay $0x4  }
0x301: {  	v7 =	vshll.u32 v6, $0x3  }
0x302: {  	vm6 =	vne.s32 v6, $0x0;
	v7 =	vand.u32 $0xFFFFFC00, v7  }
0x303: {  	vm7 =	vlt.s32 v6, $0x200;
	v6 =	vand.u32 $0x7F, v6;
	v7 =	vadd.s32 v5, v7  }
0x304: {  	vm0 =	vmand vm6, vm7;
	v6 =	vor.u32 v6, v7  }
0x305: {  	v6 =	vor.u32 v2, v6;
	_ =	sdelay $0x4  }
0x306: {  	[tilespmem:v6+s13+$0x0] =	vst.idx.add.f32.msk vm0, v3  }
0x307: {  	v6 =	vld [tilespmem:s16+$0x600];
	_ =	sdelay $0x4  }
0x308: {  	v7 =	vshll.u32 v6, $0x3  }
0x309: {  	vm8 =	vne.s32 v6, $0x0;
	v7 =	vand.u32 $0xFFFFFC00, v7  }
0x30a: {  	vm9 =	vlt.s32 v6, $0x200;
	v6 =	vand.u32 $0x7F, v6;
	v7 =	vadd.s32 v5, v7  }
0x30b: {  	vm0 =	vmand vm8, vm9;
	v6 =	vor.u32 v6, v7  }
0x30c: {  	v6 =	vor.u32 v2, v6;
	_ =	sdelay $0x4  }
0x30d: {  	[tilespmem:v6+s13+$0x0] =	vst.idx.add.f32.msk vm0, v3  }
0x30e: {  	v6 =	vld [tilespmem:s16+$0x680];
	_ =	sdelay $0x4  }
0x30f: {  	v7 =	vshll.u32 v6, $0x3  }
0x310: {  	vm10 =	vne.s32 v6, $0x0;
	v7 =	vand.u32 $0xFFFFFC00, v7  }
0x311: {  	vm11 =	vlt.s32 v6, $0x200;
	v6 =	vand.u32 $0x7F, v6;
	v7 =	vadd.s32 v5, v7  }
0x312: {  	vm0 =	vmand vm10, vm11;
	v6 =	vor.u32 v6, v7  }
0x313: {  	v6 =	vor.u32 v2, v6;
	_ =	sdelay $0x4  }
0x314: {  	[tilespmem:v6+s13+$0x0] =	vst.idx.add.f32.msk vm0, v3  }
0x315: {  	v6 =	vld [tilespmem:s16+$0x700];
	_ =	sdelay $0x4  }
0x316: {  	v7 =	vshll.u32 v6, $0x3  }
0x317: {  	vm12 =	vne.s32 v6, $0x0;
	v7 =	vand.u32 $0xFFFFFC00, v7  }
0x318: {  	vm13 =	vlt.s32 v6, $0x200;
	v6 =	vand.u32 $0x7F, v6;
	v7 =	vadd.s32 v5, v7  }
0x319: {  	vm0 =	vmand vm12, vm13;
	v6 =	vor.u32 v6, v7  }
0x31a: {  	v6 =	vor.u32 v2, v6;
	_ =	sdelay $0x4  }
0x31b: {  	[tilespmem:v6+s13+$0x0] =	vst.idx.add.f32.msk vm0, v3  }
0x31c: {  	v6 =	vld [tilespmem:s16+$0x780];
	_ =	sdelay $0x4  }
0x31d: {  	v7 =	vshll.u32 v6, $0x3  }
0x31e: {  	vm14 =	vne.s32 v6, $0x0;
	v7 =	vand.u32 $0xFFFFFC00, v7  }
0x31f: {  	vm15 =	vlt.s32 v6, $0x200;
	v6 =	vand.u32 $0x7F, v6;
	v5 =	vadd.s32 v5, v7  }
0x320: {  	vm0 =	vmand vm14, vm15;
	v5 =	vor.u32 v6, v5  }
0x321: {  	p0 =	sne.s32 s15, $0x70;
	v5 =	vor.u32 v2, v5  }
.Ltmp3:
0x322: {  	_ = 	snop;
	(pc) =	sbr.rel @p0 .LBB2_8-.Ltmp3, $2  }
0x323: {  	_ =	sdelay $0x2  }
0x324: {  	s15 =	sadd.s32 $0x10, s15;
	s16 =	sadd.s32 $0x10, s16;
	[tilespmem:v5+s13+$0x0] =	vst.idx.add.f32.msk vm0, v3  }
0x325: {  	s15 =	simm.s32 $0x0  }
0x326: {  	[hbm4b:s6+s15] =	stream.linear.scatter [tilespmem:s13], [sflag:$0x1], $0x10000, $0x38;
	[tilespmem:$0x12000] =	vst v63  }
0x327: {  	_ =	swait.ge [sflag:s11], $0x10000  }
0x328: {  	s16 =	simm.s32 $0x1800;
	[sflag:s11] =	ssyncset.done $0x0  }
0x329: {  	s17 =	simm.s32 $0x1800;
	s18 =	simm.s32 $0x0;
	[sflag:s11] =	ssyncadd.s32 $0xFFFF0000  }
.LBB2_10:
0x32a: {  	v6 =	vld [tilespmem:s17+$0xFFFFF800];
	_ =	sdelay $0x2  }
0x32b: {  	v5 =	vmov s18  }
0x32c: {  	v5 =	vshll.u32 v5, $0x9  }
0x32d: {  	v5 =	vor.u32 v1, v5;
	v7 =	vshll.u32 v6, $0x3  }
0x32e: {  	v5 =	vand.u32 $0xF000, v5;
	vm0 =	vne.s32 v6, $0x0;
	v7 =	vand.u32 $0xFFFFFC00, v7  }
0x32f: {  	vm1 =	vlt.s32 v6, $0x200;
	v6 =	vand.u32 $0x7F, v6;
	v7 =	vadd.s32 v5, v7  }
0x330: {  	vm0 =	vmand vm0, vm1;
	v6 =	vor.u32 v6, v7  }
0x331: {  	v6 =	vor.u32 v2, v6;
	_ =	sdelay $0x4  }
0x332: {  	[tilespmem:v6+s13+$0x0] =	vst.idx.add.f32.msk vm0, v4  }
0x333: {  	v6 =	vld [tilespmem:s17+$0xFFFFF880];
	_ =	sdelay $0x4  }
0x334: {  	v7 =	vshll.u32 v6, $0x3  }
0x335: {  	vm14 =	vne.s32 v6, $0x0;
	v7 =	vand.u32 $0xFFFFFC00, v7  }
0x336: {  	vm15 =	vlt.s32 v6, $0x200;
	v6 =	vand.u32 $0x7F, v6;
	v7 =	vadd.s32 v5, v7  }
0x337: {  	vm0 =	vmand vm14, vm15;
	v6 =	vor.u32 v6, v7  }
0x338: {  	v6 =	vor.u32 v2, v6;
	_ =	sdelay $0x4  }
0x339: {  	[tilespmem:v6+s13+$0x0] =	vst.idx.add.f32.msk vm0, v4  }
0x33a: {  	v6 =	vld [tilespmem:s17+$0xFFFFF900];
	_ =	sdelay $0x4  }
0x33b: {  	v7 =	vshll.u32 v6, $0x3  }
0x33c: {  	vm4 =	vne.s32 v6, $0x0;
	v7 =	vand.u32 $0xFFFFFC00, v7  }
0x33d: {  	vm5 =	vlt.s32 v6, $0x200;
	v6 =	vand.u32 $0x7F, v6;
	v7 =	vadd.s32 v5, v7  }
0x33e: {  	vm0 =	vmand vm4, vm5;
	v6 =	vor.u32 v6, v7  }
0x33f: {  	v6 =	vor.u32 v2, v6;
	_ =	sdelay $0x4  }
0x340: {  	[tilespmem:v6+s13+$0x0] =	vst.idx.add.f32.msk vm0, v4  }
0x341: {  	v6 =	vld [tilespmem:s17+$0xFFFFF980];
	_ =	sdelay $0x4  }
0x342: {  	v7 =	vshll.u32 v6, $0x3  }
0x343: {  	vm6 =	vne.s32 v6, $0x0;
	v7 =	vand.u32 $0xFFFFFC00, v7  }
0x344: {  	vm7 =	vlt.s32 v6, $0x200;
	v6 =	vand.u32 $0x7F, v6;
	v7 =	vadd.s32 v5, v7  }
0x345: {  	vm0 =	vmand vm6, vm7;
	v6 =	vor.u32 v6, v7  }
0x346: {  	v6 =	vor.u32 v2, v6;
	_ =	sdelay $0x4  }
0x347: {  	[tilespmem:v6+s13+$0x0] =	vst.idx.add.f32.msk vm0, v4  }
0x348: {  	v6 =	vld [tilespmem:s17+$0xFFFFFA00];
	_ =	sdelay $0x4  }
0x349: {  	v7 =	vshll.u32 v6, $0x3  }
0x34a: {  	vm8 =	vne.s32 v6, $0x0;
	v7 =	vand.u32 $0xFFFFFC00, v7  }
0x34b: {  	vm9 =	vlt.s32 v6, $0x200;
	v6 =	vand.u32 $0x7F, v6;
	v7 =	vadd.s32 v5, v7  }
0x34c: {  	vm0 =	vmand vm8, vm9;
	v6 =	vor.u32 v6, v7  }
0x34d: {  	v6 =	vor.u32 v2, v6;
	_ =	sdelay $0x4  }
0x34e: {  	[tilespmem:v6+s13+$0x0] =	vst.idx.add.f32.msk vm0, v4  }
0x34f: {  	v6 =	vld [tilespmem:s17+$0xFFFFFA80];
	_ =	sdelay $0x4  }
0x350: {  	v7 =	vshll.u32 v6, $0x3  }
0x351: {  	vm10 =	vne.s32 v6, $0x0;
	v7 =	vand.u32 $0xFFFFFC00, v7  }
0x352: {  	vm11 =	vlt.s32 v6, $0x200;
	v6 =	vand.u32 $0x7F, v6;
	v7 =	vadd.s32 v5, v7  }
0x353: {  	vm0 =	vmand vm10, vm11;
	v6 =	vor.u32 v6, v7  }
0x354: {  	v6 =	vor.u32 v2, v6;
	_ =	sdelay $0x4  }
0x355: {  	[tilespmem:v6+s13+$0x0] =	vst.idx.add.f32.msk vm0, v4  }
0x356: {  	v6 =	vld [tilespmem:s17+$0xFFFFFB00];
	_ =	sdelay $0x4  }
0x357: {  	v7 =	vshll.u32 v6, $0x3  }
0x358: {  	vm12 =	vne.s32 v6, $0x0;
	v7 =	vand.u32 $0xFFFFFC00, v7  }
0x359: {  	vm13 =	vlt.s32 v6, $0x200;
	v6 =	vand.u32 $0x7F, v6;
	v7 =	vadd.s32 v5, v7  }
0x35a: {  	vm0 =	vmand vm12, vm13;
	v6 =	vor.u32 v6, v7  }
0x35b: {  	v6 =	vor.u32 v2, v6;
	_ =	sdelay $0x4  }
0x35c: {  	[tilespmem:v6+s13+$0x0] =	vst.idx.add.f32.msk vm0, v4  }
0x35d: {  	v6 =	vld [tilespmem:s17+$0xFFFFFB80];
	_ =	sdelay $0x4  }
0x35e: {  	v7 =	vshll.u32 v6, $0x3  }
0x35f: {  	vm14 =	vne.s32 v6, $0x0;
	v7 =	vand.u32 $0xFFFFFC00, v7  }
0x360: {  	vm15 =	vlt.s32 v6, $0x200;
	v6 =	vand.u32 $0x7F, v6;
	v7 =	vadd.s32 v5, v7  }
0x361: {  	vm0 =	vmand vm14, vm15;
	v6 =	vor.u32 v6, v7  }
0x362: {  	v6 =	vor.u32 v2, v6;
	_ =	sdelay $0x4  }
0x363: {  	[tilespmem:v6+s13+$0x0] =	vst.idx.add.f32.msk vm0, v4  }
0x364: {  	v6 =	vld [tilespmem:s17+$0xFFFFFC00];
	_ =	sdelay $0x4  }
0x365: {  	v7 =	vshll.u32 v6, $0x3  }
0x366: {  	vm4 =	vne.s32 v6, $0x0;
	v7 =	vand.u32 $0xFFFFFC00, v7  }
0x367: {  	vm5 =	vlt.s32 v6, $0x200;
	v6 =	vand.u32 $0x7F, v6;
	v7 =	vadd.s32 v5, v7  }
0x368: {  	vm0 =	vmand vm4, vm5;
	v6 =	vor.u32 v6, v7  }
0x369: {  	v6 =	vor.u32 v2, v6;
	_ =	sdelay $0x4  }
0x36a: {  	[tilespmem:v6+s13+$0x0] =	vst.idx.add.f32.msk vm0, v4  }
0x36b: {  	v6 =	vld [tilespmem:s17+$0xFFFFFC80];
	_ =	sdelay $0x4  }
0x36c: {  	v7 =	vshll.u32 v6, $0x3  }
0x36d: {  	vm6 =	vne.s32 v6, $0x0;
	v7 =	vand.u32 $0xFFFFFC00, v7  }
0x36e: {  	vm7 =	vlt.s32 v6, $0x200;
	v6 =	vand.u32 $0x7F, v6;
	v7 =	vadd.s32 v5, v7  }
0x36f: {  	vm0 =	vmand vm6, vm7;
	v6 =	vor.u32 v6, v7  }
0x370: {  	v6 =	vor.u32 v2, v6;
	_ =	sdelay $0x4  }
0x371: {  	[tilespmem:v6+s13+$0x0] =	vst.idx.add.f32.msk vm0, v4  }
0x372: {  	v6 =	vld [tilespmem:s17+$0xFFFFFD00];
	_ =	sdelay $0x4  }
0x373: {  	v7 =	vshll.u32 v6, $0x3  }
0x374: {  	vm8 =	vne.s32 v6, $0x0;
	v7 =	vand.u32 $0xFFFFFC00, v7  }
0x375: {  	vm9 =	vlt.s32 v6, $0x200;
	v6 =	vand.u32 $0x7F, v6;
	v7 =	vadd.s32 v5, v7  }
0x376: {  	vm0 =	vmand vm8, vm9;
	v6 =	vor.u32 v6, v7  }
0x377: {  	v6 =	vor.u32 v2, v6;
	_ =	sdelay $0x4  }
0x378: {  	[tilespmem:v6+s13+$0x0] =	vst.idx.add.f32.msk vm0, v4  }
0x379: {  	v6 =	vld [tilespmem:s17+$0xFFFFFD80];
	_ =	sdelay $0x4  }
0x37a: {  	v7 =	vshll.u32 v6, $0x3  }
0x37b: {  	vm10 =	vne.s32 v6, $0x0;
	v7 =	vand.u32 $0xFFFFFC00, v7  }
0x37c: {  	vm11 =	vlt.s32 v6, $0x200;
	v6 =	vand.u32 $0x7F, v6;
	v7 =	vadd.s32 v5, v7  }
0x37d: {  	vm0 =	vmand vm10, vm11;
	v6 =	vor.u32 v6, v7  }
0x37e: {  	v6 =	vor.u32 v2, v6;
	_ =	sdelay $0x4  }
0x37f: {  	[tilespmem:v6+s13+$0x0] =	vst.idx.add.f32.msk vm0, v4  }
0x380: {  	v6 =	vld [tilespmem:s17+$0xFFFFFE00];
	_ =	sdelay $0x4  }
0x381: {  	v7 =	vshll.u32 v6, $0x3  }
0x382: {  	vm12 =	vne.s32 v6, $0x0;
	v7 =	vand.u32 $0xFFFFFC00, v7  }
0x383: {  	vm13 =	vlt.s32 v6, $0x200;
	v6 =	vand.u32 $0x7F, v6;
	v7 =	vadd.s32 v5, v7  }
0x384: {  	vm0 =	vmand vm12, vm13;
	v6 =	vor.u32 v6, v7  }
0x385: {  	v6 =	vor.u32 v2, v6;
	_ =	sdelay $0x4  }
0x386: {  	[tilespmem:v6+s13+$0x0] =	vst.idx.add.f32.msk vm0, v4  }
0x387: {  	v6 =	vld [tilespmem:s17+$0xFFFFFE80];
	_ =	sdelay $0x4  }
0x388: {  	v7 =	vshll.u32 v6, $0x3  }
0x389: {  	vm14 =	vne.s32 v6, $0x0;
	v7 =	vand.u32 $0xFFFFFC00, v7  }
0x38a: {  	vm15 =	vlt.s32 v6, $0x200;
	v6 =	vand.u32 $0x7F, v6;
	v7 =	vadd.s32 v5, v7  }
0x38b: {  	vm0 =	vmand vm14, vm15;
	v6 =	vor.u32 v6, v7  }
0x38c: {  	v6 =	vor.u32 v2, v6;
	_ =	sdelay $0x4  }
0x38d: {  	[tilespmem:v6+s13+$0x0] =	vst.idx.add.f32.msk vm0, v4  }
0x38e: {  	v6 =	vld [tilespmem:s17+$0xFFFFFF00];
	_ =	sdelay $0x4  }
0x38f: {  	v7 =	vshll.u32 v6, $0x3  }
0x390: {  	vm4 =	vne.s32 v6, $0x0;
	v7 =	vand.u32 $0xFFFFFC00, v7  }
0x391: {  	vm5 =	vlt.s32 v6, $0x200;
	v6 =	vand.u32 $0x7F, v6;
	v7 =	vadd.s32 v5, v7  }
0x392: {  	vm0 =	vmand vm4, vm5;
	v6 =	vor.u32 v6, v7  }
0x393: {  	v6 =	vor.u32 v2, v6;
	_ =	sdelay $0x4  }
0x394: {  	[tilespmem:v6+s13+$0x0] =	vst.idx.add.f32.msk vm0, v4  }
0x395: {  	v6 =	vld [tilespmem:s17+$0xFFFFFF80];
	_ =	sdelay $0x4  }
0x396: {  	v7 =	vshll.u32 v6, $0x3  }
0x397: {  	vm6 =	vne.s32 v6, $0x0;
	v7 =	vand.u32 $0xFFFFFC00, v7  }
0x398: {  	vm7 =	vlt.s32 v6, $0x200;
	v6 =	vand.u32 $0x7F, v6;
	v7 =	vadd.s32 v5, v7  }
0x399: {  	vm0 =	vmand vm6, vm7;
	v6 =	vor.u32 v6, v7  }
0x39a: {  	v6 =	vor.u32 v2, v6;
	_ =	sdelay $0x4  }
0x39b: {  	[tilespmem:v6+s13+$0x0] =	vst.idx.add.f32.msk vm0, v4  }
0x39c: {  	v6 =	vld [tilespmem:s17+$0x0];
	_ =	sdelay $0x4  }
0x39d: {  	v7 =	vshll.u32 v6, $0x3  }
0x39e: {  	vm8 =	vne.s32 v6, $0x0;
	v7 =	vand.u32 $0xFFFFFC00, v7  }
0x39f: {  	vm9 =	vlt.s32 v6, $0x200;
	v6 =	vand.u32 $0x7F, v6;
	v7 =	vadd.s32 v5, v7  }
0x3a0: {  	vm0 =	vmand vm8, vm9;
	v6 =	vor.u32 v6, v7  }
0x3a1: {  	v6 =	vor.u32 v2, v6;
	_ =	sdelay $0x4  }
0x3a2: {  	[tilespmem:v6+s13+$0x0] =	vst.idx.add.f32.msk vm0, v4  }
0x3a3: {  	v6 =	vld [tilespmem:s17+$0x80];
	_ =	sdelay $0x4  }
0x3a4: {  	v7 =	vshll.u32 v6, $0x3  }
0x3a5: {  	vm10 =	vne.s32 v6, $0x0;
	v7 =	vand.u32 $0xFFFFFC00, v7  }
0x3a6: {  	vm11 =	vlt.s32 v6, $0x200;
	v6 =	vand.u32 $0x7F, v6;
	v7 =	vadd.s32 v5, v7  }
0x3a7: {  	vm0 =	vmand vm10, vm11;
	v6 =	vor.u32 v6, v7  }
0x3a8: {  	v6 =	vor.u32 v2, v6;
	_ =	sdelay $0x4  }
0x3a9: {  	[tilespmem:v6+s13+$0x0] =	vst.idx.add.f32.msk vm0, v4  }
0x3aa: {  	v6 =	vld [tilespmem:s17+$0x100];
	_ =	sdelay $0x4  }
0x3ab: {  	v7 =	vshll.u32 v6, $0x3  }
0x3ac: {  	vm12 =	vne.s32 v6, $0x0;
	v7 =	vand.u32 $0xFFFFFC00, v7  }
0x3ad: {  	vm13 =	vlt.s32 v6, $0x200;
	v6 =	vand.u32 $0x7F, v6;
	v7 =	vadd.s32 v5, v7  }
0x3ae: {  	vm0 =	vmand vm12, vm13;
	v6 =	vor.u32 v6, v7  }
0x3af: {  	v6 =	vor.u32 v2, v6;
	_ =	sdelay $0x4  }
0x3b0: {  	[tilespmem:v6+s13+$0x0] =	vst.idx.add.f32.msk vm0, v4  }
0x3b1: {  	v6 =	vld [tilespmem:s17+$0x180];
	_ =	sdelay $0x4  }
0x3b2: {  	v7 =	vshll.u32 v6, $0x3  }
0x3b3: {  	vm14 =	vne.s32 v6, $0x0;
	v7 =	vand.u32 $0xFFFFFC00, v7  }
0x3b4: {  	vm15 =	vlt.s32 v6, $0x200;
	v6 =	vand.u32 $0x7F, v6;
	v7 =	vadd.s32 v5, v7  }
0x3b5: {  	vm0 =	vmand vm14, vm15;
	v6 =	vor.u32 v6, v7  }
0x3b6: {  	v6 =	vor.u32 v2, v6;
	_ =	sdelay $0x4  }
0x3b7: {  	[tilespmem:v6+s13+$0x0] =	vst.idx.add.f32.msk vm0, v4  }
0x3b8: {  	v6 =	vld [tilespmem:s17+$0x200];
	_ =	sdelay $0x4  }
0x3b9: {  	v7 =	vshll.u32 v6, $0x3  }
0x3ba: {  	vm4 =	vne.s32 v6, $0x0;
	v7 =	vand.u32 $0xFFFFFC00, v7  }
0x3bb: {  	vm5 =	vlt.s32 v6, $0x200;
	v6 =	vand.u32 $0x7F, v6;
	v7 =	vadd.s32 v5, v7  }
0x3bc: {  	vm0 =	vmand vm4, vm5;
	v6 =	vor.u32 v6, v7  }
0x3bd: {  	v6 =	vor.u32 v2, v6;
	_ =	sdelay $0x4  }
0x3be: {  	[tilespmem:v6+s13+$0x0] =	vst.idx.add.f32.msk vm0, v4  }
0x3bf: {  	v6 =	vld [tilespmem:s17+$0x280];
	_ =	sdelay $0x4  }
0x3c0: {  	v7 =	vshll.u32 v6, $0x3  }
0x3c1: {  	vm6 =	vne.s32 v6, $0x0;
	v7 =	vand.u32 $0xFFFFFC00, v7  }
0x3c2: {  	vm7 =	vlt.s32 v6, $0x200;
	v6 =	vand.u32 $0x7F, v6;
	v7 =	vadd.s32 v5, v7  }
0x3c3: {  	vm0 =	vmand vm6, vm7;
	v6 =	vor.u32 v6, v7  }
0x3c4: {  	v6 =	vor.u32 v2, v6;
	_ =	sdelay $0x4  }
0x3c5: {  	[tilespmem:v6+s13+$0x0] =	vst.idx.add.f32.msk vm0, v4  }
0x3c6: {  	v6 =	vld [tilespmem:s17+$0x300];
	_ =	sdelay $0x4  }
0x3c7: {  	v7 =	vshll.u32 v6, $0x3  }
0x3c8: {  	vm8 =	vne.s32 v6, $0x0;
	v7 =	vand.u32 $0xFFFFFC00, v7  }
0x3c9: {  	vm9 =	vlt.s32 v6, $0x200;
	v6 =	vand.u32 $0x7F, v6;
	v7 =	vadd.s32 v5, v7  }
0x3ca: {  	vm0 =	vmand vm8, vm9;
	v6 =	vor.u32 v6, v7  }
0x3cb: {  	v6 =	vor.u32 v2, v6;
	_ =	sdelay $0x4  }
0x3cc: {  	[tilespmem:v6+s13+$0x0] =	vst.idx.add.f32.msk vm0, v4  }
0x3cd: {  	v6 =	vld [tilespmem:s17+$0x380];
	_ =	sdelay $0x4  }
0x3ce: {  	v7 =	vshll.u32 v6, $0x3  }
0x3cf: {  	vm10 =	vne.s32 v6, $0x0;
	v7 =	vand.u32 $0xFFFFFC00, v7  }
0x3d0: {  	vm11 =	vlt.s32 v6, $0x200;
	v6 =	vand.u32 $0x7F, v6;
	v7 =	vadd.s32 v5, v7  }
0x3d1: {  	vm0 =	vmand vm10, vm11;
	v6 =	vor.u32 v6, v7  }
0x3d2: {  	v6 =	vor.u32 v2, v6;
	_ =	sdelay $0x4  }
0x3d3: {  	[tilespmem:v6+s13+$0x0] =	vst.idx.add.f32.msk vm0, v4  }
0x3d4: {  	v6 =	vld [tilespmem:s17+$0x400];
	_ =	sdelay $0x4  }
0x3d5: {  	v7 =	vshll.u32 v6, $0x3  }
0x3d6: {  	vm12 =	vne.s32 v6, $0x0;
	v7 =	vand.u32 $0xFFFFFC00, v7  }
0x3d7: {  	vm13 =	vlt.s32 v6, $0x200;
	v6 =	vand.u32 $0x7F, v6;
	v7 =	vadd.s32 v5, v7  }
0x3d8: {  	vm0 =	vmand vm12, vm13;
	v6 =	vor.u32 v6, v7  }
0x3d9: {  	v6 =	vor.u32 v2, v6;
	_ =	sdelay $0x4  }
0x3da: {  	[tilespmem:v6+s13+$0x0] =	vst.idx.add.f32.msk vm0, v4  }
0x3db: {  	v6 =	vld [tilespmem:s17+$0x480];
	_ =	sdelay $0x4  }
0x3dc: {  	v7 =	vshll.u32 v6, $0x3  }
0x3dd: {  	vm14 =	vne.s32 v6, $0x0;
	v7 =	vand.u32 $0xFFFFFC00, v7  }
0x3de: {  	vm15 =	vlt.s32 v6, $0x200;
	v6 =	vand.u32 $0x7F, v6;
	v7 =	vadd.s32 v5, v7  }
0x3df: {  	vm0 =	vmand vm14, vm15;
	v6 =	vor.u32 v6, v7  }
0x3e0: {  	v6 =	vor.u32 v2, v6;
	_ =	sdelay $0x4  }
0x3e1: {  	[tilespmem:v6+s13+$0x0] =	vst.idx.add.f32.msk vm0, v4  }
0x3e2: {  	v6 =	vld [tilespmem:s17+$0x500];
	_ =	sdelay $0x4  }
0x3e3: {  	v7 =	vshll.u32 v6, $0x3  }
0x3e4: {  	vm4 =	vne.s32 v6, $0x0;
	v7 =	vand.u32 $0xFFFFFC00, v7  }
0x3e5: {  	vm5 =	vlt.s32 v6, $0x200;
	v6 =	vand.u32 $0x7F, v6;
	v7 =	vadd.s32 v5, v7  }
0x3e6: {  	vm0 =	vmand vm4, vm5;
	v6 =	vor.u32 v6, v7  }
0x3e7: {  	v6 =	vor.u32 v2, v6;
	_ =	sdelay $0x4  }
0x3e8: {  	[tilespmem:v6+s13+$0x0] =	vst.idx.add.f32.msk vm0, v4  }
0x3e9: {  	v6 =	vld [tilespmem:s17+$0x580];
	_ =	sdelay $0x4  }
0x3ea: {  	v7 =	vshll.u32 v6, $0x3  }
0x3eb: {  	vm6 =	vne.s32 v6, $0x0;
	v7 =	vand.u32 $0xFFFFFC00, v7  }
0x3ec: {  	vm7 =	vlt.s32 v6, $0x200;
	v6 =	vand.u32 $0x7F, v6;
	v7 =	vadd.s32 v5, v7  }
0x3ed: {  	vm0 =	vmand vm6, vm7;
	v6 =	vor.u32 v6, v7  }
0x3ee: {  	v6 =	vor.u32 v2, v6;
	_ =	sdelay $0x4  }
0x3ef: {  	[tilespmem:v6+s13+$0x0] =	vst.idx.add.f32.msk vm0, v4  }
0x3f0: {  	v6 =	vld [tilespmem:s17+$0x600];
	_ =	sdelay $0x4  }
0x3f1: {  	v7 =	vshll.u32 v6, $0x3  }
0x3f2: {  	vm8 =	vne.s32 v6, $0x0;
	v7 =	vand.u32 $0xFFFFFC00, v7  }
0x3f3: {  	vm9 =	vlt.s32 v6, $0x200;
	v6 =	vand.u32 $0x7F, v6;
	v7 =	vadd.s32 v5, v7  }
0x3f4: {  	vm0 =	vmand vm8, vm9;
	v6 =	vor.u32 v6, v7  }
0x3f5: {  	v6 =	vor.u32 v2, v6;
	_ =	sdelay $0x4  }
0x3f6: {  	[tilespmem:v6+s13+$0x0] =	vst.idx.add.f32.msk vm0, v4  }
0x3f7: {  	v6 =	vld [tilespmem:s17+$0x680];
	_ =	sdelay $0x4  }
0x3f8: {  	v7 =	vshll.u32 v6, $0x3  }
0x3f9: {  	vm10 =	vne.s32 v6, $0x0;
	v7 =	vand.u32 $0xFFFFFC00, v7  }
0x3fa: {  	vm11 =	vlt.s32 v6, $0x200;
	v6 =	vand.u32 $0x7F, v6;
	v7 =	vadd.s32 v5, v7  }
0x3fb: {  	vm0 =	vmand vm10, vm11;
	v6 =	vor.u32 v6, v7  }
0x3fc: {  	v6 =	vor.u32 v2, v6;
	_ =	sdelay $0x4  }
0x3fd: {  	[tilespmem:v6+s13+$0x0] =	vst.idx.add.f32.msk vm0, v4  }
0x3fe: {  	v6 =	vld [tilespmem:s17+$0x700];
	_ =	sdelay $0x4  }
0x3ff: {  	v7 =	vshll.u32 v6, $0x3  }
0x400: {  	vm12 =	vne.s32 v6, $0x0;
	v7 =	vand.u32 $0xFFFFFC00, v7  }
0x401: {  	vm13 =	vlt.s32 v6, $0x200;
	v6 =	vand.u32 $0x7F, v6;
	v7 =	vadd.s32 v5, v7  }
0x402: {  	vm0 =	vmand vm12, vm13;
	v6 =	vor.u32 v6, v7  }
0x403: {  	v6 =	vor.u32 v2, v6;
	_ =	sdelay $0x4  }
0x404: {  	[tilespmem:v6+s13+$0x0] =	vst.idx.add.f32.msk vm0, v4  }
0x405: {  	v6 =	vld [tilespmem:s17+$0x780];
	_ =	sdelay $0x4  }
0x406: {  	v7 =	vshll.u32 v6, $0x3  }
0x407: {  	vm14 =	vne.s32 v6, $0x0;
	v7 =	vand.u32 $0xFFFFFC00, v7  }
0x408: {  	vm15 =	vlt.s32 v6, $0x200;
	v6 =	vand.u32 $0x7F, v6;
	v5 =	vadd.s32 v5, v7  }
0x409: {  	vm0 =	vmand vm14, vm15;
	v5 =	vor.u32 v6, v5  }
0x40a: {  	p0 =	sne.s32 s18, $0x70;
	v5 =	vor.u32 v2, v5  }
.Ltmp4:
0x40b: {  	_ = 	snop;
	(pc) =	sbr.rel @p0 .LBB2_10-.Ltmp4, $2  }
0x40c: {  	_ =	sdelay $0x2  }
0x40d: {  	s18 =	sadd.s32 $0x10, s18;
	s17 =	sadd.s32 $0x10, s17;
	[tilespmem:v5+s13+$0x0] =	vst.idx.add.f32.msk vm0, v4  }
.LBB2_11:
0x40e: {  	v6 =	vld [tilespmem:s16+$0xFFFFF800]  }
0x40f: {  	v5 =	vmov s15  }
0x410: {  	v5 =	vshll.u32 v5, $0x9  }
0x411: {  	v5 =	vor.u32 v1, v5  }
0x412: {  	v7 =	vor.u32 $0xFFFFF000, v2;
	v5 =	vand.u32 $0xF000, v5  }
0x413: {  	v5 =	vadd.s32 v7, v5;
	v8 =	vand.u32 $0x7F, v6;
	v7 =	vshll.u32 v6, $0x3  }
0x414: {  	vm0 =	vgt.s32 v6, $0x1FF;
	v6 =	vand.u32 $0xFFFFFC00, v7;
	v7 =	vor.u32 v8, v5  }
0x415: {  	v6 =	vadd.s32 v6, v7;
	_ =	sdelay $0x4  }
0x416: {  	[tilespmem:v6+s13+$0x0] =	vst.idx.add.f32.msk vm0, v3  }
0x417: {  	v6 =	vld [tilespmem:s16+$0xFFFFF880];
	_ =	sdelay $0x4  }
0x418: {  	v7 =	vand.u32 $0x7F, v6;
	v33 =	vshll.u32 v6, $0x3  }
0x419: {  	vm9 =	vgt.s32 v6, $0x1FF;
	v6 =	vand.u32 $0xFFFFFC00, v33;
	v7 =	vor.u32 v7, v5  }
0x41a: {  	v6 =	vadd.s32 v6, v7;
	_ =	sdelay $0x4  }
0x41b: {  	[tilespmem:v6+s13+$0x0] =	vst.idx.add.f32.msk vm9, v3  }
0x41c: {  	v6 =	vld [tilespmem:s16+$0xFFFFF900];
	_ =	sdelay $0x4  }
0x41d: {  	v7 =	vand.u32 $0x7F, v6;
	v34 =	vshll.u32 v6, $0x3  }
0x41e: {  	vm10 =	vgt.s32 v6, $0x1FF;
	v6 =	vand.u32 $0xFFFFFC00, v34;
	v7 =	vor.u32 v7, v5  }
0x41f: {  	v6 =	vadd.s32 v6, v7;
	_ =	sdelay $0x4  }
0x420: {  	[tilespmem:v6+s13+$0x0] =	vst.idx.add.f32.msk vm10, v3  }
0x421: {  	v6 =	vld [tilespmem:s16+$0xFFFFF980];
	_ =	sdelay $0x4  }
0x422: {  	v7 =	vand.u32 $0x7F, v6;
	v35 =	vshll.u32 v6, $0x3  }
0x423: {  	vm11 =	vgt.s32 v6, $0x1FF;
	v6 =	vand.u32 $0xFFFFFC00, v35;
	v7 =	vor.u32 v7, v5  }
0x424: {  	v6 =	vadd.s32 v6, v7;
	_ =	sdelay $0x4  }
0x425: {  	[tilespmem:v6+s13+$0x0] =	vst.idx.add.f32.msk vm11, v3  }
0x426: {  	v6 =	vld [tilespmem:s16+$0xFFFFFA00];
	_ =	sdelay $0x4  }
0x427: {  	v7 =	vand.u32 $0x7F, v6;
	v36 =	vshll.u32 v6, $0x3  }
0x428: {  	vm12 =	vgt.s32 v6, $0x1FF;
	v6 =	vand.u32 $0xFFFFFC00, v36;
	v7 =	vor.u32 v7, v5  }
0x429: {  	v6 =	vadd.s32 v6, v7;
	_ =	sdelay $0x4  }
0x42a: {  	[tilespmem:v6+s13+$0x0] =	vst.idx.add.f32.msk vm12, v3  }
0x42b: {  	v6 =	vld [tilespmem:s16+$0xFFFFFA80];
	_ =	sdelay $0x4  }
0x42c: {  	v7 =	vand.u32 $0x7F, v6;
	v37 =	vshll.u32 v6, $0x3  }
0x42d: {  	vm13 =	vgt.s32 v6, $0x1FF;
	v6 =	vand.u32 $0xFFFFFC00, v37;
	v7 =	vor.u32 v7, v5  }
0x42e: {  	v6 =	vadd.s32 v6, v7;
	_ =	sdelay $0x4  }
0x42f: {  	[tilespmem:v6+s13+$0x0] =	vst.idx.add.f32.msk vm13, v3  }
0x430: {  	v6 =	vld [tilespmem:s16+$0xFFFFFB00];
	_ =	sdelay $0x4  }
0x431: {  	v7 =	vand.u32 $0x7F, v6;
	v38 =	vshll.u32 v6, $0x3  }
0x432: {  	vm14 =	vgt.s32 v6, $0x1FF;
	v6 =	vand.u32 $0xFFFFFC00, v38;
	v7 =	vor.u32 v7, v5  }
0x433: {  	v6 =	vadd.s32 v6, v7;
	_ =	sdelay $0x4  }
0x434: {  	[tilespmem:v6+s13+$0x0] =	vst.idx.add.f32.msk vm14, v3  }
0x435: {  	v6 =	vld [tilespmem:s16+$0xFFFFFB80];
	_ =	sdelay $0x4  }
0x436: {  	v7 =	vand.u32 $0x7F, v6;
	v39 =	vshll.u32 v6, $0x3  }
0x437: {  	vm15 =	vgt.s32 v6, $0x1FF;
	v6 =	vand.u32 $0xFFFFFC00, v39;
	v7 =	vor.u32 v7, v5  }
0x438: {  	v6 =	vadd.s32 v6, v7;
	_ =	sdelay $0x4  }
0x439: {  	[tilespmem:v6+s13+$0x0] =	vst.idx.add.f32.msk vm15, v3  }
0x43a: {  	v6 =	vld [tilespmem:s16+$0xFFFFFC00];
	_ =	sdelay $0x4  }
0x43b: {  	v7 =	vand.u32 $0x7F, v6;
	v40 =	vshll.u32 v6, $0x3  }
0x43c: {  	vm4 =	vgt.s32 v6, $0x1FF;
	v6 =	vand.u32 $0xFFFFFC00, v40;
	v7 =	vor.u32 v7, v5  }
0x43d: {  	v6 =	vadd.s32 v6, v7;
	_ =	sdelay $0x4  }
0x43e: {  	[tilespmem:v6+s13+$0x0] =	vst.idx.add.f32.msk vm4, v3  }
0x43f: {  	v6 =	vld [tilespmem:s16+$0xFFFFFC80];
	_ =	sdelay $0x4  }
0x440: {  	v7 =	vand.u32 $0x7F, v6;
	v41 =	vshll.u32 v6, $0x3  }
0x441: {  	vm5 =	vgt.s32 v6, $0x1FF;
	v6 =	vand.u32 $0xFFFFFC00, v41;
	v7 =	vor.u32 v7, v5  }
0x442: {  	v6 =	vadd.s32 v6, v7;
	_ =	sdelay $0x4  }
0x443: {  	[tilespmem:v6+s13+$0x0] =	vst.idx.add.f32.msk vm5, v3  }
0x444: {  	v6 =	vld [tilespmem:s16+$0xFFFFFD00];
	_ =	sdelay $0x4  }
0x445: {  	v7 =	vand.u32 $0x7F, v6;
	v42 =	vshll.u32 v6, $0x3  }
0x446: {  	vm6 =	vgt.s32 v6, $0x1FF;
	v6 =	vand.u32 $0xFFFFFC00, v42;
	v7 =	vor.u32 v7, v5  }
0x447: {  	v6 =	vadd.s32 v6, v7;
	_ =	sdelay $0x4  }
0x448: {  	[tilespmem:v6+s13+$0x0] =	vst.idx.add.f32.msk vm6, v3  }
0x449: {  	v6 =	vld [tilespmem:s16+$0xFFFFFD80];
	_ =	sdelay $0x4  }
0x44a: {  	v7 =	vand.u32 $0x7F, v6;
	v43 =	vshll.u32 v6, $0x3  }
0x44b: {  	vm7 =	vgt.s32 v6, $0x1FF;
	v6 =	vand.u32 $0xFFFFFC00, v43;
	v7 =	vor.u32 v7, v5  }
0x44c: {  	v6 =	vadd.s32 v6, v7;
	_ =	sdelay $0x4  }
0x44d: {  	[tilespmem:v6+s13+$0x0] =	vst.idx.add.f32.msk vm7, v3  }
0x44e: {  	v6 =	vld [tilespmem:s16+$0xFFFFFE00];
	_ =	sdelay $0x4  }
0x44f: {  	v7 =	vand.u32 $0x7F, v6;
	v44 =	vshll.u32 v6, $0x3  }
0x450: {  	vm8 =	vgt.s32 v6, $0x1FF;
	v6 =	vand.u32 $0xFFFFFC00, v44;
	v7 =	vor.u32 v7, v5  }
0x451: {  	v6 =	vadd.s32 v6, v7;
	_ =	sdelay $0x4  }
0x452: {  	[tilespmem:v6+s13+$0x0] =	vst.idx.add.f32.msk vm8, v3  }
0x453: {  	v6 =	vld [tilespmem:s16+$0xFFFFFE80];
	_ =	sdelay $0x4  }
0x454: {  	v7 =	vand.u32 $0x7F, v6;
	v45 =	vshll.u32 v6, $0x3  }
0x455: {  	vm9 =	vgt.s32 v6, $0x1FF;
	v6 =	vand.u32 $0xFFFFFC00, v45;
	v7 =	vor.u32 v7, v5  }
0x456: {  	v6 =	vadd.s32 v6, v7;
	_ =	sdelay $0x4  }
0x457: {  	[tilespmem:v6+s13+$0x0] =	vst.idx.add.f32.msk vm9, v3  }
0x458: {  	v6 =	vld [tilespmem:s16+$0xFFFFFF00];
	_ =	sdelay $0x4  }
0x459: {  	v7 =	vand.u32 $0x7F, v6;
	v46 =	vshll.u32 v6, $0x3  }
0x45a: {  	vm10 =	vgt.s32 v6, $0x1FF;
	v6 =	vand.u32 $0xFFFFFC00, v46;
	v7 =	vor.u32 v7, v5  }
0x45b: {  	v6 =	vadd.s32 v6, v7;
	_ =	sdelay $0x4  }
0x45c: {  	[tilespmem:v6+s13+$0x0] =	vst.idx.add.f32.msk vm10, v3  }
0x45d: {  	v6 =	vld [tilespmem:s16+$0xFFFFFF80];
	_ =	sdelay $0x4  }
0x45e: {  	v7 =	vand.u32 $0x7F, v6;
	v47 =	vshll.u32 v6, $0x3  }
0x45f: {  	vm11 =	vgt.s32 v6, $0x1FF;
	v6 =	vand.u32 $0xFFFFFC00, v47;
	v7 =	vor.u32 v7, v5  }
0x460: {  	v6 =	vadd.s32 v6, v7;
	_ =	sdelay $0x4  }
0x461: {  	[tilespmem:v6+s13+$0x0] =	vst.idx.add.f32.msk vm11, v3  }
0x462: {  	v6 =	vld [tilespmem:s16+$0x0];
	_ =	sdelay $0x4  }
0x463: {  	v7 =	vand.u32 $0x7F, v6;
	v48 =	vshll.u32 v6, $0x3  }
0x464: {  	vm12 =	vgt.s32 v6, $0x1FF;
	v6 =	vand.u32 $0xFFFFFC00, v48;
	v7 =	vor.u32 v7, v5  }
0x465: {  	v6 =	vadd.s32 v6, v7;
	_ =	sdelay $0x4  }
0x466: {  	[tilespmem:v6+s13+$0x0] =	vst.idx.add.f32.msk vm12, v3  }
0x467: {  	v6 =	vld [tilespmem:s16+$0x80];
	_ =	sdelay $0x4  }
0x468: {  	v7 =	vand.u32 $0x7F, v6;
	v49 =	vshll.u32 v6, $0x3  }
0x469: {  	vm13 =	vgt.s32 v6, $0x1FF;
	v6 =	vand.u32 $0xFFFFFC00, v49;
	v7 =	vor.u32 v7, v5  }
0x46a: {  	v6 =	vadd.s32 v6, v7;
	_ =	sdelay $0x4  }
0x46b: {  	[tilespmem:v6+s13+$0x0] =	vst.idx.add.f32.msk vm13, v3  }
0x46c: {  	v6 =	vld [tilespmem:s16+$0x100];
	_ =	sdelay $0x4  }
0x46d: {  	v7 =	vand.u32 $0x7F, v6;
	v50 =	vshll.u32 v6, $0x3  }
0x46e: {  	vm14 =	vgt.s32 v6, $0x1FF;
	v6 =	vand.u32 $0xFFFFFC00, v50;
	v7 =	vor.u32 v7, v5  }
0x46f: {  	v6 =	vadd.s32 v6, v7;
	_ =	sdelay $0x4  }
0x470: {  	[tilespmem:v6+s13+$0x0] =	vst.idx.add.f32.msk vm14, v3  }
0x471: {  	v6 =	vld [tilespmem:s16+$0x180];
	_ =	sdelay $0x4  }
0x472: {  	v7 =	vand.u32 $0x7F, v6;
	v51 =	vshll.u32 v6, $0x3  }
0x473: {  	vm15 =	vgt.s32 v6, $0x1FF;
	v6 =	vand.u32 $0xFFFFFC00, v51;
	v7 =	vor.u32 v7, v5  }
0x474: {  	v6 =	vadd.s32 v6, v7;
	_ =	sdelay $0x4  }
0x475: {  	[tilespmem:v6+s13+$0x0] =	vst.idx.add.f32.msk vm15, v3  }
0x476: {  	v6 =	vld [tilespmem:s16+$0x200];
	_ =	sdelay $0x4  }
0x477: {  	v7 =	vand.u32 $0x7F, v6;
	v52 =	vshll.u32 v6, $0x3  }
0x478: {  	vm4 =	vgt.s32 v6, $0x1FF;
	v6 =	vand.u32 $0xFFFFFC00, v52;
	v7 =	vor.u32 v7, v5  }
0x479: {  	v6 =	vadd.s32 v6, v7;
	_ =	sdelay $0x4  }
0x47a: {  	[tilespmem:v6+s13+$0x0] =	vst.idx.add.f32.msk vm4, v3  }
0x47b: {  	v6 =	vld [tilespmem:s16+$0x280];
	_ =	sdelay $0x4  }
0x47c: {  	v7 =	vand.u32 $0x7F, v6;
	v53 =	vshll.u32 v6, $0x3  }
0x47d: {  	vm5 =	vgt.s32 v6, $0x1FF;
	v6 =	vand.u32 $0xFFFFFC00, v53;
	v7 =	vor.u32 v7, v5  }
0x47e: {  	v6 =	vadd.s32 v6, v7;
	_ =	sdelay $0x4  }
0x47f: {  	[tilespmem:v6+s13+$0x0] =	vst.idx.add.f32.msk vm5, v3  }
0x480: {  	v6 =	vld [tilespmem:s16+$0x300];
	_ =	sdelay $0x4  }
0x481: {  	v7 =	vand.u32 $0x7F, v6;
	v54 =	vshll.u32 v6, $0x3  }
0x482: {  	vm6 =	vgt.s32 v6, $0x1FF;
	v6 =	vand.u32 $0xFFFFFC00, v54;
	v7 =	vor.u32 v7, v5  }
0x483: {  	v6 =	vadd.s32 v6, v7;
	_ =	sdelay $0x4  }
0x484: {  	[tilespmem:v6+s13+$0x0] =	vst.idx.add.f32.msk vm6, v3  }
0x485: {  	v6 =	vld [tilespmem:s16+$0x380];
	_ =	sdelay $0x4  }
0x486: {  	v7 =	vand.u32 $0x7F, v6;
	v55 =	vshll.u32 v6, $0x3  }
0x487: {  	vm7 =	vgt.s32 v6, $0x1FF;
	v6 =	vand.u32 $0xFFFFFC00, v55;
	v7 =	vor.u32 v7, v5  }
0x488: {  	v6 =	vadd.s32 v6, v7;
	_ =	sdelay $0x4  }
0x489: {  	[tilespmem:v6+s13+$0x0] =	vst.idx.add.f32.msk vm7, v3  }
0x48a: {  	v6 =	vld [tilespmem:s16+$0x400];
	_ =	sdelay $0x4  }
0x48b: {  	v7 =	vand.u32 $0x7F, v6;
	v56 =	vshll.u32 v6, $0x3  }
0x48c: {  	vm8 =	vgt.s32 v6, $0x1FF;
	v6 =	vand.u32 $0xFFFFFC00, v56;
	v7 =	vor.u32 v7, v5  }
0x48d: {  	v6 =	vadd.s32 v6, v7;
	_ =	sdelay $0x4  }
0x48e: {  	[tilespmem:v6+s13+$0x0] =	vst.idx.add.f32.msk vm8, v3  }
0x48f: {  	v6 =	vld [tilespmem:s16+$0x480];
	_ =	sdelay $0x4  }
0x490: {  	v7 =	vand.u32 $0x7F, v6;
	v57 =	vshll.u32 v6, $0x3  }
0x491: {  	vm9 =	vgt.s32 v6, $0x1FF;
	v6 =	vand.u32 $0xFFFFFC00, v57;
	v7 =	vor.u32 v7, v5  }
0x492: {  	v6 =	vadd.s32 v6, v7;
	_ =	sdelay $0x4  }
0x493: {  	[tilespmem:v6+s13+$0x0] =	vst.idx.add.f32.msk vm9, v3  }
0x494: {  	v6 =	vld [tilespmem:s16+$0x500];
	_ =	sdelay $0x4  }
0x495: {  	v7 =	vand.u32 $0x7F, v6;
	v58 =	vshll.u32 v6, $0x3  }
0x496: {  	vm10 =	vgt.s32 v6, $0x1FF;
	v6 =	vand.u32 $0xFFFFFC00, v58;
	v7 =	vor.u32 v7, v5  }
0x497: {  	v6 =	vadd.s32 v6, v7;
	_ =	sdelay $0x4  }
0x498: {  	[tilespmem:v6+s13+$0x0] =	vst.idx.add.f32.msk vm10, v3  }
0x499: {  	v6 =	vld [tilespmem:s16+$0x580];
	_ =	sdelay $0x4  }
0x49a: {  	v7 =	vand.u32 $0x7F, v6;
	v59 =	vshll.u32 v6, $0x3  }
0x49b: {  	vm11 =	vgt.s32 v6, $0x1FF;
	v6 =	vand.u32 $0xFFFFFC00, v59;
	v7 =	vor.u32 v7, v5  }
0x49c: {  	v6 =	vadd.s32 v6, v7;
	_ =	sdelay $0x4  }
0x49d: {  	[tilespmem:v6+s13+$0x0] =	vst.idx.add.f32.msk vm11, v3  }
0x49e: {  	v6 =	vld [tilespmem:s16+$0x600];
	_ =	sdelay $0x4  }
0x49f: {  	v7 =	vand.u32 $0x7F, v6;
	v60 =	vshll.u32 v6, $0x3  }
0x4a0: {  	vm12 =	vgt.s32 v6, $0x1FF;
	v6 =	vand.u32 $0xFFFFFC00, v60;
	v7 =	vor.u32 v7, v5  }
0x4a1: {  	v6 =	vadd.s32 v6, v7;
	_ =	sdelay $0x4  }
0x4a2: {  	[tilespmem:v6+s13+$0x0] =	vst.idx.add.f32.msk vm12, v3  }
0x4a3: {  	v6 =	vld [tilespmem:s16+$0x680];
	_ =	sdelay $0x4  }
0x4a4: {  	v7 =	vand.u32 $0x7F, v6;
	v61 =	vshll.u32 v6, $0x3  }
0x4a5: {  	vm13 =	vgt.s32 v6, $0x1FF;
	v6 =	vand.u32 $0xFFFFFC00, v61;
	v7 =	vor.u32 v7, v5  }
0x4a6: {  	v6 =	vadd.s32 v6, v7;
	_ =	sdelay $0x4  }
0x4a7: {  	[tilespmem:v6+s13+$0x0] =	vst.idx.add.f32.msk vm13, v3  }
0x4a8: {  	v6 =	vld [tilespmem:s16+$0x700];
	_ =	sdelay $0x4  }
0x4a9: {  	v7 =	vand.u32 $0x7F, v6;
	v62 =	vshll.u32 v6, $0x3  }
0x4aa: {  	vm14 =	vgt.s32 v6, $0x1FF;
	v6 =	vand.u32 $0xFFFFFC00, v62;
	v7 =	vor.u32 v7, v5  }
0x4ab: {  	v6 =	vadd.s32 v6, v7;
	_ =	sdelay $0x4  }
0x4ac: {  	[tilespmem:v6+s13+$0x0] =	vst.idx.add.f32.msk vm14, v3  }
0x4ad: {  	v6 =	vld [tilespmem:s16+$0x780];
	_ =	sdelay $0x4  }
0x4ae: {  	v7 =	vand.u32 $0x7F, v6;
	v63 =	vshll.u32 v6, $0x3  }
0x4af: {  	vm15 =	vgt.s32 v6, $0x1FF;
	v6 =	vand.u32 $0xFFFFFC00, v63;
	v5 =	vor.u32 v7, v5  }
0x4b0: {  	p0 =	sne.s32 s15, $0x70;
	v5 =	vadd.s32 v6, v5  }
.Ltmp5:
0x4b1: {  	_ = 	snop;
	(pc) =	sbr.rel @p0 .LBB2_11-.Ltmp5, $2  }
0x4b2: {  	_ =	sdelay $0x2  }
0x4b3: {  	s15 =	sadd.s32 $0x10, s15;
	s16 =	sadd.s32 $0x10, s16;
	[tilespmem:v5+s13+$0x0] =	vst.idx.add.f32.msk vm15, v3  }
0x4b4: {  	s14 =	sadd.s32 $0x1, s14  }
0x4b5: {  	p0 =	sne.s32 s14, s8  }
.Ltmp6:
0x4b6: {  	_ = 	snop;
	(pc) =	sbr.rel @p0 .LBB2_1-.Ltmp6, $4  }
0x4b7: {  	[hbm4b:s7+s2] =	stream.linear.scatter [tilespmem:s13], [sflag:$0x1], $0x10000, $0x38;
	[tilespmem:$0x12000] =	vst v63  }
0x4b8: {  	_ =	swait.ge [sflag:s11], $0x10000  }
0x4b9: {  	[sflag:s11] =	ssyncset.done $0x0  }
0x4ba: {  	[sflag:s11] =	ssyncadd.s32 $0xFFFF0000  }
0x4bb: {  	_ =	sfence.sel $0x180000  }
0x4bc: {  	[bflag:$0x0] =	sbarrier.arrive $0xFFFF  }
0x4bd: {  	p0 =	sne.s32 s1, $0x0;
	_ =	strace $0x90000047  }
0x4be: {  	s0 =	sadd.s32 @!p0 $0x100000, s0;
	[bflag:$0x2] =	sbarrier.arrive $0xFFFF  }
0x4bf: {  	[sflag:s0] =	ssyncadd.tile.s32 @!p0 $0x1;
	_ =	shalt  }
.Lfunc_end2:
_tile_overlayer_lowered:
.L_overlay_start_2:
0x4c0: {  	(tag) =	ssettag $0x2  }
0x4c1: {  	s0 =	rddreg [dreg:$0x0];
	s2 =	stileid.u32  }
0x4c2: {  	s1 =	rddreg [dreg:$0x1];
	p0 =	sne.s32 s2, $0x0  }
0x4c3: {  	s3 =	rddreg [dreg:$0x2];
	[bflag:$0x3] =	sbarrier.arrive $0xFFFF;
	s2 =	simm.s32 @!p0 $0x1C01  }
0x4c4: {  	[timem:s3], [sflag:s2] =	dma.local @!p0 [hbm:s0], s1  }
0x4c5: {  	s0 =	simm.s32 @!p0 $0x1  }
0x4c6: {  	_ =	swait.ge @!p0 [sflag:s0], s1  }
0x4c7: {  	s1 =	ssub.s32 @!p0 $0x0, s1;
	[sflag:s0] =	ssyncset.done @!p0 $0x0  }
0x4c8: {  	[sflag:s0] =	ssyncadd.s32 @!p0 s1  }
0x4c9: {  	[bflag:$0x3] =	sbarrier.arrive $0xFFFF  }
0x4ca: {  	_ =	shalt  }

</sc_bundles>
